<compile_context>
chip_gen: v7x
topology: tpu7x:2x2x1
jax: 0.10.2.dev20260603
libtpu: 0.0.44.dev20260713+nightly
codegen_flags: <defaults>
</compile_context>

<pallas_src>
import functools

import jax
import jax.numpy as jnp
from jax import lax
from jax.experimental import pallas as pl
from jax.experimental.pallas import tpu as pltpu
from jax.experimental.pallas import tpu_sc as plsc

NC = 2
NS = 16
L = 16
NW = NC * NS
B = 16384
D = 64
DP = 2 * D
BPW = B // NW
CHUNK = 128
NCHUNK = BPW // CHUNK
NBLK = BPW // L


def _body(cidx, aidx, tidx, sent, cat, auth, title, wb, out,
          cidx_v, aidx_v, tidx_v, sent_v, wb_v, rows, acc_v, sem_s, sem_g):
  wid = lax.axis_index("s") * NC + lax.axis_index("c")
  base = wid * BPW

  stage = []
  for j in range(NCHUNK):
    off = base + CHUNK * j
    stage.append(pltpu.async_copy(cidx.at[pl.ds(off, CHUNK)], cidx_v.at[j], sem_s))
    stage.append(pltpu.async_copy(aidx.at[pl.ds(off, CHUNK)], aidx_v.at[j], sem_s))
    stage.append(pltpu.async_copy(tidx.at[pl.ds(off, CHUNK)], tidx_v.at[j], sem_s))
  stage.append(pltpu.async_copy(sent.at[pl.ds(base, BPW)], sent_v, sem_s))
  stage.append(pltpu.async_copy(wb, wb_v, sem_s))
  for h in stage:
    h.wait()

  wsv = (wb_v[pl.ds(192, L)] + wb_v[pl.ds(208, L)]) + (
      wb_v[pl.ds(224, L)] + wb_v[pl.ds(240, L)])
  ws_sum = jnp.sum(wsv)
  b_s = jnp.sum(wb_v[pl.ds(256, L)])

  def init_blk(i, carry):
    r0 = i * L
    acc_v[pl.ds(r0, L)] = sent_v[pl.ds(r0, L)] * ws_sum + b_s
    return carry
  lax.fori_loop(0, NBLK, init_blk, 0)

  lane = lax.iota(jnp.int32, L)
  himask = jnp.full((L,), -65536, jnp.int32)

  for t, (table, idx_v) in enumerate(
      ((cat, cidx_v), (auth, aidx_v), (title, tidx_v))):
    gath = [
        pltpu.async_copy(table.at[idx_v.at[j]],
                         rows.at[pl.ds(CHUNK * j, CHUNK)], sem_g)
        for j in range(NCHUNK)
    ]
    for h in gath:
      h.wait()

    wlo = [wb_v[pl.ds(D * t + 32 * h, L)] for h in range(2)]
    whi = [wb_v[pl.ds(D * t + 32 * h + L, L)] for h in range(2)]

    def blk(i, carry):
      r0 = i * L
      dots = jnp.zeros((L,), jnp.float32)
      for j in range(L):
        row = r0 + j
        pa = jnp.zeros((L,), jnp.float32)
        pb = jnp.zeros((L,), jnp.float32)
        for h in range(2):
          v32 = rows[row, pl.ds(32 * h, 32)]
          pairs = plsc.bitcast(v32, jnp.int32)
          f_lo = plsc.bitcast(lax.shift_left(pairs, 16), jnp.float32)
          f_hi = plsc.bitcast(lax.bitwise_and(pairs, himask), jnp.float32)
          pa = pa + f_lo * wlo[h]
          pb = pb + f_hi * whi[h]
        sj = jnp.sum(pa + pb)
        dots = jnp.where(lane == j, sj, dots)
      acc_v[pl.ds(r0, L)] = acc_v[pl.ds(r0, L)] + dots
      return carry

    lax.fori_loop(0, NBLK, blk, 0)

  pltpu.sync_copy(acc_v, out.at[pl.ds(base, BPW)])


@functools.cache
def _build():
  mesh = plsc.VectorSubcoreMesh(
      core_axis_name="c", subcore_axis_name="s", num_cores=NC, num_subcores=NS)
  return pl.kernel(
      _body,
      out_type=jax.ShapeDtypeStruct((B,), jnp.float32),
      mesh=mesh,
      compiler_params=pltpu.CompilerParams(
          needs_layout_passes=False, use_tc_tiling_on_sc=False),
      scratch_types=[
          pltpu.VMEM((NCHUNK, CHUNK), jnp.int32),
          pltpu.VMEM((NCHUNK, CHUNK), jnp.int32),
          pltpu.VMEM((NCHUNK, CHUNK), jnp.int32),
          pltpu.VMEM((BPW,), jnp.float32),
          pltpu.VMEM((272,), jnp.float32),
          pltpu.VMEM((BPW, DP), jnp.bfloat16),
          pltpu.VMEM((BPW,), jnp.float32),
          pltpu.SemaphoreType.DMA,
          pltpu.SemaphoreType.DMA,
      ],
  )


def _pad_bf16(x):
  return jnp.pad(x.astype(jnp.bfloat16), ((0, 0), (0, D)))


def kernel(category_indices, author_indices, title_indices, sentiment_scores,
           category_table, author_table, title_table, linear_w, linear_b):
  w = linear_w.reshape(-1)
  wtab = w[:192].reshape(6, 16, 2).transpose(0, 2, 1).reshape(192)
  wb = jnp.concatenate([
      wtab, w[192:], linear_b.reshape(-1),
      jnp.zeros((15,), jnp.float32)])
  out = _build()(category_indices, author_indices, title_indices,
                 sentiment_scores, _pad_bf16(category_table),
                 _pad_bf16(author_table), _pad_bf16(title_table), wb)
  return out.reshape(B, 1)

# --- scband reference (transcript-rebuilt; emitter-appended) ---
"""Pipeline reference for scband-content-based-filtering-model-12756052869509 (READ-ONLY COPY).

The authoritative reference and input builder live on the scoring server;
editing this copy changes nothing except your own understanding.
"""

import jax, jax.numpy as jnp
import numpy as np

NUM_CATEGORIES = 1000
NUM_AUTHORS = 100000
NUM_TITLES = 1000000
EMBED_DIM = 64
BATCH = 16384


def setup_inputs(seed: int = 0) -> dict:
    key = jax.random.key(seed)
    k1, k2, k3, k4, k5, k6, k7, k8, k9 = jax.random.split(key, 9)
    category_indices = jax.random.randint(k1, (BATCH,), 0, NUM_CATEGORIES, dtype=jnp.int32)
    author_indices = jax.random.randint(k2, (BATCH,), 0, NUM_AUTHORS, dtype=jnp.int32)
    title_indices = jax.random.randint(k3, (BATCH,), 0, NUM_TITLES, dtype=jnp.int32)
    sentiment_scores = jax.random.uniform(k4, (BATCH,), dtype=jnp.float32)
    category_table = jax.random.normal(k5, (NUM_CATEGORIES, EMBED_DIM), dtype=jnp.float32)
    author_table = jax.random.normal(k6, (NUM_AUTHORS, EMBED_DIM), dtype=jnp.float32)
    title_table = jax.random.normal(k7, (NUM_TITLES, EMBED_DIM), dtype=jnp.float32)
    bound = 1.0 / np.sqrt(4 * EMBED_DIM)
    linear_w = jax.random.uniform(k8, (1, 4 * EMBED_DIM), minval=-bound, maxval=bound, dtype=jnp.float32)
    linear_b = jax.random.uniform(k9, (1,), minval=-bound, maxval=bound, dtype=jnp.float32)
    return {
        'category_indices': category_indices,
        'author_indices': author_indices,
        'title_indices': title_indices,
        'sentiment_scores': sentiment_scores,
        'category_table': category_table,
        'author_table': author_table,
        'title_table': title_table,
        'linear_w': linear_w,
        'linear_b': linear_b,
    }


def reference(category_indices, author_indices, title_indices, sentiment_scores,
              category_table, author_table, title_table, linear_w, linear_b):
    category_embedded = jnp.take(category_table, category_indices, axis=0)
    author_embedded = jnp.take(author_table, author_indices, axis=0)
    title_embedded = jnp.take(title_table, title_indices, axis=0)
    sentiment_expanded = jnp.broadcast_to(sentiment_scores[:, None], category_embedded.shape)
    concatenated = jnp.concatenate([category_embedded, author_embedded, title_embedded, sentiment_expanded], axis=1)
    output = concatenated @ linear_w.T + linear_b
    return output

if __name__ == "__main__":
    import jax
    _d = setup_inputs()
    print(jax.jit(kernel)(*tuple(_d.values())))

</pallas_src>

<mosaic_0001>
#map = affine_map<(d0, d1) -> (0)>
#map1 = affine_map<(d0, d1) -> (0, 0)>
module attributes {stable_mosaic.version = 14 : i64} {
  func.func @_body(%arg0: i32, %arg1: i32, %arg2: memref<16384xi32, #tpu.memory_space<hbm>>, %arg3: memref<16384xi32, #tpu.memory_space<hbm>>, %arg4: memref<16384xi32, #tpu.memory_space<hbm>>, %arg5: memref<16384xf32, #tpu.memory_space<hbm>>, %arg6: memref<1000x128xbf16, #tpu.memory_space<hbm>>, %arg7: memref<100000x128xbf16, #tpu.memory_space<hbm>>, %arg8: memref<1000000x128xbf16, #tpu.memory_space<hbm>>, %arg9: memref<272xf32, #tpu.memory_space<hbm>>, %arg10: memref<16384xf32, #tpu.memory_space<hbm>>, %arg11: memref<4x128xi32, #tpu.memory_space<vmem>>, %arg12: memref<4x128xi32, #tpu.memory_space<vmem>>, %arg13: memref<4x128xi32, #tpu.memory_space<vmem>>, %arg14: memref<512xf32, #tpu.memory_space<vmem>>, %arg15: memref<272xf32, #tpu.memory_space<vmem>>, %arg16: memref<512x128xbf16, #tpu.memory_space<vmem>>, %arg17: memref<512xf32, #tpu.memory_space<vmem>>, %arg18: memref<!tpu.dma_semaphore, #tpu.memory_space<semaphore_mem>>, %arg19: memref<!tpu.dma_semaphore, #tpu.memory_space<semaphore_mem>>) attributes {dimension_semantics = [#tpu.dimension_semantics<core_parallel>, #tpu.dimension_semantics<subcore_parallel>], iteration_bounds = array<i64: 2, 16>, scalar_prefetch = 0 : i64, scratch_operands = 9 : i64, tpu.core_type = #tpu.core_type<sc_vector_subcore>, window_params = [{transform_indices = #map}, {transform_indices = #map}, {transform_indices = #map}, {transform_indices = #map}, {transform_indices = #map1}, {transform_indices = #map1}, {transform_indices = #map1}, {transform_indices = #map}, {transform_indices = #map}]} {
    %mul3A = arith.constant 2 : i32
    %mul3A_0 = arith.muli %arg1, %mul3A : i32
    %add3A = arith.addi %mul3A_0, %arg0 : i32
    %mul3A_1 = arith.constant 512 : i32
    %mul3A_2 = arith.muli %add3A, %mul3A_1 : i32
    %add3A_3 = arith.constant 0 : i32
    %add3A_4 = arith.addi %mul3A_2, %add3A_3 : i32
    %dma_start3A = arith.constant 0 : i32
    %dma_start3A_5 = arith.constant 0 : i32
    %dma_start3A_6 = tpu.memref_slice %arg11[%dma_start3A, %dma_start3A_5] : memref<4x128xi32, #tpu.memory_space<vmem>> -> memref<1x128xi32, #tpu.memory_space<vmem>>
    %dma_start3A_7 = tpu.memref_squeeze %dma_start3A_6 : memref<1x128xi32, #tpu.memory_space<vmem>> -> memref<128xi32, #tpu.memory_space<vmem>>
    %dma_start3A_8 = tpu.memref_slice %arg2[%add3A_4] : memref<16384xi32, #tpu.memory_space<hbm>> -> memref<128xi32, #tpu.memory_space<hbm>>
    %dma_start3A_9 = arith.constant 0 : i32
    %dma_start3A_10 = tpu.memref_slice %arg11[%dma_start3A, %dma_start3A_9] : memref<4x128xi32, #tpu.memory_space<vmem>> -> memref<1x128xi32, #tpu.memory_space<vmem>>
    %dma_start3A_11 = tpu.memref_squeeze %dma_start3A_10 : memref<1x128xi32, #tpu.memory_space<vmem>> -> memref<128xi32, #tpu.memory_space<vmem>>
    %dma_start3A_12 = tpu.memref_slice %arg2[%add3A_4] : memref<16384xi32, #tpu.memory_space<hbm>> -> memref<128xi32, #tpu.memory_space<hbm>>
    tpu.enqueue_dma source(%dma_start3A_12 : memref<128xi32, #tpu.memory_space<hbm>>) target(%dma_start3A_11 : memref<128xi32, #tpu.memory_space<vmem>>) target_semaphore(%arg18 : memref<!tpu.dma_semaphore, #tpu.memory_space<semaphore_mem>>)
    %dma_start3A_13 = arith.constant 0 : i32
    %dma_start3A_14 = arith.constant 0 : i32
    %dma_start3A_15 = tpu.memref_slice %arg12[%dma_start3A_13, %dma_start3A_14] : memref<4x128xi32, #tpu.memory_space<vmem>> -> memref<1x128xi32, #tpu.memory_space<vmem>>
    %dma_start3A_16 = tpu.memref_squeeze %dma_start3A_15 : memref<1x128xi32, #tpu.memory_space<vmem>> -> memref<128xi32, #tpu.memory_space<vmem>>
    %dma_start3A_17 = tpu.memref_slice %arg3[%add3A_4] : memref<16384xi32, #tpu.memory_space<hbm>> -> memref<128xi32, #tpu.memory_space<hbm>>
    %dma_start3A_18 = arith.constant 0 : i32
    %dma_start3A_19 = tpu.memref_slice %arg12[%dma_start3A_13, %dma_start3A_18] : memref<4x128xi32, #tpu.memory_space<vmem>> -> memref<1x128xi32, #tpu.memory_space<vmem>>
    %dma_start3A_20 = tpu.memref_squeeze %dma_start3A_19 : memref<1x128xi32, #tpu.memory_space<vmem>> -> memref<128xi32, #tpu.memory_space<vmem>>
    %dma_start3A_21 = tpu.memref_slice %arg3[%add3A_4] : memref<16384xi32, #tpu.memory_space<hbm>> -> memref<128xi32, #tpu.memory_space<hbm>>
    tpu.enqueue_dma source(%dma_start3A_21 : memref<128xi32, #tpu.memory_space<hbm>>) target(%dma_start3A_20 : memref<128xi32, #tpu.memory_space<vmem>>) target_semaphore(%arg18 : memref<!tpu.dma_semaphore, #tpu.memory_space<semaphore_mem>>)
    %dma_start3A_22 = arith.constant 0 : i32
    %dma_start3A_23 = arith.constant 0 : i32
    %dma_start3A_24 = tpu.memref_slice %arg13[%dma_start3A_22, %dma_start3A_23] : memref<4x128xi32, #tpu.memory_space<vmem>> -> memref<1x128xi32, #tpu.memory_space<vmem>>
    %dma_start3A_25 = tpu.memref_squeeze %dma_start3A_24 : memref<1x128xi32, #tpu.memory_space<vmem>> -> memref<128xi32, #tpu.memory_space<vmem>>
    %dma_start3A_26 = tpu.memref_slice %arg4[%add3A_4] : memref<16384xi32, #tpu.memory_space<hbm>> -> memref<128xi32, #tpu.memory_space<hbm>>
    %dma_start3A_27 = arith.constant 0 : i32
    %dma_start3A_28 = tpu.memref_slice %arg13[%dma_start3A_22, %dma_start3A_27] : memref<4x128xi32, #tpu.memory_space<vmem>> -> memref<1x128xi32, #tpu.memory_space<vmem>>
    %dma_start3A_29 = tpu.memref_squeeze %dma_start3A_28 : memref<1x128xi32, #tpu.memory_space<vmem>> -> memref<128xi32, #tpu.memory_space<vmem>>
    %dma_start3A_30 = tpu.memref_slice %arg4[%add3A_4] : memref<16384xi32, #tpu.memory_space<hbm>> -> memref<128xi32, #tpu.memory_space<hbm>>
    tpu.enqueue_dma source(%dma_start3A_30 : memref<128xi32, #tpu.memory_space<hbm>>) target(%dma_start3A_29 : memref<128xi32, #tpu.memory_space<vmem>>) target_semaphore(%arg18 : memref<!tpu.dma_semaphore, #tpu.memory_space<semaphore_mem>>)
    %add3A_31 = arith.constant 128 : i32
    %add3A_32 = arith.addi %mul3A_2, %add3A_31 : i32
    %dma_start3A_33 = arith.constant 1 : i32
    %dma_start3A_34 = arith.constant 0 : i32
    %dma_start3A_35 = tpu.memref_slice %arg11[%dma_start3A_33, %dma_start3A_34] : memref<4x128xi32, #tpu.memory_space<vmem>> -> memref<1x128xi32, #tpu.memory_space<vmem>>
    %dma_start3A_36 = tpu.memref_squeeze %dma_start3A_35 : memref<1x128xi32, #tpu.memory_space<vmem>> -> memref<128xi32, #tpu.memory_space<vmem>>
    %dma_start3A_37 = tpu.memref_slice %arg2[%add3A_32] : memref<16384xi32, #tpu.memory_space<hbm>> -> memref<128xi32, #tpu.memory_space<hbm>>
    %dma_start3A_38 = arith.constant 0 : i32
    %dma_start3A_39 = tpu.memref_slice %arg11[%dma_start3A_33, %dma_start3A_38] : memref<4x128xi32, #tpu.memory_space<vmem>> -> memref<1x128xi32, #tpu.memory_space<vmem>>
    %dma_start3A_40 = tpu.memref_squeeze %dma_start3A_39 : memref<1x128xi32, #tpu.memory_space<vmem>> -> memref<128xi32, #tpu.memory_space<vmem>>
    %dma_start3A_41 = tpu.memref_slice %arg2[%add3A_32] : memref<16384xi32, #tpu.memory_space<hbm>> -> memref<128xi32, #tpu.memory_space<hbm>>
    tpu.enqueue_dma source(%dma_start3A_41 : memref<128xi32, #tpu.memory_space<hbm>>) target(%dma_start3A_40 : memref<128xi32, #tpu.memory_space<vmem>>) target_semaphore(%arg18 : memref<!tpu.dma_semaphore, #tpu.memory_space<semaphore_mem>>)
    %dma_start3A_42 = arith.constant 1 : i32
    %dma_start3A_43 = arith.constant 0 : i32
    %dma_start3A_44 = tpu.memref_slice %arg12[%dma_start3A_42, %dma_start3A_43] : memref<4x128xi32, #tpu.memory_space<vmem>> -> memref<1x128xi32, #tpu.memory_space<vmem>>
    %dma_start3A_45 = tpu.memref_squeeze %dma_start3A_44 : memref<1x128xi32, #tpu.memory_space<vmem>> -> memref<128xi32, #tpu.memory_space<vmem>>
    %dma_start3A_46 = tpu.memref_slice %arg3[%add3A_32] : memref<16384xi32, #tpu.memory_space<hbm>> -> memref<128xi32, #tpu.memory_space<hbm>>
    %dma_start3A_47 = arith.constant 0 : i32
    %dma_start3A_48 = tpu.memref_slice %arg12[%dma_start3A_42, %dma_start3A_47] : memref<4x128xi32, #tpu.memory_space<vmem>> -> memref<1x128xi32, #tpu.memory_space<vmem>>
    %dma_start3A_49 = tpu.memref_squeeze %dma_start3A_48 : memref<1x128xi32, #tpu.memory_space<vmem>> -> memref<128xi32, #tpu.memory_space<vmem>>
    %dma_start3A_50 = tpu.memref_slice %arg3[%add3A_32] : memref<16384xi32, #tpu.memory_space<hbm>> -> memref<128xi32, #tpu.memory_space<hbm>>
    tpu.enqueue_dma source(%dma_start3A_50 : memref<128xi32, #tpu.memory_space<hbm>>) target(%dma_start3A_49 : memref<128xi32, #tpu.memory_space<vmem>>) target_semaphore(%arg18 : memref<!tpu.dma_semaphore, #tpu.memory_space<semaphore_mem>>)
    %dma_start3A_51 = arith.constant 1 : i32
    %dma_start3A_52 = arith.constant 0 : i32
    %dma_start3A_53 = tpu.memref_slice %arg13[%dma_start3A_51, %dma_start3A_52] : memref<4x128xi32, #tpu.memory_space<vmem>> -> memref<1x128xi32, #tpu.memory_space<vmem>>
    %dma_start3A_54 = tpu.memref_squeeze %dma_start3A_53 : memref<1x128xi32, #tpu.memory_space<vmem>> -> memref<128xi32, #tpu.memory_space<vmem>>
    %dma_start3A_55 = tpu.memref_slice %arg4[%add3A_32] : memref<16384xi32, #tpu.memory_space<hbm>> -> memref<128xi32, #tpu.memory_space<hbm>>
    %dma_start3A_56 = arith.constant 0 : i32
    %dma_start3A_57 = tpu.memref_slice %arg13[%dma_start3A_51, %dma_start3A_56] : memref<4x128xi32, #tpu.memory_space<vmem>> -> memref<1x128xi32, #tpu.memory_space<vmem>>
    %dma_start3A_58 = tpu.memref_squeeze %dma_start3A_57 : memref<1x128xi32, #tpu.memory_space<vmem>> -> memref<128xi32, #tpu.memory_space<vmem>>
    %dma_start3A_59 = tpu.memref_slice %arg4[%add3A_32] : memref<16384xi32, #tpu.memory_space<hbm>> -> memref<128xi32, #tpu.memory_space<hbm>>
    tpu.enqueue_dma source(%dma_start3A_59 : memref<128xi32, #tpu.memory_space<hbm>>) target(%dma_start3A_58 : memref<128xi32, #tpu.memory_space<vmem>>) target_semaphore(%arg18 : memref<!tpu.dma_semaphore, #tpu.memory_space<semaphore_mem>>)
    %add3A_60 = arith.constant 256 : i32
    %add3A_61 = arith.addi %mul3A_2, %add3A_60 : i32
    %dma_start3A_62 = arith.constant 2 : i32
    %dma_start3A_63 = arith.constant 0 : i32
    %dma_start3A_64 = tpu.memref_slice %arg11[%dma_start3A_62, %dma_start3A_63] : memref<4x128xi32, #tpu.memory_space<vmem>> -> memref<1x128xi32, #tpu.memory_space<vmem>>
    %dma_start3A_65 = tpu.memref_squeeze %dma_start3A_64 : memref<1x128xi32, #tpu.memory_space<vmem>> -> memref<128xi32, #tpu.memory_space<vmem>>
    %dma_start3A_66 = tpu.memref_slice %arg2[%add3A_61] : memref<16384xi32, #tpu.memory_space<hbm>> -> memref<128xi32, #tpu.memory_space<hbm>>
    %dma_start3A_67 = arith.constant 0 : i32
    %dma_start3A_68 = tpu.memref_slice %arg11[%dma_start3A_62, %dma_start3A_67] : memref<4x128xi32, #tpu.memory_space<vmem>> -> memref<1x128xi32, #tpu.memory_space<vmem>>
    %dma_start3A_69 = tpu.memref_squeeze %dma_start3A_68 : memref<1x128xi32, #tpu.memory_space<vmem>> -> memref<128xi32, #tpu.memory_space<vmem>>
    %dma_start3A_70 = tpu.memref_slice %arg2[%add3A_61] : memref<16384xi32, #tpu.memory_space<hbm>> -> memref<128xi32, #tpu.memory_space<hbm>>
    tpu.enqueue_dma source(%dma_start3A_70 : memref<128xi32, #tpu.memory_space<hbm>>) target(%dma_start3A_69 : memref<128xi32, #tpu.memory_space<vmem>>) target_semaphore(%arg18 : memref<!tpu.dma_semaphore, #tpu.memory_space<semaphore_mem>>)
    %dma_start3A_71 = arith.constant 2 : i32
    %dma_start3A_72 = arith.constant 0 : i32
    %dma_start3A_73 = tpu.memref_slice %arg12[%dma_start3A_71, %dma_start3A_72] : memref<4x128xi32, #tpu.memory_space<vmem>> -> memref<1x128xi32, #tpu.memory_space<vmem>>
    %dma_start3A_74 = tpu.memref_squeeze %dma_start3A_73 : memref<1x128xi32, #tpu.memory_space<vmem>> -> memref<128xi32, #tpu.memory_space<vmem>>
    %dma_start3A_75 = tpu.memref_slice %arg3[%add3A_61] : memref<16384xi32, #tpu.memory_space<hbm>> -> memref<128xi32, #tpu.memory_space<hbm>>
    %dma_start3A_76 = arith.constant 0 : i32
    %dma_start3A_77 = tpu.memref_slice %arg12[%dma_start3A_71, %dma_start3A_76] : memref<4x128xi32, #tpu.memory_space<vmem>> -> memref<1x128xi32, #tpu.memory_space<vmem>>
    %dma_start3A_78 = tpu.memref_squeeze %dma_start3A_77 : memref<1x128xi32, #tpu.memory_space<vmem>> -> memref<128xi32, #tpu.memory_space<vmem>>
    %dma_start3A_79 = tpu.memref_slice %arg3[%add3A_61] : memref<16384xi32, #tpu.memory_space<hbm>> -> memref<128xi32, #tpu.memory_space<hbm>>
    tpu.enqueue_dma source(%dma_start3A_79 : memref<128xi32, #tpu.memory_space<hbm>>) target(%dma_start3A_78 : memref<128xi32, #tpu.memory_space<vmem>>) target_semaphore(%arg18 : memref<!tpu.dma_semaphore, #tpu.memory_space<semaphore_mem>>)
    %dma_start3A_80 = arith.constant 2 : i32
    %dma_start3A_81 = arith.constant 0 : i32
    %dma_start3A_82 = tpu.memref_slice %arg13[%dma_start3A_80, %dma_start3A_81] : memref<4x128xi32, #tpu.memory_space<vmem>> -> memref<1x128xi32, #tpu.memory_space<vmem>>
    %dma_start3A_83 = tpu.memref_squeeze %dma_start3A_82 : memref<1x128xi32, #tpu.memory_space<vmem>> -> memref<128xi32, #tpu.memory_space<vmem>>
    %dma_start3A_84 = tpu.memref_slice %arg4[%add3A_61] : memref<16384xi32, #tpu.memory_space<hbm>> -> memref<128xi32, #tpu.memory_space<hbm>>
    %dma_start3A_85 = arith.constant 0 : i32
    %dma_start3A_86 = tpu.memref_slice %arg13[%dma_start3A_80, %dma_start3A_85] : memref<4x128xi32, #tpu.memory_space<vmem>> -> memref<1x128xi32, #tpu.memory_space<vmem>>
    %dma_start3A_87 = tpu.memref_squeeze %dma_start3A_86 : memref<1x128xi32, #tpu.memory_space<vmem>> -> memref<128xi32, #tpu.memory_space<vmem>>
    %dma_start3A_88 = tpu.memref_slice %arg4[%add3A_61] : memref<16384xi32, #tpu.memory_space<hbm>> -> memref<128xi32, #tpu.memory_space<hbm>>
    tpu.enqueue_dma source(%dma_start3A_88 : memref<128xi32, #tpu.memory_space<hbm>>) target(%dma_start3A_87 : memref<128xi32, #tpu.memory_space<vmem>>) target_semaphore(%arg18 : memref<!tpu.dma_semaphore, #tpu.memory_space<semaphore_mem>>)
    %add3A_89 = arith.constant 384 : i32
    %add3A_90 = arith.addi %mul3A_2, %add3A_89 : i32
    %dma_start3A_91 = arith.constant 3 : i32
    %dma_start3A_92 = arith.constant 0 : i32
    %dma_start3A_93 = tpu.memref_slice %arg11[%dma_start3A_91, %dma_start3A_92] : memref<4x128xi32, #tpu.memory_space<vmem>> -> memref<1x128xi32, #tpu.memory_space<vmem>>
    %dma_start3A_94 = tpu.memref_squeeze %dma_start3A_93 : memref<1x128xi32, #tpu.memory_space<vmem>> -> memref<128xi32, #tpu.memory_space<vmem>>
    %dma_start3A_95 = tpu.memref_slice %arg2[%add3A_90] : memref<16384xi32, #tpu.memory_space<hbm>> -> memref<128xi32, #tpu.memory_space<hbm>>
    %dma_start3A_96 = arith.constant 0 : i32
    %dma_start3A_97 = tpu.memref_slice %arg11[%dma_start3A_91, %dma_start3A_96] : memref<4x128xi32, #tpu.memory_space<vmem>> -> memref<1x128xi32, #tpu.memory_space<vmem>>
    %dma_start3A_98 = tpu.memref_squeeze %dma_start3A_97 : memref<1x128xi32, #tpu.memory_space<vmem>> -> memref<128xi32, #tpu.memory_space<vmem>>
    %dma_start3A_99 = tpu.memref_slice %arg2[%add3A_90] : memref<16384xi32, #tpu.memory_space<hbm>> -> memref<128xi32, #tpu.memory_space<hbm>>
    tpu.enqueue_dma source(%dma_start3A_99 : memref<128xi32, #tpu.memory_space<hbm>>) target(%dma_start3A_98 : memref<128xi32, #tpu.memory_space<vmem>>) target_semaphore(%arg18 : memref<!tpu.dma_semaphore, #tpu.memory_space<semaphore_mem>>)
    %dma_start3A_100 = arith.constant 3 : i32
    %dma_start3A_101 = arith.constant 0 : i32
    %dma_start3A_102 = tpu.memref_slice %arg12[%dma_start3A_100, %dma_start3A_101] : memref<4x128xi32, #tpu.memory_space<vmem>> -> memref<1x128xi32, #tpu.memory_space<vmem>>
    %dma_start3A_103 = tpu.memref_squeeze %dma_start3A_102 : memref<1x128xi32, #tpu.memory_space<vmem>> -> memref<128xi32, #tpu.memory_space<vmem>>
    %dma_start3A_104 = tpu.memref_slice %arg3[%add3A_90] : memref<16384xi32, #tpu.memory_space<hbm>> -> memref<128xi32, #tpu.memory_space<hbm>>
    %dma_start3A_105 = arith.constant 0 : i32
    %dma_start3A_106 = tpu.memref_slice %arg12[%dma_start3A_100, %dma_start3A_105] : memref<4x128xi32, #tpu.memory_space<vmem>> -> memref<1x128xi32, #tpu.memory_space<vmem>>
    %dma_start3A_107 = tpu.memref_squeeze %dma_start3A_106 : memref<1x128xi32, #tpu.memory_space<vmem>> -> memref<128xi32, #tpu.memory_space<vmem>>
    %dma_start3A_108 = tpu.memref_slice %arg3[%add3A_90] : memref<16384xi32, #tpu.memory_space<hbm>> -> memref<128xi32, #tpu.memory_space<hbm>>
    tpu.enqueue_dma source(%dma_start3A_108 : memref<128xi32, #tpu.memory_space<hbm>>) target(%dma_start3A_107 : memref<128xi32, #tpu.memory_space<vmem>>) target_semaphore(%arg18 : memref<!tpu.dma_semaphore, #tpu.memory_space<semaphore_mem>>)
    %dma_start3A_109 = arith.constant 3 : i32
    %dma_start3A_110 = arith.constant 0 : i32
    %dma_start3A_111 = tpu.memref_slice %arg13[%dma_start3A_109, %dma_start3A_110] : memref<4x128xi32, #tpu.memory_space<vmem>> -> memref<1x128xi32, #tpu.memory_space<vmem>>
    %dma_start3A_112 = tpu.memref_squeeze %dma_start3A_111 : memref<1x128xi32, #tpu.memory_space<vmem>> -> memref<128xi32, #tpu.memory_space<vmem>>
    %dma_start3A_113 = tpu.memref_slice %arg4[%add3A_90] : memref<16384xi32, #tpu.memory_space<hbm>> -> memref<128xi32, #tpu.memory_space<hbm>>
    %dma_start3A_114 = arith.constant 0 : i32
    %dma_start3A_115 = tpu.memref_slice %arg13[%dma_start3A_109, %dma_start3A_114] : memref<4x128xi32, #tpu.memory_space<vmem>> -> memref<1x128xi32, #tpu.memory_space<vmem>>
    %dma_start3A_116 = tpu.memref_squeeze %dma_start3A_115 : memref<1x128xi32, #tpu.memory_space<vmem>> -> memref<128xi32, #tpu.memory_space<vmem>>
    %dma_start3A_117 = tpu.memref_slice %arg4[%add3A_90] : memref<16384xi32, #tpu.memory_space<hbm>> -> memref<128xi32, #tpu.memory_space<hbm>>
    tpu.enqueue_dma source(%dma_start3A_117 : memref<128xi32, #tpu.memory_space<hbm>>) target(%dma_start3A_116 : memref<128xi32, #tpu.memory_space<vmem>>) target_semaphore(%arg18 : memref<!tpu.dma_semaphore, #tpu.memory_space<semaphore_mem>>)
    %dma_start3A_118 = tpu.memref_slice %arg5[%mul3A_2] : memref<16384xf32, #tpu.memory_space<hbm>> -> memref<512xf32, #tpu.memory_space<hbm>>
    %dma_start3A_119 = tpu.memref_slice %arg5[%mul3A_2] : memref<16384xf32, #tpu.memory_space<hbm>> -> memref<512xf32, #tpu.memory_space<hbm>>
    tpu.enqueue_dma source(%dma_start3A_119 : memref<512xf32, #tpu.memory_space<hbm>>) target(%arg14 : memref<512xf32, #tpu.memory_space<vmem>>) target_semaphore(%arg18 : memref<!tpu.dma_semaphore, #tpu.memory_space<semaphore_mem>>)
    tpu.enqueue_dma source(%arg9 : memref<272xf32, #tpu.memory_space<hbm>>) target(%arg15 : memref<272xf32, #tpu.memory_space<vmem>>) target_semaphore(%arg18 : memref<!tpu.dma_semaphore, #tpu.memory_space<semaphore_mem>>)
    %dma_wait3A = arith.constant 0 : i32
    %dma_wait3A_120 = arith.constant 0 : i32
    %dma_wait3A_121 = tpu.memref_slice %arg11[%dma_wait3A, %dma_wait3A_120] : memref<4x128xi32, #tpu.memory_space<vmem>> -> memref<1x128xi32, #tpu.memory_space<vmem>>
    %dma_wait3A_122 = tpu.memref_squeeze %dma_wait3A_121 : memref<1x128xi32, #tpu.memory_space<vmem>> -> memref<128xi32, #tpu.memory_space<vmem>>
    %dma_wait3A_123 = tpu.memref_slice %arg2[%add3A_4] : memref<16384xi32, #tpu.memory_space<hbm>> -> memref<128xi32, #tpu.memory_space<hbm>>
    %dma_wait3A_124 = arith.constant 0 : i32
    %dma_wait3A_125 = tpu.memref_slice %arg11[%dma_wait3A, %dma_wait3A_124] : memref<4x128xi32, #tpu.memory_space<vmem>> -> memref<1x128xi32, #tpu.memory_space<vmem>>
    %dma_wait3A_126 = tpu.memref_squeeze %dma_wait3A_125 : memref<1x128xi32, #tpu.memory_space<vmem>> -> memref<128xi32, #tpu.memory_space<vmem>>
    %dma_wait3A_127 = tpu.memref_slice %arg2[%add3A_4] : memref<16384xi32, #tpu.memory_space<hbm>> -> memref<128xi32, #tpu.memory_space<hbm>>
    tpu.wait_dma2 semaphore(%arg18 : memref<!tpu.dma_semaphore, #tpu.memory_space<semaphore_mem>>) src(%dma_wait3A_127 : memref<128xi32, #tpu.memory_space<hbm>>) dst(%dma_wait3A_126 : memref<128xi32, #tpu.memory_space<vmem>>)
    %dma_wait3A_128 = arith.constant 0 : i32
    %dma_wait3A_129 = arith.constant 0 : i32
    %dma_wait3A_130 = tpu.memref_slice %arg12[%dma_wait3A_128, %dma_wait3A_129] : memref<4x128xi32, #tpu.memory_space<vmem>> -> memref<1x128xi32, #tpu.memory_space<vmem>>
    %dma_wait3A_131 = tpu.memref_squeeze %dma_wait3A_130 : memref<1x128xi32, #tpu.memory_space<vmem>> -> memref<128xi32, #tpu.memory_space<vmem>>
    %dma_wait3A_132 = tpu.memref_slice %arg3[%add3A_4] : memref<16384xi32, #tpu.memory_space<hbm>> -> memref<128xi32, #tpu.memory_space<hbm>>
    %dma_wait3A_133 = arith.constant 0 : i32
    %dma_wait3A_134 = tpu.memref_slice %arg12[%dma_wait3A_128, %dma_wait3A_133] : memref<4x128xi32, #tpu.memory_space<vmem>> -> memref<1x128xi32, #tpu.memory_space<vmem>>
    %dma_wait3A_135 = tpu.memref_squeeze %dma_wait3A_134 : memref<1x128xi32, #tpu.memory_space<vmem>> -> memref<128xi32, #tpu.memory_space<vmem>>
    %dma_wait3A_136 = tpu.memref_slice %arg3[%add3A_4] : memref<16384xi32, #tpu.memory_space<hbm>> -> memref<128xi32, #tpu.memory_space<hbm>>
    tpu.wait_dma2 semaphore(%arg18 : memref<!tpu.dma_semaphore, #tpu.memory_space<semaphore_mem>>) src(%dma_wait3A_136 : memref<128xi32, #tpu.memory_space<hbm>>) dst(%dma_wait3A_135 : memref<128xi32, #tpu.memory_space<vmem>>)
    %dma_wait3A_137 = arith.constant 0 : i32
    %dma_wait3A_138 = arith.constant 0 : i32
    %dma_wait3A_139 = tpu.memref_slice %arg13[%dma_wait3A_137, %dma_wait3A_138] : memref<4x128xi32, #tpu.memory_space<vmem>> -> memref<1x128xi32, #tpu.memory_space<vmem>>
    %dma_wait3A_140 = tpu.memref_squeeze %dma_wait3A_139 : memref<1x128xi32, #tpu.memory_space<vmem>> -> memref<128xi32, #tpu.memory_space<vmem>>
    %dma_wait3A_141 = tpu.memref_slice %arg4[%add3A_4] : memref<16384xi32, #tpu.memory_space<hbm>> -> memref<128xi32, #tpu.memory_space<hbm>>
    %dma_wait3A_142 = arith.constant 0 : i32
    %dma_wait3A_143 = tpu.memref_slice %arg13[%dma_wait3A_137, %dma_wait3A_142] : memref<4x128xi32, #tpu.memory_space<vmem>> -> memref<1x128xi32, #tpu.memory_space<vmem>>
    %dma_wait3A_144 = tpu.memref_squeeze %dma_wait3A_143 : memref<1x128xi32, #tpu.memory_space<vmem>> -> memref<128xi32, #tpu.memory_space<vmem>>
    %dma_wait3A_145 = tpu.memref_slice %arg4[%add3A_4] : memref<16384xi32, #tpu.memory_space<hbm>> -> memref<128xi32, #tpu.memory_space<hbm>>
    tpu.wait_dma2 semaphore(%arg18 : memref<!tpu.dma_semaphore, #tpu.memory_space<semaphore_mem>>) src(%dma_wait3A_145 : memref<128xi32, #tpu.memory_space<hbm>>) dst(%dma_wait3A_144 : memref<128xi32, #tpu.memory_space<vmem>>)
    %dma_wait3A_146 = arith.constant 1 : i32
    %dma_wait3A_147 = arith.constant 0 : i32
    %dma_wait3A_148 = tpu.memref_slice %arg11[%dma_wait3A_146, %dma_wait3A_147] : memref<4x128xi32, #tpu.memory_space<vmem>> -> memref<1x128xi32, #tpu.memory_space<vmem>>
    %dma_wait3A_149 = tpu.memref_squeeze %dma_wait3A_148 : memref<1x128xi32, #tpu.memory_space<vmem>> -> memref<128xi32, #tpu.memory_space<vmem>>
    %dma_wait3A_150 = tpu.memref_slice %arg2[%add3A_32] : memref<16384xi32, #tpu.memory_space<hbm>> -> memref<128xi32, #tpu.memory_space<hbm>>
    %dma_wait3A_151 = arith.constant 0 : i32
    %dma_wait3A_152 = tpu.memref_slice %arg11[%dma_wait3A_146, %dma_wait3A_151] : memref<4x128xi32, #tpu.memory_space<vmem>> -> memref<1x128xi32, #tpu.memory_space<vmem>>
    %dma_wait3A_153 = tpu.memref_squeeze %dma_wait3A_152 : memref<1x128xi32, #tpu.memory_space<vmem>> -> memref<128xi32, #tpu.memory_space<vmem>>
    %dma_wait3A_154 = tpu.memref_slice %arg2[%add3A_32] : memref<16384xi32, #tpu.memory_space<hbm>> -> memref<128xi32, #tpu.memory_space<hbm>>
    tpu.wait_dma2 semaphore(%arg18 : memref<!tpu.dma_semaphore, #tpu.memory_space<semaphore_mem>>) src(%dma_wait3A_154 : memref<128xi32, #tpu.memory_space<hbm>>) dst(%dma_wait3A_153 : memref<128xi32, #tpu.memory_space<vmem>>)
    %dma_wait3A_155 = arith.constant 1 : i32
    %dma_wait3A_156 = arith.constant 0 : i32
    %dma_wait3A_157 = tpu.memref_slice %arg12[%dma_wait3A_155, %dma_wait3A_156] : memref<4x128xi32, #tpu.memory_space<vmem>> -> memref<1x128xi32, #tpu.memory_space<vmem>>
    %dma_wait3A_158 = tpu.memref_squeeze %dma_wait3A_157 : memref<1x128xi32, #tpu.memory_space<vmem>> -> memref<128xi32, #tpu.memory_space<vmem>>
    %dma_wait3A_159 = tpu.memref_slice %arg3[%add3A_32] : memref<16384xi32, #tpu.memory_space<hbm>> -> memref<128xi32, #tpu.memory_space<hbm>>
    %dma_wait3A_160 = arith.constant 0 : i32
    %dma_wait3A_161 = tpu.memref_slice %arg12[%dma_wait3A_155, %dma_wait3A_160] : memref<4x128xi32, #tpu.memory_space<vmem>> -> memref<1x128xi32, #tpu.memory_space<vmem>>
    %dma_wait3A_162 = tpu.memref_squeeze %dma_wait3A_161 : memref<1x128xi32, #tpu.memory_space<vmem>> -> memref<128xi32, #tpu.memory_space<vmem>>
    %dma_wait3A_163 = tpu.memref_slice %arg3[%add3A_32] : memref<16384xi32, #tpu.memory_space<hbm>> -> memref<128xi32, #tpu.memory_space<hbm>>
    tpu.wait_dma2 semaphore(%arg18 : memref<!tpu.dma_semaphore, #tpu.memory_space<semaphore_mem>>) src(%dma_wait3A_163 : memref<128xi32, #tpu.memory_space<hbm>>) dst(%dma_wait3A_162 : memref<128xi32, #tpu.memory_space<vmem>>)
    %dma_wait3A_164 = arith.constant 1 : i32
    %dma_wait3A_165 = arith.constant 0 : i32
    %dma_wait3A_166 = tpu.memref_slice %arg13[%dma_wait3A_164, %dma_wait3A_165] : memref<4x128xi32, #tpu.memory_space<vmem>> -> memref<1x128xi32, #tpu.memory_space<vmem>>
    %dma_wait3A_167 = tpu.memref_squeeze %dma_wait3A_166 : memref<1x128xi32, #tpu.memory_space<vmem>> -> memref<128xi32, #tpu.memory_space<vmem>>
    %dma_wait3A_168 = tpu.memref_slice %arg4[%add3A_32] : memref<16384xi32, #tpu.memory_space<hbm>> -> memref<128xi32, #tpu.memory_space<hbm>>
    %dma_wait3A_169 = arith.constant 0 : i32
    %dma_wait3A_170 = tpu.memref_slice %arg13[%dma_wait3A_164, %dma_wait3A_169] : memref<4x128xi32, #tpu.memory_space<vmem>> -> memref<1x128xi32, #tpu.memory_space<vmem>>
    %dma_wait3A_171 = tpu.memref_squeeze %dma_wait3A_170 : memref<1x128xi32, #tpu.memory_space<vmem>> -> memref<128xi32, #tpu.memory_space<vmem>>
    %dma_wait3A_172 = tpu.memref_slice %arg4[%add3A_32] : memref<16384xi32, #tpu.memory_space<hbm>> -> memref<128xi32, #tpu.memory_space<hbm>>
    tpu.wait_dma2 semaphore(%arg18 : memref<!tpu.dma_semaphore, #tpu.memory_space<semaphore_mem>>) src(%dma_wait3A_172 : memref<128xi32, #tpu.memory_space<hbm>>) dst(%dma_wait3A_171 : memref<128xi32, #tpu.memory_space<vmem>>)
    %dma_wait3A_173 = arith.constant 2 : i32
    %dma_wait3A_174 = arith.constant 0 : i32
    %dma_wait3A_175 = tpu.memref_slice %arg11[%dma_wait3A_173, %dma_wait3A_174] : memref<4x128xi32, #tpu.memory_space<vmem>> -> memref<1x128xi32, #tpu.memory_space<vmem>>
    %dma_wait3A_176 = tpu.memref_squeeze %dma_wait3A_175 : memref<1x128xi32, #tpu.memory_space<vmem>> -> memref<128xi32, #tpu.memory_space<vmem>>
    %dma_wait3A_177 = tpu.memref_slice %arg2[%add3A_61] : memref<16384xi32, #tpu.memory_space<hbm>> -> memref<128xi32, #tpu.memory_space<hbm>>
    %dma_wait3A_178 = arith.constant 0 : i32
    %dma_wait3A_179 = tpu.memref_slice %arg11[%dma_wait3A_173, %dma_wait3A_178] : memref<4x128xi32, #tpu.memory_space<vmem>> -> memref<1x128xi32, #tpu.memory_space<vmem>>
    %dma_wait3A_180 = tpu.memref_squeeze %dma_wait3A_179 : memref<1x128xi32, #tpu.memory_space<vmem>> -> memref<128xi32, #tpu.memory_space<vmem>>
    %dma_wait3A_181 = tpu.memref_slice %arg2[%add3A_61] : memref<16384xi32, #tpu.memory_space<hbm>> -> memref<128xi32, #tpu.memory_space<hbm>>
    tpu.wait_dma2 semaphore(%arg18 : memref<!tpu.dma_semaphore, #tpu.memory_space<semaphore_mem>>) src(%dma_wait3A_181 : memref<128xi32, #tpu.memory_space<hbm>>) dst(%dma_wait3A_180 : memref<128xi32, #tpu.memory_space<vmem>>)
    %dma_wait3A_182 = arith.constant 2 : i32
    %dma_wait3A_183 = arith.constant 0 : i32
    %dma_wait3A_184 = tpu.memref_slice %arg12[%dma_wait3A_182, %dma_wait3A_183] : memref<4x128xi32, #tpu.memory_space<vmem>> -> memref<1x128xi32, #tpu.memory_space<vmem>>
    %dma_wait3A_185 = tpu.memref_squeeze %dma_wait3A_184 : memref<1x128xi32, #tpu.memory_space<vmem>> -> memref<128xi32, #tpu.memory_space<vmem>>
    %dma_wait3A_186 = tpu.memref_slice %arg3[%add3A_61] : memref<16384xi32, #tpu.memory_space<hbm>> -> memref<128xi32, #tpu.memory_space<hbm>>
    %dma_wait3A_187 = arith.constant 0 : i32
    %dma_wait3A_188 = tpu.memref_slice %arg12[%dma_wait3A_182, %dma_wait3A_187] : memref<4x128xi32, #tpu.memory_space<vmem>> -> memref<1x128xi32, #tpu.memory_space<vmem>>
    %dma_wait3A_189 = tpu.memref_squeeze %dma_wait3A_188 : memref<1x128xi32, #tpu.memory_space<vmem>> -> memref<128xi32, #tpu.memory_space<vmem>>
    %dma_wait3A_190 = tpu.memref_slice %arg3[%add3A_61] : memref<16384xi32, #tpu.memory_space<hbm>> -> memref<128xi32, #tpu.memory_space<hbm>>
    tpu.wait_dma2 semaphore(%arg18 : memref<!tpu.dma_semaphore, #tpu.memory_space<semaphore_mem>>) src(%dma_wait3A_190 : memref<128xi32, #tpu.memory_space<hbm>>) dst(%dma_wait3A_189 : memref<128xi32, #tpu.memory_space<vmem>>)
    %dma_wait3A_191 = arith.constant 2 : i32
    %dma_wait3A_192 = arith.constant 0 : i32
    %dma_wait3A_193 = tpu.memref_slice %arg13[%dma_wait3A_191, %dma_wait3A_192] : memref<4x128xi32, #tpu.memory_space<vmem>> -> memref<1x128xi32, #tpu.memory_space<vmem>>
    %dma_wait3A_194 = tpu.memref_squeeze %dma_wait3A_193 : memref<1x128xi32, #tpu.memory_space<vmem>> -> memref<128xi32, #tpu.memory_space<vmem>>
    %dma_wait3A_195 = tpu.memref_slice %arg4[%add3A_61] : memref<16384xi32, #tpu.memory_space<hbm>> -> memref<128xi32, #tpu.memory_space<hbm>>
    %dma_wait3A_196 = arith.constant 0 : i32
    %dma_wait3A_197 = tpu.memref_slice %arg13[%dma_wait3A_191, %dma_wait3A_196] : memref<4x128xi32, #tpu.memory_space<vmem>> -> memref<1x128xi32, #tpu.memory_space<vmem>>
    %dma_wait3A_198 = tpu.memref_squeeze %dma_wait3A_197 : memref<1x128xi32, #tpu.memory_space<vmem>> -> memref<128xi32, #tpu.memory_space<vmem>>
    %dma_wait3A_199 = tpu.memref_slice %arg4[%add3A_61] : memref<16384xi32, #tpu.memory_space<hbm>> -> memref<128xi32, #tpu.memory_space<hbm>>
    tpu.wait_dma2 semaphore(%arg18 : memref<!tpu.dma_semaphore, #tpu.memory_space<semaphore_mem>>) src(%dma_wait3A_199 : memref<128xi32, #tpu.memory_space<hbm>>) dst(%dma_wait3A_198 : memref<128xi32, #tpu.memory_space<vmem>>)
    %dma_wait3A_200 = arith.constant 3 : i32
    %dma_wait3A_201 = arith.constant 0 : i32
    %dma_wait3A_202 = tpu.memref_slice %arg11[%dma_wait3A_200, %dma_wait3A_201] : memref<4x128xi32, #tpu.memory_space<vmem>> -> memref<1x128xi32, #tpu.memory_space<vmem>>
    %dma_wait3A_203 = tpu.memref_squeeze %dma_wait3A_202 : memref<1x128xi32, #tpu.memory_space<vmem>> -> memref<128xi32, #tpu.memory_space<vmem>>
    %dma_wait3A_204 = tpu.memref_slice %arg2[%add3A_90] : memref<16384xi32, #tpu.memory_space<hbm>> -> memref<128xi32, #tpu.memory_space<hbm>>
    %dma_wait3A_205 = arith.constant 0 : i32
    %dma_wait3A_206 = tpu.memref_slice %arg11[%dma_wait3A_200, %dma_wait3A_205] : memref<4x128xi32, #tpu.memory_space<vmem>> -> memref<1x128xi32, #tpu.memory_space<vmem>>
    %dma_wait3A_207 = tpu.memref_squeeze %dma_wait3A_206 : memref<1x128xi32, #tpu.memory_space<vmem>> -> memref<128xi32, #tpu.memory_space<vmem>>
    %dma_wait3A_208 = tpu.memref_slice %arg2[%add3A_90] : memref<16384xi32, #tpu.memory_space<hbm>> -> memref<128xi32, #tpu.memory_space<hbm>>
    tpu.wait_dma2 semaphore(%arg18 : memref<!tpu.dma_semaphore, #tpu.memory_space<semaphore_mem>>) src(%dma_wait3A_208 : memref<128xi32, #tpu.memory_space<hbm>>) dst(%dma_wait3A_207 : memref<128xi32, #tpu.memory_space<vmem>>)
    %dma_wait3A_209 = arith.constant 3 : i32
    %dma_wait3A_210 = arith.constant 0 : i32
    %dma_wait3A_211 = tpu.memref_slice %arg12[%dma_wait3A_209, %dma_wait3A_210] : memref<4x128xi32, #tpu.memory_space<vmem>> -> memref<1x128xi32, #tpu.memory_space<vmem>>
    %dma_wait3A_212 = tpu.memref_squeeze %dma_wait3A_211 : memref<1x128xi32, #tpu.memory_space<vmem>> -> memref<128xi32, #tpu.memory_space<vmem>>
    %dma_wait3A_213 = tpu.memref_slice %arg3[%add3A_90] : memref<16384xi32, #tpu.memory_space<hbm>> -> memref<128xi32, #tpu.memory_space<hbm>>
    %dma_wait3A_214 = arith.constant 0 : i32
    %dma_wait3A_215 = tpu.memref_slice %arg12[%dma_wait3A_209, %dma_wait3A_214] : memref<4x128xi32, #tpu.memory_space<vmem>> -> memref<1x128xi32, #tpu.memory_space<vmem>>
    %dma_wait3A_216 = tpu.memref_squeeze %dma_wait3A_215 : memref<1x128xi32, #tpu.memory_space<vmem>> -> memref<128xi32, #tpu.memory_space<vmem>>
    %dma_wait3A_217 = tpu.memref_slice %arg3[%add3A_90] : memref<16384xi32, #tpu.memory_space<hbm>> -> memref<128xi32, #tpu.memory_space<hbm>>
    tpu.wait_dma2 semaphore(%arg18 : memref<!tpu.dma_semaphore, #tpu.memory_space<semaphore_mem>>) src(%dma_wait3A_217 : memref<128xi32, #tpu.memory_space<hbm>>) dst(%dma_wait3A_216 : memref<128xi32, #tpu.memory_space<vmem>>)
    %dma_wait3A_218 = arith.constant 3 : i32
    %dma_wait3A_219 = arith.constant 0 : i32
    %dma_wait3A_220 = tpu.memref_slice %arg13[%dma_wait3A_218, %dma_wait3A_219] : memref<4x128xi32, #tpu.memory_space<vmem>> -> memref<1x128xi32, #tpu.memory_space<vmem>>
    %dma_wait3A_221 = tpu.memref_squeeze %dma_wait3A_220 : memref<1x128xi32, #tpu.memory_space<vmem>> -> memref<128xi32, #tpu.memory_space<vmem>>
    %dma_wait3A_222 = tpu.memref_slice %arg4[%add3A_90] : memref<16384xi32, #tpu.memory_space<hbm>> -> memref<128xi32, #tpu.memory_space<hbm>>
    %dma_wait3A_223 = arith.constant 0 : i32
    %dma_wait3A_224 = tpu.memref_slice %arg13[%dma_wait3A_218, %dma_wait3A_223] : memref<4x128xi32, #tpu.memory_space<vmem>> -> memref<1x128xi32, #tpu.memory_space<vmem>>
    %dma_wait3A_225 = tpu.memref_squeeze %dma_wait3A_224 : memref<1x128xi32, #tpu.memory_space<vmem>> -> memref<128xi32, #tpu.memory_space<vmem>>
    %dma_wait3A_226 = tpu.memref_slice %arg4[%add3A_90] : memref<16384xi32, #tpu.memory_space<hbm>> -> memref<128xi32, #tpu.memory_space<hbm>>
    tpu.wait_dma2 semaphore(%arg18 : memref<!tpu.dma_semaphore, #tpu.memory_space<semaphore_mem>>) src(%dma_wait3A_226 : memref<128xi32, #tpu.memory_space<hbm>>) dst(%dma_wait3A_225 : memref<128xi32, #tpu.memory_space<vmem>>)
    %dma_wait3A_227 = tpu.memref_slice %arg5[%mul3A_2] : memref<16384xf32, #tpu.memory_space<hbm>> -> memref<512xf32, #tpu.memory_space<hbm>>
    %dma_wait3A_228 = tpu.memref_slice %arg5[%mul3A_2] : memref<16384xf32, #tpu.memory_space<hbm>> -> memref<512xf32, #tpu.memory_space<hbm>>
    tpu.wait_dma2 semaphore(%arg18 : memref<!tpu.dma_semaphore, #tpu.memory_space<semaphore_mem>>) src(%dma_wait3A_228 : memref<512xf32, #tpu.memory_space<hbm>>) dst(%arg14 : memref<512xf32, #tpu.memory_space<vmem>>)
    tpu.wait_dma2 semaphore(%arg18 : memref<!tpu.dma_semaphore, #tpu.memory_space<semaphore_mem>>) src(%arg9 : memref<272xf32, #tpu.memory_space<hbm>>) dst(%arg15 : memref<272xf32, #tpu.memory_space<vmem>>)
    %get3A = arith.constant 192 : index
    %get3A_229 = tpu.vector_load %arg15[%get3A] {strides = array<i32>} : memref<272xf32, #tpu.memory_space<vmem>>, vector<16xf32>,
    %get3A_230 = arith.constant 208 : index
    %get3A_231 = tpu.vector_load %arg15[%get3A_230] {strides = array<i32>} : memref<272xf32, #tpu.memory_space<vmem>>, vector<16xf32>,
    %add3A_232 = arith.addf %get3A_229, %get3A_231 : vector<16xf32>
    %get3A_233 = arith.constant 224 : index
    %get3A_234 = tpu.vector_load %arg15[%get3A_233] {strides = array<i32>} : memref<272xf32, #tpu.memory_space<vmem>>, vector<16xf32>,
    %get3A_235 = arith.constant 240 : index
    %get3A_236 = tpu.vector_load %arg15[%get3A_235] {strides = array<i32>} : memref<272xf32, #tpu.memory_space<vmem>>, vector<16xf32>,
    %add3A_237 = arith.addf %get3A_234, %get3A_236 : vector<16xf32>
    %add3A_238 = arith.addf %add3A_232, %add3A_237 : vector<16xf32>
    %reduce_sum3A = arith.constant true
    %reduce_sum3A_239 = vector.broadcast %reduce_sum3A : i1 to vector<16xi1>
    %reduce_sum3A_240 = tpu.scan <sum>, %add3A_238 masked %reduce_sum3A_239 : vector<16xf32>, vector<16xi1> -> vector<16xf32>
    %reduce_sum3A_241 = vector.extract %reduce_sum3A_240[15] : f32 from vector<16xf32>
    %get3A_242 = arith.constant 256 : index
    %get3A_243 = tpu.vector_load %arg15[%get3A_242] {strides = array<i32>} : memref<272xf32, #tpu.memory_space<vmem>>, vector<16xf32>,
    %reduce_sum3A_244 = arith.constant true
    %reduce_sum3A_245 = vector.broadcast %reduce_sum3A_244 : i1 to vector<16xi1>
    %reduce_sum3A_246 = tpu.scan <sum>, %get3A_243 masked %reduce_sum3A_245 : vector<16xf32>, vector<16xi1> -> vector<16xf32>
    %reduce_sum3A_247 = vector.extract %reduce_sum3A_246[15] : f32 from vector<16xf32>
    %scan3A = arith.constant 0 : i32
    %scan3A_248 = arith.constant 0 : i32
    %scan3A_249 = arith.constant 32 : i32
    %scan3A_250 = arith.addi %scan3A_248, %scan3A_249 : i32
    %scan3A_251 = arith.constant 1 : i32
    scf.for %scan3A_536 = %scan3A_248 to %scan3A_250 step %scan3A_251  : i32 {
      %mul3A_537 = arith.constant 16 : i32
      %mul3A_538 = arith.muli %scan3A_536, %mul3A_537 : i32
      %get3A_539 = arith.index_cast %mul3A_538 : i32 to index
      %get3A_540 = tpu.vector_load %arg14[%get3A_539] {strides = array<i32>} : memref<512xf32, #tpu.memory_space<vmem>>, vector<16xf32>,
      %mul3A_541 = vector.broadcast %reduce_sum3A_241 : f32 to vector<16xf32>
      %mul3A_542 = arith.mulf %get3A_540, %mul3A_541 : vector<16xf32>
      %add3A_543 = vector.broadcast %reduce_sum3A_247 : f32 to vector<16xf32>
      %add3A_544 = arith.addf %mul3A_542, %add3A_543 : vector<16xf32>
      %swap3A = arith.index_cast %mul3A_538 : i32 to index
      %swap3A_545 = tpu.vector_load %arg17[%swap3A] {strides = array<i32>} : memref<512xf32, #tpu.memory_space<vmem>>, vector<16xf32>,
      tpu.vector_store %arg17[%swap3A], %add3A_544 {strides = array<i32>} : memref<512xf32, #tpu.memory_space<vmem>>, vector<16xf32>,
    }
    %scan3A_252 = arith.constant 32 : i32
    %iota3A = tpu.iota {dimensions = array<i32: 0>} : vector<16xi32>
    %broadcast_in_dim3A = arith.constant -65536 : i32
    %broadcast_in_dim3A_253 = vector.broadcast %broadcast_in_dim3A : i32 to vector<16xi32>
    %dma_start3A_254 = arith.constant 0 : i32
    %dma_start3A_255 = arith.constant 0 : i32
    %dma_start3A_256 = arith.constant 0 : i32
    %dma_start3A_257 = tpu.memref_slice %arg16[%dma_start3A_255, %dma_start3A_256] : memref<512x128xbf16, #tpu.memory_space<vmem>> -> memref<128x128xbf16, #tpu.memory_space<vmem>>
    %dma_start3A_258 = arith.constant 0 : i32
    %dma_start3A_259 = tpu.memref_slice %arg11[%dma_start3A_254, %dma_start3A_258] : memref<4x128xi32, #tpu.memory_space<vmem>> -> memref<1x128xi32, #tpu.memory_space<vmem>>
    %dma_start3A_260 = tpu.memref_squeeze %dma_start3A_259 : memref<1x128xi32, #tpu.memory_space<vmem>> -> memref<128xi32, #tpu.memory_space<vmem>>
    %dma_start3A_261 = arith.constant 0 : i32
    %dma_start3A_262 = arith.constant 0 : i32
    %dma_start3A_263 = tpu.memref_slice %arg6[%dma_start3A_261, %dma_start3A_262] : memref<1000x128xbf16, #tpu.memory_space<hbm>> -> memref<1000x128xbf16, #tpu.memory_space<hbm>>
    tpu.enqueue_indirect_dma source(%dma_start3A_263 : memref<1000x128xbf16, #tpu.memory_space<hbm>>) target(%dma_start3A_257 : memref<128x128xbf16, #tpu.memory_space<vmem>>) offsets(%dma_start3A_260 : memref<128xi32, #tpu.memory_space<vmem>>) semaphore(%arg19 : memref<!tpu.dma_semaphore, #tpu.memory_space<semaphore_mem>>)
    %dma_start3A_264 = arith.constant 1 : i32
    %dma_start3A_265 = arith.constant 128 : i32
    %dma_start3A_266 = arith.constant 0 : i32
    %dma_start3A_267 = tpu.memref_slice %arg16[%dma_start3A_265, %dma_start3A_266] : memref<512x128xbf16, #tpu.memory_space<vmem>> -> memref<128x128xbf16, #tpu.memory_space<vmem>>
    %dma_start3A_268 = arith.constant 0 : i32
    %dma_start3A_269 = tpu.memref_slice %arg11[%dma_start3A_264, %dma_start3A_268] : memref<4x128xi32, #tpu.memory_space<vmem>> -> memref<1x128xi32, #tpu.memory_space<vmem>>
    %dma_start3A_270 = tpu.memref_squeeze %dma_start3A_269 : memref<1x128xi32, #tpu.memory_space<vmem>> -> memref<128xi32, #tpu.memory_space<vmem>>
    %dma_start3A_271 = arith.constant 0 : i32
    %dma_start3A_272 = arith.constant 0 : i32
    %dma_start3A_273 = tpu.memref_slice %arg6[%dma_start3A_271, %dma_start3A_272] : memref<1000x128xbf16, #tpu.memory_space<hbm>> -> memref<1000x128xbf16, #tpu.memory_space<hbm>>
    tpu.enqueue_indirect_dma source(%dma_start3A_273 : memref<1000x128xbf16, #tpu.memory_space<hbm>>) target(%dma_start3A_267 : memref<128x128xbf16, #tpu.memory_space<vmem>>) offsets(%dma_start3A_270 : memref<128xi32, #tpu.memory_space<vmem>>) semaphore(%arg19 : memref<!tpu.dma_semaphore, #tpu.memory_space<semaphore_mem>>)
    %dma_start3A_274 = arith.constant 2 : i32
    %dma_start3A_275 = arith.constant 256 : i32
    %dma_start3A_276 = arith.constant 0 : i32
    %dma_start3A_277 = tpu.memref_slice %arg16[%dma_start3A_275, %dma_start3A_276] : memref<512x128xbf16, #tpu.memory_space<vmem>> -> memref<128x128xbf16, #tpu.memory_space<vmem>>
    %dma_start3A_278 = arith.constant 0 : i32
    %dma_start3A_279 = tpu.memref_slice %arg11[%dma_start3A_274, %dma_start3A_278] : memref<4x128xi32, #tpu.memory_space<vmem>> -> memref<1x128xi32, #tpu.memory_space<vmem>>
    %dma_start3A_280 = tpu.memref_squeeze %dma_start3A_279 : memref<1x128xi32, #tpu.memory_space<vmem>> -> memref<128xi32, #tpu.memory_space<vmem>>
    %dma_start3A_281 = arith.constant 0 : i32
    %dma_start3A_282 = arith.constant 0 : i32
    %dma_start3A_283 = tpu.memref_slice %arg6[%dma_start3A_281, %dma_start3A_282] : memref<1000x128xbf16, #tpu.memory_space<hbm>> -> memref<1000x128xbf16, #tpu.memory_space<hbm>>
    tpu.enqueue_indirect_dma source(%dma_start3A_283 : memref<1000x128xbf16, #tpu.memory_space<hbm>>) target(%dma_start3A_277 : memref<128x128xbf16, #tpu.memory_space<vmem>>) offsets(%dma_start3A_280 : memref<128xi32, #tpu.memory_space<vmem>>) semaphore(%arg19 : memref<!tpu.dma_semaphore, #tpu.memory_space<semaphore_mem>>)
    %dma_start3A_284 = arith.constant 3 : i32
    %dma_start3A_285 = arith.constant 384 : i32
    %dma_start3A_286 = arith.constant 0 : i32
    %dma_start3A_287 = tpu.memref_slice %arg16[%dma_start3A_285, %dma_start3A_286] : memref<512x128xbf16, #tpu.memory_space<vmem>> -> memref<128x128xbf16, #tpu.memory_space<vmem>>
    %dma_start3A_288 = arith.constant 0 : i32
    %dma_start3A_289 = tpu.memref_slice %arg11[%dma_start3A_284, %dma_start3A_288] : memref<4x128xi32, #tpu.memory_space<vmem>> -> memref<1x128xi32, #tpu.memory_space<vmem>>
    %dma_start3A_290 = tpu.memref_squeeze %dma_start3A_289 : memref<1x128xi32, #tpu.memory_space<vmem>> -> memref<128xi32, #tpu.memory_space<vmem>>
    %dma_start3A_291 = arith.constant 0 : i32
    %dma_start3A_292 = arith.constant 0 : i32
    %dma_start3A_293 = tpu.memref_slice %arg6[%dma_start3A_291, %dma_start3A_292] : memref<1000x128xbf16, #tpu.memory_space<hbm>> -> memref<1000x128xbf16, #tpu.memory_space<hbm>>
    tpu.enqueue_indirect_dma source(%dma_start3A_293 : memref<1000x128xbf16, #tpu.memory_space<hbm>>) target(%dma_start3A_287 : memref<128x128xbf16, #tpu.memory_space<vmem>>) offsets(%dma_start3A_290 : memref<128xi32, #tpu.memory_space<vmem>>) semaphore(%arg19 : memref<!tpu.dma_semaphore, #tpu.memory_space<semaphore_mem>>)
    %dma_wait3A_294 = arith.constant 0 : i32
    %dma_wait3A_295 = arith.constant 0 : i32
    %dma_wait3A_296 = arith.constant 0 : i32
    %dma_wait3A_297 = tpu.memref_slice %arg16[%dma_wait3A_295, %dma_wait3A_296] : memref<512x128xbf16, #tpu.memory_space<vmem>> -> memref<128x128xbf16, #tpu.memory_space<vmem>>
    %dma_wait3A_298 = arith.constant 0 : i32
    %dma_wait3A_299 = tpu.memref_slice %arg11[%dma_wait3A_294, %dma_wait3A_298] : memref<4x128xi32, #tpu.memory_space<vmem>> -> memref<1x128xi32, #tpu.memory_space<vmem>>
    %dma_wait3A_300 = tpu.memref_squeeze %dma_wait3A_299 : memref<1x128xi32, #tpu.memory_space<vmem>> -> memref<128xi32, #tpu.memory_space<vmem>>
    %dma_wait3A_301 = arith.constant 0 : i32
    %dma_wait3A_302 = arith.constant 0 : i32
    %dma_wait3A_303 = tpu.memref_slice %arg6[%dma_wait3A_301, %dma_wait3A_302] : memref<1000x128xbf16, #tpu.memory_space<hbm>> -> memref<1000x128xbf16, #tpu.memory_space<hbm>>
    tpu.wait_indirect_dma semaphore(%arg19 : memref<!tpu.dma_semaphore, #tpu.memory_space<semaphore_mem>>) src(%dma_wait3A_303 : memref<1000x128xbf16, #tpu.memory_space<hbm>>) dst(%dma_wait3A_297 : memref<128x128xbf16, #tpu.memory_space<vmem>>)
    %dma_wait3A_304 = arith.constant 1 : i32
    %dma_wait3A_305 = arith.constant 128 : i32
    %dma_wait3A_306 = arith.constant 0 : i32
    %dma_wait3A_307 = tpu.memref_slice %arg16[%dma_wait3A_305, %dma_wait3A_306] : memref<512x128xbf16, #tpu.memory_space<vmem>> -> memref<128x128xbf16, #tpu.memory_space<vmem>>
    %dma_wait3A_308 = arith.constant 0 : i32
    %dma_wait3A_309 = tpu.memref_slice %arg11[%dma_wait3A_304, %dma_wait3A_308] : memref<4x128xi32, #tpu.memory_space<vmem>> -> memref<1x128xi32, #tpu.memory_space<vmem>>
    %dma_wait3A_310 = tpu.memref_squeeze %dma_wait3A_309 : memref<1x128xi32, #tpu.memory_space<vmem>> -> memref<128xi32, #tpu.memory_space<vmem>>
    %dma_wait3A_311 = arith.constant 0 : i32
    %dma_wait3A_312 = arith.constant 0 : i32
    %dma_wait3A_313 = tpu.memref_slice %arg6[%dma_wait3A_311, %dma_wait3A_312] : memref<1000x128xbf16, #tpu.memory_space<hbm>> -> memref<1000x128xbf16, #tpu.memory_space<hbm>>
    tpu.wait_indirect_dma semaphore(%arg19 : memref<!tpu.dma_semaphore, #tpu.memory_space<semaphore_mem>>) src(%dma_wait3A_313 : memref<1000x128xbf16, #tpu.memory_space<hbm>>) dst(%dma_wait3A_307 : memref<128x128xbf16, #tpu.memory_space<vmem>>)
    %dma_wait3A_314 = arith.constant 2 : i32
    %dma_wait3A_315 = arith.constant 256 : i32
    %dma_wait3A_316 = arith.constant 0 : i32
    %dma_wait3A_317 = tpu.memref_slice %arg16[%dma_wait3A_315, %dma_wait3A_316] : memref<512x128xbf16, #tpu.memory_space<vmem>> -> memref<128x128xbf16, #tpu.memory_space<vmem>>
    %dma_wait3A_318 = arith.constant 0 : i32
    %dma_wait3A_319 = tpu.memref_slice %arg11[%dma_wait3A_314, %dma_wait3A_318] : memref<4x128xi32, #tpu.memory_space<vmem>> -> memref<1x128xi32, #tpu.memory_space<vmem>>
    %dma_wait3A_320 = tpu.memref_squeeze %dma_wait3A_319 : memref<1x128xi32, #tpu.memory_space<vmem>> -> memref<128xi32, #tpu.memory_space<vmem>>
    %dma_wait3A_321 = arith.constant 0 : i32
    %dma_wait3A_322 = arith.constant 0 : i32
    %dma_wait3A_323 = tpu.memref_slice %arg6[%dma_wait3A_321, %dma_wait3A_322] : memref<1000x128xbf16, #tpu.memory_space<hbm>> -> memref<1000x128xbf16, #tpu.memory_space<hbm>>
    tpu.wait_indirect_dma semaphore(%arg19 : memref<!tpu.dma_semaphore, #tpu.memory_space<semaphore_mem>>) src(%dma_wait3A_323 : memref<1000x128xbf16, #tpu.memory_space<hbm>>) dst(%dma_wait3A_317 : memref<128x128xbf16, #tpu.memory_space<vmem>>)
    %dma_wait3A_324 = arith.constant 3 : i32
    %dma_wait3A_325 = arith.constant 384 : i32
    %dma_wait3A_326 = arith.constant 0 : i32
    %dma_wait3A_327 = tpu.memref_slice %arg16[%dma_wait3A_325, %dma_wait3A_326] : memref<512x128xbf16, #tpu.memory_space<vmem>> -> memref<128x128xbf16, #tpu.memory_space<vmem>>
    %dma_wait3A_328 = arith.constant 0 : i32
    %dma_wait3A_329 = tpu.memref_slice %arg11[%dma_wait3A_324, %dma_wait3A_328] : memref<4x128xi32, #tpu.memory_space<vmem>> -> memref<1x128xi32, #tpu.memory_space<vmem>>
    %dma_wait3A_330 = tpu.memref_squeeze %dma_wait3A_329 : memref<1x128xi32, #tpu.memory_space<vmem>> -> memref<128xi32, #tpu.memory_space<vmem>>
    %dma_wait3A_331 = arith.constant 0 : i32
    %dma_wait3A_332 = arith.constant 0 : i32
    %dma_wait3A_333 = tpu.memref_slice %arg6[%dma_wait3A_331, %dma_wait3A_332] : memref<1000x128xbf16, #tpu.memory_space<hbm>> -> memref<1000x128xbf16, #tpu.memory_space<hbm>>
    tpu.wait_indirect_dma semaphore(%arg19 : memref<!tpu.dma_semaphore, #tpu.memory_space<semaphore_mem>>) src(%dma_wait3A_333 : memref<1000x128xbf16, #tpu.memory_space<hbm>>) dst(%dma_wait3A_327 : memref<128x128xbf16, #tpu.memory_space<vmem>>)
    %get3A_334 = arith.constant 0 : index
    %get3A_335 = tpu.vector_load %arg15[%get3A_334] {strides = array<i32>} : memref<272xf32, #tpu.memory_space<vmem>>, vector<16xf32>,
    %get3A_336 = arith.constant 32 : index
    %get3A_337 = tpu.vector_load %arg15[%get3A_336] {strides = array<i32>} : memref<272xf32, #tpu.memory_space<vmem>>, vector<16xf32>,
    %get3A_338 = arith.constant 16 : index
    %get3A_339 = tpu.vector_load %arg15[%get3A_338] {strides = array<i32>} : memref<272xf32, #tpu.memory_space<vmem>>, vector<16xf32>,
    %get3A_340 = arith.constant 48 : index
    %get3A_341 = tpu.vector_load %arg15[%get3A_340] {strides = array<i32>} : memref<272xf32, #tpu.memory_space<vmem>>, vector<16xf32>,
    %scan3A_342 = arith.constant 0 : i32
    %scan3A_343 = arith.constant 0 : i32
    %scan3A_344 = arith.constant 32 : i32
    %scan3A_345 = arith.addi %scan3A_343, %scan3A_344 : i32
    %scan3A_346 = arith.constant 1 : i32
    scf.for %scan3A_536 = %scan3A_343 to %scan3A_345 step %scan3A_346  : i32 {
      %mul3A_537 = arith.constant 16 : i32
      %mul3A_538 = arith.muli %scan3A_536, %mul3A_537 : i32
      %broadcast_in_dim3A_539 = arith.constant 0.000000e+00 : f32
      %broadcast_in_dim3A_540 = vector.broadcast %broadcast_in_dim3A_539 : f32 to vector<16xf32>
      %add3A_541 = arith.constant 0 : i32
      %add3A_542 = arith.addi %mul3A_538, %add3A_541 : i32
      %broadcast_in_dim3A_543 = arith.constant 0.000000e+00 : f32
      %broadcast_in_dim3A_544 = vector.broadcast %broadcast_in_dim3A_543 : f32 to vector<16xf32>
      %broadcast_in_dim3A_545 = arith.constant 0.000000e+00 : f32
      %broadcast_in_dim3A_546 = vector.broadcast %broadcast_in_dim3A_545 : f32 to vector<16xf32>
      %get3A_547 = arith.index_cast %add3A_542 : i32 to index
      %get3A_548 = arith.constant 0 : index
      %get3A_549 = tpu.vector_load %arg16[%get3A_547, %get3A_548] {strides = array<i32>} : memref<512x128xbf16, #tpu.memory_space<vmem>>, vector<32xbf16>,
      %bitcast3A = vector.bitcast %get3A_549 : vector<32xbf16> to vector<16xi32>
      %shift_left3A = arith.constant 16 : i32
      %shift_left3A_550 = vector.broadcast %shift_left3A : i32 to vector<16xi32>
      %shift_left3A_551 = arith.shli %bitcast3A, %shift_left3A_550 : vector<16xi32>
      %bitcast3A_552 = vector.bitcast %shift_left3A_551 : vector<16xi32> to vector<16xf32>
      %and3A = arith.andi %bitcast3A, %broadcast_in_dim3A_253 : vector<16xi32>
      %bitcast3A_553 = vector.bitcast %and3A : vector<16xi32> to vector<16xf32>
      %mul3A_554 = arith.mulf %bitcast3A_552, %get3A_335 : vector<16xf32>
      %add3A_555 = arith.addf %broadcast_in_dim3A_544, %mul3A_554 : vector<16xf32>
      %mul3A_556 = arith.mulf %bitcast3A_553, %get3A_339 : vector<16xf32>
      %add3A_557 = arith.addf %broadcast_in_dim3A_546, %mul3A_556 : vector<16xf32>
      %get3A_558 = arith.index_cast %add3A_542 : i32 to index
      %get3A_559 = arith.constant 32 : index
      %get3A_560 = tpu.vector_load %arg16[%get3A_558, %get3A_559] {strides = array<i32>} : memref<512x128xbf16, #tpu.memory_space<vmem>>, vector<32xbf16>,
      %bitcast3A_561 = vector.bitcast %get3A_560 : vector<32xbf16> to vector<16xi32>
      %shift_left3A_562 = arith.constant 16 : i32
      %shift_left3A_563 = vector.broadcast %shift_left3A_562 : i32 to vector<16xi32>
      %shift_left3A_564 = arith.shli %bitcast3A_561, %shift_left3A_563 : vector<16xi32>
      %bitcast3A_565 = vector.bitcast %shift_left3A_564 : vector<16xi32> to vector<16xf32>
      %and3A_566 = arith.andi %bitcast3A_561, %broadcast_in_dim3A_253 : vector<16xi32>
      %bitcast3A_567 = vector.bitcast %and3A_566 : vector<16xi32> to vector<16xf32>
      %mul3A_568 = arith.mulf %bitcast3A_565, %get3A_337 : vector<16xf32>
      %add3A_569 = arith.addf %add3A_555, %mul3A_568 : vector<16xf32>
      %mul3A_570 = arith.mulf %bitcast3A_567, %get3A_341 : vector<16xf32>
      %add3A_571 = arith.addf %add3A_557, %mul3A_570 : vector<16xf32>
      %add3A_572 = arith.addf %add3A_569, %add3A_571 : vector<16xf32>
      %reduce_sum3A_573 = arith.constant true
      %reduce_sum3A_574 = vector.broadcast %reduce_sum3A_573 : i1 to vector<16xi1>
      %reduce_sum3A_575 = tpu.scan <sum>, %add3A_572 masked %reduce_sum3A_574 : vector<16xf32>, vector<16xi1> -> vector<16xf32>
      %reduce_sum3A_576 = vector.extract %reduce_sum3A_575[15] : f32 from vector<16xf32>
      %eq3A = arith.constant 0 : i32
      %eq3A_577 = vector.broadcast %eq3A : i32 to vector<16xi32>
      %eq3A_578 = arith.cmpi eq, %iota3A, %eq3A_577 : vector<16xi32>
      %broadcast_in_dim3A_579 = vector.broadcast %reduce_sum3A_576 : f32 to vector<16xf32>
      %select_n3A = arith.select %eq3A_578, %broadcast_in_dim3A_579, %broadcast_in_dim3A_540 : vector<16xi1>, vector<16xf32>
      %add3A_580 = arith.constant 1 : i32
      %add3A_581 = arith.addi %mul3A_538, %add3A_580 : i32
      %broadcast_in_dim3A_582 = arith.constant 0.000000e+00 : f32
      %broadcast_in_dim3A_583 = vector.broadcast %broadcast_in_dim3A_582 : f32 to vector<16xf32>
      %broadcast_in_dim3A_584 = arith.constant 0.000000e+00 : f32
      %broadcast_in_dim3A_585 = vector.broadcast %broadcast_in_dim3A_584 : f32 to vector<16xf32>
      %get3A_586 = arith.index_cast %add3A_581 : i32 to index
      %get3A_587 = arith.constant 0 : index
      %get3A_588 = tpu.vector_load %arg16[%get3A_586, %get3A_587] {strides = array<i32>} : memref<512x128xbf16, #tpu.memory_space<vmem>>, vector<32xbf16>,
      %bitcast3A_589 = vector.bitcast %get3A_588 : vector<32xbf16> to vector<16xi32>
      %shift_left3A_590 = arith.constant 16 : i32
      %shift_left3A_591 = vector.broadcast %shift_left3A_590 : i32 to vector<16xi32>
      %shift_left3A_592 = arith.shli %bitcast3A_589, %shift_left3A_591 : vector<16xi32>
      %bitcast3A_593 = vector.bitcast %shift_left3A_592 : vector<16xi32> to vector<16xf32>
      %and3A_594 = arith.andi %bitcast3A_589, %broadcast_in_dim3A_253 : vector<16xi32>
      %bitcast3A_595 = vector.bitcast %and3A_594 : vector<16xi32> to vector<16xf32>
      %mul3A_596 = arith.mulf %bitcast3A_593, %get3A_335 : vector<16xf32>
      %add3A_597 = arith.addf %broadcast_in_dim3A_583, %mul3A_596 : vector<16xf32>
      %mul3A_598 = arith.mulf %bitcast3A_595, %get3A_339 : vector<16xf32>
      %add3A_599 = arith.addf %broadcast_in_dim3A_585, %mul3A_598 : vector<16xf32>
      %get3A_600 = arith.index_cast %add3A_581 : i32 to index
      %get3A_601 = arith.constant 32 : index
      %get3A_602 = tpu.vector_load %arg16[%get3A_600, %get3A_601] {strides = array<i32>} : memref<512x128xbf16, #tpu.memory_space<vmem>>, vector<32xbf16>,
      %bitcast3A_603 = vector.bitcast %get3A_602 : vector<32xbf16> to vector<16xi32>
      %shift_left3A_604 = arith.constant 16 : i32
      %shift_left3A_605 = vector.broadcast %shift_left3A_604 : i32 to vector<16xi32>
      %shift_left3A_606 = arith.shli %bitcast3A_603, %shift_left3A_605 : vector<16xi32>
      %bitcast3A_607 = vector.bitcast %shift_left3A_606 : vector<16xi32> to vector<16xf32>
      %and3A_608 = arith.andi %bitcast3A_603, %broadcast_in_dim3A_253 : vector<16xi32>
      %bitcast3A_609 = vector.bitcast %and3A_608 : vector<16xi32> to vector<16xf32>
      %mul3A_610 = arith.mulf %bitcast3A_607, %get3A_337 : vector<16xf32>
      %add3A_611 = arith.addf %add3A_597, %mul3A_610 : vector<16xf32>
      %mul3A_612 = arith.mulf %bitcast3A_609, %get3A_341 : vector<16xf32>
      %add3A_613 = arith.addf %add3A_599, %mul3A_612 : vector<16xf32>
      %add3A_614 = arith.addf %add3A_611, %add3A_613 : vector<16xf32>
      %reduce_sum3A_615 = arith.constant true
      %reduce_sum3A_616 = vector.broadcast %reduce_sum3A_615 : i1 to vector<16xi1>
      %reduce_sum3A_617 = tpu.scan <sum>, %add3A_614 masked %reduce_sum3A_616 : vector<16xf32>, vector<16xi1> -> vector<16xf32>
      %reduce_sum3A_618 = vector.extract %reduce_sum3A_617[15] : f32 from vector<16xf32>
      %eq3A_619 = arith.constant 1 : i32
      %eq3A_620 = vector.broadcast %eq3A_619 : i32 to vector<16xi32>
      %eq3A_621 = arith.cmpi eq, %iota3A, %eq3A_620 : vector<16xi32>
      %broadcast_in_dim3A_622 = vector.broadcast %reduce_sum3A_618 : f32 to vector<16xf32>
      %select_n3A_623 = arith.select %eq3A_621, %broadcast_in_dim3A_622, %select_n3A : vector<16xi1>, vector<16xf32>
      %add3A_624 = arith.constant 2 : i32
      %add3A_625 = arith.addi %mul3A_538, %add3A_624 : i32
      %broadcast_in_dim3A_626 = arith.constant 0.000000e+00 : f32
      %broadcast_in_dim3A_627 = vector.broadcast %broadcast_in_dim3A_626 : f32 to vector<16xf32>
      %broadcast_in_dim3A_628 = arith.constant 0.000000e+00 : f32
      %broadcast_in_dim3A_629 = vector.broadcast %broadcast_in_dim3A_628 : f32 to vector<16xf32>
      %get3A_630 = arith.index_cast %add3A_625 : i32 to index
      %get3A_631 = arith.constant 0 : index
      %get3A_632 = tpu.vector_load %arg16[%get3A_630, %get3A_631] {strides = array<i32>} : memref<512x128xbf16, #tpu.memory_space<vmem>>, vector<32xbf16>,
      %bitcast3A_633 = vector.bitcast %get3A_632 : vector<32xbf16> to vector<16xi32>
      %shift_left3A_634 = arith.constant 16 : i32
      %shift_left3A_635 = vector.broadcast %shift_left3A_634 : i32 to vector<16xi32>
      %shift_left3A_636 = arith.shli %bitcast3A_633, %shift_left3A_635 : vector<16xi32>
      %bitcast3A_637 = vector.bitcast %shift_left3A_636 : vector<16xi32> to vector<16xf32>
      %and3A_638 = arith.andi %bitcast3A_633, %broadcast_in_dim3A_253 : vector<16xi32>
      %bitcast3A_639 = vector.bitcast %and3A_638 : vector<16xi32> to vector<16xf32>
      %mul3A_640 = arith.mulf %bitcast3A_637, %get3A_335 : vector<16xf32>
      %add3A_641 = arith.addf %broadcast_in_dim3A_627, %mul3A_640 : vector<16xf32>
      %mul3A_642 = arith.mulf %bitcast3A_639, %get3A_339 : vector<16xf32>
      %add3A_643 = arith.addf %broadcast_in_dim3A_629, %mul3A_642 : vector<16xf32>
      %get3A_644 = arith.index_cast %add3A_625 : i32 to index
      %get3A_645 = arith.constant 32 : index
      %get3A_646 = tpu.vector_load %arg16[%get3A_644, %get3A_645] {strides = array<i32>} : memref<512x128xbf16, #tpu.memory_space<vmem>>, vector<32xbf16>,
      %bitcast3A_647 = vector.bitcast %get3A_646 : vector<32xbf16> to vector<16xi32>
      %shift_left3A_648 = arith.constant 16 : i32
      %shift_left3A_649 = vector.broadcast %shift_left3A_648 : i32 to vector<16xi32>
      %shift_left3A_650 = arith.shli %bitcast3A_647, %shift_left3A_649 : vector<16xi32>
      %bitcast3A_651 = vector.bitcast %shift_left3A_650 : vector<16xi32> to vector<16xf32>
      %and3A_652 = arith.andi %bitcast3A_647, %broadcast_in_dim3A_253 : vector<16xi32>
      %bitcast3A_653 = vector.bitcast %and3A_652 : vector<16xi32> to vector<16xf32>
      %mul3A_654 = arith.mulf %bitcast3A_651, %get3A_337 : vector<16xf32>
      %add3A_655 = arith.addf %add3A_641, %mul3A_654 : vector<16xf32>
      %mul3A_656 = arith.mulf %bitcast3A_653, %get3A_341 : vector<16xf32>
      %add3A_657 = arith.addf %add3A_643, %mul3A_656 : vector<16xf32>
      %add3A_658 = arith.addf %add3A_655, %add3A_657 : vector<16xf32>
      %reduce_sum3A_659 = arith.constant true
      %reduce_sum3A_660 = vector.broadcast %reduce_sum3A_659 : i1 to vector<16xi1>
      %reduce_sum3A_661 = tpu.scan <sum>, %add3A_658 masked %reduce_sum3A_660 : vector<16xf32>, vector<16xi1> -> vector<16xf32>
      %reduce_sum3A_662 = vector.extract %reduce_sum3A_661[15] : f32 from vector<16xf32>
      %eq3A_663 = arith.constant 2 : i32
      %eq3A_664 = vector.broadcast %eq3A_663 : i32 to vector<16xi32>
      %eq3A_665 = arith.cmpi eq, %iota3A, %eq3A_664 : vector<16xi32>
      %broadcast_in_dim3A_666 = vector.broadcast %reduce_sum3A_662 : f32 to vector<16xf32>
      %select_n3A_667 = arith.select %eq3A_665, %broadcast_in_dim3A_666, %select_n3A_623 : vector<16xi1>, vector<16xf32>
      %add3A_668 = arith.constant 3 : i32
      %add3A_669 = arith.addi %mul3A_538, %add3A_668 : i32
      %broadcast_in_dim3A_670 = arith.constant 0.000000e+00 : f32
      %broadcast_in_dim3A_671 = vector.broadcast %broadcast_in_dim3A_670 : f32 to vector<16xf32>
      %broadcast_in_dim3A_672 = arith.constant 0.000000e+00 : f32
      %broadcast_in_dim3A_673 = vector.broadcast %broadcast_in_dim3A_672 : f32 to vector<16xf32>
      %get3A_674 = arith.index_cast %add3A_669 : i32 to index
      %get3A_675 = arith.constant 0 : index
      %get3A_676 = tpu.vector_load %arg16[%get3A_674, %get3A_675] {strides = array<i32>} : memref<512x128xbf16, #tpu.memory_space<vmem>>, vector<32xbf16>,
      %bitcast3A_677 = vector.bitcast %get3A_676 : vector<32xbf16> to vector<16xi32>
      %shift_left3A_678 = arith.constant 16 : i32
      %shift_left3A_679 = vector.broadcast %shift_left3A_678 : i32 to vector<16xi32>
      %shift_left3A_680 = arith.shli %bitcast3A_677, %shift_left3A_679 : vector<16xi32>
      %bitcast3A_681 = vector.bitcast %shift_left3A_680 : vector<16xi32> to vector<16xf32>
      %and3A_682 = arith.andi %bitcast3A_677, %broadcast_in_dim3A_253 : vector<16xi32>
      %bitcast3A_683 = vector.bitcast %and3A_682 : vector<16xi32> to vector<16xf32>
      %mul3A_684 = arith.mulf %bitcast3A_681, %get3A_335 : vector<16xf32>
      %add3A_685 = arith.addf %broadcast_in_dim3A_671, %mul3A_684 : vector<16xf32>
      %mul3A_686 = arith.mulf %bitcast3A_683, %get3A_339 : vector<16xf32>
      %add3A_687 = arith.addf %broadcast_in_dim3A_673, %mul3A_686 : vector<16xf32>
      %get3A_688 = arith.index_cast %add3A_669 : i32 to index
      %get3A_689 = arith.constant 32 : index
      %get3A_690 = tpu.vector_load %arg16[%get3A_688, %get3A_689] {strides = array<i32>} : memref<512x128xbf16, #tpu.memory_space<vmem>>, vector<32xbf16>,
      %bitcast3A_691 = vector.bitcast %get3A_690 : vector<32xbf16> to vector<16xi32>
      %shift_left3A_692 = arith.constant 16 : i32
      %shift_left3A_693 = vector.broadcast %shift_left3A_692 : i32 to vector<16xi32>
      %shift_left3A_694 = arith.shli %bitcast3A_691, %shift_left3A_693 : vector<16xi32>
      %bitcast3A_695 = vector.bitcast %shift_left3A_694 : vector<16xi32> to vector<16xf32>
      %and3A_696 = arith.andi %bitcast3A_691, %broadcast_in_dim3A_253 : vector<16xi32>
      %bitcast3A_697 = vector.bitcast %and3A_696 : vector<16xi32> to vector<16xf32>
      %mul3A_698 = arith.mulf %bitcast3A_695, %get3A_337 : vector<16xf32>
      %add3A_699 = arith.addf %add3A_685, %mul3A_698 : vector<16xf32>
      %mul3A_700 = arith.mulf %bitcast3A_697, %get3A_341 : vector<16xf32>
      %add3A_701 = arith.addf %add3A_687, %mul3A_700 : vector<16xf32>
      %add3A_702 = arith.addf %add3A_699, %add3A_701 : vector<16xf32>
      %reduce_sum3A_703 = arith.constant true
      %reduce_sum3A_704 = vector.broadcast %reduce_sum3A_703 : i1 to vector<16xi1>
      %reduce_sum3A_705 = tpu.scan <sum>, %add3A_702 masked %reduce_sum3A_704 : vector<16xf32>, vector<16xi1> -> vector<16xf32>
      %reduce_sum3A_706 = vector.extract %reduce_sum3A_705[15] : f32 from vector<16xf32>
      %eq3A_707 = arith.constant 3 : i32
      %eq3A_708 = vector.broadcast %eq3A_707 : i32 to vector<16xi32>
      %eq3A_709 = arith.cmpi eq, %iota3A, %eq3A_708 : vector<16xi32>
      %broadcast_in_dim3A_710 = vector.broadcast %reduce_sum3A_706 : f32 to vector<16xf32>
      %select_n3A_711 = arith.select %eq3A_709, %broadcast_in_dim3A_710, %select_n3A_667 : vector<16xi1>, vector<16xf32>
      %add3A_712 = arith.constant 4 : i32
      %add3A_713 = arith.addi %mul3A_538, %add3A_712 : i32
      %broadcast_in_dim3A_714 = arith.constant 0.000000e+00 : f32
      %broadcast_in_dim3A_715 = vector.broadcast %broadcast_in_dim3A_714 : f32 to vector<16xf32>
      %broadcast_in_dim3A_716 = arith.constant 0.000000e+00 : f32
      %broadcast_in_dim3A_717 = vector.broadcast %broadcast_in_dim3A_716 : f32 to vector<16xf32>
      %get3A_718 = arith.index_cast %add3A_713 : i32 to index
      %get3A_719 = arith.constant 0 : index
      %get3A_720 = tpu.vector_load %arg16[%get3A_718, %get3A_719] {strides = array<i32>} : memref<512x128xbf16, #tpu.memory_space<vmem>>, vector<32xbf16>,
      %bitcast3A_721 = vector.bitcast %get3A_720 : vector<32xbf16> to vector<16xi32>
      %shift_left3A_722 = arith.constant 16 : i32
      %shift_left3A_723 = vector.broadcast %shift_left3A_722 : i32 to vector<16xi32>
      %shift_left3A_724 = arith.shli %bitcast3A_721, %shift_left3A_723 : vector<16xi32>
      %bitcast3A_725 = vector.bitcast %shift_left3A_724 : vector<16xi32> to vector<16xf32>
      %and3A_726 = arith.andi %bitcast3A_721, %broadcast_in_dim3A_253 : vector<16xi32>
      %bitcast3A_727 = vector.bitcast %and3A_726 : vector<16xi32> to vector<16xf32>
      %mul3A_728 = arith.mulf %bitcast3A_725, %get3A_335 : vector<16xf32>
      %add3A_729 = arith.addf %broadcast_in_dim3A_715, %mul3A_728 : vector<16xf32>
      %mul3A_730 = arith.mulf %bitcast3A_727, %get3A_339 : vector<16xf32>
      %add3A_731 = arith.addf %broadcast_in_dim3A_717, %mul3A_730 : vector<16xf32>
      %get3A_732 = arith.index_cast %add3A_713 : i32 to index
      %get3A_733 = arith.constant 32 : index
      %get3A_734 = tpu.vector_load %arg16[%get3A_732, %get3A_733] {strides = array<i32>} : memref<512x128xbf16, #tpu.memory_space<vmem>>, vector<32xbf16>,
      %bitcast3A_735 = vector.bitcast %get3A_734 : vector<32xbf16> to vector<16xi32>
      %shift_left3A_736 = arith.constant 16 : i32
      %shift_left3A_737 = vector.broadcast %shift_left3A_736 : i32 to vector<16xi32>
      %shift_left3A_738 = arith.shli %bitcast3A_735, %shift_left3A_737 : vector<16xi32>
      %bitcast3A_739 = vector.bitcast %shift_left3A_738 : vector<16xi32> to vector<16xf32>
      %and3A_740 = arith.andi %bitcast3A_735, %broadcast_in_dim3A_253 : vector<16xi32>
      %bitcast3A_741 = vector.bitcast %and3A_740 : vector<16xi32> to vector<16xf32>
      %mul3A_742 = arith.mulf %bitcast3A_739, %get3A_337 : vector<16xf32>
      %add3A_743 = arith.addf %add3A_729, %mul3A_742 : vector<16xf32>
      %mul3A_744 = arith.mulf %bitcast3A_741, %get3A_341 : vector<16xf32>
      %add3A_745 = arith.addf %add3A_731, %mul3A_744 : vector<16xf32>
      %add3A_746 = arith.addf %add3A_743, %add3A_745 : vector<16xf32>
      %reduce_sum3A_747 = arith.constant true
      %reduce_sum3A_748 = vector.broadcast %reduce_sum3A_747 : i1 to vector<16xi1>
      %reduce_sum3A_749 = tpu.scan <sum>, %add3A_746 masked %reduce_sum3A_748 : vector<16xf32>, vector<16xi1> -> vector<16xf32>
      %reduce_sum3A_750 = vector.extract %reduce_sum3A_749[15] : f32 from vector<16xf32>
      %eq3A_751 = arith.constant 4 : i32
      %eq3A_752 = vector.broadcast %eq3A_751 : i32 to vector<16xi32>
      %eq3A_753 = arith.cmpi eq, %iota3A, %eq3A_752 : vector<16xi32>
      %broadcast_in_dim3A_754 = vector.broadcast %reduce_sum3A_750 : f32 to vector<16xf32>
      %select_n3A_755 = arith.select %eq3A_753, %broadcast_in_dim3A_754, %select_n3A_711 : vector<16xi1>, vector<16xf32>
      %add3A_756 = arith.constant 5 : i32
      %add3A_757 = arith.addi %mul3A_538, %add3A_756 : i32
      %broadcast_in_dim3A_758 = arith.constant 0.000000e+00 : f32
      %broadcast_in_dim3A_759 = vector.broadcast %broadcast_in_dim3A_758 : f32 to vector<16xf32>
      %broadcast_in_dim3A_760 = arith.constant 0.000000e+00 : f32
      %broadcast_in_dim3A_761 = vector.broadcast %broadcast_in_dim3A_760 : f32 to vector<16xf32>
      %get3A_762 = arith.index_cast %add3A_757 : i32 to index
      %get3A_763 = arith.constant 0 : index
      %get3A_764 = tpu.vector_load %arg16[%get3A_762, %get3A_763] {strides = array<i32>} : memref<512x128xbf16, #tpu.memory_space<vmem>>, vector<32xbf16>,
      %bitcast3A_765 = vector.bitcast %get3A_764 : vector<32xbf16> to vector<16xi32>
      %shift_left3A_766 = arith.constant 16 : i32
      %shift_left3A_767 = vector.broadcast %shift_left3A_766 : i32 to vector<16xi32>
      %shift_left3A_768 = arith.shli %bitcast3A_765, %shift_left3A_767 : vector<16xi32>
      %bitcast3A_769 = vector.bitcast %shift_left3A_768 : vector<16xi32> to vector<16xf32>
      %and3A_770 = arith.andi %bitcast3A_765, %broadcast_in_dim3A_253 : vector<16xi32>
      %bitcast3A_771 = vector.bitcast %and3A_770 : vector<16xi32> to vector<16xf32>
      %mul3A_772 = arith.mulf %bitcast3A_769, %get3A_335 : vector<16xf32>
      %add3A_773 = arith.addf %broadcast_in_dim3A_759, %mul3A_772 : vector<16xf32>
      %mul3A_774 = arith.mulf %bitcast3A_771, %get3A_339 : vector<16xf32>
      %add3A_775 = arith.addf %broadcast_in_dim3A_761, %mul3A_774 : vector<16xf32>
      %get3A_776 = arith.index_cast %add3A_757 : i32 to index
      %get3A_777 = arith.constant 32 : index
      %get3A_778 = tpu.vector_load %arg16[%get3A_776, %get3A_777] {strides = array<i32>} : memref<512x128xbf16, #tpu.memory_space<vmem>>, vector<32xbf16>,
      %bitcast3A_779 = vector.bitcast %get3A_778 : vector<32xbf16> to vector<16xi32>
      %shift_left3A_780 = arith.constant 16 : i32
      %shift_left3A_781 = vector.broadcast %shift_left3A_780 : i32 to vector<16xi32>
      %shift_left3A_782 = arith.shli %bitcast3A_779, %shift_left3A_781 : vector<16xi32>
      %bitcast3A_783 = vector.bitcast %shift_left3A_782 : vector<16xi32> to vector<16xf32>
      %and3A_784 = arith.andi %bitcast3A_779, %broadcast_in_dim3A_253 : vector<16xi32>
      %bitcast3A_785 = vector.bitcast %and3A_784 : vector<16xi32> to vector<16xf32>
      %mul3A_786 = arith.mulf %bitcast3A_783, %get3A_337 : vector<16xf32>
      %add3A_787 = arith.addf %add3A_773, %mul3A_786 : vector<16xf32>
      %mul3A_788 = arith.mulf %bitcast3A_785, %get3A_341 : vector<16xf32>
      %add3A_789 = arith.addf %add3A_775, %mul3A_788 : vector<16xf32>
      %add3A_790 = arith.addf %add3A_787, %add3A_789 : vector<16xf32>
      %reduce_sum3A_791 = arith.constant true
      %reduce_sum3A_792 = vector.broadcast %reduce_sum3A_791 : i1 to vector<16xi1>
      %reduce_sum3A_793 = tpu.scan <sum>, %add3A_790 masked %reduce_sum3A_792 : vector<16xf32>, vector<16xi1> -> vector<16xf32>
      %reduce_sum3A_794 = vector.extract %reduce_sum3A_793[15] : f32 from vector<16xf32>
      %eq3A_795 = arith.constant 5 : i32
      %eq3A_796 = vector.broadcast %eq3A_795 : i32 to vector<16xi32>
      %eq3A_797 = arith.cmpi eq, %iota3A, %eq3A_796 : vector<16xi32>
      %broadcast_in_dim3A_798 = vector.broadcast %reduce_sum3A_794 : f32 to vector<16xf32>
      %select_n3A_799 = arith.select %eq3A_797, %broadcast_in_dim3A_798, %select_n3A_755 : vector<16xi1>, vector<16xf32>
      %add3A_800 = arith.constant 6 : i32
      %add3A_801 = arith.addi %mul3A_538, %add3A_800 : i32
      %broadcast_in_dim3A_802 = arith.constant 0.000000e+00 : f32
      %broadcast_in_dim3A_803 = vector.broadcast %broadcast_in_dim3A_802 : f32 to vector<16xf32>
      %broadcast_in_dim3A_804 = arith.constant 0.000000e+00 : f32
      %broadcast_in_dim3A_805 = vector.broadcast %broadcast_in_dim3A_804 : f32 to vector<16xf32>
      %get3A_806 = arith.index_cast %add3A_801 : i32 to index
      %get3A_807 = arith.constant 0 : index
      %get3A_808 = tpu.vector_load %arg16[%get3A_806, %get3A_807] {strides = array<i32>} : memref<512x128xbf16, #tpu.memory_space<vmem>>, vector<32xbf16>,
      %bitcast3A_809 = vector.bitcast %get3A_808 : vector<32xbf16> to vector<16xi32>
      %shift_left3A_810 = arith.constant 16 : i32
      %shift_left3A_811 = vector.broadcast %shift_left3A_810 : i32 to vector<16xi32>
      %shift_left3A_812 = arith.shli %bitcast3A_809, %shift_left3A_811 : vector<16xi32>
      %bitcast3A_813 = vector.bitcast %shift_left3A_812 : vector<16xi32> to vector<16xf32>
      %and3A_814 = arith.andi %bitcast3A_809, %broadcast_in_dim3A_253 : vector<16xi32>
      %bitcast3A_815 = vector.bitcast %and3A_814 : vector<16xi32> to vector<16xf32>
      %mul3A_816 = arith.mulf %bitcast3A_813, %get3A_335 : vector<16xf32>
      %add3A_817 = arith.addf %broadcast_in_dim3A_803, %mul3A_816 : vector<16xf32>
      %mul3A_818 = arith.mulf %bitcast3A_815, %get3A_339 : vector<16xf32>
      %add3A_819 = arith.addf %broadcast_in_dim3A_805, %mul3A_818 : vector<16xf32>
      %get3A_820 = arith.index_cast %add3A_801 : i32 to index
      %get3A_821 = arith.constant 32 : index
      %get3A_822 = tpu.vector_load %arg16[%get3A_820, %get3A_821] {strides = array<i32>} : memref<512x128xbf16, #tpu.memory_space<vmem>>, vector<32xbf16>,
      %bitcast3A_823 = vector.bitcast %get3A_822 : vector<32xbf16> to vector<16xi32>
      %shift_left3A_824 = arith.constant 16 : i32
      %shift_left3A_825 = vector.broadcast %shift_left3A_824 : i32 to vector<16xi32>
      %shift_left3A_826 = arith.shli %bitcast3A_823, %shift_left3A_825 : vector<16xi32>
      %bitcast3A_827 = vector.bitcast %shift_left3A_826 : vector<16xi32> to vector<16xf32>
      %and3A_828 = arith.andi %bitcast3A_823, %broadcast_in_dim3A_253 : vector<16xi32>
      %bitcast3A_829 = vector.bitcast %and3A_828 : vector<16xi32> to vector<16xf32>
      %mul3A_830 = arith.mulf %bitcast3A_827, %get3A_337 : vector<16xf32>
      %add3A_831 = arith.addf %add3A_817, %mul3A_830 : vector<16xf32>
      %mul3A_832 = arith.mulf %bitcast3A_829, %get3A_341 : vector<16xf32>
      %add3A_833 = arith.addf %add3A_819, %mul3A_832 : vector<16xf32>
      %add3A_834 = arith.addf %add3A_831, %add3A_833 : vector<16xf32>
      %reduce_sum3A_835 = arith.constant true
      %reduce_sum3A_836 = vector.broadcast %reduce_sum3A_835 : i1 to vector<16xi1>
      %reduce_sum3A_837 = tpu.scan <sum>, %add3A_834 masked %reduce_sum3A_836 : vector<16xf32>, vector<16xi1> -> vector<16xf32>
      %reduce_sum3A_838 = vector.extract %reduce_sum3A_837[15] : f32 from vector<16xf32>
      %eq3A_839 = arith.constant 6 : i32
      %eq3A_840 = vector.broadcast %eq3A_839 : i32 to vector<16xi32>
      %eq3A_841 = arith.cmpi eq, %iota3A, %eq3A_840 : vector<16xi32>
      %broadcast_in_dim3A_842 = vector.broadcast %reduce_sum3A_838 : f32 to vector<16xf32>
      %select_n3A_843 = arith.select %eq3A_841, %broadcast_in_dim3A_842, %select_n3A_799 : vector<16xi1>, vector<16xf32>
      %add3A_844 = arith.constant 7 : i32
      %add3A_845 = arith.addi %mul3A_538, %add3A_844 : i32
      %broadcast_in_dim3A_846 = arith.constant 0.000000e+00 : f32
      %broadcast_in_dim3A_847 = vector.broadcast %broadcast_in_dim3A_846 : f32 to vector<16xf32>
      %broadcast_in_dim3A_848 = arith.constant 0.000000e+00 : f32
      %broadcast_in_dim3A_849 = vector.broadcast %broadcast_in_dim3A_848 : f32 to vector<16xf32>
      %get3A_850 = arith.index_cast %add3A_845 : i32 to index
      %get3A_851 = arith.constant 0 : index
      %get3A_852 = tpu.vector_load %arg16[%get3A_850, %get3A_851] {strides = array<i32>} : memref<512x128xbf16, #tpu.memory_space<vmem>>, vector<32xbf16>,
      %bitcast3A_853 = vector.bitcast %get3A_852 : vector<32xbf16> to vector<16xi32>
      %shift_left3A_854 = arith.constant 16 : i32
      %shift_left3A_855 = vector.broadcast %shift_left3A_854 : i32 to vector<16xi32>
      %shift_left3A_856 = arith.shli %bitcast3A_853, %shift_left3A_855 : vector<16xi32>
      %bitcast3A_857 = vector.bitcast %shift_left3A_856 : vector<16xi32> to vector<16xf32>
      %and3A_858 = arith.andi %bitcast3A_853, %broadcast_in_dim3A_253 : vector<16xi32>
      %bitcast3A_859 = vector.bitcast %and3A_858 : vector<16xi32> to vector<16xf32>
      %mul3A_860 = arith.mulf %bitcast3A_857, %get3A_335 : vector<16xf32>
      %add3A_861 = arith.addf %broadcast_in_dim3A_847, %mul3A_860 : vector<16xf32>
      %mul3A_862 = arith.mulf %bitcast3A_859, %get3A_339 : vector<16xf32>
      %add3A_863 = arith.addf %broadcast_in_dim3A_849, %mul3A_862 : vector<16xf32>
      %get3A_864 = arith.index_cast %add3A_845 : i32 to index
      %get3A_865 = arith.constant 32 : index
      %get3A_866 = tpu.vector_load %arg16[%get3A_864, %get3A_865] {strides = array<i32>} : memref<512x128xbf16, #tpu.memory_space<vmem>>, vector<32xbf16>,
      %bitcast3A_867 = vector.bitcast %get3A_866 : vector<32xbf16> to vector<16xi32>
      %shift_left3A_868 = arith.constant 16 : i32
      %shift_left3A_869 = vector.broadcast %shift_left3A_868 : i32 to vector<16xi32>
      %shift_left3A_870 = arith.shli %bitcast3A_867, %shift_left3A_869 : vector<16xi32>
      %bitcast3A_871 = vector.bitcast %shift_left3A_870 : vector<16xi32> to vector<16xf32>
      %and3A_872 = arith.andi %bitcast3A_867, %broadcast_in_dim3A_253 : vector<16xi32>
      %bitcast3A_873 = vector.bitcast %and3A_872 : vector<16xi32> to vector<16xf32>
      %mul3A_874 = arith.mulf %bitcast3A_871, %get3A_337 : vector<16xf32>
      %add3A_875 = arith.addf %add3A_861, %mul3A_874 : vector<16xf32>
      %mul3A_876 = arith.mulf %bitcast3A_873, %get3A_341 : vector<16xf32>
      %add3A_877 = arith.addf %add3A_863, %mul3A_876 : vector<16xf32>
      %add3A_878 = arith.addf %add3A_875, %add3A_877 : vector<16xf32>
      %reduce_sum3A_879 = arith.constant true
      %reduce_sum3A_880 = vector.broadcast %reduce_sum3A_879 : i1 to vector<16xi1>
      %reduce_sum3A_881 = tpu.scan <sum>, %add3A_878 masked %reduce_sum3A_880 : vector<16xf32>, vector<16xi1> -> vector<16xf32>
      %reduce_sum3A_882 = vector.extract %reduce_sum3A_881[15] : f32 from vector<16xf32>
      %eq3A_883 = arith.constant 7 : i32
      %eq3A_884 = vector.broadcast %eq3A_883 : i32 to vector<16xi32>
      %eq3A_885 = arith.cmpi eq, %iota3A, %eq3A_884 : vector<16xi32>
      %broadcast_in_dim3A_886 = vector.broadcast %reduce_sum3A_882 : f32 to vector<16xf32>
      %select_n3A_887 = arith.select %eq3A_885, %broadcast_in_dim3A_886, %select_n3A_843 : vector<16xi1>, vector<16xf32>
      %add3A_888 = arith.constant 8 : i32
      %add3A_889 = arith.addi %mul3A_538, %add3A_888 : i32
      %broadcast_in_dim3A_890 = arith.constant 0.000000e+00 : f32
      %broadcast_in_dim3A_891 = vector.broadcast %broadcast_in_dim3A_890 : f32 to vector<16xf32>
      %broadcast_in_dim3A_892 = arith.constant 0.000000e+00 : f32
      %broadcast_in_dim3A_893 = vector.broadcast %broadcast_in_dim3A_892 : f32 to vector<16xf32>
      %get3A_894 = arith.index_cast %add3A_889 : i32 to index
      %get3A_895 = arith.constant 0 : index
      %get3A_896 = tpu.vector_load %arg16[%get3A_894, %get3A_895] {strides = array<i32>} : memref<512x128xbf16, #tpu.memory_space<vmem>>, vector<32xbf16>,
      %bitcast3A_897 = vector.bitcast %get3A_896 : vector<32xbf16> to vector<16xi32>
      %shift_left3A_898 = arith.constant 16 : i32
      %shift_left3A_899 = vector.broadcast %shift_left3A_898 : i32 to vector<16xi32>
      %shift_left3A_900 = arith.shli %bitcast3A_897, %shift_left3A_899 : vector<16xi32>
      %bitcast3A_901 = vector.bitcast %shift_left3A_900 : vector<16xi32> to vector<16xf32>
      %and3A_902 = arith.andi %bitcast3A_897, %broadcast_in_dim3A_253 : vector<16xi32>
      %bitcast3A_903 = vector.bitcast %and3A_902 : vector<16xi32> to vector<16xf32>
      %mul3A_904 = arith.mulf %bitcast3A_901, %get3A_335 : vector<16xf32>
      %add3A_905 = arith.addf %broadcast_in_dim3A_891, %mul3A_904 : vector<16xf32>
      %mul3A_906 = arith.mulf %bitcast3A_903, %get3A_339 : vector<16xf32>
      %add3A_907 = arith.addf %broadcast_in_dim3A_893, %mul3A_906 : vector<16xf32>
      %get3A_908 = arith.index_cast %add3A_889 : i32 to index
      %get3A_909 = arith.constant 32 : index
      %get3A_910 = tpu.vector_load %arg16[%get3A_908, %get3A_909] {strides = array<i32>} : memref<512x128xbf16, #tpu.memory_space<vmem>>, vector<32xbf16>,
      %bitcast3A_911 = vector.bitcast %get3A_910 : vector<32xbf16> to vector<16xi32>
      %shift_left3A_912 = arith.constant 16 : i32
      %shift_left3A_913 = vector.broadcast %shift_left3A_912 : i32 to vector<16xi32>
      %shift_left3A_914 = arith.shli %bitcast3A_911, %shift_left3A_913 : vector<16xi32>
      %bitcast3A_915 = vector.bitcast %shift_left3A_914 : vector<16xi32> to vector<16xf32>
      %and3A_916 = arith.andi %bitcast3A_911, %broadcast_in_dim3A_253 : vector<16xi32>
      %bitcast3A_917 = vector.bitcast %and3A_916 : vector<16xi32> to vector<16xf32>
      %mul3A_918 = arith.mulf %bitcast3A_915, %get3A_337 : vector<16xf32>
      %add3A_919 = arith.addf %add3A_905, %mul3A_918 : vector<16xf32>
      %mul3A_920 = arith.mulf %bitcast3A_917, %get3A_341 : vector<16xf32>
      %add3A_921 = arith.addf %add3A_907, %mul3A_920 : vector<16xf32>
      %add3A_922 = arith.addf %add3A_919, %add3A_921 : vector<16xf32>
      %reduce_sum3A_923 = arith.constant true
      %reduce_sum3A_924 = vector.broadcast %reduce_sum3A_923 : i1 to vector<16xi1>
      %reduce_sum3A_925 = tpu.scan <sum>, %add3A_922 masked %reduce_sum3A_924 : vector<16xf32>, vector<16xi1> -> vector<16xf32>
      %reduce_sum3A_926 = vector.extract %reduce_sum3A_925[15] : f32 from vector<16xf32>
      %eq3A_927 = arith.constant 8 : i32
      %eq3A_928 = vector.broadcast %eq3A_927 : i32 to vector<16xi32>
      %eq3A_929 = arith.cmpi eq, %iota3A, %eq3A_928 : vector<16xi32>
      %broadcast_in_dim3A_930 = vector.broadcast %reduce_sum3A_926 : f32 to vector<16xf32>
      %select_n3A_931 = arith.select %eq3A_929, %broadcast_in_dim3A_930, %select_n3A_887 : vector<16xi1>, vector<16xf32>
      %add3A_932 = arith.constant 9 : i32
      %add3A_933 = arith.addi %mul3A_538, %add3A_932 : i32
      %broadcast_in_dim3A_934 = arith.constant 0.000000e+00 : f32
      %broadcast_in_dim3A_935 = vector.broadcast %broadcast_in_dim3A_934 : f32 to vector<16xf32>
      %broadcast_in_dim3A_936 = arith.constant 0.000000e+00 : f32
      %broadcast_in_dim3A_937 = vector.broadcast %broadcast_in_dim3A_936 : f32 to vector<16xf32>
      %get3A_938 = arith.index_cast %add3A_933 : i32 to index
      %get3A_939 = arith.constant 0 : index
      %get3A_940 = tpu.vector_load %arg16[%get3A_938, %get3A_939] {strides = array<i32>} : memref<512x128xbf16, #tpu.memory_space<vmem>>, vector<32xbf16>,
      %bitcast3A_941 = vector.bitcast %get3A_940 : vector<32xbf16> to vector<16xi32>
      %shift_left3A_942 = arith.constant 16 : i32
      %shift_left3A_943 = vector.broadcast %shift_left3A_942 : i32 to vector<16xi32>
      %shift_left3A_944 = arith.shli %bitcast3A_941, %shift_left3A_943 : vector<16xi32>
      %bitcast3A_945 = vector.bitcast %shift_left3A_944 : vector<16xi32> to vector<16xf32>
      %and3A_946 = arith.andi %bitcast3A_941, %broadcast_in_dim3A_253 : vector<16xi32>
      %bitcast3A_947 = vector.bitcast %and3A_946 : vector<16xi32> to vector<16xf32>
      %mul3A_948 = arith.mulf %bitcast3A_945, %get3A_335 : vector<16xf32>
      %add3A_949 = arith.addf %broadcast_in_dim3A_935, %mul3A_948 : vector<16xf32>
      %mul3A_950 = arith.mulf %bitcast3A_947, %get3A_339 : vector<16xf32>
      %add3A_951 = arith.addf %broadcast_in_dim3A_937, %mul3A_950 : vector<16xf32>
      %get3A_952 = arith.index_cast %add3A_933 : i32 to index
      %get3A_953 = arith.constant 32 : index
      %get3A_954 = tpu.vector_load %arg16[%get3A_952, %get3A_953] {strides = array<i32>} : memref<512x128xbf16, #tpu.memory_space<vmem>>, vector<32xbf16>,
      %bitcast3A_955 = vector.bitcast %get3A_954 : vector<32xbf16> to vector<16xi32>
      %shift_left3A_956 = arith.constant 16 : i32
      %shift_left3A_957 = vector.broadcast %shift_left3A_956 : i32 to vector<16xi32>
      %shift_left3A_958 = arith.shli %bitcast3A_955, %shift_left3A_957 : vector<16xi32>
      %bitcast3A_959 = vector.bitcast %shift_left3A_958 : vector<16xi32> to vector<16xf32>
      %and3A_960 = arith.andi %bitcast3A_955, %broadcast_in_dim3A_253 : vector<16xi32>
      %bitcast3A_961 = vector.bitcast %and3A_960 : vector<16xi32> to vector<16xf32>
      %mul3A_962 = arith.mulf %bitcast3A_959, %get3A_337 : vector<16xf32>
      %add3A_963 = arith.addf %add3A_949, %mul3A_962 : vector<16xf32>
      %mul3A_964 = arith.mulf %bitcast3A_961, %get3A_341 : vector<16xf32>
      %add3A_965 = arith.addf %add3A_951, %mul3A_964 : vector<16xf32>
      %add3A_966 = arith.addf %add3A_963, %add3A_965 : vector<16xf32>
      %reduce_sum3A_967 = arith.constant true
      %reduce_sum3A_968 = vector.broadcast %reduce_sum3A_967 : i1 to vector<16xi1>
      %reduce_sum3A_969 = tpu.scan <sum>, %add3A_966 masked %reduce_sum3A_968 : vector<16xf32>, vector<16xi1> -> vector<16xf32>
      %reduce_sum3A_970 = vector.extract %reduce_sum3A_969[15] : f32 from vector<16xf32>
      %eq3A_971 = arith.constant 9 : i32
      %eq3A_972 = vector.broadcast %eq3A_971 : i32 to vector<16xi32>
      %eq3A_973 = arith.cmpi eq, %iota3A, %eq3A_972 : vector<16xi32>
      %broadcast_in_dim3A_974 = vector.broadcast %reduce_sum3A_970 : f32 to vector<16xf32>
      %select_n3A_975 = arith.select %eq3A_973, %broadcast_in_dim3A_974, %select_n3A_931 : vector<16xi1>, vector<16xf32>
      %add3A_976 = arith.constant 10 : i32
      %add3A_977 = arith.addi %mul3A_538, %add3A_976 : i32
      %broadcast_in_dim3A_978 = arith.constant 0.000000e+00 : f32
      %broadcast_in_dim3A_979 = vector.broadcast %broadcast_in_dim3A_978 : f32 to vector<16xf32>
      %broadcast_in_dim3A_980 = arith.constant 0.000000e+00 : f32
      %broadcast_in_dim3A_981 = vector.broadcast %broadcast_in_dim3A_980 : f32 to vector<16xf32>
      %get3A_982 = arith.index_cast %add3A_977 : i32 to index
      %get3A_983 = arith.constant 0 : index
      %get3A_984 = tpu.vector_load %arg16[%get3A_982, %get3A_983] {strides = array<i32>} : memref<512x128xbf16, #tpu.memory_space<vmem>>, vector<32xbf16>,
      %bitcast3A_985 = vector.bitcast %get3A_984 : vector<32xbf16> to vector<16xi32>
      %shift_left3A_986 = arith.constant 16 : i32
      %shift_left3A_987 = vector.broadcast %shift_left3A_986 : i32 to vector<16xi32>
      %shift_left3A_988 = arith.shli %bitcast3A_985, %shift_left3A_987 : vector<16xi32>
      %bitcast3A_989 = vector.bitcast %shift_left3A_988 : vector<16xi32> to vector<16xf32>
      %and3A_990 = arith.andi %bitcast3A_985, %broadcast_in_dim3A_253 : vector<16xi32>
      %bitcast3A_991 = vector.bitcast %and3A_990 : vector<16xi32> to vector<16xf32>
      %mul3A_992 = arith.mulf %bitcast3A_989, %get3A_335 : vector<16xf32>
      %add3A_993 = arith.addf %broadcast_in_dim3A_979, %mul3A_992 : vector<16xf32>
      %mul3A_994 = arith.mulf %bitcast3A_991, %get3A_339 : vector<16xf32>
      %add3A_995 = arith.addf %broadcast_in_dim3A_981, %mul3A_994 : vector<16xf32>
      %get3A_996 = arith.index_cast %add3A_977 : i32 to index
      %get3A_997 = arith.constant 32 : index
      %get3A_998 = tpu.vector_load %arg16[%get3A_996, %get3A_997] {strides = array<i32>} : memref<512x128xbf16, #tpu.memory_space<vmem>>, vector<32xbf16>,
      %bitcast3A_999 = vector.bitcast %get3A_998 : vector<32xbf16> to vector<16xi32>
      %shift_left3A_1000 = arith.constant 16 : i32
      %shift_left3A_1001 = vector.broadcast %shift_left3A_1000 : i32 to vector<16xi32>
      %shift_left3A_1002 = arith.shli %bitcast3A_999, %shift_left3A_1001 : vector<16xi32>
      %bitcast3A_1003 = vector.bitcast %shift_left3A_1002 : vector<16xi32> to vector<16xf32>
      %and3A_1004 = arith.andi %bitcast3A_999, %broadcast_in_dim3A_253 : vector<16xi32>
      %bitcast3A_1005 = vector.bitcast %and3A_1004 : vector<16xi32> to vector<16xf32>
      %mul3A_1006 = arith.mulf %bitcast3A_1003, %get3A_337 : vector<16xf32>
      %add3A_1007 = arith.addf %add3A_993, %mul3A_1006 : vector<16xf32>
      %mul3A_1008 = arith.mulf %bitcast3A_1005, %get3A_341 : vector<16xf32>
      %add3A_1009 = arith.addf %add3A_995, %mul3A_1008 : vector<16xf32>
      %add3A_1010 = arith.addf %add3A_1007, %add3A_1009 : vector<16xf32>
      %reduce_sum3A_1011 = arith.constant true
      %reduce_sum3A_1012 = vector.broadcast %reduce_sum3A_1011 : i1 to vector<16xi1>
      %reduce_sum3A_1013 = tpu.scan <sum>, %add3A_1010 masked %reduce_sum3A_1012 : vector<16xf32>, vector<16xi1> -> vector<16xf32>
      %reduce_sum3A_1014 = vector.extract %reduce_sum3A_1013[15] : f32 from vector<16xf32>
      %eq3A_1015 = arith.constant 10 : i32
      %eq3A_1016 = vector.broadcast %eq3A_1015 : i32 to vector<16xi32>
      %eq3A_1017 = arith.cmpi eq, %iota3A, %eq3A_1016 : vector<16xi32>
      %broadcast_in_dim3A_1018 = vector.broadcast %reduce_sum3A_1014 : f32 to vector<16xf32>
      %select_n3A_1019 = arith.select %eq3A_1017, %broadcast_in_dim3A_1018, %select_n3A_975 : vector<16xi1>, vector<16xf32>
      %add3A_1020 = arith.constant 11 : i32
      %add3A_1021 = arith.addi %mul3A_538, %add3A_1020 : i32
      %broadcast_in_dim3A_1022 = arith.constant 0.000000e+00 : f32
      %broadcast_in_dim3A_1023 = vector.broadcast %broadcast_in_dim3A_1022 : f32 to vector<16xf32>
      %broadcast_in_dim3A_1024 = arith.constant 0.000000e+00 : f32
      %broadcast_in_dim3A_1025 = vector.broadcast %broadcast_in_dim3A_1024 : f32 to vector<16xf32>
      %get3A_1026 = arith.index_cast %add3A_1021 : i32 to index
      %get3A_1027 = arith.constant 0 : index
      %get3A_1028 = tpu.vector_load %arg16[%get3A_1026, %get3A_1027] {strides = array<i32>} : memref<512x128xbf16, #tpu.memory_space<vmem>>, vector<32xbf16>,
      %bitcast3A_1029 = vector.bitcast %get3A_1028 : vector<32xbf16> to vector<16xi32>
      %shift_left3A_1030 = arith.constant 16 : i32
      %shift_left3A_1031 = vector.broadcast %shift_left3A_1030 : i32 to vector<16xi32>
      %shift_left3A_1032 = arith.shli %bitcast3A_1029, %shift_left3A_1031 : vector<16xi32>
      %bitcast3A_1033 = vector.bitcast %shift_left3A_1032 : vector<16xi32> to vector<16xf32>
      %and3A_1034 = arith.andi %bitcast3A_1029, %broadcast_in_dim3A_253 : vector<16xi32>
      %bitcast3A_1035 = vector.bitcast %and3A_1034 : vector<16xi32> to vector<16xf32>
      %mul3A_1036 = arith.mulf %bitcast3A_1033, %get3A_335 : vector<16xf32>
      %add3A_1037 = arith.addf %broadcast_in_dim3A_1023, %mul3A_1036 : vector<16xf32>
      %mul3A_1038 = arith.mulf %bitcast3A_1035, %get3A_339 : vector<16xf32>
      %add3A_1039 = arith.addf %broadcast_in_dim3A_1025, %mul3A_1038 : vector<16xf32>
      %get3A_1040 = arith.index_cast %add3A_1021 : i32 to index
      %get3A_1041 = arith.constant 32 : index
      %get3A_1042 = tpu.vector_load %arg16[%get3A_1040, %get3A_1041] {strides = array<i32>} : memref<512x128xbf16, #tpu.memory_space<vmem>>, vector<32xbf16>,
      %bitcast3A_1043 = vector.bitcast %get3A_1042 : vector<32xbf16> to vector<16xi32>
      %shift_left3A_1044 = arith.constant 16 : i32
      %shift_left3A_1045 = vector.broadcast %shift_left3A_1044 : i32 to vector<16xi32>
      %shift_left3A_1046 = arith.shli %bitcast3A_1043, %shift_left3A_1045 : vector<16xi32>
      %bitcast3A_1047 = vector.bitcast %shift_left3A_1046 : vector<16xi32> to vector<16xf32>
      %and3A_1048 = arith.andi %bitcast3A_1043, %broadcast_in_dim3A_253 : vector<16xi32>
      %bitcast3A_1049 = vector.bitcast %and3A_1048 : vector<16xi32> to vector<16xf32>
      %mul3A_1050 = arith.mulf %bitcast3A_1047, %get3A_337 : vector<16xf32>
      %add3A_1051 = arith.addf %add3A_1037, %mul3A_1050 : vector<16xf32>
      %mul3A_1052 = arith.mulf %bitcast3A_1049, %get3A_341 : vector<16xf32>
      %add3A_1053 = arith.addf %add3A_1039, %mul3A_1052 : vector<16xf32>
      %add3A_1054 = arith.addf %add3A_1051, %add3A_1053 : vector<16xf32>
      %reduce_sum3A_1055 = arith.constant true
      %reduce_sum3A_1056 = vector.broadcast %reduce_sum3A_1055 : i1 to vector<16xi1>
      %reduce_sum3A_1057 = tpu.scan <sum>, %add3A_1054 masked %reduce_sum3A_1056 : vector<16xf32>, vector<16xi1> -> vector<16xf32>
      %reduce_sum3A_1058 = vector.extract %reduce_sum3A_1057[15] : f32 from vector<16xf32>
      %eq3A_1059 = arith.constant 11 : i32
      %eq3A_1060 = vector.broadcast %eq3A_1059 : i32 to vector<16xi32>
      %eq3A_1061 = arith.cmpi eq, %iota3A, %eq3A_1060 : vector<16xi32>
      %broadcast_in_dim3A_1062 = vector.broadcast %reduce_sum3A_1058 : f32 to vector<16xf32>
      %select_n3A_1063 = arith.select %eq3A_1061, %broadcast_in_dim3A_1062, %select_n3A_1019 : vector<16xi1>, vector<16xf32>
      %add3A_1064 = arith.constant 12 : i32
      %add3A_1065 = arith.addi %mul3A_538, %add3A_1064 : i32
      %broadcast_in_dim3A_1066 = arith.constant 0.000000e+00 : f32
      %broadcast_in_dim3A_1067 = vector.broadcast %broadcast_in_dim3A_1066 : f32 to vector<16xf32>
      %broadcast_in_dim3A_1068 = arith.constant 0.000000e+00 : f32
      %broadcast_in_dim3A_1069 = vector.broadcast %broadcast_in_dim3A_1068 : f32 to vector<16xf32>
      %get3A_1070 = arith.index_cast %add3A_1065 : i32 to index
      %get3A_1071 = arith.constant 0 : index
      %get3A_1072 = tpu.vector_load %arg16[%get3A_1070, %get3A_1071] {strides = array<i32>} : memref<512x128xbf16, #tpu.memory_space<vmem>>, vector<32xbf16>,
      %bitcast3A_1073 = vector.bitcast %get3A_1072 : vector<32xbf16> to vector<16xi32>
      %shift_left3A_1074 = arith.constant 16 : i32
      %shift_left3A_1075 = vector.broadcast %shift_left3A_1074 : i32 to vector<16xi32>
      %shift_left3A_1076 = arith.shli %bitcast3A_1073, %shift_left3A_1075 : vector<16xi32>
      %bitcast3A_1077 = vector.bitcast %shift_left3A_1076 : vector<16xi32> to vector<16xf32>
      %and3A_1078 = arith.andi %bitcast3A_1073, %broadcast_in_dim3A_253 : vector<16xi32>
      %bitcast3A_1079 = vector.bitcast %and3A_1078 : vector<16xi32> to vector<16xf32>
      %mul3A_1080 = arith.mulf %bitcast3A_1077, %get3A_335 : vector<16xf32>
      %add3A_1081 = arith.addf %broadcast_in_dim3A_1067, %mul3A_1080 : vector<16xf32>
      %mul3A_1082 = arith.mulf %bitcast3A_1079, %get3A_339 : vector<16xf32>
      %add3A_1083 = arith.addf %broadcast_in_dim3A_1069, %mul3A_1082 : vector<16xf32>
      %get3A_1084 = arith.index_cast %add3A_1065 : i32 to index
      %get3A_1085 = arith.constant 32 : index
      %get3A_1086 = tpu.vector_load %arg16[%get3A_1084, %get3A_1085] {strides = array<i32>} : memref<512x128xbf16, #tpu.memory_space<vmem>>, vector<32xbf16>,
      %bitcast3A_1087 = vector.bitcast %get3A_1086 : vector<32xbf16> to vector<16xi32>
      %shift_left3A_1088 = arith.constant 16 : i32
      %shift_left3A_1089 = vector.broadcast %shift_left3A_1088 : i32 to vector<16xi32>
      %shift_left3A_1090 = arith.shli %bitcast3A_1087, %shift_left3A_1089 : vector<16xi32>
      %bitcast3A_1091 = vector.bitcast %shift_left3A_1090 : vector<16xi32> to vector<16xf32>
      %and3A_1092 = arith.andi %bitcast3A_1087, %broadcast_in_dim3A_253 : vector<16xi32>
      %bitcast3A_1093 = vector.bitcast %and3A_1092 : vector<16xi32> to vector<16xf32>
      %mul3A_1094 = arith.mulf %bitcast3A_1091, %get3A_337 : vector<16xf32>
      %add3A_1095 = arith.addf %add3A_1081, %mul3A_1094 : vector<16xf32>
      %mul3A_1096 = arith.mulf %bitcast3A_1093, %get3A_341 : vector<16xf32>
      %add3A_1097 = arith.addf %add3A_1083, %mul3A_1096 : vector<16xf32>
      %add3A_1098 = arith.addf %add3A_1095, %add3A_1097 : vector<16xf32>
      %reduce_sum3A_1099 = arith.constant true
      %reduce_sum3A_1100 = vector.broadcast %reduce_sum3A_1099 : i1 to vector<16xi1>
      %reduce_sum3A_1101 = tpu.scan <sum>, %add3A_1098 masked %reduce_sum3A_1100 : vector<16xf32>, vector<16xi1> -> vector<16xf32>
      %reduce_sum3A_1102 = vector.extract %reduce_sum3A_1101[15] : f32 from vector<16xf32>
      %eq3A_1103 = arith.constant 12 : i32
      %eq3A_1104 = vector.broadcast %eq3A_1103 : i32 to vector<16xi32>
      %eq3A_1105 = arith.cmpi eq, %iota3A, %eq3A_1104 : vector<16xi32>
      %broadcast_in_dim3A_1106 = vector.broadcast %reduce_sum3A_1102 : f32 to vector<16xf32>
      %select_n3A_1107 = arith.select %eq3A_1105, %broadcast_in_dim3A_1106, %select_n3A_1063 : vector<16xi1>, vector<16xf32>
      %add3A_1108 = arith.constant 13 : i32
      %add3A_1109 = arith.addi %mul3A_538, %add3A_1108 : i32
      %broadcast_in_dim3A_1110 = arith.constant 0.000000e+00 : f32
      %broadcast_in_dim3A_1111 = vector.broadcast %broadcast_in_dim3A_1110 : f32 to vector<16xf32>
      %broadcast_in_dim3A_1112 = arith.constant 0.000000e+00 : f32
      %broadcast_in_dim3A_1113 = vector.broadcast %broadcast_in_dim3A_1112 : f32 to vector<16xf32>
      %get3A_1114 = arith.index_cast %add3A_1109 : i32 to index
      %get3A_1115 = arith.constant 0 : index
      %get3A_1116 = tpu.vector_load %arg16[%get3A_1114, %get3A_1115] {strides = array<i32>} : memref<512x128xbf16, #tpu.memory_space<vmem>>, vector<32xbf16>,
      %bitcast3A_1117 = vector.bitcast %get3A_1116 : vector<32xbf16> to vector<16xi32>
      %shift_left3A_1118 = arith.constant 16 : i32
      %shift_left3A_1119 = vector.broadcast %shift_left3A_1118 : i32 to vector<16xi32>
      %shift_left3A_1120 = arith.shli %bitcast3A_1117, %shift_left3A_1119 : vector<16xi32>
      %bitcast3A_1121 = vector.bitcast %shift_left3A_1120 : vector<16xi32> to vector<16xf32>
      %and3A_1122 = arith.andi %bitcast3A_1117, %broadcast_in_dim3A_253 : vector<16xi32>
      %bitcast3A_1123 = vector.bitcast %and3A_1122 : vector<16xi32> to vector<16xf32>
      %mul3A_1124 = arith.mulf %bitcast3A_1121, %get3A_335 : vector<16xf32>
      %add3A_1125 = arith.addf %broadcast_in_dim3A_1111, %mul3A_1124 : vector<16xf32>
      %mul3A_1126 = arith.mulf %bitcast3A_1123, %get3A_339 : vector<16xf32>
      %add3A_1127 = arith.addf %broadcast_in_dim3A_1113, %mul3A_1126 : vector<16xf32>
      %get3A_1128 = arith.index_cast %add3A_1109 : i32 to index
      %get3A_1129 = arith.constant 32 : index
      %get3A_1130 = tpu.vector_load %arg16[%get3A_1128, %get3A_1129] {strides = array<i32>} : memref<512x128xbf16, #tpu.memory_space<vmem>>, vector<32xbf16>,
      %bitcast3A_1131 = vector.bitcast %get3A_1130 : vector<32xbf16> to vector<16xi32>
      %shift_left3A_1132 = arith.constant 16 : i32
      %shift_left3A_1133 = vector.broadcast %shift_left3A_1132 : i32 to vector<16xi32>
      %shift_left3A_1134 = arith.shli %bitcast3A_1131, %shift_left3A_1133 : vector<16xi32>
      %bitcast3A_1135 = vector.bitcast %shift_left3A_1134 : vector<16xi32> to vector<16xf32>
      %and3A_1136 = arith.andi %bitcast3A_1131, %broadcast_in_dim3A_253 : vector<16xi32>
      %bitcast3A_1137 = vector.bitcast %and3A_1136 : vector<16xi32> to vector<16xf32>
      %mul3A_1138 = arith.mulf %bitcast3A_1135, %get3A_337 : vector<16xf32>
      %add3A_1139 = arith.addf %add3A_1125, %mul3A_1138 : vector<16xf32>
      %mul3A_1140 = arith.mulf %bitcast3A_1137, %get3A_341 : vector<16xf32>
      %add3A_1141 = arith.addf %add3A_1127, %mul3A_1140 : vector<16xf32>
      %add3A_1142 = arith.addf %add3A_1139, %add3A_1141 : vector<16xf32>
      %reduce_sum3A_1143 = arith.constant true
      %reduce_sum3A_1144 = vector.broadcast %reduce_sum3A_1143 : i1 to vector<16xi1>
      %reduce_sum3A_1145 = tpu.scan <sum>, %add3A_1142 masked %reduce_sum3A_1144 : vector<16xf32>, vector<16xi1> -> vector<16xf32>
      %reduce_sum3A_1146 = vector.extract %reduce_sum3A_1145[15] : f32 from vector<16xf32>
      %eq3A_1147 = arith.constant 13 : i32
      %eq3A_1148 = vector.broadcast %eq3A_1147 : i32 to vector<16xi32>
      %eq3A_1149 = arith.cmpi eq, %iota3A, %eq3A_1148 : vector<16xi32>
      %broadcast_in_dim3A_1150 = vector.broadcast %reduce_sum3A_1146 : f32 to vector<16xf32>
      %select_n3A_1151 = arith.select %eq3A_1149, %broadcast_in_dim3A_1150, %select_n3A_1107 : vector<16xi1>, vector<16xf32>
      %add3A_1152 = arith.constant 14 : i32
      %add3A_1153 = arith.addi %mul3A_538, %add3A_1152 : i32
      %broadcast_in_dim3A_1154 = arith.constant 0.000000e+00 : f32
      %broadcast_in_dim3A_1155 = vector.broadcast %broadcast_in_dim3A_1154 : f32 to vector<16xf32>
      %broadcast_in_dim3A_1156 = arith.constant 0.000000e+00 : f32
      %broadcast_in_dim3A_1157 = vector.broadcast %broadcast_in_dim3A_1156 : f32 to vector<16xf32>
      %get3A_1158 = arith.index_cast %add3A_1153 : i32 to index
      %get3A_1159 = arith.constant 0 : index
      %get3A_1160 = tpu.vector_load %arg16[%get3A_1158, %get3A_1159] {strides = array<i32>} : memref<512x128xbf16, #tpu.memory_space<vmem>>, vector<32xbf16>,
      %bitcast3A_1161 = vector.bitcast %get3A_1160 : vector<32xbf16> to vector<16xi32>
      %shift_left3A_1162 = arith.constant 16 : i32
      %shift_left3A_1163 = vector.broadcast %shift_left3A_1162 : i32 to vector<16xi32>
      %shift_left3A_1164 = arith.shli %bitcast3A_1161, %shift_left3A_1163 : vector<16xi32>
      %bitcast3A_1165 = vector.bitcast %shift_left3A_1164 : vector<16xi32> to vector<16xf32>
      %and3A_1166 = arith.andi %bitcast3A_1161, %broadcast_in_dim3A_253 : vector<16xi32>
      %bitcast3A_1167 = vector.bitcast %and3A_1166 : vector<16xi32> to vector<16xf32>
      %mul3A_1168 = arith.mulf %bitcast3A_1165, %get3A_335 : vector<16xf32>
      %add3A_1169 = arith.addf %broadcast_in_dim3A_1155, %mul3A_1168 : vector<16xf32>
      %mul3A_1170 = arith.mulf %bitcast3A_1167, %get3A_339 : vector<16xf32>
      %add3A_1171 = arith.addf %broadcast_in_dim3A_1157, %mul3A_1170 : vector<16xf32>
      %get3A_1172 = arith.index_cast %add3A_1153 : i32 to index
      %get3A_1173 = arith.constant 32 : index
      %get3A_1174 = tpu.vector_load %arg16[%get3A_1172, %get3A_1173] {strides = array<i32>} : memref<512x128xbf16, #tpu.memory_space<vmem>>, vector<32xbf16>,
      %bitcast3A_1175 = vector.bitcast %get3A_1174 : vector<32xbf16> to vector<16xi32>
      %shift_left3A_1176 = arith.constant 16 : i32
      %shift_left3A_1177 = vector.broadcast %shift_left3A_1176 : i32 to vector<16xi32>
      %shift_left3A_1178 = arith.shli %bitcast3A_1175, %shift_left3A_1177 : vector<16xi32>
      %bitcast3A_1179 = vector.bitcast %shift_left3A_1178 : vector<16xi32> to vector<16xf32>
      %and3A_1180 = arith.andi %bitcast3A_1175, %broadcast_in_dim3A_253 : vector<16xi32>
      %bitcast3A_1181 = vector.bitcast %and3A_1180 : vector<16xi32> to vector<16xf32>
      %mul3A_1182 = arith.mulf %bitcast3A_1179, %get3A_337 : vector<16xf32>
      %add3A_1183 = arith.addf %add3A_1169, %mul3A_1182 : vector<16xf32>
      %mul3A_1184 = arith.mulf %bitcast3A_1181, %get3A_341 : vector<16xf32>
      %add3A_1185 = arith.addf %add3A_1171, %mul3A_1184 : vector<16xf32>
      %add3A_1186 = arith.addf %add3A_1183, %add3A_1185 : vector<16xf32>
      %reduce_sum3A_1187 = arith.constant true
      %reduce_sum3A_1188 = vector.broadcast %reduce_sum3A_1187 : i1 to vector<16xi1>
      %reduce_sum3A_1189 = tpu.scan <sum>, %add3A_1186 masked %reduce_sum3A_1188 : vector<16xf32>, vector<16xi1> -> vector<16xf32>
      %reduce_sum3A_1190 = vector.extract %reduce_sum3A_1189[15] : f32 from vector<16xf32>
      %eq3A_1191 = arith.constant 14 : i32
      %eq3A_1192 = vector.broadcast %eq3A_1191 : i32 to vector<16xi32>
      %eq3A_1193 = arith.cmpi eq, %iota3A, %eq3A_1192 : vector<16xi32>
      %broadcast_in_dim3A_1194 = vector.broadcast %reduce_sum3A_1190 : f32 to vector<16xf32>
      %select_n3A_1195 = arith.select %eq3A_1193, %broadcast_in_dim3A_1194, %select_n3A_1151 : vector<16xi1>, vector<16xf32>
      %add3A_1196 = arith.constant 15 : i32
      %add3A_1197 = arith.addi %mul3A_538, %add3A_1196 : i32
      %broadcast_in_dim3A_1198 = arith.constant 0.000000e+00 : f32
      %broadcast_in_dim3A_1199 = vector.broadcast %broadcast_in_dim3A_1198 : f32 to vector<16xf32>
      %broadcast_in_dim3A_1200 = arith.constant 0.000000e+00 : f32
      %broadcast_in_dim3A_1201 = vector.broadcast %broadcast_in_dim3A_1200 : f32 to vector<16xf32>
      %get3A_1202 = arith.index_cast %add3A_1197 : i32 to index
      %get3A_1203 = arith.constant 0 : index
      %get3A_1204 = tpu.vector_load %arg16[%get3A_1202, %get3A_1203] {strides = array<i32>} : memref<512x128xbf16, #tpu.memory_space<vmem>>, vector<32xbf16>,
      %bitcast3A_1205 = vector.bitcast %get3A_1204 : vector<32xbf16> to vector<16xi32>
      %shift_left3A_1206 = arith.constant 16 : i32
      %shift_left3A_1207 = vector.broadcast %shift_left3A_1206 : i32 to vector<16xi32>
      %shift_left3A_1208 = arith.shli %bitcast3A_1205, %shift_left3A_1207 : vector<16xi32>
      %bitcast3A_1209 = vector.bitcast %shift_left3A_1208 : vector<16xi32> to vector<16xf32>
      %and3A_1210 = arith.andi %bitcast3A_1205, %broadcast_in_dim3A_253 : vector<16xi32>
      %bitcast3A_1211 = vector.bitcast %and3A_1210 : vector<16xi32> to vector<16xf32>
      %mul3A_1212 = arith.mulf %bitcast3A_1209, %get3A_335 : vector<16xf32>
      %add3A_1213 = arith.addf %broadcast_in_dim3A_1199, %mul3A_1212 : vector<16xf32>
      %mul3A_1214 = arith.mulf %bitcast3A_1211, %get3A_339 : vector<16xf32>
      %add3A_1215 = arith.addf %broadcast_in_dim3A_1201, %mul3A_1214 : vector<16xf32>
      %get3A_1216 = arith.index_cast %add3A_1197 : i32 to index
      %get3A_1217 = arith.constant 32 : index
      %get3A_1218 = tpu.vector_load %arg16[%get3A_1216, %get3A_1217] {strides = array<i32>} : memref<512x128xbf16, #tpu.memory_space<vmem>>, vector<32xbf16>,
      %bitcast3A_1219 = vector.bitcast %get3A_1218 : vector<32xbf16> to vector<16xi32>
      %shift_left3A_1220 = arith.constant 16 : i32
      %shift_left3A_1221 = vector.broadcast %shift_left3A_1220 : i32 to vector<16xi32>
      %shift_left3A_1222 = arith.shli %bitcast3A_1219, %shift_left3A_1221 : vector<16xi32>
      %bitcast3A_1223 = vector.bitcast %shift_left3A_1222 : vector<16xi32> to vector<16xf32>
      %and3A_1224 = arith.andi %bitcast3A_1219, %broadcast_in_dim3A_253 : vector<16xi32>
      %bitcast3A_1225 = vector.bitcast %and3A_1224 : vector<16xi32> to vector<16xf32>
      %mul3A_1226 = arith.mulf %bitcast3A_1223, %get3A_337 : vector<16xf32>
      %add3A_1227 = arith.addf %add3A_1213, %mul3A_1226 : vector<16xf32>
      %mul3A_1228 = arith.mulf %bitcast3A_1225, %get3A_341 : vector<16xf32>
      %add3A_1229 = arith.addf %add3A_1215, %mul3A_1228 : vector<16xf32>
      %add3A_1230 = arith.addf %add3A_1227, %add3A_1229 : vector<16xf32>
      %reduce_sum3A_1231 = arith.constant true
      %reduce_sum3A_1232 = vector.broadcast %reduce_sum3A_1231 : i1 to vector<16xi1>
      %reduce_sum3A_1233 = tpu.scan <sum>, %add3A_1230 masked %reduce_sum3A_1232 : vector<16xf32>, vector<16xi1> -> vector<16xf32>
      %reduce_sum3A_1234 = vector.extract %reduce_sum3A_1233[15] : f32 from vector<16xf32>
      %eq3A_1235 = arith.constant 15 : i32
      %eq3A_1236 = vector.broadcast %eq3A_1235 : i32 to vector<16xi32>
      %eq3A_1237 = arith.cmpi eq, %iota3A, %eq3A_1236 : vector<16xi32>
      %broadcast_in_dim3A_1238 = vector.broadcast %reduce_sum3A_1234 : f32 to vector<16xf32>
      %select_n3A_1239 = arith.select %eq3A_1237, %broadcast_in_dim3A_1238, %select_n3A_1195 : vector<16xi1>, vector<16xf32>
      %get3A_1240 = arith.index_cast %mul3A_538 : i32 to index
      %get3A_1241 = tpu.vector_load %arg17[%get3A_1240] {strides = array<i32>} : memref<512xf32, #tpu.memory_space<vmem>>, vector<16xf32>,
      %add3A_1242 = arith.addf %get3A_1241, %select_n3A_1239 : vector<16xf32>
      %swap3A = arith.index_cast %mul3A_538 : i32 to index
      %swap3A_1243 = tpu.vector_load %arg17[%swap3A] {strides = array<i32>} : memref<512xf32, #tpu.memory_space<vmem>>, vector<16xf32>,
      tpu.vector_store %arg17[%swap3A], %add3A_1242 {strides = array<i32>} : memref<512xf32, #tpu.memory_space<vmem>>, vector<16xf32>,
    }
    %scan3A_347 = arith.constant 32 : i32
    %dma_start3A_348 = arith.constant 0 : i32
    %dma_start3A_349 = arith.constant 0 : i32
    %dma_start3A_350 = arith.constant 0 : i32
    %dma_start3A_351 = tpu.memref_slice %arg16[%dma_start3A_349, %dma_start3A_350] : memref<512x128xbf16, #tpu.memory_space<vmem>> -> memref<128x128xbf16, #tpu.memory_space<vmem>>
    %dma_start3A_352 = arith.constant 0 : i32
    %dma_start3A_353 = tpu.memref_slice %arg12[%dma_start3A_348, %dma_start3A_352] : memref<4x128xi32, #tpu.memory_space<vmem>> -> memref<1x128xi32, #tpu.memory_space<vmem>>
    %dma_start3A_354 = tpu.memref_squeeze %dma_start3A_353 : memref<1x128xi32, #tpu.memory_space<vmem>> -> memref<128xi32, #tpu.memory_space<vmem>>
    %dma_start3A_355 = arith.constant 0 : i32
    %dma_start3A_356 = arith.constant 0 : i32
    %dma_start3A_357 = tpu.memref_slice %arg7[%dma_start3A_355, %dma_start3A_356] : memref<100000x128xbf16, #tpu.memory_space<hbm>> -> memref<100000x128xbf16, #tpu.memory_space<hbm>>
    tpu.enqueue_indirect_dma source(%dma_start3A_357 : memref<100000x128xbf16, #tpu.memory_space<hbm>>) target(%dma_start3A_351 : memref<128x128xbf16, #tpu.memory_space<vmem>>) offsets(%dma_start3A_354 : memref<128xi32, #tpu.memory_space<vmem>>) semaphore(%arg19 : memref<!tpu.dma_semaphore, #tpu.memory_space<semaphore_mem>>)
    %dma_start3A_358 = arith.constant 1 : i32
    %dma_start3A_359 = arith.constant 128 : i32
    %dma_start3A_360 = arith.constant 0 : i32
    %dma_start3A_361 = tpu.memref_slice %arg16[%dma_start3A_359, %dma_start3A_360] : memref<512x128xbf16, #tpu.memory_space<vmem>> -> memref<128x128xbf16, #tpu.memory_space<vmem>>
    %dma_start3A_362 = arith.constant 0 : i32
    %dma_start3A_363 = tpu.memref_slice %arg12[%dma_start3A_358, %dma_start3A_362] : memref<4x128xi32, #tpu.memory_space<vmem>> -> memref<1x128xi32, #tpu.memory_space<vmem>>
    %dma_start3A_364 = tpu.memref_squeeze %dma_start3A_363 : memref<1x128xi32, #tpu.memory_space<vmem>> -> memref<128xi32, #tpu.memory_space<vmem>>
    %dma_start3A_365 = arith.constant 0 : i32
    %dma_start3A_366 = arith.constant 0 : i32
    %dma_start3A_367 = tpu.memref_slice %arg7[%dma_start3A_365, %dma_start3A_366] : memref<100000x128xbf16, #tpu.memory_space<hbm>> -> memref<100000x128xbf16, #tpu.memory_space<hbm>>
    tpu.enqueue_indirect_dma source(%dma_start3A_367 : memref<100000x128xbf16, #tpu.memory_space<hbm>>) target(%dma_start3A_361 : memref<128x128xbf16, #tpu.memory_space<vmem>>) offsets(%dma_start3A_364 : memref<128xi32, #tpu.memory_space<vmem>>) semaphore(%arg19 : memref<!tpu.dma_semaphore, #tpu.memory_space<semaphore_mem>>)
    %dma_start3A_368 = arith.constant 2 : i32
    %dma_start3A_369 = arith.constant 256 : i32
    %dma_start3A_370 = arith.constant 0 : i32
    %dma_start3A_371 = tpu.memref_slice %arg16[%dma_start3A_369, %dma_start3A_370] : memref<512x128xbf16, #tpu.memory_space<vmem>> -> memref<128x128xbf16, #tpu.memory_space<vmem>>
    %dma_start3A_372 = arith.constant 0 : i32
    %dma_start3A_373 = tpu.memref_slice %arg12[%dma_start3A_368, %dma_start3A_372] : memref<4x128xi32, #tpu.memory_space<vmem>> -> memref<1x128xi32, #tpu.memory_space<vmem>>
    %dma_start3A_374 = tpu.memref_squeeze %dma_start3A_373 : memref<1x128xi32, #tpu.memory_space<vmem>> -> memref<128xi32, #tpu.memory_space<vmem>>
    %dma_start3A_375 = arith.constant 0 : i32
    %dma_start3A_376 = arith.constant 0 : i32
    %dma_start3A_377 = tpu.memref_slice %arg7[%dma_start3A_375, %dma_start3A_376] : memref<100000x128xbf16, #tpu.memory_space<hbm>> -> memref<100000x128xbf16, #tpu.memory_space<hbm>>
    tpu.enqueue_indirect_dma source(%dma_start3A_377 : memref<100000x128xbf16, #tpu.memory_space<hbm>>) target(%dma_start3A_371 : memref<128x128xbf16, #tpu.memory_space<vmem>>) offsets(%dma_start3A_374 : memref<128xi32, #tpu.memory_space<vmem>>) semaphore(%arg19 : memref<!tpu.dma_semaphore, #tpu.memory_space<semaphore_mem>>)
    %dma_start3A_378 = arith.constant 3 : i32
    %dma_start3A_379 = arith.constant 384 : i32
    %dma_start3A_380 = arith.constant 0 : i32
    %dma_start3A_381 = tpu.memref_slice %arg16[%dma_start3A_379, %dma_start3A_380] : memref<512x128xbf16, #tpu.memory_space<vmem>> -> memref<128x128xbf16, #tpu.memory_space<vmem>>
    %dma_start3A_382 = arith.constant 0 : i32
    %dma_start3A_383 = tpu.memref_slice %arg12[%dma_start3A_378, %dma_start3A_382] : memref<4x128xi32, #tpu.memory_space<vmem>> -> memref<1x128xi32, #tpu.memory_space<vmem>>
    %dma_start3A_384 = tpu.memref_squeeze %dma_start3A_383 : memref<1x128xi32, #tpu.memory_space<vmem>> -> memref<128xi32, #tpu.memory_space<vmem>>
    %dma_start3A_385 = arith.constant 0 : i32
    %dma_start3A_386 = arith.constant 0 : i32
    %dma_start3A_387 = tpu.memref_slice %arg7[%dma_start3A_385, %dma_start3A_386] : memref<100000x128xbf16, #tpu.memory_space<hbm>> -> memref<100000x128xbf16, #tpu.memory_space<hbm>>
    tpu.enqueue_indirect_dma source(%dma_start3A_387 : memref<100000x128xbf16, #tpu.memory_space<hbm>>) target(%dma_start3A_381 : memref<128x128xbf16, #tpu.memory_space<vmem>>) offsets(%dma_start3A_384 : memref<128xi32, #tpu.memory_space<vmem>>) semaphore(%arg19 : memref<!tpu.dma_semaphore, #tpu.memory_space<semaphore_mem>>)
    %dma_wait3A_388 = arith.constant 0 : i32
    %dma_wait3A_389 = arith.constant 0 : i32
    %dma_wait3A_390 = arith.constant 0 : i32
    %dma_wait3A_391 = tpu.memref_slice %arg16[%dma_wait3A_389, %dma_wait3A_390] : memref<512x128xbf16, #tpu.memory_space<vmem>> -> memref<128x128xbf16, #tpu.memory_space<vmem>>
    %dma_wait3A_392 = arith.constant 0 : i32
    %dma_wait3A_393 = tpu.memref_slice %arg12[%dma_wait3A_388, %dma_wait3A_392] : memref<4x128xi32, #tpu.memory_space<vmem>> -> memref<1x128xi32, #tpu.memory_space<vmem>>
    %dma_wait3A_394 = tpu.memref_squeeze %dma_wait3A_393 : memref<1x128xi32, #tpu.memory_space<vmem>> -> memref<128xi32, #tpu.memory_space<vmem>>
    %dma_wait3A_395 = arith.constant 0 : i32
    %dma_wait3A_396 = arith.constant 0 : i32
    %dma_wait3A_397 = tpu.memref_slice %arg7[%dma_wait3A_395, %dma_wait3A_396] : memref<100000x128xbf16, #tpu.memory_space<hbm>> -> memref<100000x128xbf16, #tpu.memory_space<hbm>>
    tpu.wait_indirect_dma semaphore(%arg19 : memref<!tpu.dma_semaphore, #tpu.memory_space<semaphore_mem>>) src(%dma_wait3A_397 : memref<100000x128xbf16, #tpu.memory_space<hbm>>) dst(%dma_wait3A_391 : memref<128x128xbf16, #tpu.memory_space<vmem>>)
    %dma_wait3A_398 = arith.constant 1 : i32
    %dma_wait3A_399 = arith.constant 128 : i32
    %dma_wait3A_400 = arith.constant 0 : i32
    %dma_wait3A_401 = tpu.memref_slice %arg16[%dma_wait3A_399, %dma_wait3A_400] : memref<512x128xbf16, #tpu.memory_space<vmem>> -> memref<128x128xbf16, #tpu.memory_space<vmem>>
    %dma_wait3A_402 = arith.constant 0 : i32
    %dma_wait3A_403 = tpu.memref_slice %arg12[%dma_wait3A_398, %dma_wait3A_402] : memref<4x128xi32, #tpu.memory_space<vmem>> -> memref<1x128xi32, #tpu.memory_space<vmem>>
    %dma_wait3A_404 = tpu.memref_squeeze %dma_wait3A_403 : memref<1x128xi32, #tpu.memory_space<vmem>> -> memref<128xi32, #tpu.memory_space<vmem>>
    %dma_wait3A_405 = arith.constant 0 : i32
    %dma_wait3A_406 = arith.constant 0 : i32
    %dma_wait3A_407 = tpu.memref_slice %arg7[%dma_wait3A_405, %dma_wait3A_406] : memref<100000x128xbf16, #tpu.memory_space<hbm>> -> memref<100000x128xbf16, #tpu.memory_space<hbm>>
    tpu.wait_indirect_dma semaphore(%arg19 : memref<!tpu.dma_semaphore, #tpu.memory_space<semaphore_mem>>) src(%dma_wait3A_407 : memref<100000x128xbf16, #tpu.memory_space<hbm>>) dst(%dma_wait3A_401 : memref<128x128xbf16, #tpu.memory_space<vmem>>)
    %dma_wait3A_408 = arith.constant 2 : i32
    %dma_wait3A_409 = arith.constant 256 : i32
    %dma_wait3A_410 = arith.constant 0 : i32
    %dma_wait3A_411 = tpu.memref_slice %arg16[%dma_wait3A_409, %dma_wait3A_410] : memref<512x128xbf16, #tpu.memory_space<vmem>> -> memref<128x128xbf16, #tpu.memory_space<vmem>>
    %dma_wait3A_412 = arith.constant 0 : i32
    %dma_wait3A_413 = tpu.memref_slice %arg12[%dma_wait3A_408, %dma_wait3A_412] : memref<4x128xi32, #tpu.memory_space<vmem>> -> memref<1x128xi32, #tpu.memory_space<vmem>>
    %dma_wait3A_414 = tpu.memref_squeeze %dma_wait3A_413 : memref<1x128xi32, #tpu.memory_space<vmem>> -> memref<128xi32, #tpu.memory_space<vmem>>
    %dma_wait3A_415 = arith.constant 0 : i32
    %dma_wait3A_416 = arith.constant 0 : i32
    %dma_wait3A_417 = tpu.memref_slice %arg7[%dma_wait3A_415, %dma_wait3A_416] : memref<100000x128xbf16, #tpu.memory_space<hbm>> -> memref<100000x128xbf16, #tpu.memory_space<hbm>>
    tpu.wait_indirect_dma semaphore(%arg19 : memref<!tpu.dma_semaphore, #tpu.memory_space<semaphore_mem>>) src(%dma_wait3A_417 : memref<100000x128xbf16, #tpu.memory_space<hbm>>) dst(%dma_wait3A_411 : memref<128x128xbf16, #tpu.memory_space<vmem>>)
    %dma_wait3A_418 = arith.constant 3 : i32
    %dma_wait3A_419 = arith.constant 384 : i32
    %dma_wait3A_420 = arith.constant 0 : i32
    %dma_wait3A_421 = tpu.memref_slice %arg16[%dma_wait3A_419, %dma_wait3A_420] : memref<512x128xbf16, #tpu.memory_space<vmem>> -> memref<128x128xbf16, #tpu.memory_space<vmem>>
    %dma_wait3A_422 = arith.constant 0 : i32
    %dma_wait3A_423 = tpu.memref_slice %arg12[%dma_wait3A_418, %dma_wait3A_422] : memref<4x128xi32, #tpu.memory_space<vmem>> -> memref<1x128xi32, #tpu.memory_space<vmem>>
    %dma_wait3A_424 = tpu.memref_squeeze %dma_wait3A_423 : memref<1x128xi32, #tpu.memory_space<vmem>> -> memref<128xi32, #tpu.memory_space<vmem>>
    %dma_wait3A_425 = arith.constant 0 : i32
    %dma_wait3A_426 = arith.constant 0 : i32
    %dma_wait3A_427 = tpu.memref_slice %arg7[%dma_wait3A_425, %dma_wait3A_426] : memref<100000x128xbf16, #tpu.memory_space<hbm>> -> memref<100000x128xbf16, #tpu.memory_space<hbm>>
    tpu.wait_indirect_dma semaphore(%arg19 : memref<!tpu.dma_semaphore, #tpu.memory_space<semaphore_mem>>) src(%dma_wait3A_427 : memref<100000x128xbf16, #tpu.memory_space<hbm>>) dst(%dma_wait3A_421 : memref<128x128xbf16, #tpu.memory_space<vmem>>)
    %get3A_428 = arith.constant 64 : index
    %get3A_429 = tpu.vector_load %arg15[%get3A_428] {strides = array<i32>} : memref<272xf32, #tpu.memory_space<vmem>>, vector<16xf32>,
    %get3A_430 = arith.constant 96 : index
    %get3A_431 = tpu.vector_load %arg15[%get3A_430] {strides = array<i32>} : memref<272xf32, #tpu.memory_space<vmem>>, vector<16xf32>,
    %get3A_432 = arith.constant 80 : index
    %get3A_433 = tpu.vector_load %arg15[%get3A_432] {strides = array<i32>} : memref<272xf32, #tpu.memory_space<vmem>>, vector<16xf32>,
    %get3A_434 = arith.constant 112 : index
    %get3A_435 = tpu.vector_load %arg15[%get3A_434] {strides = array<i32>} : memref<272xf32, #tpu.memory_space<vmem>>, vector<16xf32>,
    %scan3A_436 = arith.constant 0 : i32
    %scan3A_437 = arith.constant 0 : i32
    %scan3A_438 = arith.constant 32 : i32
    %scan3A_439 = arith.addi %scan3A_437, %scan3A_438 : i32
    %scan3A_440 = arith.constant 1 : i32
    scf.for %scan3A_536 = %scan3A_437 to %scan3A_439 step %scan3A_440  : i32 {
      %mul3A_537 = arith.constant 16 : i32
      %mul3A_538 = arith.muli %scan3A_536, %mul3A_537 : i32
      %broadcast_in_dim3A_539 = arith.constant 0.000000e+00 : f32
      %broadcast_in_dim3A_540 = vector.broadcast %broadcast_in_dim3A_539 : f32 to vector<16xf32>
      %add3A_541 = arith.constant 0 : i32
      %add3A_542 = arith.addi %mul3A_538, %add3A_541 : i32
      %broadcast_in_dim3A_543 = arith.constant 0.000000e+00 : f32
      %broadcast_in_dim3A_544 = vector.broadcast %broadcast_in_dim3A_543 : f32 to vector<16xf32>
      %broadcast_in_dim3A_545 = arith.constant 0.000000e+00 : f32
      %broadcast_in_dim3A_546 = vector.broadcast %broadcast_in_dim3A_545 : f32 to vector<16xf32>
      %get3A_547 = arith.index_cast %add3A_542 : i32 to index
      %get3A_548 = arith.constant 0 : index
      %get3A_549 = tpu.vector_load %arg16[%get3A_547, %get3A_548] {strides = array<i32>} : memref<512x128xbf16, #tpu.memory_space<vmem>>, vector<32xbf16>,
      %bitcast3A = vector.bitcast %get3A_549 : vector<32xbf16> to vector<16xi32>
      %shift_left3A = arith.constant 16 : i32
      %shift_left3A_550 = vector.broadcast %shift_left3A : i32 to vector<16xi32>
      %shift_left3A_551 = arith.shli %bitcast3A, %shift_left3A_550 : vector<16xi32>
      %bitcast3A_552 = vector.bitcast %shift_left3A_551 : vector<16xi32> to vector<16xf32>
      %and3A = arith.andi %bitcast3A, %broadcast_in_dim3A_253 : vector<16xi32>
      %bitcast3A_553 = vector.bitcast %and3A : vector<16xi32> to vector<16xf32>
      %mul3A_554 = arith.mulf %bitcast3A_552, %get3A_429 : vector<16xf32>
      %add3A_555 = arith.addf %broadcast_in_dim3A_544, %mul3A_554 : vector<16xf32>
      %mul3A_556 = arith.mulf %bitcast3A_553, %get3A_433 : vector<16xf32>
      %add3A_557 = arith.addf %broadcast_in_dim3A_546, %mul3A_556 : vector<16xf32>
      %get3A_558 = arith.index_cast %add3A_542 : i32 to index
      %get3A_559 = arith.constant 32 : index
      %get3A_560 = tpu.vector_load %arg16[%get3A_558, %get3A_559] {strides = array<i32>} : memref<512x128xbf16, #tpu.memory_space<vmem>>, vector<32xbf16>,
      %bitcast3A_561 = vector.bitcast %get3A_560 : vector<32xbf16> to vector<16xi32>
      %shift_left3A_562 = arith.constant 16 : i32
      %shift_left3A_563 = vector.broadcast %shift_left3A_562 : i32 to vector<16xi32>
      %shift_left3A_564 = arith.shli %bitcast3A_561, %shift_left3A_563 : vector<16xi32>
      %bitcast3A_565 = vector.bitcast %shift_left3A_564 : vector<16xi32> to vector<16xf32>
      %and3A_566 = arith.andi %bitcast3A_561, %broadcast_in_dim3A_253 : vector<16xi32>
      %bitcast3A_567 = vector.bitcast %and3A_566 : vector<16xi32> to vector<16xf32>
      %mul3A_568 = arith.mulf %bitcast3A_565, %get3A_431 : vector<16xf32>
      %add3A_569 = arith.addf %add3A_555, %mul3A_568 : vector<16xf32>
      %mul3A_570 = arith.mulf %bitcast3A_567, %get3A_435 : vector<16xf32>
      %add3A_571 = arith.addf %add3A_557, %mul3A_570 : vector<16xf32>
      %add3A_572 = arith.addf %add3A_569, %add3A_571 : vector<16xf32>
      %reduce_sum3A_573 = arith.constant true
      %reduce_sum3A_574 = vector.broadcast %reduce_sum3A_573 : i1 to vector<16xi1>
      %reduce_sum3A_575 = tpu.scan <sum>, %add3A_572 masked %reduce_sum3A_574 : vector<16xf32>, vector<16xi1> -> vector<16xf32>
      %reduce_sum3A_576 = vector.extract %reduce_sum3A_575[15] : f32 from vector<16xf32>
      %eq3A = arith.constant 0 : i32
      %eq3A_577 = vector.broadcast %eq3A : i32 to vector<16xi32>
      %eq3A_578 = arith.cmpi eq, %iota3A, %eq3A_577 : vector<16xi32>
      %broadcast_in_dim3A_579 = vector.broadcast %reduce_sum3A_576 : f32 to vector<16xf32>
      %select_n3A = arith.select %eq3A_578, %broadcast_in_dim3A_579, %broadcast_in_dim3A_540 : vector<16xi1>, vector<16xf32>
      %add3A_580 = arith.constant 1 : i32
      %add3A_581 = arith.addi %mul3A_538, %add3A_580 : i32
      %broadcast_in_dim3A_582 = arith.constant 0.000000e+00 : f32
      %broadcast_in_dim3A_583 = vector.broadcast %broadcast_in_dim3A_582 : f32 to vector<16xf32>
      %broadcast_in_dim3A_584 = arith.constant 0.000000e+00 : f32
      %broadcast_in_dim3A_585 = vector.broadcast %broadcast_in_dim3A_584 : f32 to vector<16xf32>
      %get3A_586 = arith.index_cast %add3A_581 : i32 to index
      %get3A_587 = arith.constant 0 : index
      %get3A_588 = tpu.vector_load %arg16[%get3A_586, %get3A_587] {strides = array<i32>} : memref<512x128xbf16, #tpu.memory_space<vmem>>, vector<32xbf16>,
      %bitcast3A_589 = vector.bitcast %get3A_588 : vector<32xbf16> to vector<16xi32>
      %shift_left3A_590 = arith.constant 16 : i32
      %shift_left3A_591 = vector.broadcast %shift_left3A_590 : i32 to vector<16xi32>
      %shift_left3A_592 = arith.shli %bitcast3A_589, %shift_left3A_591 : vector<16xi32>
      %bitcast3A_593 = vector.bitcast %shift_left3A_592 : vector<16xi32> to vector<16xf32>
      %and3A_594 = arith.andi %bitcast3A_589, %broadcast_in_dim3A_253 : vector<16xi32>
      %bitcast3A_595 = vector.bitcast %and3A_594 : vector<16xi32> to vector<16xf32>
      %mul3A_596 = arith.mulf %bitcast3A_593, %get3A_429 : vector<16xf32>
      %add3A_597 = arith.addf %broadcast_in_dim3A_583, %mul3A_596 : vector<16xf32>
      %mul3A_598 = arith.mulf %bitcast3A_595, %get3A_433 : vector<16xf32>
      %add3A_599 = arith.addf %broadcast_in_dim3A_585, %mul3A_598 : vector<16xf32>
      %get3A_600 = arith.index_cast %add3A_581 : i32 to index
      %get3A_601 = arith.constant 32 : index
      %get3A_602 = tpu.vector_load %arg16[%get3A_600, %get3A_601] {strides = array<i32>} : memref<512x128xbf16, #tpu.memory_space<vmem>>, vector<32xbf16>,
      %bitcast3A_603 = vector.bitcast %get3A_602 : vector<32xbf16> to vector<16xi32>
      %shift_left3A_604 = arith.constant 16 : i32
      %shift_left3A_605 = vector.broadcast %shift_left3A_604 : i32 to vector<16xi32>
      %shift_left3A_606 = arith.shli %bitcast3A_603, %shift_left3A_605 : vector<16xi32>
      %bitcast3A_607 = vector.bitcast %shift_left3A_606 : vector<16xi32> to vector<16xf32>
      %and3A_608 = arith.andi %bitcast3A_603, %broadcast_in_dim3A_253 : vector<16xi32>
      %bitcast3A_609 = vector.bitcast %and3A_608 : vector<16xi32> to vector<16xf32>
      %mul3A_610 = arith.mulf %bitcast3A_607, %get3A_431 : vector<16xf32>
      %add3A_611 = arith.addf %add3A_597, %mul3A_610 : vector<16xf32>
      %mul3A_612 = arith.mulf %bitcast3A_609, %get3A_435 : vector<16xf32>
      %add3A_613 = arith.addf %add3A_599, %mul3A_612 : vector<16xf32>
      %add3A_614 = arith.addf %add3A_611, %add3A_613 : vector<16xf32>
      %reduce_sum3A_615 = arith.constant true
      %reduce_sum3A_616 = vector.broadcast %reduce_sum3A_615 : i1 to vector<16xi1>
      %reduce_sum3A_617 = tpu.scan <sum>, %add3A_614 masked %reduce_sum3A_616 : vector<16xf32>, vector<16xi1> -> vector<16xf32>
      %reduce_sum3A_618 = vector.extract %reduce_sum3A_617[15] : f32 from vector<16xf32>
      %eq3A_619 = arith.constant 1 : i32
      %eq3A_620 = vector.broadcast %eq3A_619 : i32 to vector<16xi32>
      %eq3A_621 = arith.cmpi eq, %iota3A, %eq3A_620 : vector<16xi32>
      %broadcast_in_dim3A_622 = vector.broadcast %reduce_sum3A_618 : f32 to vector<16xf32>
      %select_n3A_623 = arith.select %eq3A_621, %broadcast_in_dim3A_622, %select_n3A : vector<16xi1>, vector<16xf32>
      %add3A_624 = arith.constant 2 : i32
      %add3A_625 = arith.addi %mul3A_538, %add3A_624 : i32
      %broadcast_in_dim3A_626 = arith.constant 0.000000e+00 : f32
      %broadcast_in_dim3A_627 = vector.broadcast %broadcast_in_dim3A_626 : f32 to vector<16xf32>
      %broadcast_in_dim3A_628 = arith.constant 0.000000e+00 : f32
      %broadcast_in_dim3A_629 = vector.broadcast %broadcast_in_dim3A_628 : f32 to vector<16xf32>
      %get3A_630 = arith.index_cast %add3A_625 : i32 to index
      %get3A_631 = arith.constant 0 : index
      %get3A_632 = tpu.vector_load %arg16[%get3A_630, %get3A_631] {strides = array<i32>} : memref<512x128xbf16, #tpu.memory_space<vmem>>, vector<32xbf16>,
      %bitcast3A_633 = vector.bitcast %get3A_632 : vector<32xbf16> to vector<16xi32>
      %shift_left3A_634 = arith.constant 16 : i32
      %shift_left3A_635 = vector.broadcast %shift_left3A_634 : i32 to vector<16xi32>
      %shift_left3A_636 = arith.shli %bitcast3A_633, %shift_left3A_635 : vector<16xi32>
      %bitcast3A_637 = vector.bitcast %shift_left3A_636 : vector<16xi32> to vector<16xf32>
      %and3A_638 = arith.andi %bitcast3A_633, %broadcast_in_dim3A_253 : vector<16xi32>
      %bitcast3A_639 = vector.bitcast %and3A_638 : vector<16xi32> to vector<16xf32>
      %mul3A_640 = arith.mulf %bitcast3A_637, %get3A_429 : vector<16xf32>
      %add3A_641 = arith.addf %broadcast_in_dim3A_627, %mul3A_640 : vector<16xf32>
      %mul3A_642 = arith.mulf %bitcast3A_639, %get3A_433 : vector<16xf32>
      %add3A_643 = arith.addf %broadcast_in_dim3A_629, %mul3A_642 : vector<16xf32>
      %get3A_644 = arith.index_cast %add3A_625 : i32 to index
      %get3A_645 = arith.constant 32 : index
      %get3A_646 = tpu.vector_load %arg16[%get3A_644, %get3A_645] {strides = array<i32>} : memref<512x128xbf16, #tpu.memory_space<vmem>>, vector<32xbf16>,
      %bitcast3A_647 = vector.bitcast %get3A_646 : vector<32xbf16> to vector<16xi32>
      %shift_left3A_648 = arith.constant 16 : i32
      %shift_left3A_649 = vector.broadcast %shift_left3A_648 : i32 to vector<16xi32>
      %shift_left3A_650 = arith.shli %bitcast3A_647, %shift_left3A_649 : vector<16xi32>
      %bitcast3A_651 = vector.bitcast %shift_left3A_650 : vector<16xi32> to vector<16xf32>
      %and3A_652 = arith.andi %bitcast3A_647, %broadcast_in_dim3A_253 : vector<16xi32>
      %bitcast3A_653 = vector.bitcast %and3A_652 : vector<16xi32> to vector<16xf32>
      %mul3A_654 = arith.mulf %bitcast3A_651, %get3A_431 : vector<16xf32>
      %add3A_655 = arith.addf %add3A_641, %mul3A_654 : vector<16xf32>
      %mul3A_656 = arith.mulf %bitcast3A_653, %get3A_435 : vector<16xf32>
      %add3A_657 = arith.addf %add3A_643, %mul3A_656 : vector<16xf32>
      %add3A_658 = arith.addf %add3A_655, %add3A_657 : vector<16xf32>
      %reduce_sum3A_659 = arith.constant true
      %reduce_sum3A_660 = vector.broadcast %reduce_sum3A_659 : i1 to vector<16xi1>
      %reduce_sum3A_661 = tpu.scan <sum>, %add3A_658 masked %reduce_sum3A_660 : vector<16xf32>, vector<16xi1> -> vector<16xf32>
      %reduce_sum3A_662 = vector.extract %reduce_sum3A_661[15] : f32 from vector<16xf32>
      %eq3A_663 = arith.constant 2 : i32
      %eq3A_664 = vector.broadcast %eq3A_663 : i32 to vector<16xi32>
      %eq3A_665 = arith.cmpi eq, %iota3A, %eq3A_664 : vector<16xi32>
      %broadcast_in_dim3A_666 = vector.broadcast %reduce_sum3A_662 : f32 to vector<16xf32>
      %select_n3A_667 = arith.select %eq3A_665, %broadcast_in_dim3A_666, %select_n3A_623 : vector<16xi1>, vector<16xf32>
      %add3A_668 = arith.constant 3 : i32
      %add3A_669 = arith.addi %mul3A_538, %add3A_668 : i32
      %broadcast_in_dim3A_670 = arith.constant 0.000000e+00 : f32
      %broadcast_in_dim3A_671 = vector.broadcast %broadcast_in_dim3A_670 : f32 to vector<16xf32>
      %broadcast_in_dim3A_672 = arith.constant 0.000000e+00 : f32
      %broadcast_in_dim3A_673 = vector.broadcast %broadcast_in_dim3A_672 : f32 to vector<16xf32>
      %get3A_674 = arith.index_cast %add3A_669 : i32 to index
      %get3A_675 = arith.constant 0 : index
      %get3A_676 = tpu.vector_load %arg16[%get3A_674, %get3A_675] {strides = array<i32>} : memref<512x128xbf16, #tpu.memory_space<vmem>>, vector<32xbf16>,
      %bitcast3A_677 = vector.bitcast %get3A_676 : vector<32xbf16> to vector<16xi32>
      %shift_left3A_678 = arith.constant 16 : i32
      %shift_left3A_679 = vector.broadcast %shift_left3A_678 : i32 to vector<16xi32>
      %shift_left3A_680 = arith.shli %bitcast3A_677, %shift_left3A_679 : vector<16xi32>
      %bitcast3A_681 = vector.bitcast %shift_left3A_680 : vector<16xi32> to vector<16xf32>
      %and3A_682 = arith.andi %bitcast3A_677, %broadcast_in_dim3A_253 : vector<16xi32>
      %bitcast3A_683 = vector.bitcast %and3A_682 : vector<16xi32> to vector<16xf32>
      %mul3A_684 = arith.mulf %bitcast3A_681, %get3A_429 : vector<16xf32>
      %add3A_685 = arith.addf %broadcast_in_dim3A_671, %mul3A_684 : vector<16xf32>
      %mul3A_686 = arith.mulf %bitcast3A_683, %get3A_433 : vector<16xf32>
      %add3A_687 = arith.addf %broadcast_in_dim3A_673, %mul3A_686 : vector<16xf32>
      %get3A_688 = arith.index_cast %add3A_669 : i32 to index
      %get3A_689 = arith.constant 32 : index
      %get3A_690 = tpu.vector_load %arg16[%get3A_688, %get3A_689] {strides = array<i32>} : memref<512x128xbf16, #tpu.memory_space<vmem>>, vector<32xbf16>,
      %bitcast3A_691 = vector.bitcast %get3A_690 : vector<32xbf16> to vector<16xi32>
      %shift_left3A_692 = arith.constant 16 : i32
      %shift_left3A_693 = vector.broadcast %shift_left3A_692 : i32 to vector<16xi32>
      %shift_left3A_694 = arith.shli %bitcast3A_691, %shift_left3A_693 : vector<16xi32>
      %bitcast3A_695 = vector.bitcast %shift_left3A_694 : vector<16xi32> to vector<16xf32>
      %and3A_696 = arith.andi %bitcast3A_691, %broadcast_in_dim3A_253 : vector<16xi32>
      %bitcast3A_697 = vector.bitcast %and3A_696 : vector<16xi32> to vector<16xf32>
      %mul3A_698 = arith.mulf %bitcast3A_695, %get3A_431 : vector<16xf32>
      %add3A_699 = arith.addf %add3A_685, %mul3A_698 : vector<16xf32>
      %mul3A_700 = arith.mulf %bitcast3A_697, %get3A_435 : vector<16xf32>
      %add3A_701 = arith.addf %add3A_687, %mul3A_700 : vector<16xf32>
      %add3A_702 = arith.addf %add3A_699, %add3A_701 : vector<16xf32>
      %reduce_sum3A_703 = arith.constant true
      %reduce_sum3A_704 = vector.broadcast %reduce_sum3A_703 : i1 to vector<16xi1>
      %reduce_sum3A_705 = tpu.scan <sum>, %add3A_702 masked %reduce_sum3A_704 : vector<16xf32>, vector<16xi1> -> vector<16xf32>
      %reduce_sum3A_706 = vector.extract %reduce_sum3A_705[15] : f32 from vector<16xf32>
      %eq3A_707 = arith.constant 3 : i32
      %eq3A_708 = vector.broadcast %eq3A_707 : i32 to vector<16xi32>
      %eq3A_709 = arith.cmpi eq, %iota3A, %eq3A_708 : vector<16xi32>
      %broadcast_in_dim3A_710 = vector.broadcast %reduce_sum3A_706 : f32 to vector<16xf32>
      %select_n3A_711 = arith.select %eq3A_709, %broadcast_in_dim3A_710, %select_n3A_667 : vector<16xi1>, vector<16xf32>
      %add3A_712 = arith.constant 4 : i32
      %add3A_713 = arith.addi %mul3A_538, %add3A_712 : i32
      %broadcast_in_dim3A_714 = arith.constant 0.000000e+00 : f32
      %broadcast_in_dim3A_715 = vector.broadcast %broadcast_in_dim3A_714 : f32 to vector<16xf32>
      %broadcast_in_dim3A_716 = arith.constant 0.000000e+00 : f32
      %broadcast_in_dim3A_717 = vector.broadcast %broadcast_in_dim3A_716 : f32 to vector<16xf32>
      %get3A_718 = arith.index_cast %add3A_713 : i32 to index
      %get3A_719 = arith.constant 0 : index
      %get3A_720 = tpu.vector_load %arg16[%get3A_718, %get3A_719] {strides = array<i32>} : memref<512x128xbf16, #tpu.memory_space<vmem>>, vector<32xbf16>,
      %bitcast3A_721 = vector.bitcast %get3A_720 : vector<32xbf16> to vector<16xi32>
      %shift_left3A_722 = arith.constant 16 : i32
      %shift_left3A_723 = vector.broadcast %shift_left3A_722 : i32 to vector<16xi32>
      %shift_left3A_724 = arith.shli %bitcast3A_721, %shift_left3A_723 : vector<16xi32>
      %bitcast3A_725 = vector.bitcast %shift_left3A_724 : vector<16xi32> to vector<16xf32>
      %and3A_726 = arith.andi %bitcast3A_721, %broadcast_in_dim3A_253 : vector<16xi32>
      %bitcast3A_727 = vector.bitcast %and3A_726 : vector<16xi32> to vector<16xf32>
      %mul3A_728 = arith.mulf %bitcast3A_725, %get3A_429 : vector<16xf32>
      %add3A_729 = arith.addf %broadcast_in_dim3A_715, %mul3A_728 : vector<16xf32>
      %mul3A_730 = arith.mulf %bitcast3A_727, %get3A_433 : vector<16xf32>
      %add3A_731 = arith.addf %broadcast_in_dim3A_717, %mul3A_730 : vector<16xf32>
      %get3A_732 = arith.index_cast %add3A_713 : i32 to index
      %get3A_733 = arith.constant 32 : index
      %get3A_734 = tpu.vector_load %arg16[%get3A_732, %get3A_733] {strides = array<i32>} : memref<512x128xbf16, #tpu.memory_space<vmem>>, vector<32xbf16>,
      %bitcast3A_735 = vector.bitcast %get3A_734 : vector<32xbf16> to vector<16xi32>
      %shift_left3A_736 = arith.constant 16 : i32
      %shift_left3A_737 = vector.broadcast %shift_left3A_736 : i32 to vector<16xi32>
      %shift_left3A_738 = arith.shli %bitcast3A_735, %shift_left3A_737 : vector<16xi32>
      %bitcast3A_739 = vector.bitcast %shift_left3A_738 : vector<16xi32> to vector<16xf32>
      %and3A_740 = arith.andi %bitcast3A_735, %broadcast_in_dim3A_253 : vector<16xi32>
      %bitcast3A_741 = vector.bitcast %and3A_740 : vector<16xi32> to vector<16xf32>
      %mul3A_742 = arith.mulf %bitcast3A_739, %get3A_431 : vector<16xf32>
      %add3A_743 = arith.addf %add3A_729, %mul3A_742 : vector<16xf32>
      %mul3A_744 = arith.mulf %bitcast3A_741, %get3A_435 : vector<16xf32>
      %add3A_745 = arith.addf %add3A_731, %mul3A_744 : vector<16xf32>
      %add3A_746 = arith.addf %add3A_743, %add3A_745 : vector<16xf32>
      %reduce_sum3A_747 = arith.constant true
      %reduce_sum3A_748 = vector.broadcast %reduce_sum3A_747 : i1 to vector<16xi1>
      %reduce_sum3A_749 = tpu.scan <sum>, %add3A_746 masked %reduce_sum3A_748 : vector<16xf32>, vector<16xi1> -> vector<16xf32>
      %reduce_sum3A_750 = vector.extract %reduce_sum3A_749[15] : f32 from vector<16xf32>
      %eq3A_751 = arith.constant 4 : i32
      %eq3A_752 = vector.broadcast %eq3A_751 : i32 to vector<16xi32>
      %eq3A_753 = arith.cmpi eq, %iota3A, %eq3A_752 : vector<16xi32>
      %broadcast_in_dim3A_754 = vector.broadcast %reduce_sum3A_750 : f32 to vector<16xf32>
      %select_n3A_755 = arith.select %eq3A_753, %broadcast_in_dim3A_754, %select_n3A_711 : vector<16xi1>, vector<16xf32>
      %add3A_756 = arith.constant 5 : i32
      %add3A_757 = arith.addi %mul3A_538, %add3A_756 : i32
      %broadcast_in_dim3A_758 = arith.constant 0.000000e+00 : f32
      %broadcast_in_dim3A_759 = vector.broadcast %broadcast_in_dim3A_758 : f32 to vector<16xf32>
      %broadcast_in_dim3A_760 = arith.constant 0.000000e+00 : f32
      %broadcast_in_dim3A_761 = vector.broadcast %broadcast_in_dim3A_760 : f32 to vector<16xf32>
      %get3A_762 = arith.index_cast %add3A_757 : i32 to index
      %get3A_763 = arith.constant 0 : index
      %get3A_764 = tpu.vector_load %arg16[%get3A_762, %get3A_763] {strides = array<i32>} : memref<512x128xbf16, #tpu.memory_space<vmem>>, vector<32xbf16>,
      %bitcast3A_765 = vector.bitcast %get3A_764 : vector<32xbf16> to vector<16xi32>
      %shift_left3A_766 = arith.constant 16 : i32
      %shift_left3A_767 = vector.broadcast %shift_left3A_766 : i32 to vector<16xi32>
      %shift_left3A_768 = arith.shli %bitcast3A_765, %shift_left3A_767 : vector<16xi32>
      %bitcast3A_769 = vector.bitcast %shift_left3A_768 : vector<16xi32> to vector<16xf32>
      %and3A_770 = arith.andi %bitcast3A_765, %broadcast_in_dim3A_253 : vector<16xi32>
      %bitcast3A_771 = vector.bitcast %and3A_770 : vector<16xi32> to vector<16xf32>
      %mul3A_772 = arith.mulf %bitcast3A_769, %get3A_429 : vector<16xf32>
      %add3A_773 = arith.addf %broadcast_in_dim3A_759, %mul3A_772 : vector<16xf32>
      %mul3A_774 = arith.mulf %bitcast3A_771, %get3A_433 : vector<16xf32>
      %add3A_775 = arith.addf %broadcast_in_dim3A_761, %mul3A_774 : vector<16xf32>
      %get3A_776 = arith.index_cast %add3A_757 : i32 to index
      %get3A_777 = arith.constant 32 : index
      %get3A_778 = tpu.vector_load %arg16[%get3A_776, %get3A_777] {strides = array<i32>} : memref<512x128xbf16, #tpu.memory_space<vmem>>, vector<32xbf16>,
      %bitcast3A_779 = vector.bitcast %get3A_778 : vector<32xbf16> to vector<16xi32>
      %shift_left3A_780 = arith.constant 16 : i32
      %shift_left3A_781 = vector.broadcast %shift_left3A_780 : i32 to vector<16xi32>
      %shift_left3A_782 = arith.shli %bitcast3A_779, %shift_left3A_781 : vector<16xi32>
      %bitcast3A_783 = vector.bitcast %shift_left3A_782 : vector<16xi32> to vector<16xf32>
      %and3A_784 = arith.andi %bitcast3A_779, %broadcast_in_dim3A_253 : vector<16xi32>
      %bitcast3A_785 = vector.bitcast %and3A_784 : vector<16xi32> to vector<16xf32>
      %mul3A_786 = arith.mulf %bitcast3A_783, %get3A_431 : vector<16xf32>
      %add3A_787 = arith.addf %add3A_773, %mul3A_786 : vector<16xf32>
      %mul3A_788 = arith.mulf %bitcast3A_785, %get3A_435 : vector<16xf32>
      %add3A_789 = arith.addf %add3A_775, %mul3A_788 : vector<16xf32>
      %add3A_790 = arith.addf %add3A_787, %add3A_789 : vector<16xf32>
      %reduce_sum3A_791 = arith.constant true
      %reduce_sum3A_792 = vector.broadcast %reduce_sum3A_791 : i1 to vector<16xi1>
      %reduce_sum3A_793 = tpu.scan <sum>, %add3A_790 masked %reduce_sum3A_792 : vector<16xf32>, vector<16xi1> -> vector<16xf32>
      %reduce_sum3A_794 = vector.extract %reduce_sum3A_793[15] : f32 from vector<16xf32>
      %eq3A_795 = arith.constant 5 : i32
      %eq3A_796 = vector.broadcast %eq3A_795 : i32 to vector<16xi32>
      %eq3A_797 = arith.cmpi eq, %iota3A, %eq3A_796 : vector<16xi32>
      %broadcast_in_dim3A_798 = vector.broadcast %reduce_sum3A_794 : f32 to vector<16xf32>
      %select_n3A_799 = arith.select %eq3A_797, %broadcast_in_dim3A_798, %select_n3A_755 : vector<16xi1>, vector<16xf32>
      %add3A_800 = arith.constant 6 : i32
      %add3A_801 = arith.addi %mul3A_538, %add3A_800 : i32
      %broadcast_in_dim3A_802 = arith.constant 0.000000e+00 : f32
      %broadcast_in_dim3A_803 = vector.broadcast %broadcast_in_dim3A_802 : f32 to vector<16xf32>
      %broadcast_in_dim3A_804 = arith.constant 0.000000e+00 : f32
      %broadcast_in_dim3A_805 = vector.broadcast %broadcast_in_dim3A_804 : f32 to vector<16xf32>
      %get3A_806 = arith.index_cast %add3A_801 : i32 to index
      %get3A_807 = arith.constant 0 : index
      %get3A_808 = tpu.vector_load %arg16[%get3A_806, %get3A_807] {strides = array<i32>} : memref<512x128xbf16, #tpu.memory_space<vmem>>, vector<32xbf16>,
      %bitcast3A_809 = vector.bitcast %get3A_808 : vector<32xbf16> to vector<16xi32>
      %shift_left3A_810 = arith.constant 16 : i32
      %shift_left3A_811 = vector.broadcast %shift_left3A_810 : i32 to vector<16xi32>
      %shift_left3A_812 = arith.shli %bitcast3A_809, %shift_left3A_811 : vector<16xi32>
      %bitcast3A_813 = vector.bitcast %shift_left3A_812 : vector<16xi32> to vector<16xf32>
      %and3A_814 = arith.andi %bitcast3A_809, %broadcast_in_dim3A_253 : vector<16xi32>
      %bitcast3A_815 = vector.bitcast %and3A_814 : vector<16xi32> to vector<16xf32>
      %mul3A_816 = arith.mulf %bitcast3A_813, %get3A_429 : vector<16xf32>
      %add3A_817 = arith.addf %broadcast_in_dim3A_803, %mul3A_816 : vector<16xf32>
      %mul3A_818 = arith.mulf %bitcast3A_815, %get3A_433 : vector<16xf32>
      %add3A_819 = arith.addf %broadcast_in_dim3A_805, %mul3A_818 : vector<16xf32>
      %get3A_820 = arith.index_cast %add3A_801 : i32 to index
      %get3A_821 = arith.constant 32 : index
      %get3A_822 = tpu.vector_load %arg16[%get3A_820, %get3A_821] {strides = array<i32>} : memref<512x128xbf16, #tpu.memory_space<vmem>>, vector<32xbf16>,
      %bitcast3A_823 = vector.bitcast %get3A_822 : vector<32xbf16> to vector<16xi32>
      %shift_left3A_824 = arith.constant 16 : i32
      %shift_left3A_825 = vector.broadcast %shift_left3A_824 : i32 to vector<16xi32>
      %shift_left3A_826 = arith.shli %bitcast3A_823, %shift_left3A_825 : vector<16xi32>
      %bitcast3A_827 = vector.bitcast %shift_left3A_826 : vector<16xi32> to vector<16xf32>
      %and3A_828 = arith.andi %bitcast3A_823, %broadcast_in_dim3A_253 : vector<16xi32>
      %bitcast3A_829 = vector.bitcast %and3A_828 : vector<16xi32> to vector<16xf32>
      %mul3A_830 = arith.mulf %bitcast3A_827, %get3A_431 : vector<16xf32>
      %add3A_831 = arith.addf %add3A_817, %mul3A_830 : vector<16xf32>
      %mul3A_832 = arith.mulf %bitcast3A_829, %get3A_435 : vector<16xf32>
      %add3A_833 = arith.addf %add3A_819, %mul3A_832 : vector<16xf32>
      %add3A_834 = arith.addf %add3A_831, %add3A_833 : vector<16xf32>
      %reduce_sum3A_835 = arith.constant true
      %reduce_sum3A_836 = vector.broadcast %reduce_sum3A_835 : i1 to vector<16xi1>
      %reduce_sum3A_837 = tpu.scan <sum>, %add3A_834 masked %reduce_sum3A_836 : vector<16xf32>, vector<16xi1> -> vector<16xf32>
      %reduce_sum3A_838 = vector.extract %reduce_sum3A_837[15] : f32 from vector<16xf32>
      %eq3A_839 = arith.constant 6 : i32
      %eq3A_840 = vector.broadcast %eq3A_839 : i32 to vector<16xi32>
      %eq3A_841 = arith.cmpi eq, %iota3A, %eq3A_840 : vector<16xi32>
      %broadcast_in_dim3A_842 = vector.broadcast %reduce_sum3A_838 : f32 to vector<16xf32>
      %select_n3A_843 = arith.select %eq3A_841, %broadcast_in_dim3A_842, %select_n3A_799 : vector<16xi1>, vector<16xf32>
      %add3A_844 = arith.constant 7 : i32
      %add3A_845 = arith.addi %mul3A_538, %add3A_844 : i32
      %broadcast_in_dim3A_846 = arith.constant 0.000000e+00 : f32
      %broadcast_in_dim3A_847 = vector.broadcast %broadcast_in_dim3A_846 : f32 to vector<16xf32>
      %broadcast_in_dim3A_848 = arith.constant 0.000000e+00 : f32
      %broadcast_in_dim3A_849 = vector.broadcast %broadcast_in_dim3A_848 : f32 to vector<16xf32>
      %get3A_850 = arith.index_cast %add3A_845 : i32 to index
      %get3A_851 = arith.constant 0 : index
      %get3A_852 = tpu.vector_load %arg16[%get3A_850, %get3A_851] {strides = array<i32>} : memref<512x128xbf16, #tpu.memory_space<vmem>>, vector<32xbf16>,
      %bitcast3A_853 = vector.bitcast %get3A_852 : vector<32xbf16> to vector<16xi32>
      %shift_left3A_854 = arith.constant 16 : i32
      %shift_left3A_855 = vector.broadcast %shift_left3A_854 : i32 to vector<16xi32>
      %shift_left3A_856 = arith.shli %bitcast3A_853, %shift_left3A_855 : vector<16xi32>
      %bitcast3A_857 = vector.bitcast %shift_left3A_856 : vector<16xi32> to vector<16xf32>
      %and3A_858 = arith.andi %bitcast3A_853, %broadcast_in_dim3A_253 : vector<16xi32>
      %bitcast3A_859 = vector.bitcast %and3A_858 : vector<16xi32> to vector<16xf32>
      %mul3A_860 = arith.mulf %bitcast3A_857, %get3A_429 : vector<16xf32>
      %add3A_861 = arith.addf %broadcast_in_dim3A_847, %mul3A_860 : vector<16xf32>
      %mul3A_862 = arith.mulf %bitcast3A_859, %get3A_433 : vector<16xf32>
      %add3A_863 = arith.addf %broadcast_in_dim3A_849, %mul3A_862 : vector<16xf32>
      %get3A_864 = arith.index_cast %add3A_845 : i32 to index
      %get3A_865 = arith.constant 32 : index
      %get3A_866 = tpu.vector_load %arg16[%get3A_864, %get3A_865] {strides = array<i32>} : memref<512x128xbf16, #tpu.memory_space<vmem>>, vector<32xbf16>,
      %bitcast3A_867 = vector.bitcast %get3A_866 : vector<32xbf16> to vector<16xi32>
      %shift_left3A_868 = arith.constant 16 : i32
      %shift_left3A_869 = vector.broadcast %shift_left3A_868 : i32 to vector<16xi32>
      %shift_left3A_870 = arith.shli %bitcast3A_867, %shift_left3A_869 : vector<16xi32>
      %bitcast3A_871 = vector.bitcast %shift_left3A_870 : vector<16xi32> to vector<16xf32>
      %and3A_872 = arith.andi %bitcast3A_867, %broadcast_in_dim3A_253 : vector<16xi32>
      %bitcast3A_873 = vector.bitcast %and3A_872 : vector<16xi32> to vector<16xf32>
      %mul3A_874 = arith.mulf %bitcast3A_871, %get3A_431 : vector<16xf32>
      %add3A_875 = arith.addf %add3A_861, %mul3A_874 : vector<16xf32>
      %mul3A_876 = arith.mulf %bitcast3A_873, %get3A_435 : vector<16xf32>
      %add3A_877 = arith.addf %add3A_863, %mul3A_876 : vector<16xf32>
      %add3A_878 = arith.addf %add3A_875, %add3A_877 : vector<16xf32>
      %reduce_sum3A_879 = arith.constant true
      %reduce_sum3A_880 = vector.broadcast %reduce_sum3A_879 : i1 to vector<16xi1>
      %reduce_sum3A_881 = tpu.scan <sum>, %add3A_878 masked %reduce_sum3A_880 : vector<16xf32>, vector<16xi1> -> vector<16xf32>
      %reduce_sum3A_882 = vector.extract %reduce_sum3A_881[15] : f32 from vector<16xf32>
      %eq3A_883 = arith.constant 7 : i32
      %eq3A_884 = vector.broadcast %eq3A_883 : i32 to vector<16xi32>
      %eq3A_885 = arith.cmpi eq, %iota3A, %eq3A_884 : vector<16xi32>
      %broadcast_in_dim3A_886 = vector.broadcast %reduce_sum3A_882 : f32 to vector<16xf32>
      %select_n3A_887 = arith.select %eq3A_885, %broadcast_in_dim3A_886, %select_n3A_843 : vector<16xi1>, vector<16xf32>
      %add3A_888 = arith.constant 8 : i32
      %add3A_889 = arith.addi %mul3A_538, %add3A_888 : i32
      %broadcast_in_dim3A_890 = arith.constant 0.000000e+00 : f32
      %broadcast_in_dim3A_891 = vector.broadcast %broadcast_in_dim3A_890 : f32 to vector<16xf32>
      %broadcast_in_dim3A_892 = arith.constant 0.000000e+00 : f32
      %broadcast_in_dim3A_893 = vector.broadcast %broadcast_in_dim3A_892 : f32 to vector<16xf32>
      %get3A_894 = arith.index_cast %add3A_889 : i32 to index
      %get3A_895 = arith.constant 0 : index
      %get3A_896 = tpu.vector_load %arg16[%get3A_894, %get3A_895] {strides = array<i32>} : memref<512x128xbf16, #tpu.memory_space<vmem>>, vector<32xbf16>,
      %bitcast3A_897 = vector.bitcast %get3A_896 : vector<32xbf16> to vector<16xi32>
      %shift_left3A_898 = arith.constant 16 : i32
      %shift_left3A_899 = vector.broadcast %shift_left3A_898 : i32 to vector<16xi32>
      %shift_left3A_900 = arith.shli %bitcast3A_897, %shift_left3A_899 : vector<16xi32>
      %bitcast3A_901 = vector.bitcast %shift_left3A_900 : vector<16xi32> to vector<16xf32>
      %and3A_902 = arith.andi %bitcast3A_897, %broadcast_in_dim3A_253 : vector<16xi32>
      %bitcast3A_903 = vector.bitcast %and3A_902 : vector<16xi32> to vector<16xf32>
      %mul3A_904 = arith.mulf %bitcast3A_901, %get3A_429 : vector<16xf32>
      %add3A_905 = arith.addf %broadcast_in_dim3A_891, %mul3A_904 : vector<16xf32>
      %mul3A_906 = arith.mulf %bitcast3A_903, %get3A_433 : vector<16xf32>
      %add3A_907 = arith.addf %broadcast_in_dim3A_893, %mul3A_906 : vector<16xf32>
      %get3A_908 = arith.index_cast %add3A_889 : i32 to index
      %get3A_909 = arith.constant 32 : index
      %get3A_910 = tpu.vector_load %arg16[%get3A_908, %get3A_909] {strides = array<i32>} : memref<512x128xbf16, #tpu.memory_space<vmem>>, vector<32xbf16>,
      %bitcast3A_911 = vector.bitcast %get3A_910 : vector<32xbf16> to vector<16xi32>
      %shift_left3A_912 = arith.constant 16 : i32
      %shift_left3A_913 = vector.broadcast %shift_left3A_912 : i32 to vector<16xi32>
      %shift_left3A_914 = arith.shli %bitcast3A_911, %shift_left3A_913 : vector<16xi32>
      %bitcast3A_915 = vector.bitcast %shift_left3A_914 : vector<16xi32> to vector<16xf32>
      %and3A_916 = arith.andi %bitcast3A_911, %broadcast_in_dim3A_253 : vector<16xi32>
      %bitcast3A_917 = vector.bitcast %and3A_916 : vector<16xi32> to vector<16xf32>
      %mul3A_918 = arith.mulf %bitcast3A_915, %get3A_431 : vector<16xf32>
      %add3A_919 = arith.addf %add3A_905, %mul3A_918 : vector<16xf32>
      %mul3A_920 = arith.mulf %bitcast3A_917, %get3A_435 : vector<16xf32>
      %add3A_921 = arith.addf %add3A_907, %mul3A_920 : vector<16xf32>
      %add3A_922 = arith.addf %add3A_919, %add3A_921 : vector<16xf32>
      %reduce_sum3A_923 = arith.constant true
      %reduce_sum3A_924 = vector.broadcast %reduce_sum3A_923 : i1 to vector<16xi1>
      %reduce_sum3A_925 = tpu.scan <sum>, %add3A_922 masked %reduce_sum3A_924 : vector<16xf32>, vector<16xi1> -> vector<16xf32>
      %reduce_sum3A_926 = vector.extract %reduce_sum3A_925[15] : f32 from vector<16xf32>
      %eq3A_927 = arith.constant 8 : i32
      %eq3A_928 = vector.broadcast %eq3A_927 : i32 to vector<16xi32>
      %eq3A_929 = arith.cmpi eq, %iota3A, %eq3A_928 : vector<16xi32>
      %broadcast_in_dim3A_930 = vector.broadcast %reduce_sum3A_926 : f32 to vector<16xf32>
      %select_n3A_931 = arith.select %eq3A_929, %broadcast_in_dim3A_930, %select_n3A_887 : vector<16xi1>, vector<16xf32>
      %add3A_932 = arith.constant 9 : i32
      %add3A_933 = arith.addi %mul3A_538, %add3A_932 : i32
      %broadcast_in_dim3A_934 = arith.constant 0.000000e+00 : f32
      %broadcast_in_dim3A_935 = vector.broadcast %broadcast_in_dim3A_934 : f32 to vector<16xf32>
      %broadcast_in_dim3A_936 = arith.constant 0.000000e+00 : f32
      %broadcast_in_dim3A_937 = vector.broadcast %broadcast_in_dim3A_936 : f32 to vector<16xf32>
      %get3A_938 = arith.index_cast %add3A_933 : i32 to index
      %get3A_939 = arith.constant 0 : index
      %get3A_940 = tpu.vector_load %arg16[%get3A_938, %get3A_939] {strides = array<i32>} : memref<512x128xbf16, #tpu.memory_space<vmem>>, vector<32xbf16>,
      %bitcast3A_941 = vector.bitcast %get3A_940 : vector<32xbf16> to vector<16xi32>
      %shift_left3A_942 = arith.constant 16 : i32
      %shift_left3A_943 = vector.broadcast %shift_left3A_942 : i32 to vector<16xi32>
      %shift_left3A_944 = arith.shli %bitcast3A_941, %shift_left3A_943 : vector<16xi32>
      %bitcast3A_945 = vector.bitcast %shift_left3A_944 : vector<16xi32> to vector<16xf32>
      %and3A_946 = arith.andi %bitcast3A_941, %broadcast_in_dim3A_253 : vector<16xi32>
      %bitcast3A_947 = vector.bitcast %and3A_946 : vector<16xi32> to vector<16xf32>
      %mul3A_948 = arith.mulf %bitcast3A_945, %get3A_429 : vector<16xf32>
      %add3A_949 = arith.addf %broadcast_in_dim3A_935, %mul3A_948 : vector<16xf32>
      %mul3A_950 = arith.mulf %bitcast3A_947, %get3A_433 : vector<16xf32>
      %add3A_951 = arith.addf %broadcast_in_dim3A_937, %mul3A_950 : vector<16xf32>
      %get3A_952 = arith.index_cast %add3A_933 : i32 to index
      %get3A_953 = arith.constant 32 : index
      %get3A_954 = tpu.vector_load %arg16[%get3A_952, %get3A_953] {strides = array<i32>} : memref<512x128xbf16, #tpu.memory_space<vmem>>, vector<32xbf16>,
      %bitcast3A_955 = vector.bitcast %get3A_954 : vector<32xbf16> to vector<16xi32>
      %shift_left3A_956 = arith.constant 16 : i32
      %shift_left3A_957 = vector.broadcast %shift_left3A_956 : i32 to vector<16xi32>
      %shift_left3A_958 = arith.shli %bitcast3A_955, %shift_left3A_957 : vector<16xi32>
      %bitcast3A_959 = vector.bitcast %shift_left3A_958 : vector<16xi32> to vector<16xf32>
      %and3A_960 = arith.andi %bitcast3A_955, %broadcast_in_dim3A_253 : vector<16xi32>
      %bitcast3A_961 = vector.bitcast %and3A_960 : vector<16xi32> to vector<16xf32>
      %mul3A_962 = arith.mulf %bitcast3A_959, %get3A_431 : vector<16xf32>
      %add3A_963 = arith.addf %add3A_949, %mul3A_962 : vector<16xf32>
      %mul3A_964 = arith.mulf %bitcast3A_961, %get3A_435 : vector<16xf32>
      %add3A_965 = arith.addf %add3A_951, %mul3A_964 : vector<16xf32>
      %add3A_966 = arith.addf %add3A_963, %add3A_965 : vector<16xf32>
      %reduce_sum3A_967 = arith.constant true
      %reduce_sum3A_968 = vector.broadcast %reduce_sum3A_967 : i1 to vector<16xi1>
      %reduce_sum3A_969 = tpu.scan <sum>, %add3A_966 masked %reduce_sum3A_968 : vector<16xf32>, vector<16xi1> -> vector<16xf32>
      %reduce_sum3A_970 = vector.extract %reduce_sum3A_969[15] : f32 from vector<16xf32>
      %eq3A_971 = arith.constant 9 : i32
      %eq3A_972 = vector.broadcast %eq3A_971 : i32 to vector<16xi32>
      %eq3A_973 = arith.cmpi eq, %iota3A, %eq3A_972 : vector<16xi32>
      %broadcast_in_dim3A_974 = vector.broadcast %reduce_sum3A_970 : f32 to vector<16xf32>
      %select_n3A_975 = arith.select %eq3A_973, %broadcast_in_dim3A_974, %select_n3A_931 : vector<16xi1>, vector<16xf32>
      %add3A_976 = arith.constant 10 : i32
      %add3A_977 = arith.addi %mul3A_538, %add3A_976 : i32
      %broadcast_in_dim3A_978 = arith.constant 0.000000e+00 : f32
      %broadcast_in_dim3A_979 = vector.broadcast %broadcast_in_dim3A_978 : f32 to vector<16xf32>
      %broadcast_in_dim3A_980 = arith.constant 0.000000e+00 : f32
      %broadcast_in_dim3A_981 = vector.broadcast %broadcast_in_dim3A_980 : f32 to vector<16xf32>
      %get3A_982 = arith.index_cast %add3A_977 : i32 to index
      %get3A_983 = arith.constant 0 : index
      %get3A_984 = tpu.vector_load %arg16[%get3A_982, %get3A_983] {strides = array<i32>} : memref<512x128xbf16, #tpu.memory_space<vmem>>, vector<32xbf16>,
      %bitcast3A_985 = vector.bitcast %get3A_984 : vector<32xbf16> to vector<16xi32>
      %shift_left3A_986 = arith.constant 16 : i32
      %shift_left3A_987 = vector.broadcast %shift_left3A_986 : i32 to vector<16xi32>
      %shift_left3A_988 = arith.shli %bitcast3A_985, %shift_left3A_987 : vector<16xi32>
      %bitcast3A_989 = vector.bitcast %shift_left3A_988 : vector<16xi32> to vector<16xf32>
      %and3A_990 = arith.andi %bitcast3A_985, %broadcast_in_dim3A_253 : vector<16xi32>
      %bitcast3A_991 = vector.bitcast %and3A_990 : vector<16xi32> to vector<16xf32>
      %mul3A_992 = arith.mulf %bitcast3A_989, %get3A_429 : vector<16xf32>
      %add3A_993 = arith.addf %broadcast_in_dim3A_979, %mul3A_992 : vector<16xf32>
      %mul3A_994 = arith.mulf %bitcast3A_991, %get3A_433 : vector<16xf32>
      %add3A_995 = arith.addf %broadcast_in_dim3A_981, %mul3A_994 : vector<16xf32>
      %get3A_996 = arith.index_cast %add3A_977 : i32 to index
      %get3A_997 = arith.constant 32 : index
      %get3A_998 = tpu.vector_load %arg16[%get3A_996, %get3A_997] {strides = array<i32>} : memref<512x128xbf16, #tpu.memory_space<vmem>>, vector<32xbf16>,
      %bitcast3A_999 = vector.bitcast %get3A_998 : vector<32xbf16> to vector<16xi32>
      %shift_left3A_1000 = arith.constant 16 : i32
      %shift_left3A_1001 = vector.broadcast %shift_left3A_1000 : i32 to vector<16xi32>
      %shift_left3A_1002 = arith.shli %bitcast3A_999, %shift_left3A_1001 : vector<16xi32>
      %bitcast3A_1003 = vector.bitcast %shift_left3A_1002 : vector<16xi32> to vector<16xf32>
      %and3A_1004 = arith.andi %bitcast3A_999, %broadcast_in_dim3A_253 : vector<16xi32>
      %bitcast3A_1005 = vector.bitcast %and3A_1004 : vector<16xi32> to vector<16xf32>
      %mul3A_1006 = arith.mulf %bitcast3A_1003, %get3A_431 : vector<16xf32>
      %add3A_1007 = arith.addf %add3A_993, %mul3A_1006 : vector<16xf32>
      %mul3A_1008 = arith.mulf %bitcast3A_1005, %get3A_435 : vector<16xf32>
      %add3A_1009 = arith.addf %add3A_995, %mul3A_1008 : vector<16xf32>
      %add3A_1010 = arith.addf %add3A_1007, %add3A_1009 : vector<16xf32>
      %reduce_sum3A_1011 = arith.constant true
      %reduce_sum3A_1012 = vector.broadcast %reduce_sum3A_1011 : i1 to vector<16xi1>
      %reduce_sum3A_1013 = tpu.scan <sum>, %add3A_1010 masked %reduce_sum3A_1012 : vector<16xf32>, vector<16xi1> -> vector<16xf32>
      %reduce_sum3A_1014 = vector.extract %reduce_sum3A_1013[15] : f32 from vector<16xf32>
      %eq3A_1015 = arith.constant 10 : i32
      %eq3A_1016 = vector.broadcast %eq3A_1015 : i32 to vector<16xi32>
      %eq3A_1017 = arith.cmpi eq, %iota3A, %eq3A_1016 : vector<16xi32>
      %broadcast_in_dim3A_1018 = vector.broadcast %reduce_sum3A_1014 : f32 to vector<16xf32>
      %select_n3A_1019 = arith.select %eq3A_1017, %broadcast_in_dim3A_1018, %select_n3A_975 : vector<16xi1>, vector<16xf32>
      %add3A_1020 = arith.constant 11 : i32
      %add3A_1021 = arith.addi %mul3A_538, %add3A_1020 : i32
      %broadcast_in_dim3A_1022 = arith.constant 0.000000e+00 : f32
      %broadcast_in_dim3A_1023 = vector.broadcast %broadcast_in_dim3A_1022 : f32 to vector<16xf32>
      %broadcast_in_dim3A_1024 = arith.constant 0.000000e+00 : f32
      %broadcast_in_dim3A_1025 = vector.broadcast %broadcast_in_dim3A_1024 : f32 to vector<16xf32>
      %get3A_1026 = arith.index_cast %add3A_1021 : i32 to index
      %get3A_1027 = arith.constant 0 : index
      %get3A_1028 = tpu.vector_load %arg16[%get3A_1026, %get3A_1027] {strides = array<i32>} : memref<512x128xbf16, #tpu.memory_space<vmem>>, vector<32xbf16>,
      %bitcast3A_1029 = vector.bitcast %get3A_1028 : vector<32xbf16> to vector<16xi32>
      %shift_left3A_1030 = arith.constant 16 : i32
      %shift_left3A_1031 = vector.broadcast %shift_left3A_1030 : i32 to vector<16xi32>
      %shift_left3A_1032 = arith.shli %bitcast3A_1029, %shift_left3A_1031 : vector<16xi32>
      %bitcast3A_1033 = vector.bitcast %shift_left3A_1032 : vector<16xi32> to vector<16xf32>
      %and3A_1034 = arith.andi %bitcast3A_1029, %broadcast_in_dim3A_253 : vector<16xi32>
      %bitcast3A_1035 = vector.bitcast %and3A_1034 : vector<16xi32> to vector<16xf32>
      %mul3A_1036 = arith.mulf %bitcast3A_1033, %get3A_429 : vector<16xf32>
      %add3A_1037 = arith.addf %broadcast_in_dim3A_1023, %mul3A_1036 : vector<16xf32>
      %mul3A_1038 = arith.mulf %bitcast3A_1035, %get3A_433 : vector<16xf32>
      %add3A_1039 = arith.addf %broadcast_in_dim3A_1025, %mul3A_1038 : vector<16xf32>
      %get3A_1040 = arith.index_cast %add3A_1021 : i32 to index
      %get3A_1041 = arith.constant 32 : index
      %get3A_1042 = tpu.vector_load %arg16[%get3A_1040, %get3A_1041] {strides = array<i32>} : memref<512x128xbf16, #tpu.memory_space<vmem>>, vector<32xbf16>,
      %bitcast3A_1043 = vector.bitcast %get3A_1042 : vector<32xbf16> to vector<16xi32>
      %shift_left3A_1044 = arith.constant 16 : i32
      %shift_left3A_1045 = vector.broadcast %shift_left3A_1044 : i32 to vector<16xi32>
      %shift_left3A_1046 = arith.shli %bitcast3A_1043, %shift_left3A_1045 : vector<16xi32>
      %bitcast3A_1047 = vector.bitcast %shift_left3A_1046 : vector<16xi32> to vector<16xf32>
      %and3A_1048 = arith.andi %bitcast3A_1043, %broadcast_in_dim3A_253 : vector<16xi32>
      %bitcast3A_1049 = vector.bitcast %and3A_1048 : vector<16xi32> to vector<16xf32>
      %mul3A_1050 = arith.mulf %bitcast3A_1047, %get3A_431 : vector<16xf32>
      %add3A_1051 = arith.addf %add3A_1037, %mul3A_1050 : vector<16xf32>
      %mul3A_1052 = arith.mulf %bitcast3A_1049, %get3A_435 : vector<16xf32>
      %add3A_1053 = arith.addf %add3A_1039, %mul3A_1052 : vector<16xf32>
      %add3A_1054 = arith.addf %add3A_1051, %add3A_1053 : vector<16xf32>
      %reduce_sum3A_1055 = arith.constant true
      %reduce_sum3A_1056 = vector.broadcast %reduce_sum3A_1055 : i1 to vector<16xi1>
      %reduce_sum3A_1057 = tpu.scan <sum>, %add3A_1054 masked %reduce_sum3A_1056 : vector<16xf32>, vector<16xi1> -> vector<16xf32>
      %reduce_sum3A_1058 = vector.extract %reduce_sum3A_1057[15] : f32 from vector<16xf32>
      %eq3A_1059 = arith.constant 11 : i32
      %eq3A_1060 = vector.broadcast %eq3A_1059 : i32 to vector<16xi32>
      %eq3A_1061 = arith.cmpi eq, %iota3A, %eq3A_1060 : vector<16xi32>
      %broadcast_in_dim3A_1062 = vector.broadcast %reduce_sum3A_1058 : f32 to vector<16xf32>
      %select_n3A_1063 = arith.select %eq3A_1061, %broadcast_in_dim3A_1062, %select_n3A_1019 : vector<16xi1>, vector<16xf32>
      %add3A_1064 = arith.constant 12 : i32
      %add3A_1065 = arith.addi %mul3A_538, %add3A_1064 : i32
      %broadcast_in_dim3A_1066 = arith.constant 0.000000e+00 : f32
      %broadcast_in_dim3A_1067 = vector.broadcast %broadcast_in_dim3A_1066 : f32 to vector<16xf32>
      %broadcast_in_dim3A_1068 = arith.constant 0.000000e+00 : f32
      %broadcast_in_dim3A_1069 = vector.broadcast %broadcast_in_dim3A_1068 : f32 to vector<16xf32>
      %get3A_1070 = arith.index_cast %add3A_1065 : i32 to index
      %get3A_1071 = arith.constant 0 : index
      %get3A_1072 = tpu.vector_load %arg16[%get3A_1070, %get3A_1071] {strides = array<i32>} : memref<512x128xbf16, #tpu.memory_space<vmem>>, vector<32xbf16>,
      %bitcast3A_1073 = vector.bitcast %get3A_1072 : vector<32xbf16> to vector<16xi32>
      %shift_left3A_1074 = arith.constant 16 : i32
      %shift_left3A_1075 = vector.broadcast %shift_left3A_1074 : i32 to vector<16xi32>
      %shift_left3A_1076 = arith.shli %bitcast3A_1073, %shift_left3A_1075 : vector<16xi32>
      %bitcast3A_1077 = vector.bitcast %shift_left3A_1076 : vector<16xi32> to vector<16xf32>
      %and3A_1078 = arith.andi %bitcast3A_1073, %broadcast_in_dim3A_253 : vector<16xi32>
      %bitcast3A_1079 = vector.bitcast %and3A_1078 : vector<16xi32> to vector<16xf32>
      %mul3A_1080 = arith.mulf %bitcast3A_1077, %get3A_429 : vector<16xf32>
      %add3A_1081 = arith.addf %broadcast_in_dim3A_1067, %mul3A_1080 : vector<16xf32>
      %mul3A_1082 = arith.mulf %bitcast3A_1079, %get3A_433 : vector<16xf32>
      %add3A_1083 = arith.addf %broadcast_in_dim3A_1069, %mul3A_1082 : vector<16xf32>
      %get3A_1084 = arith.index_cast %add3A_1065 : i32 to index
      %get3A_1085 = arith.constant 32 : index
      %get3A_1086 = tpu.vector_load %arg16[%get3A_1084, %get3A_1085] {strides = array<i32>} : memref<512x128xbf16, #tpu.memory_space<vmem>>, vector<32xbf16>,
      %bitcast3A_1087 = vector.bitcast %get3A_1086 : vector<32xbf16> to vector<16xi32>
      %shift_left3A_1088 = arith.constant 16 : i32
      %shift_left3A_1089 = vector.broadcast %shift_left3A_1088 : i32 to vector<16xi32>
      %shift_left3A_1090 = arith.shli %bitcast3A_1087, %shift_left3A_1089 : vector<16xi32>
      %bitcast3A_1091 = vector.bitcast %shift_left3A_1090 : vector<16xi32> to vector<16xf32>
      %and3A_1092 = arith.andi %bitcast3A_1087, %broadcast_in_dim3A_253 : vector<16xi32>
      %bitcast3A_1093 = vector.bitcast %and3A_1092 : vector<16xi32> to vector<16xf32>
      %mul3A_1094 = arith.mulf %bitcast3A_1091, %get3A_431 : vector<16xf32>
      %add3A_1095 = arith.addf %add3A_1081, %mul3A_1094 : vector<16xf32>
      %mul3A_1096 = arith.mulf %bitcast3A_1093, %get3A_435 : vector<16xf32>
      %add3A_1097 = arith.addf %add3A_1083, %mul3A_1096 : vector<16xf32>
      %add3A_1098 = arith.addf %add3A_1095, %add3A_1097 : vector<16xf32>
      %reduce_sum3A_1099 = arith.constant true
      %reduce_sum3A_1100 = vector.broadcast %reduce_sum3A_1099 : i1 to vector<16xi1>
      %reduce_sum3A_1101 = tpu.scan <sum>, %add3A_1098 masked %reduce_sum3A_1100 : vector<16xf32>, vector<16xi1> -> vector<16xf32>
      %reduce_sum3A_1102 = vector.extract %reduce_sum3A_1101[15] : f32 from vector<16xf32>
      %eq3A_1103 = arith.constant 12 : i32
      %eq3A_1104 = vector.broadcast %eq3A_1103 : i32 to vector<16xi32>
      %eq3A_1105 = arith.cmpi eq, %iota3A, %eq3A_1104 : vector<16xi32>
      %broadcast_in_dim3A_1106 = vector.broadcast %reduce_sum3A_1102 : f32 to vector<16xf32>
      %select_n3A_1107 = arith.select %eq3A_1105, %broadcast_in_dim3A_1106, %select_n3A_1063 : vector<16xi1>, vector<16xf32>
      %add3A_1108 = arith.constant 13 : i32
      %add3A_1109 = arith.addi %mul3A_538, %add3A_1108 : i32
      %broadcast_in_dim3A_1110 = arith.constant 0.000000e+00 : f32
      %broadcast_in_dim3A_1111 = vector.broadcast %broadcast_in_dim3A_1110 : f32 to vector<16xf32>
      %broadcast_in_dim3A_1112 = arith.constant 0.000000e+00 : f32
      %broadcast_in_dim3A_1113 = vector.broadcast %broadcast_in_dim3A_1112 : f32 to vector<16xf32>
      %get3A_1114 = arith.index_cast %add3A_1109 : i32 to index
      %get3A_1115 = arith.constant 0 : index
      %get3A_1116 = tpu.vector_load %arg16[%get3A_1114, %get3A_1115] {strides = array<i32>} : memref<512x128xbf16, #tpu.memory_space<vmem>>, vector<32xbf16>,
      %bitcast3A_1117 = vector.bitcast %get3A_1116 : vector<32xbf16> to vector<16xi32>
      %shift_left3A_1118 = arith.constant 16 : i32
      %shift_left3A_1119 = vector.broadcast %shift_left3A_1118 : i32 to vector<16xi32>
      %shift_left3A_1120 = arith.shli %bitcast3A_1117, %shift_left3A_1119 : vector<16xi32>
      %bitcast3A_1121 = vector.bitcast %shift_left3A_1120 : vector<16xi32> to vector<16xf32>
      %and3A_1122 = arith.andi %bitcast3A_1117, %broadcast_in_dim3A_253 : vector<16xi32>
      %bitcast3A_1123 = vector.bitcast %and3A_1122 : vector<16xi32> to vector<16xf32>
      %mul3A_1124 = arith.mulf %bitcast3A_1121, %get3A_429 : vector<16xf32>
      %add3A_1125 = arith.addf %broadcast_in_dim3A_1111, %mul3A_1124 : vector<16xf32>
      %mul3A_1126 = arith.mulf %bitcast3A_1123, %get3A_433 : vector<16xf32>
      %add3A_1127 = arith.addf %broadcast_in_dim3A_1113, %mul3A_1126 : vector<16xf32>
      %get3A_1128 = arith.index_cast %add3A_1109 : i32 to index
      %get3A_1129 = arith.constant 32 : index
      %get3A_1130 = tpu.vector_load %arg16[%get3A_1128, %get3A_1129] {strides = array<i32>} : memref<512x128xbf16, #tpu.memory_space<vmem>>, vector<32xbf16>,
      %bitcast3A_1131 = vector.bitcast %get3A_1130 : vector<32xbf16> to vector<16xi32>
      %shift_left3A_1132 = arith.constant 16 : i32
      %shift_left3A_1133 = vector.broadcast %shift_left3A_1132 : i32 to vector<16xi32>
      %shift_left3A_1134 = arith.shli %bitcast3A_1131, %shift_left3A_1133 : vector<16xi32>
      %bitcast3A_1135 = vector.bitcast %shift_left3A_1134 : vector<16xi32> to vector<16xf32>
      %and3A_1136 = arith.andi %bitcast3A_1131, %broadcast_in_dim3A_253 : vector<16xi32>
      %bitcast3A_1137 = vector.bitcast %and3A_1136 : vector<16xi32> to vector<16xf32>
      %mul3A_1138 = arith.mulf %bitcast3A_1135, %get3A_431 : vector<16xf32>
      %add3A_1139 = arith.addf %add3A_1125, %mul3A_1138 : vector<16xf32>
      %mul3A_1140 = arith.mulf %bitcast3A_1137, %get3A_435 : vector<16xf32>
      %add3A_1141 = arith.addf %add3A_1127, %mul3A_1140 : vector<16xf32>
      %add3A_1142 = arith.addf %add3A_1139, %add3A_1141 : vector<16xf32>
      %reduce_sum3A_1143 = arith.constant true
      %reduce_sum3A_1144 = vector.broadcast %reduce_sum3A_1143 : i1 to vector<16xi1>
      %reduce_sum3A_1145 = tpu.scan <sum>, %add3A_1142 masked %reduce_sum3A_1144 : vector<16xf32>, vector<16xi1> -> vector<16xf32>
      %reduce_sum3A_1146 = vector.extract %reduce_sum3A_1145[15] : f32 from vector<16xf32>
      %eq3A_1147 = arith.constant 13 : i32
      %eq3A_1148 = vector.broadcast %eq3A_1147 : i32 to vector<16xi32>
      %eq3A_1149 = arith.cmpi eq, %iota3A, %eq3A_1148 : vector<16xi32>
      %broadcast_in_dim3A_1150 = vector.broadcast %reduce_sum3A_1146 : f32 to vector<16xf32>
      %select_n3A_1151 = arith.select %eq3A_1149, %broadcast_in_dim3A_1150, %select_n3A_1107 : vector<16xi1>, vector<16xf32>
      %add3A_1152 = arith.constant 14 : i32
      %add3A_1153 = arith.addi %mul3A_538, %add3A_1152 : i32
      %broadcast_in_dim3A_1154 = arith.constant 0.000000e+00 : f32
      %broadcast_in_dim3A_1155 = vector.broadcast %broadcast_in_dim3A_1154 : f32 to vector<16xf32>
      %broadcast_in_dim3A_1156 = arith.constant 0.000000e+00 : f32
      %broadcast_in_dim3A_1157 = vector.broadcast %broadcast_in_dim3A_1156 : f32 to vector<16xf32>
      %get3A_1158 = arith.index_cast %add3A_1153 : i32 to index
      %get3A_1159 = arith.constant 0 : index
      %get3A_1160 = tpu.vector_load %arg16[%get3A_1158, %get3A_1159] {strides = array<i32>} : memref<512x128xbf16, #tpu.memory_space<vmem>>, vector<32xbf16>,
      %bitcast3A_1161 = vector.bitcast %get3A_1160 : vector<32xbf16> to vector<16xi32>
      %shift_left3A_1162 = arith.constant 16 : i32
      %shift_left3A_1163 = vector.broadcast %shift_left3A_1162 : i32 to vector<16xi32>
      %shift_left3A_1164 = arith.shli %bitcast3A_1161, %shift_left3A_1163 : vector<16xi32>
      %bitcast3A_1165 = vector.bitcast %shift_left3A_1164 : vector<16xi32> to vector<16xf32>
      %and3A_1166 = arith.andi %bitcast3A_1161, %broadcast_in_dim3A_253 : vector<16xi32>
      %bitcast3A_1167 = vector.bitcast %and3A_1166 : vector<16xi32> to vector<16xf32>
      %mul3A_1168 = arith.mulf %bitcast3A_1165, %get3A_429 : vector<16xf32>
      %add3A_1169 = arith.addf %broadcast_in_dim3A_1155, %mul3A_1168 : vector<16xf32>
      %mul3A_1170 = arith.mulf %bitcast3A_1167, %get3A_433 : vector<16xf32>
      %add3A_1171 = arith.addf %broadcast_in_dim3A_1157, %mul3A_1170 : vector<16xf32>
      %get3A_1172 = arith.index_cast %add3A_1153 : i32 to index
      %get3A_1173 = arith.constant 32 : index
      %get3A_1174 = tpu.vector_load %arg16[%get3A_1172, %get3A_1173] {strides = array<i32>} : memref<512x128xbf16, #tpu.memory_space<vmem>>, vector<32xbf16>,
      %bitcast3A_1175 = vector.bitcast %get3A_1174 : vector<32xbf16> to vector<16xi32>
      %shift_left3A_1176 = arith.constant 16 : i32
      %shift_left3A_1177 = vector.broadcast %shift_left3A_1176 : i32 to vector<16xi32>
      %shift_left3A_1178 = arith.shli %bitcast3A_1175, %shift_left3A_1177 : vector<16xi32>
      %bitcast3A_1179 = vector.bitcast %shift_left3A_1178 : vector<16xi32> to vector<16xf32>
      %and3A_1180 = arith.andi %bitcast3A_1175, %broadcast_in_dim3A_253 : vector<16xi32>
      %bitcast3A_1181 = vector.bitcast %and3A_1180 : vector<16xi32> to vector<16xf32>
      %mul3A_1182 = arith.mulf %bitcast3A_1179, %get3A_431 : vector<16xf32>
      %add3A_1183 = arith.addf %add3A_1169, %mul3A_1182 : vector<16xf32>
      %mul3A_1184 = arith.mulf %bitcast3A_1181, %get3A_435 : vector<16xf32>
      %add3A_1185 = arith.addf %add3A_1171, %mul3A_1184 : vector<16xf32>
      %add3A_1186 = arith.addf %add3A_1183, %add3A_1185 : vector<16xf32>
      %reduce_sum3A_1187 = arith.constant true
      %reduce_sum3A_1188 = vector.broadcast %reduce_sum3A_1187 : i1 to vector<16xi1>
      %reduce_sum3A_1189 = tpu.scan <sum>, %add3A_1186 masked %reduce_sum3A_1188 : vector<16xf32>, vector<16xi1> -> vector<16xf32>
      %reduce_sum3A_1190 = vector.extract %reduce_sum3A_1189[15] : f32 from vector<16xf32>
      %eq3A_1191 = arith.constant 14 : i32
      %eq3A_1192 = vector.broadcast %eq3A_1191 : i32 to vector<16xi32>
      %eq3A_1193 = arith.cmpi eq, %iota3A, %eq3A_1192 : vector<16xi32>
      %broadcast_in_dim3A_1194 = vector.broadcast %reduce_sum3A_1190 : f32 to vector<16xf32>
      %select_n3A_1195 = arith.select %eq3A_1193, %broadcast_in_dim3A_1194, %select_n3A_1151 : vector<16xi1>, vector<16xf32>
      %add3A_1196 = arith.constant 15 : i32
      %add3A_1197 = arith.addi %mul3A_538, %add3A_1196 : i32
      %broadcast_in_dim3A_1198 = arith.constant 0.000000e+00 : f32
      %broadcast_in_dim3A_1199 = vector.broadcast %broadcast_in_dim3A_1198 : f32 to vector<16xf32>
      %broadcast_in_dim3A_1200 = arith.constant 0.000000e+00 : f32
      %broadcast_in_dim3A_1201 = vector.broadcast %broadcast_in_dim3A_1200 : f32 to vector<16xf32>
      %get3A_1202 = arith.index_cast %add3A_1197 : i32 to index
      %get3A_1203 = arith.constant 0 : index
      %get3A_1204 = tpu.vector_load %arg16[%get3A_1202, %get3A_1203] {strides = array<i32>} : memref<512x128xbf16, #tpu.memory_space<vmem>>, vector<32xbf16>,
      %bitcast3A_1205 = vector.bitcast %get3A_1204 : vector<32xbf16> to vector<16xi32>
      %shift_left3A_1206 = arith.constant 16 : i32
      %shift_left3A_1207 = vector.broadcast %shift_left3A_1206 : i32 to vector<16xi32>
      %shift_left3A_1208 = arith.shli %bitcast3A_1205, %shift_left3A_1207 : vector<16xi32>
      %bitcast3A_1209 = vector.bitcast %shift_left3A_1208 : vector<16xi32> to vector<16xf32>
      %and3A_1210 = arith.andi %bitcast3A_1205, %broadcast_in_dim3A_253 : vector<16xi32>
      %bitcast3A_1211 = vector.bitcast %and3A_1210 : vector<16xi32> to vector<16xf32>
      %mul3A_1212 = arith.mulf %bitcast3A_1209, %get3A_429 : vector<16xf32>
      %add3A_1213 = arith.addf %broadcast_in_dim3A_1199, %mul3A_1212 : vector<16xf32>
      %mul3A_1214 = arith.mulf %bitcast3A_1211, %get3A_433 : vector<16xf32>
      %add3A_1215 = arith.addf %broadcast_in_dim3A_1201, %mul3A_1214 : vector<16xf32>
      %get3A_1216 = arith.index_cast %add3A_1197 : i32 to index
      %get3A_1217 = arith.constant 32 : index
      %get3A_1218 = tpu.vector_load %arg16[%get3A_1216, %get3A_1217] {strides = array<i32>} : memref<512x128xbf16, #tpu.memory_space<vmem>>, vector<32xbf16>,
      %bitcast3A_1219 = vector.bitcast %get3A_1218 : vector<32xbf16> to vector<16xi32>
      %shift_left3A_1220 = arith.constant 16 : i32
      %shift_left3A_1221 = vector.broadcast %shift_left3A_1220 : i32 to vector<16xi32>
      %shift_left3A_1222 = arith.shli %bitcast3A_1219, %shift_left3A_1221 : vector<16xi32>
      %bitcast3A_1223 = vector.bitcast %shift_left3A_1222 : vector<16xi32> to vector<16xf32>
      %and3A_1224 = arith.andi %bitcast3A_1219, %broadcast_in_dim3A_253 : vector<16xi32>
      %bitcast3A_1225 = vector.bitcast %and3A_1224 : vector<16xi32> to vector<16xf32>
      %mul3A_1226 = arith.mulf %bitcast3A_1223, %get3A_431 : vector<16xf32>
      %add3A_1227 = arith.addf %add3A_1213, %mul3A_1226 : vector<16xf32>
      %mul3A_1228 = arith.mulf %bitcast3A_1225, %get3A_435 : vector<16xf32>
      %add3A_1229 = arith.addf %add3A_1215, %mul3A_1228 : vector<16xf32>
      %add3A_1230 = arith.addf %add3A_1227, %add3A_1229 : vector<16xf32>
      %reduce_sum3A_1231 = arith.constant true
      %reduce_sum3A_1232 = vector.broadcast %reduce_sum3A_1231 : i1 to vector<16xi1>
      %reduce_sum3A_1233 = tpu.scan <sum>, %add3A_1230 masked %reduce_sum3A_1232 : vector<16xf32>, vector<16xi1> -> vector<16xf32>
      %reduce_sum3A_1234 = vector.extract %reduce_sum3A_1233[15] : f32 from vector<16xf32>
      %eq3A_1235 = arith.constant 15 : i32
      %eq3A_1236 = vector.broadcast %eq3A_1235 : i32 to vector<16xi32>
      %eq3A_1237 = arith.cmpi eq, %iota3A, %eq3A_1236 : vector<16xi32>
      %broadcast_in_dim3A_1238 = vector.broadcast %reduce_sum3A_1234 : f32 to vector<16xf32>
      %select_n3A_1239 = arith.select %eq3A_1237, %broadcast_in_dim3A_1238, %select_n3A_1195 : vector<16xi1>, vector<16xf32>
      %get3A_1240 = arith.index_cast %mul3A_538 : i32 to index
      %get3A_1241 = tpu.vector_load %arg17[%get3A_1240] {strides = array<i32>} : memref<512xf32, #tpu.memory_space<vmem>>, vector<16xf32>,
      %add3A_1242 = arith.addf %get3A_1241, %select_n3A_1239 : vector<16xf32>
      %swap3A = arith.index_cast %mul3A_538 : i32 to index
      %swap3A_1243 = tpu.vector_load %arg17[%swap3A] {strides = array<i32>} : memref<512xf32, #tpu.memory_space<vmem>>, vector<16xf32>,
      tpu.vector_store %arg17[%swap3A], %add3A_1242 {strides = array<i32>} : memref<512xf32, #tpu.memory_space<vmem>>, vector<16xf32>,
    }
    %scan3A_441 = arith.constant 32 : i32
    %dma_start3A_442 = arith.constant 0 : i32
    %dma_start3A_443 = arith.constant 0 : i32
    %dma_start3A_444 = arith.constant 0 : i32
    %dma_start3A_445 = tpu.memref_slice %arg16[%dma_start3A_443, %dma_start3A_444] : memref<512x128xbf16, #tpu.memory_space<vmem>> -> memref<128x128xbf16, #tpu.memory_space<vmem>>
    %dma_start3A_446 = arith.constant 0 : i32
    %dma_start3A_447 = tpu.memref_slice %arg13[%dma_start3A_442, %dma_start3A_446] : memref<4x128xi32, #tpu.memory_space<vmem>> -> memref<1x128xi32, #tpu.memory_space<vmem>>
    %dma_start3A_448 = tpu.memref_squeeze %dma_start3A_447 : memref<1x128xi32, #tpu.memory_space<vmem>> -> memref<128xi32, #tpu.memory_space<vmem>>
    %dma_start3A_449 = arith.constant 0 : i32
    %dma_start3A_450 = arith.constant 0 : i32
    %dma_start3A_451 = tpu.memref_slice %arg8[%dma_start3A_449, %dma_start3A_450] : memref<1000000x128xbf16, #tpu.memory_space<hbm>> -> memref<1000000x128xbf16, #tpu.memory_space<hbm>>
    tpu.enqueue_indirect_dma source(%dma_start3A_451 : memref<1000000x128xbf16, #tpu.memory_space<hbm>>) target(%dma_start3A_445 : memref<128x128xbf16, #tpu.memory_space<vmem>>) offsets(%dma_start3A_448 : memref<128xi32, #tpu.memory_space<vmem>>) semaphore(%arg19 : memref<!tpu.dma_semaphore, #tpu.memory_space<semaphore_mem>>)
    %dma_start3A_452 = arith.constant 1 : i32
    %dma_start3A_453 = arith.constant 128 : i32
    %dma_start3A_454 = arith.constant 0 : i32
    %dma_start3A_455 = tpu.memref_slice %arg16[%dma_start3A_453, %dma_start3A_454] : memref<512x128xbf16, #tpu.memory_space<vmem>> -> memref<128x128xbf16, #tpu.memory_space<vmem>>
    %dma_start3A_456 = arith.constant 0 : i32
    %dma_start3A_457 = tpu.memref_slice %arg13[%dma_start3A_452, %dma_start3A_456] : memref<4x128xi32, #tpu.memory_space<vmem>> -> memref<1x128xi32, #tpu.memory_space<vmem>>
    %dma_start3A_458 = tpu.memref_squeeze %dma_start3A_457 : memref<1x128xi32, #tpu.memory_space<vmem>> -> memref<128xi32, #tpu.memory_space<vmem>>
    %dma_start3A_459 = arith.constant 0 : i32
    %dma_start3A_460 = arith.constant 0 : i32
    %dma_start3A_461 = tpu.memref_slice %arg8[%dma_start3A_459, %dma_start3A_460] : memref<1000000x128xbf16, #tpu.memory_space<hbm>> -> memref<1000000x128xbf16, #tpu.memory_space<hbm>>
    tpu.enqueue_indirect_dma source(%dma_start3A_461 : memref<1000000x128xbf16, #tpu.memory_space<hbm>>) target(%dma_start3A_455 : memref<128x128xbf16, #tpu.memory_space<vmem>>) offsets(%dma_start3A_458 : memref<128xi32, #tpu.memory_space<vmem>>) semaphore(%arg19 : memref<!tpu.dma_semaphore, #tpu.memory_space<semaphore_mem>>)
    %dma_start3A_462 = arith.constant 2 : i32
    %dma_start3A_463 = arith.constant 256 : i32
    %dma_start3A_464 = arith.constant 0 : i32
    %dma_start3A_465 = tpu.memref_slice %arg16[%dma_start3A_463, %dma_start3A_464] : memref<512x128xbf16, #tpu.memory_space<vmem>> -> memref<128x128xbf16, #tpu.memory_space<vmem>>
    %dma_start3A_466 = arith.constant 0 : i32
    %dma_start3A_467 = tpu.memref_slice %arg13[%dma_start3A_462, %dma_start3A_466] : memref<4x128xi32, #tpu.memory_space<vmem>> -> memref<1x128xi32, #tpu.memory_space<vmem>>
    %dma_start3A_468 = tpu.memref_squeeze %dma_start3A_467 : memref<1x128xi32, #tpu.memory_space<vmem>> -> memref<128xi32, #tpu.memory_space<vmem>>
    %dma_start3A_469 = arith.constant 0 : i32
    %dma_start3A_470 = arith.constant 0 : i32
    %dma_start3A_471 = tpu.memref_slice %arg8[%dma_start3A_469, %dma_start3A_470] : memref<1000000x128xbf16, #tpu.memory_space<hbm>> -> memref<1000000x128xbf16, #tpu.memory_space<hbm>>
    tpu.enqueue_indirect_dma source(%dma_start3A_471 : memref<1000000x128xbf16, #tpu.memory_space<hbm>>) target(%dma_start3A_465 : memref<128x128xbf16, #tpu.memory_space<vmem>>) offsets(%dma_start3A_468 : memref<128xi32, #tpu.memory_space<vmem>>) semaphore(%arg19 : memref<!tpu.dma_semaphore, #tpu.memory_space<semaphore_mem>>)
    %dma_start3A_472 = arith.constant 3 : i32
    %dma_start3A_473 = arith.constant 384 : i32
    %dma_start3A_474 = arith.constant 0 : i32
    %dma_start3A_475 = tpu.memref_slice %arg16[%dma_start3A_473, %dma_start3A_474] : memref<512x128xbf16, #tpu.memory_space<vmem>> -> memref<128x128xbf16, #tpu.memory_space<vmem>>
    %dma_start3A_476 = arith.constant 0 : i32
    %dma_start3A_477 = tpu.memref_slice %arg13[%dma_start3A_472, %dma_start3A_476] : memref<4x128xi32, #tpu.memory_space<vmem>> -> memref<1x128xi32, #tpu.memory_space<vmem>>
    %dma_start3A_478 = tpu.memref_squeeze %dma_start3A_477 : memref<1x128xi32, #tpu.memory_space<vmem>> -> memref<128xi32, #tpu.memory_space<vmem>>
    %dma_start3A_479 = arith.constant 0 : i32
    %dma_start3A_480 = arith.constant 0 : i32
    %dma_start3A_481 = tpu.memref_slice %arg8[%dma_start3A_479, %dma_start3A_480] : memref<1000000x128xbf16, #tpu.memory_space<hbm>> -> memref<1000000x128xbf16, #tpu.memory_space<hbm>>
    tpu.enqueue_indirect_dma source(%dma_start3A_481 : memref<1000000x128xbf16, #tpu.memory_space<hbm>>) target(%dma_start3A_475 : memref<128x128xbf16, #tpu.memory_space<vmem>>) offsets(%dma_start3A_478 : memref<128xi32, #tpu.memory_space<vmem>>) semaphore(%arg19 : memref<!tpu.dma_semaphore, #tpu.memory_space<semaphore_mem>>)
    %dma_wait3A_482 = arith.constant 0 : i32
    %dma_wait3A_483 = arith.constant 0 : i32
    %dma_wait3A_484 = arith.constant 0 : i32
    %dma_wait3A_485 = tpu.memref_slice %arg16[%dma_wait3A_483, %dma_wait3A_484] : memref<512x128xbf16, #tpu.memory_space<vmem>> -> memref<128x128xbf16, #tpu.memory_space<vmem>>
    %dma_wait3A_486 = arith.constant 0 : i32
    %dma_wait3A_487 = tpu.memref_slice %arg13[%dma_wait3A_482, %dma_wait3A_486] : memref<4x128xi32, #tpu.memory_space<vmem>> -> memref<1x128xi32, #tpu.memory_space<vmem>>
    %dma_wait3A_488 = tpu.memref_squeeze %dma_wait3A_487 : memref<1x128xi32, #tpu.memory_space<vmem>> -> memref<128xi32, #tpu.memory_space<vmem>>
    %dma_wait3A_489 = arith.constant 0 : i32
    %dma_wait3A_490 = arith.constant 0 : i32
    %dma_wait3A_491 = tpu.memref_slice %arg8[%dma_wait3A_489, %dma_wait3A_490] : memref<1000000x128xbf16, #tpu.memory_space<hbm>> -> memref<1000000x128xbf16, #tpu.memory_space<hbm>>
    tpu.wait_indirect_dma semaphore(%arg19 : memref<!tpu.dma_semaphore, #tpu.memory_space<semaphore_mem>>) src(%dma_wait3A_491 : memref<1000000x128xbf16, #tpu.memory_space<hbm>>) dst(%dma_wait3A_485 : memref<128x128xbf16, #tpu.memory_space<vmem>>)
    %dma_wait3A_492 = arith.constant 1 : i32
    %dma_wait3A_493 = arith.constant 128 : i32
    %dma_wait3A_494 = arith.constant 0 : i32
    %dma_wait3A_495 = tpu.memref_slice %arg16[%dma_wait3A_493, %dma_wait3A_494] : memref<512x128xbf16, #tpu.memory_space<vmem>> -> memref<128x128xbf16, #tpu.memory_space<vmem>>
    %dma_wait3A_496 = arith.constant 0 : i32
    %dma_wait3A_497 = tpu.memref_slice %arg13[%dma_wait3A_492, %dma_wait3A_496] : memref<4x128xi32, #tpu.memory_space<vmem>> -> memref<1x128xi32, #tpu.memory_space<vmem>>
    %dma_wait3A_498 = tpu.memref_squeeze %dma_wait3A_497 : memref<1x128xi32, #tpu.memory_space<vmem>> -> memref<128xi32, #tpu.memory_space<vmem>>
    %dma_wait3A_499 = arith.constant 0 : i32
    %dma_wait3A_500 = arith.constant 0 : i32
    %dma_wait3A_501 = tpu.memref_slice %arg8[%dma_wait3A_499, %dma_wait3A_500] : memref<1000000x128xbf16, #tpu.memory_space<hbm>> -> memref<1000000x128xbf16, #tpu.memory_space<hbm>>
    tpu.wait_indirect_dma semaphore(%arg19 : memref<!tpu.dma_semaphore, #tpu.memory_space<semaphore_mem>>) src(%dma_wait3A_501 : memref<1000000x128xbf16, #tpu.memory_space<hbm>>) dst(%dma_wait3A_495 : memref<128x128xbf16, #tpu.memory_space<vmem>>)
    %dma_wait3A_502 = arith.constant 2 : i32
    %dma_wait3A_503 = arith.constant 256 : i32
    %dma_wait3A_504 = arith.constant 0 : i32
    %dma_wait3A_505 = tpu.memref_slice %arg16[%dma_wait3A_503, %dma_wait3A_504] : memref<512x128xbf16, #tpu.memory_space<vmem>> -> memref<128x128xbf16, #tpu.memory_space<vmem>>
    %dma_wait3A_506 = arith.constant 0 : i32
    %dma_wait3A_507 = tpu.memref_slice %arg13[%dma_wait3A_502, %dma_wait3A_506] : memref<4x128xi32, #tpu.memory_space<vmem>> -> memref<1x128xi32, #tpu.memory_space<vmem>>
    %dma_wait3A_508 = tpu.memref_squeeze %dma_wait3A_507 : memref<1x128xi32, #tpu.memory_space<vmem>> -> memref<128xi32, #tpu.memory_space<vmem>>
    %dma_wait3A_509 = arith.constant 0 : i32
    %dma_wait3A_510 = arith.constant 0 : i32
    %dma_wait3A_511 = tpu.memref_slice %arg8[%dma_wait3A_509, %dma_wait3A_510] : memref<1000000x128xbf16, #tpu.memory_space<hbm>> -> memref<1000000x128xbf16, #tpu.memory_space<hbm>>
    tpu.wait_indirect_dma semaphore(%arg19 : memref<!tpu.dma_semaphore, #tpu.memory_space<semaphore_mem>>) src(%dma_wait3A_511 : memref<1000000x128xbf16, #tpu.memory_space<hbm>>) dst(%dma_wait3A_505 : memref<128x128xbf16, #tpu.memory_space<vmem>>)
    %dma_wait3A_512 = arith.constant 3 : i32
    %dma_wait3A_513 = arith.constant 384 : i32
    %dma_wait3A_514 = arith.constant 0 : i32
    %dma_wait3A_515 = tpu.memref_slice %arg16[%dma_wait3A_513, %dma_wait3A_514] : memref<512x128xbf16, #tpu.memory_space<vmem>> -> memref<128x128xbf16, #tpu.memory_space<vmem>>
    %dma_wait3A_516 = arith.constant 0 : i32
    %dma_wait3A_517 = tpu.memref_slice %arg13[%dma_wait3A_512, %dma_wait3A_516] : memref<4x128xi32, #tpu.memory_space<vmem>> -> memref<1x128xi32, #tpu.memory_space<vmem>>
    %dma_wait3A_518 = tpu.memref_squeeze %dma_wait3A_517 : memref<1x128xi32, #tpu.memory_space<vmem>> -> memref<128xi32, #tpu.memory_space<vmem>>
    %dma_wait3A_519 = arith.constant 0 : i32
    %dma_wait3A_520 = arith.constant 0 : i32
    %dma_wait3A_521 = tpu.memref_slice %arg8[%dma_wait3A_519, %dma_wait3A_520] : memref<1000000x128xbf16, #tpu.memory_space<hbm>> -> memref<1000000x128xbf16, #tpu.memory_space<hbm>>
    tpu.wait_indirect_dma semaphore(%arg19 : memref<!tpu.dma_semaphore, #tpu.memory_space<semaphore_mem>>) src(%dma_wait3A_521 : memref<1000000x128xbf16, #tpu.memory_space<hbm>>) dst(%dma_wait3A_515 : memref<128x128xbf16, #tpu.memory_space<vmem>>)
    %get3A_522 = arith.constant 128 : index
    %get3A_523 = tpu.vector_load %arg15[%get3A_522] {strides = array<i32>} : memref<272xf32, #tpu.memory_space<vmem>>, vector<16xf32>,
    %get3A_524 = arith.constant 160 : index
    %get3A_525 = tpu.vector_load %arg15[%get3A_524] {strides = array<i32>} : memref<272xf32, #tpu.memory_space<vmem>>, vector<16xf32>,
    %get3A_526 = arith.constant 144 : index
    %get3A_527 = tpu.vector_load %arg15[%get3A_526] {strides = array<i32>} : memref<272xf32, #tpu.memory_space<vmem>>, vector<16xf32>,
    %get3A_528 = arith.constant 176 : index
    %get3A_529 = tpu.vector_load %arg15[%get3A_528] {strides = array<i32>} : memref<272xf32, #tpu.memory_space<vmem>>, vector<16xf32>,
    %scan3A_530 = arith.constant 0 : i32
    %scan3A_531 = arith.constant 0 : i32
    %scan3A_532 = arith.constant 32 : i32
    %scan3A_533 = arith.addi %scan3A_531, %scan3A_532 : i32
    %scan3A_534 = arith.constant 1 : i32
    scf.for %scan3A_536 = %scan3A_531 to %scan3A_533 step %scan3A_534  : i32 {
      %mul3A_537 = arith.constant 16 : i32
      %mul3A_538 = arith.muli %scan3A_536, %mul3A_537 : i32
      %broadcast_in_dim3A_539 = arith.constant 0.000000e+00 : f32
      %broadcast_in_dim3A_540 = vector.broadcast %broadcast_in_dim3A_539 : f32 to vector<16xf32>
      %add3A_541 = arith.constant 0 : i32
      %add3A_542 = arith.addi %mul3A_538, %add3A_541 : i32
      %broadcast_in_dim3A_543 = arith.constant 0.000000e+00 : f32
      %broadcast_in_dim3A_544 = vector.broadcast %broadcast_in_dim3A_543 : f32 to vector<16xf32>
      %broadcast_in_dim3A_545 = arith.constant 0.000000e+00 : f32
      %broadcast_in_dim3A_546 = vector.broadcast %broadcast_in_dim3A_545 : f32 to vector<16xf32>
      %get3A_547 = arith.index_cast %add3A_542 : i32 to index
      %get3A_548 = arith.constant 0 : index
      %get3A_549 = tpu.vector_load %arg16[%get3A_547, %get3A_548] {strides = array<i32>} : memref<512x128xbf16, #tpu.memory_space<vmem>>, vector<32xbf16>,
      %bitcast3A = vector.bitcast %get3A_549 : vector<32xbf16> to vector<16xi32>
      %shift_left3A = arith.constant 16 : i32
      %shift_left3A_550 = vector.broadcast %shift_left3A : i32 to vector<16xi32>
      %shift_left3A_551 = arith.shli %bitcast3A, %shift_left3A_550 : vector<16xi32>
      %bitcast3A_552 = vector.bitcast %shift_left3A_551 : vector<16xi32> to vector<16xf32>
      %and3A = arith.andi %bitcast3A, %broadcast_in_dim3A_253 : vector<16xi32>
      %bitcast3A_553 = vector.bitcast %and3A : vector<16xi32> to vector<16xf32>
      %mul3A_554 = arith.mulf %bitcast3A_552, %get3A_523 : vector<16xf32>
      %add3A_555 = arith.addf %broadcast_in_dim3A_544, %mul3A_554 : vector<16xf32>
      %mul3A_556 = arith.mulf %bitcast3A_553, %get3A_527 : vector<16xf32>
      %add3A_557 = arith.addf %broadcast_in_dim3A_546, %mul3A_556 : vector<16xf32>
      %get3A_558 = arith.index_cast %add3A_542 : i32 to index
      %get3A_559 = arith.constant 32 : index
      %get3A_560 = tpu.vector_load %arg16[%get3A_558, %get3A_559] {strides = array<i32>} : memref<512x128xbf16, #tpu.memory_space<vmem>>, vector<32xbf16>,
      %bitcast3A_561 = vector.bitcast %get3A_560 : vector<32xbf16> to vector<16xi32>
      %shift_left3A_562 = arith.constant 16 : i32
      %shift_left3A_563 = vector.broadcast %shift_left3A_562 : i32 to vector<16xi32>
      %shift_left3A_564 = arith.shli %bitcast3A_561, %shift_left3A_563 : vector<16xi32>
      %bitcast3A_565 = vector.bitcast %shift_left3A_564 : vector<16xi32> to vector<16xf32>
      %and3A_566 = arith.andi %bitcast3A_561, %broadcast_in_dim3A_253 : vector<16xi32>
      %bitcast3A_567 = vector.bitcast %and3A_566 : vector<16xi32> to vector<16xf32>
      %mul3A_568 = arith.mulf %bitcast3A_565, %get3A_525 : vector<16xf32>
      %add3A_569 = arith.addf %add3A_555, %mul3A_568 : vector<16xf32>
      %mul3A_570 = arith.mulf %bitcast3A_567, %get3A_529 : vector<16xf32>
      %add3A_571 = arith.addf %add3A_557, %mul3A_570 : vector<16xf32>
      %add3A_572 = arith.addf %add3A_569, %add3A_571 : vector<16xf32>
      %reduce_sum3A_573 = arith.constant true
      %reduce_sum3A_574 = vector.broadcast %reduce_sum3A_573 : i1 to vector<16xi1>
      %reduce_sum3A_575 = tpu.scan <sum>, %add3A_572 masked %reduce_sum3A_574 : vector<16xf32>, vector<16xi1> -> vector<16xf32>
      %reduce_sum3A_576 = vector.extract %reduce_sum3A_575[15] : f32 from vector<16xf32>
      %eq3A = arith.constant 0 : i32
      %eq3A_577 = vector.broadcast %eq3A : i32 to vector<16xi32>
      %eq3A_578 = arith.cmpi eq, %iota3A, %eq3A_577 : vector<16xi32>
      %broadcast_in_dim3A_579 = vector.broadcast %reduce_sum3A_576 : f32 to vector<16xf32>
      %select_n3A = arith.select %eq3A_578, %broadcast_in_dim3A_579, %broadcast_in_dim3A_540 : vector<16xi1>, vector<16xf32>
      %add3A_580 = arith.constant 1 : i32
      %add3A_581 = arith.addi %mul3A_538, %add3A_580 : i32
      %broadcast_in_dim3A_582 = arith.constant 0.000000e+00 : f32
      %broadcast_in_dim3A_583 = vector.broadcast %broadcast_in_dim3A_582 : f32 to vector<16xf32>
      %broadcast_in_dim3A_584 = arith.constant 0.000000e+00 : f32
      %broadcast_in_dim3A_585 = vector.broadcast %broadcast_in_dim3A_584 : f32 to vector<16xf32>
      %get3A_586 = arith.index_cast %add3A_581 : i32 to index
      %get3A_587 = arith.constant 0 : index
      %get3A_588 = tpu.vector_load %arg16[%get3A_586, %get3A_587] {strides = array<i32>} : memref<512x128xbf16, #tpu.memory_space<vmem>>, vector<32xbf16>,
      %bitcast3A_589 = vector.bitcast %get3A_588 : vector<32xbf16> to vector<16xi32>
      %shift_left3A_590 = arith.constant 16 : i32
      %shift_left3A_591 = vector.broadcast %shift_left3A_590 : i32 to vector<16xi32>
      %shift_left3A_592 = arith.shli %bitcast3A_589, %shift_left3A_591 : vector<16xi32>
      %bitcast3A_593 = vector.bitcast %shift_left3A_592 : vector<16xi32> to vector<16xf32>
      %and3A_594 = arith.andi %bitcast3A_589, %broadcast_in_dim3A_253 : vector<16xi32>
      %bitcast3A_595 = vector.bitcast %and3A_594 : vector<16xi32> to vector<16xf32>
      %mul3A_596 = arith.mulf %bitcast3A_593, %get3A_523 : vector<16xf32>
      %add3A_597 = arith.addf %broadcast_in_dim3A_583, %mul3A_596 : vector<16xf32>
      %mul3A_598 = arith.mulf %bitcast3A_595, %get3A_527 : vector<16xf32>
      %add3A_599 = arith.addf %broadcast_in_dim3A_585, %mul3A_598 : vector<16xf32>
      %get3A_600 = arith.index_cast %add3A_581 : i32 to index
      %get3A_601 = arith.constant 32 : index
      %get3A_602 = tpu.vector_load %arg16[%get3A_600, %get3A_601] {strides = array<i32>} : memref<512x128xbf16, #tpu.memory_space<vmem>>, vector<32xbf16>,
      %bitcast3A_603 = vector.bitcast %get3A_602 : vector<32xbf16> to vector<16xi32>
      %shift_left3A_604 = arith.constant 16 : i32
      %shift_left3A_605 = vector.broadcast %shift_left3A_604 : i32 to vector<16xi32>
      %shift_left3A_606 = arith.shli %bitcast3A_603, %shift_left3A_605 : vector<16xi32>
      %bitcast3A_607 = vector.bitcast %shift_left3A_606 : vector<16xi32> to vector<16xf32>
      %and3A_608 = arith.andi %bitcast3A_603, %broadcast_in_dim3A_253 : vector<16xi32>
      %bitcast3A_609 = vector.bitcast %and3A_608 : vector<16xi32> to vector<16xf32>
      %mul3A_610 = arith.mulf %bitcast3A_607, %get3A_525 : vector<16xf32>
      %add3A_611 = arith.addf %add3A_597, %mul3A_610 : vector<16xf32>
      %mul3A_612 = arith.mulf %bitcast3A_609, %get3A_529 : vector<16xf32>
      %add3A_613 = arith.addf %add3A_599, %mul3A_612 : vector<16xf32>
      %add3A_614 = arith.addf %add3A_611, %add3A_613 : vector<16xf32>
      %reduce_sum3A_615 = arith.constant true
      %reduce_sum3A_616 = vector.broadcast %reduce_sum3A_615 : i1 to vector<16xi1>
      %reduce_sum3A_617 = tpu.scan <sum>, %add3A_614 masked %reduce_sum3A_616 : vector<16xf32>, vector<16xi1> -> vector<16xf32>
      %reduce_sum3A_618 = vector.extract %reduce_sum3A_617[15] : f32 from vector<16xf32>
      %eq3A_619 = arith.constant 1 : i32
      %eq3A_620 = vector.broadcast %eq3A_619 : i32 to vector<16xi32>
      %eq3A_621 = arith.cmpi eq, %iota3A, %eq3A_620 : vector<16xi32>
      %broadcast_in_dim3A_622 = vector.broadcast %reduce_sum3A_618 : f32 to vector<16xf32>
      %select_n3A_623 = arith.select %eq3A_621, %broadcast_in_dim3A_622, %select_n3A : vector<16xi1>, vector<16xf32>
      %add3A_624 = arith.constant 2 : i32
      %add3A_625 = arith.addi %mul3A_538, %add3A_624 : i32
      %broadcast_in_dim3A_626 = arith.constant 0.000000e+00 : f32
      %broadcast_in_dim3A_627 = vector.broadcast %broadcast_in_dim3A_626 : f32 to vector<16xf32>
      %broadcast_in_dim3A_628 = arith.constant 0.000000e+00 : f32
      %broadcast_in_dim3A_629 = vector.broadcast %broadcast_in_dim3A_628 : f32 to vector<16xf32>
      %get3A_630 = arith.index_cast %add3A_625 : i32 to index
      %get3A_631 = arith.constant 0 : index
      %get3A_632 = tpu.vector_load %arg16[%get3A_630, %get3A_631] {strides = array<i32>} : memref<512x128xbf16, #tpu.memory_space<vmem>>, vector<32xbf16>,
      %bitcast3A_633 = vector.bitcast %get3A_632 : vector<32xbf16> to vector<16xi32>
      %shift_left3A_634 = arith.constant 16 : i32
      %shift_left3A_635 = vector.broadcast %shift_left3A_634 : i32 to vector<16xi32>
      %shift_left3A_636 = arith.shli %bitcast3A_633, %shift_left3A_635 : vector<16xi32>
      %bitcast3A_637 = vector.bitcast %shift_left3A_636 : vector<16xi32> to vector<16xf32>
      %and3A_638 = arith.andi %bitcast3A_633, %broadcast_in_dim3A_253 : vector<16xi32>
      %bitcast3A_639 = vector.bitcast %and3A_638 : vector<16xi32> to vector<16xf32>
      %mul3A_640 = arith.mulf %bitcast3A_637, %get3A_523 : vector<16xf32>
      %add3A_641 = arith.addf %broadcast_in_dim3A_627, %mul3A_640 : vector<16xf32>
      %mul3A_642 = arith.mulf %bitcast3A_639, %get3A_527 : vector<16xf32>
      %add3A_643 = arith.addf %broadcast_in_dim3A_629, %mul3A_642 : vector<16xf32>
      %get3A_644 = arith.index_cast %add3A_625 : i32 to index
      %get3A_645 = arith.constant 32 : index
      %get3A_646 = tpu.vector_load %arg16[%get3A_644, %get3A_645] {strides = array<i32>} : memref<512x128xbf16, #tpu.memory_space<vmem>>, vector<32xbf16>,
      %bitcast3A_647 = vector.bitcast %get3A_646 : vector<32xbf16> to vector<16xi32>
      %shift_left3A_648 = arith.constant 16 : i32
      %shift_left3A_649 = vector.broadcast %shift_left3A_648 : i32 to vector<16xi32>
      %shift_left3A_650 = arith.shli %bitcast3A_647, %shift_left3A_649 : vector<16xi32>
      %bitcast3A_651 = vector.bitcast %shift_left3A_650 : vector<16xi32> to vector<16xf32>
      %and3A_652 = arith.andi %bitcast3A_647, %broadcast_in_dim3A_253 : vector<16xi32>
      %bitcast3A_653 = vector.bitcast %and3A_652 : vector<16xi32> to vector<16xf32>
      %mul3A_654 = arith.mulf %bitcast3A_651, %get3A_525 : vector<16xf32>
      %add3A_655 = arith.addf %add3A_641, %mul3A_654 : vector<16xf32>
      %mul3A_656 = arith.mulf %bitcast3A_653, %get3A_529 : vector<16xf32>
      %add3A_657 = arith.addf %add3A_643, %mul3A_656 : vector<16xf32>
      %add3A_658 = arith.addf %add3A_655, %add3A_657 : vector<16xf32>
      %reduce_sum3A_659 = arith.constant true
      %reduce_sum3A_660 = vector.broadcast %reduce_sum3A_659 : i1 to vector<16xi1>
      %reduce_sum3A_661 = tpu.scan <sum>, %add3A_658 masked %reduce_sum3A_660 : vector<16xf32>, vector<16xi1> -> vector<16xf32>
      %reduce_sum3A_662 = vector.extract %reduce_sum3A_661[15] : f32 from vector<16xf32>
      %eq3A_663 = arith.constant 2 : i32
      %eq3A_664 = vector.broadcast %eq3A_663 : i32 to vector<16xi32>
      %eq3A_665 = arith.cmpi eq, %iota3A, %eq3A_664 : vector<16xi32>
      %broadcast_in_dim3A_666 = vector.broadcast %reduce_sum3A_662 : f32 to vector<16xf32>
      %select_n3A_667 = arith.select %eq3A_665, %broadcast_in_dim3A_666, %select_n3A_623 : vector<16xi1>, vector<16xf32>
      %add3A_668 = arith.constant 3 : i32
      %add3A_669 = arith.addi %mul3A_538, %add3A_668 : i32
      %broadcast_in_dim3A_670 = arith.constant 0.000000e+00 : f32
      %broadcast_in_dim3A_671 = vector.broadcast %broadcast_in_dim3A_670 : f32 to vector<16xf32>
      %broadcast_in_dim3A_672 = arith.constant 0.000000e+00 : f32
      %broadcast_in_dim3A_673 = vector.broadcast %broadcast_in_dim3A_672 : f32 to vector<16xf32>
      %get3A_674 = arith.index_cast %add3A_669 : i32 to index
      %get3A_675 = arith.constant 0 : index
      %get3A_676 = tpu.vector_load %arg16[%get3A_674, %get3A_675] {strides = array<i32>} : memref<512x128xbf16, #tpu.memory_space<vmem>>, vector<32xbf16>,
      %bitcast3A_677 = vector.bitcast %get3A_676 : vector<32xbf16> to vector<16xi32>
      %shift_left3A_678 = arith.constant 16 : i32
      %shift_left3A_679 = vector.broadcast %shift_left3A_678 : i32 to vector<16xi32>
      %shift_left3A_680 = arith.shli %bitcast3A_677, %shift_left3A_679 : vector<16xi32>
      %bitcast3A_681 = vector.bitcast %shift_left3A_680 : vector<16xi32> to vector<16xf32>
      %and3A_682 = arith.andi %bitcast3A_677, %broadcast_in_dim3A_253 : vector<16xi32>
      %bitcast3A_683 = vector.bitcast %and3A_682 : vector<16xi32> to vector<16xf32>
      %mul3A_684 = arith.mulf %bitcast3A_681, %get3A_523 : vector<16xf32>
      %add3A_685 = arith.addf %broadcast_in_dim3A_671, %mul3A_684 : vector<16xf32>
      %mul3A_686 = arith.mulf %bitcast3A_683, %get3A_527 : vector<16xf32>
      %add3A_687 = arith.addf %broadcast_in_dim3A_673, %mul3A_686 : vector<16xf32>
      %get3A_688 = arith.index_cast %add3A_669 : i32 to index
      %get3A_689 = arith.constant 32 : index
      %get3A_690 = tpu.vector_load %arg16[%get3A_688, %get3A_689] {strides = array<i32>} : memref<512x128xbf16, #tpu.memory_space<vmem>>, vector<32xbf16>,
      %bitcast3A_691 = vector.bitcast %get3A_690 : vector<32xbf16> to vector<16xi32>
      %shift_left3A_692 = arith.constant 16 : i32
      %shift_left3A_693 = vector.broadcast %shift_left3A_692 : i32 to vector<16xi32>
      %shift_left3A_694 = arith.shli %bitcast3A_691, %shift_left3A_693 : vector<16xi32>
      %bitcast3A_695 = vector.bitcast %shift_left3A_694 : vector<16xi32> to vector<16xf32>
      %and3A_696 = arith.andi %bitcast3A_691, %broadcast_in_dim3A_253 : vector<16xi32>
      %bitcast3A_697 = vector.bitcast %and3A_696 : vector<16xi32> to vector<16xf32>
      %mul3A_698 = arith.mulf %bitcast3A_695, %get3A_525 : vector<16xf32>
      %add3A_699 = arith.addf %add3A_685, %mul3A_698 : vector<16xf32>
      %mul3A_700 = arith.mulf %bitcast3A_697, %get3A_529 : vector<16xf32>
      %add3A_701 = arith.addf %add3A_687, %mul3A_700 : vector<16xf32>
      %add3A_702 = arith.addf %add3A_699, %add3A_701 : vector<16xf32>
      %reduce_sum3A_703 = arith.constant true
      %reduce_sum3A_704 = vector.broadcast %reduce_sum3A_703 : i1 to vector<16xi1>
      %reduce_sum3A_705 = tpu.scan <sum>, %add3A_702 masked %reduce_sum3A_704 : vector<16xf32>, vector<16xi1> -> vector<16xf32>
      %reduce_sum3A_706 = vector.extract %reduce_sum3A_705[15] : f32 from vector<16xf32>
      %eq3A_707 = arith.constant 3 : i32
      %eq3A_708 = vector.broadcast %eq3A_707 : i32 to vector<16xi32>
      %eq3A_709 = arith.cmpi eq, %iota3A, %eq3A_708 : vector<16xi32>
      %broadcast_in_dim3A_710 = vector.broadcast %reduce_sum3A_706 : f32 to vector<16xf32>
      %select_n3A_711 = arith.select %eq3A_709, %broadcast_in_dim3A_710, %select_n3A_667 : vector<16xi1>, vector<16xf32>
      %add3A_712 = arith.constant 4 : i32
      %add3A_713 = arith.addi %mul3A_538, %add3A_712 : i32
      %broadcast_in_dim3A_714 = arith.constant 0.000000e+00 : f32
      %broadcast_in_dim3A_715 = vector.broadcast %broadcast_in_dim3A_714 : f32 to vector<16xf32>
      %broadcast_in_dim3A_716 = arith.constant 0.000000e+00 : f32
      %broadcast_in_dim3A_717 = vector.broadcast %broadcast_in_dim3A_716 : f32 to vector<16xf32>
      %get3A_718 = arith.index_cast %add3A_713 : i32 to index
      %get3A_719 = arith.constant 0 : index
      %get3A_720 = tpu.vector_load %arg16[%get3A_718, %get3A_719] {strides = array<i32>} : memref<512x128xbf16, #tpu.memory_space<vmem>>, vector<32xbf16>,
      %bitcast3A_721 = vector.bitcast %get3A_720 : vector<32xbf16> to vector<16xi32>
      %shift_left3A_722 = arith.constant 16 : i32
      %shift_left3A_723 = vector.broadcast %shift_left3A_722 : i32 to vector<16xi32>
      %shift_left3A_724 = arith.shli %bitcast3A_721, %shift_left3A_723 : vector<16xi32>
      %bitcast3A_725 = vector.bitcast %shift_left3A_724 : vector<16xi32> to vector<16xf32>
      %and3A_726 = arith.andi %bitcast3A_721, %broadcast_in_dim3A_253 : vector<16xi32>
      %bitcast3A_727 = vector.bitcast %and3A_726 : vector<16xi32> to vector<16xf32>
      %mul3A_728 = arith.mulf %bitcast3A_725, %get3A_523 : vector<16xf32>
      %add3A_729 = arith.addf %broadcast_in_dim3A_715, %mul3A_728 : vector<16xf32>
      %mul3A_730 = arith.mulf %bitcast3A_727, %get3A_527 : vector<16xf32>
      %add3A_731 = arith.addf %broadcast_in_dim3A_717, %mul3A_730 : vector<16xf32>
      %get3A_732 = arith.index_cast %add3A_713 : i32 to index
      %get3A_733 = arith.constant 32 : index
      %get3A_734 = tpu.vector_load %arg16[%get3A_732, %get3A_733] {strides = array<i32>} : memref<512x128xbf16, #tpu.memory_space<vmem>>, vector<32xbf16>,
      %bitcast3A_735 = vector.bitcast %get3A_734 : vector<32xbf16> to vector<16xi32>
      %shift_left3A_736 = arith.constant 16 : i32
      %shift_left3A_737 = vector.broadcast %shift_left3A_736 : i32 to vector<16xi32>
      %shift_left3A_738 = arith.shli %bitcast3A_735, %shift_left3A_737 : vector<16xi32>
      %bitcast3A_739 = vector.bitcast %shift_left3A_738 : vector<16xi32> to vector<16xf32>
      %and3A_740 = arith.andi %bitcast3A_735, %broadcast_in_dim3A_253 : vector<16xi32>
      %bitcast3A_741 = vector.bitcast %and3A_740 : vector<16xi32> to vector<16xf32>
      %mul3A_742 = arith.mulf %bitcast3A_739, %get3A_525 : vector<16xf32>
      %add3A_743 = arith.addf %add3A_729, %mul3A_742 : vector<16xf32>
      %mul3A_744 = arith.mulf %bitcast3A_741, %get3A_529 : vector<16xf32>
      %add3A_745 = arith.addf %add3A_731, %mul3A_744 : vector<16xf32>
      %add3A_746 = arith.addf %add3A_743, %add3A_745 : vector<16xf32>
      %reduce_sum3A_747 = arith.constant true
      %reduce_sum3A_748 = vector.broadcast %reduce_sum3A_747 : i1 to vector<16xi1>
      %reduce_sum3A_749 = tpu.scan <sum>, %add3A_746 masked %reduce_sum3A_748 : vector<16xf32>, vector<16xi1> -> vector<16xf32>
      %reduce_sum3A_750 = vector.extract %reduce_sum3A_749[15] : f32 from vector<16xf32>
      %eq3A_751 = arith.constant 4 : i32
      %eq3A_752 = vector.broadcast %eq3A_751 : i32 to vector<16xi32>
      %eq3A_753 = arith.cmpi eq, %iota3A, %eq3A_752 : vector<16xi32>
      %broadcast_in_dim3A_754 = vector.broadcast %reduce_sum3A_750 : f32 to vector<16xf32>
      %select_n3A_755 = arith.select %eq3A_753, %broadcast_in_dim3A_754, %select_n3A_711 : vector<16xi1>, vector<16xf32>
      %add3A_756 = arith.constant 5 : i32
      %add3A_757 = arith.addi %mul3A_538, %add3A_756 : i32
      %broadcast_in_dim3A_758 = arith.constant 0.000000e+00 : f32
      %broadcast_in_dim3A_759 = vector.broadcast %broadcast_in_dim3A_758 : f32 to vector<16xf32>
      %broadcast_in_dim3A_760 = arith.constant 0.000000e+00 : f32
      %broadcast_in_dim3A_761 = vector.broadcast %broadcast_in_dim3A_760 : f32 to vector<16xf32>
      %get3A_762 = arith.index_cast %add3A_757 : i32 to index
      %get3A_763 = arith.constant 0 : index
      %get3A_764 = tpu.vector_load %arg16[%get3A_762, %get3A_763] {strides = array<i32>} : memref<512x128xbf16, #tpu.memory_space<vmem>>, vector<32xbf16>,
      %bitcast3A_765 = vector.bitcast %get3A_764 : vector<32xbf16> to vector<16xi32>
      %shift_left3A_766 = arith.constant 16 : i32
      %shift_left3A_767 = vector.broadcast %shift_left3A_766 : i32 to vector<16xi32>
      %shift_left3A_768 = arith.shli %bitcast3A_765, %shift_left3A_767 : vector<16xi32>
      %bitcast3A_769 = vector.bitcast %shift_left3A_768 : vector<16xi32> to vector<16xf32>
      %and3A_770 = arith.andi %bitcast3A_765, %broadcast_in_dim3A_253 : vector<16xi32>
      %bitcast3A_771 = vector.bitcast %and3A_770 : vector<16xi32> to vector<16xf32>
      %mul3A_772 = arith.mulf %bitcast3A_769, %get3A_523 : vector<16xf32>
      %add3A_773 = arith.addf %broadcast_in_dim3A_759, %mul3A_772 : vector<16xf32>
      %mul3A_774 = arith.mulf %bitcast3A_771, %get3A_527 : vector<16xf32>
      %add3A_775 = arith.addf %broadcast_in_dim3A_761, %mul3A_774 : vector<16xf32>
      %get3A_776 = arith.index_cast %add3A_757 : i32 to index
      %get3A_777 = arith.constant 32 : index
      %get3A_778 = tpu.vector_load %arg16[%get3A_776, %get3A_777] {strides = array<i32>} : memref<512x128xbf16, #tpu.memory_space<vmem>>, vector<32xbf16>,
      %bitcast3A_779 = vector.bitcast %get3A_778 : vector<32xbf16> to vector<16xi32>
      %shift_left3A_780 = arith.constant 16 : i32
      %shift_left3A_781 = vector.broadcast %shift_left3A_780 : i32 to vector<16xi32>
      %shift_left3A_782 = arith.shli %bitcast3A_779, %shift_left3A_781 : vector<16xi32>
      %bitcast3A_783 = vector.bitcast %shift_left3A_782 : vector<16xi32> to vector<16xf32>
      %and3A_784 = arith.andi %bitcast3A_779, %broadcast_in_dim3A_253 : vector<16xi32>
      %bitcast3A_785 = vector.bitcast %and3A_784 : vector<16xi32> to vector<16xf32>
      %mul3A_786 = arith.mulf %bitcast3A_783, %get3A_525 : vector<16xf32>
      %add3A_787 = arith.addf %add3A_773, %mul3A_786 : vector<16xf32>
      %mul3A_788 = arith.mulf %bitcast3A_785, %get3A_529 : vector<16xf32>
      %add3A_789 = arith.addf %add3A_775, %mul3A_788 : vector<16xf32>
      %add3A_790 = arith.addf %add3A_787, %add3A_789 : vector<16xf32>
      %reduce_sum3A_791 = arith.constant true
      %reduce_sum3A_792 = vector.broadcast %reduce_sum3A_791 : i1 to vector<16xi1>
      %reduce_sum3A_793 = tpu.scan <sum>, %add3A_790 masked %reduce_sum3A_792 : vector<16xf32>, vector<16xi1> -> vector<16xf32>
      %reduce_sum3A_794 = vector.extract %reduce_sum3A_793[15] : f32 from vector<16xf32>
      %eq3A_795 = arith.constant 5 : i32
      %eq3A_796 = vector.broadcast %eq3A_795 : i32 to vector<16xi32>
      %eq3A_797 = arith.cmpi eq, %iota3A, %eq3A_796 : vector<16xi32>
      %broadcast_in_dim3A_798 = vector.broadcast %reduce_sum3A_794 : f32 to vector<16xf32>
      %select_n3A_799 = arith.select %eq3A_797, %broadcast_in_dim3A_798, %select_n3A_755 : vector<16xi1>, vector<16xf32>
      %add3A_800 = arith.constant 6 : i32
      %add3A_801 = arith.addi %mul3A_538, %add3A_800 : i32
      %broadcast_in_dim3A_802 = arith.constant 0.000000e+00 : f32
      %broadcast_in_dim3A_803 = vector.broadcast %broadcast_in_dim3A_802 : f32 to vector<16xf32>
      %broadcast_in_dim3A_804 = arith.constant 0.000000e+00 : f32
      %broadcast_in_dim3A_805 = vector.broadcast %broadcast_in_dim3A_804 : f32 to vector<16xf32>
      %get3A_806 = arith.index_cast %add3A_801 : i32 to index
      %get3A_807 = arith.constant 0 : index
      %get3A_808 = tpu.vector_load %arg16[%get3A_806, %get3A_807] {strides = array<i32>} : memref<512x128xbf16, #tpu.memory_space<vmem>>, vector<32xbf16>,
      %bitcast3A_809 = vector.bitcast %get3A_808 : vector<32xbf16> to vector<16xi32>
      %shift_left3A_810 = arith.constant 16 : i32
      %shift_left3A_811 = vector.broadcast %shift_left3A_810 : i32 to vector<16xi32>
      %shift_left3A_812 = arith.shli %bitcast3A_809, %shift_left3A_811 : vector<16xi32>
      %bitcast3A_813 = vector.bitcast %shift_left3A_812 : vector<16xi32> to vector<16xf32>
      %and3A_814 = arith.andi %bitcast3A_809, %broadcast_in_dim3A_253 : vector<16xi32>
      %bitcast3A_815 = vector.bitcast %and3A_814 : vector<16xi32> to vector<16xf32>
      %mul3A_816 = arith.mulf %bitcast3A_813, %get3A_523 : vector<16xf32>
      %add3A_817 = arith.addf %broadcast_in_dim3A_803, %mul3A_816 : vector<16xf32>
      %mul3A_818 = arith.mulf %bitcast3A_815, %get3A_527 : vector<16xf32>
      %add3A_819 = arith.addf %broadcast_in_dim3A_805, %mul3A_818 : vector<16xf32>
      %get3A_820 = arith.index_cast %add3A_801 : i32 to index
      %get3A_821 = arith.constant 32 : index
      %get3A_822 = tpu.vector_load %arg16[%get3A_820, %get3A_821] {strides = array<i32>} : memref<512x128xbf16, #tpu.memory_space<vmem>>, vector<32xbf16>,
      %bitcast3A_823 = vector.bitcast %get3A_822 : vector<32xbf16> to vector<16xi32>
      %shift_left3A_824 = arith.constant 16 : i32
      %shift_left3A_825 = vector.broadcast %shift_left3A_824 : i32 to vector<16xi32>
      %shift_left3A_826 = arith.shli %bitcast3A_823, %shift_left3A_825 : vector<16xi32>
      %bitcast3A_827 = vector.bitcast %shift_left3A_826 : vector<16xi32> to vector<16xf32>
      %and3A_828 = arith.andi %bitcast3A_823, %broadcast_in_dim3A_253 : vector<16xi32>
      %bitcast3A_829 = vector.bitcast %and3A_828 : vector<16xi32> to vector<16xf32>
      %mul3A_830 = arith.mulf %bitcast3A_827, %get3A_525 : vector<16xf32>
      %add3A_831 = arith.addf %add3A_817, %mul3A_830 : vector<16xf32>
      %mul3A_832 = arith.mulf %bitcast3A_829, %get3A_529 : vector<16xf32>
      %add3A_833 = arith.addf %add3A_819, %mul3A_832 : vector<16xf32>
      %add3A_834 = arith.addf %add3A_831, %add3A_833 : vector<16xf32>
      %reduce_sum3A_835 = arith.constant true
      %reduce_sum3A_836 = vector.broadcast %reduce_sum3A_835 : i1 to vector<16xi1>
      %reduce_sum3A_837 = tpu.scan <sum>, %add3A_834 masked %reduce_sum3A_836 : vector<16xf32>, vector<16xi1> -> vector<16xf32>
      %reduce_sum3A_838 = vector.extract %reduce_sum3A_837[15] : f32 from vector<16xf32>
      %eq3A_839 = arith.constant 6 : i32
      %eq3A_840 = vector.broadcast %eq3A_839 : i32 to vector<16xi32>
      %eq3A_841 = arith.cmpi eq, %iota3A, %eq3A_840 : vector<16xi32>
      %broadcast_in_dim3A_842 = vector.broadcast %reduce_sum3A_838 : f32 to vector<16xf32>
      %select_n3A_843 = arith.select %eq3A_841, %broadcast_in_dim3A_842, %select_n3A_799 : vector<16xi1>, vector<16xf32>
      %add3A_844 = arith.constant 7 : i32
      %add3A_845 = arith.addi %mul3A_538, %add3A_844 : i32
      %broadcast_in_dim3A_846 = arith.constant 0.000000e+00 : f32
      %broadcast_in_dim3A_847 = vector.broadcast %broadcast_in_dim3A_846 : f32 to vector<16xf32>
      %broadcast_in_dim3A_848 = arith.constant 0.000000e+00 : f32
      %broadcast_in_dim3A_849 = vector.broadcast %broadcast_in_dim3A_848 : f32 to vector<16xf32>
      %get3A_850 = arith.index_cast %add3A_845 : i32 to index
      %get3A_851 = arith.constant 0 : index
      %get3A_852 = tpu.vector_load %arg16[%get3A_850, %get3A_851] {strides = array<i32>} : memref<512x128xbf16, #tpu.memory_space<vmem>>, vector<32xbf16>,
      %bitcast3A_853 = vector.bitcast %get3A_852 : vector<32xbf16> to vector<16xi32>
      %shift_left3A_854 = arith.constant 16 : i32
      %shift_left3A_855 = vector.broadcast %shift_left3A_854 : i32 to vector<16xi32>
      %shift_left3A_856 = arith.shli %bitcast3A_853, %shift_left3A_855 : vector<16xi32>
      %bitcast3A_857 = vector.bitcast %shift_left3A_856 : vector<16xi32> to vector<16xf32>
      %and3A_858 = arith.andi %bitcast3A_853, %broadcast_in_dim3A_253 : vector<16xi32>
      %bitcast3A_859 = vector.bitcast %and3A_858 : vector<16xi32> to vector<16xf32>
      %mul3A_860 = arith.mulf %bitcast3A_857, %get3A_523 : vector<16xf32>
      %add3A_861 = arith.addf %broadcast_in_dim3A_847, %mul3A_860 : vector<16xf32>
      %mul3A_862 = arith.mulf %bitcast3A_859, %get3A_527 : vector<16xf32>
      %add3A_863 = arith.addf %broadcast_in_dim3A_849, %mul3A_862 : vector<16xf32>
      %get3A_864 = arith.index_cast %add3A_845 : i32 to index
      %get3A_865 = arith.constant 32 : index
      %get3A_866 = tpu.vector_load %arg16[%get3A_864, %get3A_865] {strides = array<i32>} : memref<512x128xbf16, #tpu.memory_space<vmem>>, vector<32xbf16>,
      %bitcast3A_867 = vector.bitcast %get3A_866 : vector<32xbf16> to vector<16xi32>
      %shift_left3A_868 = arith.constant 16 : i32
      %shift_left3A_869 = vector.broadcast %shift_left3A_868 : i32 to vector<16xi32>
      %shift_left3A_870 = arith.shli %bitcast3A_867, %shift_left3A_869 : vector<16xi32>
      %bitcast3A_871 = vector.bitcast %shift_left3A_870 : vector<16xi32> to vector<16xf32>
      %and3A_872 = arith.andi %bitcast3A_867, %broadcast_in_dim3A_253 : vector<16xi32>
      %bitcast3A_873 = vector.bitcast %and3A_872 : vector<16xi32> to vector<16xf32>
      %mul3A_874 = arith.mulf %bitcast3A_871, %get3A_525 : vector<16xf32>
      %add3A_875 = arith.addf %add3A_861, %mul3A_874 : vector<16xf32>
      %mul3A_876 = arith.mulf %bitcast3A_873, %get3A_529 : vector<16xf32>
      %add3A_877 = arith.addf %add3A_863, %mul3A_876 : vector<16xf32>
      %add3A_878 = arith.addf %add3A_875, %add3A_877 : vector<16xf32>
      %reduce_sum3A_879 = arith.constant true
      %reduce_sum3A_880 = vector.broadcast %reduce_sum3A_879 : i1 to vector<16xi1>
      %reduce_sum3A_881 = tpu.scan <sum>, %add3A_878 masked %reduce_sum3A_880 : vector<16xf32>, vector<16xi1> -> vector<16xf32>
      %reduce_sum3A_882 = vector.extract %reduce_sum3A_881[15] : f32 from vector<16xf32>
      %eq3A_883 = arith.constant 7 : i32
      %eq3A_884 = vector.broadcast %eq3A_883 : i32 to vector<16xi32>
      %eq3A_885 = arith.cmpi eq, %iota3A, %eq3A_884 : vector<16xi32>
      %broadcast_in_dim3A_886 = vector.broadcast %reduce_sum3A_882 : f32 to vector<16xf32>
      %select_n3A_887 = arith.select %eq3A_885, %broadcast_in_dim3A_886, %select_n3A_843 : vector<16xi1>, vector<16xf32>
      %add3A_888 = arith.constant 8 : i32
      %add3A_889 = arith.addi %mul3A_538, %add3A_888 : i32
      %broadcast_in_dim3A_890 = arith.constant 0.000000e+00 : f32
      %broadcast_in_dim3A_891 = vector.broadcast %broadcast_in_dim3A_890 : f32 to vector<16xf32>
      %broadcast_in_dim3A_892 = arith.constant 0.000000e+00 : f32
      %broadcast_in_dim3A_893 = vector.broadcast %broadcast_in_dim3A_892 : f32 to vector<16xf32>
      %get3A_894 = arith.index_cast %add3A_889 : i32 to index
      %get3A_895 = arith.constant 0 : index
      %get3A_896 = tpu.vector_load %arg16[%get3A_894, %get3A_895] {strides = array<i32>} : memref<512x128xbf16, #tpu.memory_space<vmem>>, vector<32xbf16>,
      %bitcast3A_897 = vector.bitcast %get3A_896 : vector<32xbf16> to vector<16xi32>
      %shift_left3A_898 = arith.constant 16 : i32
      %shift_left3A_899 = vector.broadcast %shift_left3A_898 : i32 to vector<16xi32>
      %shift_left3A_900 = arith.shli %bitcast3A_897, %shift_left3A_899 : vector<16xi32>
      %bitcast3A_901 = vector.bitcast %shift_left3A_900 : vector<16xi32> to vector<16xf32>
      %and3A_902 = arith.andi %bitcast3A_897, %broadcast_in_dim3A_253 : vector<16xi32>
      %bitcast3A_903 = vector.bitcast %and3A_902 : vector<16xi32> to vector<16xf32>
      %mul3A_904 = arith.mulf %bitcast3A_901, %get3A_523 : vector<16xf32>
      %add3A_905 = arith.addf %broadcast_in_dim3A_891, %mul3A_904 : vector<16xf32>
      %mul3A_906 = arith.mulf %bitcast3A_903, %get3A_527 : vector<16xf32>
      %add3A_907 = arith.addf %broadcast_in_dim3A_893, %mul3A_906 : vector<16xf32>
      %get3A_908 = arith.index_cast %add3A_889 : i32 to index
      %get3A_909 = arith.constant 32 : index
      %get3A_910 = tpu.vector_load %arg16[%get3A_908, %get3A_909] {strides = array<i32>} : memref<512x128xbf16, #tpu.memory_space<vmem>>, vector<32xbf16>,
      %bitcast3A_911 = vector.bitcast %get3A_910 : vector<32xbf16> to vector<16xi32>
      %shift_left3A_912 = arith.constant 16 : i32
      %shift_left3A_913 = vector.broadcast %shift_left3A_912 : i32 to vector<16xi32>
      %shift_left3A_914 = arith.shli %bitcast3A_911, %shift_left3A_913 : vector<16xi32>
      %bitcast3A_915 = vector.bitcast %shift_left3A_914 : vector<16xi32> to vector<16xf32>
      %and3A_916 = arith.andi %bitcast3A_911, %broadcast_in_dim3A_253 : vector<16xi32>
      %bitcast3A_917 = vector.bitcast %and3A_916 : vector<16xi32> to vector<16xf32>
      %mul3A_918 = arith.mulf %bitcast3A_915, %get3A_525 : vector<16xf32>
      %add3A_919 = arith.addf %add3A_905, %mul3A_918 : vector<16xf32>
      %mul3A_920 = arith.mulf %bitcast3A_917, %get3A_529 : vector<16xf32>
      %add3A_921 = arith.addf %add3A_907, %mul3A_920 : vector<16xf32>
      %add3A_922 = arith.addf %add3A_919, %add3A_921 : vector<16xf32>
      %reduce_sum3A_923 = arith.constant true
      %reduce_sum3A_924 = vector.broadcast %reduce_sum3A_923 : i1 to vector<16xi1>
      %reduce_sum3A_925 = tpu.scan <sum>, %add3A_922 masked %reduce_sum3A_924 : vector<16xf32>, vector<16xi1> -> vector<16xf32>
      %reduce_sum3A_926 = vector.extract %reduce_sum3A_925[15] : f32 from vector<16xf32>
      %eq3A_927 = arith.constant 8 : i32
      %eq3A_928 = vector.broadcast %eq3A_927 : i32 to vector<16xi32>
      %eq3A_929 = arith.cmpi eq, %iota3A, %eq3A_928 : vector<16xi32>
      %broadcast_in_dim3A_930 = vector.broadcast %reduce_sum3A_926 : f32 to vector<16xf32>
      %select_n3A_931 = arith.select %eq3A_929, %broadcast_in_dim3A_930, %select_n3A_887 : vector<16xi1>, vector<16xf32>
      %add3A_932 = arith.constant 9 : i32
      %add3A_933 = arith.addi %mul3A_538, %add3A_932 : i32
      %broadcast_in_dim3A_934 = arith.constant 0.000000e+00 : f32
      %broadcast_in_dim3A_935 = vector.broadcast %broadcast_in_dim3A_934 : f32 to vector<16xf32>
      %broadcast_in_dim3A_936 = arith.constant 0.000000e+00 : f32
      %broadcast_in_dim3A_937 = vector.broadcast %broadcast_in_dim3A_936 : f32 to vector<16xf32>
      %get3A_938 = arith.index_cast %add3A_933 : i32 to index
      %get3A_939 = arith.constant 0 : index
      %get3A_940 = tpu.vector_load %arg16[%get3A_938, %get3A_939] {strides = array<i32>} : memref<512x128xbf16, #tpu.memory_space<vmem>>, vector<32xbf16>,
      %bitcast3A_941 = vector.bitcast %get3A_940 : vector<32xbf16> to vector<16xi32>
      %shift_left3A_942 = arith.constant 16 : i32
      %shift_left3A_943 = vector.broadcast %shift_left3A_942 : i32 to vector<16xi32>
      %shift_left3A_944 = arith.shli %bitcast3A_941, %shift_left3A_943 : vector<16xi32>
      %bitcast3A_945 = vector.bitcast %shift_left3A_944 : vector<16xi32> to vector<16xf32>
      %and3A_946 = arith.andi %bitcast3A_941, %broadcast_in_dim3A_253 : vector<16xi32>
      %bitcast3A_947 = vector.bitcast %and3A_946 : vector<16xi32> to vector<16xf32>
      %mul3A_948 = arith.mulf %bitcast3A_945, %get3A_523 : vector<16xf32>
      %add3A_949 = arith.addf %broadcast_in_dim3A_935, %mul3A_948 : vector<16xf32>
      %mul3A_950 = arith.mulf %bitcast3A_947, %get3A_527 : vector<16xf32>
      %add3A_951 = arith.addf %broadcast_in_dim3A_937, %mul3A_950 : vector<16xf32>
      %get3A_952 = arith.index_cast %add3A_933 : i32 to index
      %get3A_953 = arith.constant 32 : index
      %get3A_954 = tpu.vector_load %arg16[%get3A_952, %get3A_953] {strides = array<i32>} : memref<512x128xbf16, #tpu.memory_space<vmem>>, vector<32xbf16>,
      %bitcast3A_955 = vector.bitcast %get3A_954 : vector<32xbf16> to vector<16xi32>
      %shift_left3A_956 = arith.constant 16 : i32
      %shift_left3A_957 = vector.broadcast %shift_left3A_956 : i32 to vector<16xi32>
      %shift_left3A_958 = arith.shli %bitcast3A_955, %shift_left3A_957 : vector<16xi32>
      %bitcast3A_959 = vector.bitcast %shift_left3A_958 : vector<16xi32> to vector<16xf32>
      %and3A_960 = arith.andi %bitcast3A_955, %broadcast_in_dim3A_253 : vector<16xi32>
      %bitcast3A_961 = vector.bitcast %and3A_960 : vector<16xi32> to vector<16xf32>
      %mul3A_962 = arith.mulf %bitcast3A_959, %get3A_525 : vector<16xf32>
      %add3A_963 = arith.addf %add3A_949, %mul3A_962 : vector<16xf32>
      %mul3A_964 = arith.mulf %bitcast3A_961, %get3A_529 : vector<16xf32>
      %add3A_965 = arith.addf %add3A_951, %mul3A_964 : vector<16xf32>
      %add3A_966 = arith.addf %add3A_963, %add3A_965 : vector<16xf32>
      %reduce_sum3A_967 = arith.constant true
      %reduce_sum3A_968 = vector.broadcast %reduce_sum3A_967 : i1 to vector<16xi1>
      %reduce_sum3A_969 = tpu.scan <sum>, %add3A_966 masked %reduce_sum3A_968 : vector<16xf32>, vector<16xi1> -> vector<16xf32>
      %reduce_sum3A_970 = vector.extract %reduce_sum3A_969[15] : f32 from vector<16xf32>
      %eq3A_971 = arith.constant 9 : i32
      %eq3A_972 = vector.broadcast %eq3A_971 : i32 to vector<16xi32>
      %eq3A_973 = arith.cmpi eq, %iota3A, %eq3A_972 : vector<16xi32>
      %broadcast_in_dim3A_974 = vector.broadcast %reduce_sum3A_970 : f32 to vector<16xf32>
      %select_n3A_975 = arith.select %eq3A_973, %broadcast_in_dim3A_974, %select_n3A_931 : vector<16xi1>, vector<16xf32>
      %add3A_976 = arith.constant 10 : i32
      %add3A_977 = arith.addi %mul3A_538, %add3A_976 : i32
      %broadcast_in_dim3A_978 = arith.constant 0.000000e+00 : f32
      %broadcast_in_dim3A_979 = vector.broadcast %broadcast_in_dim3A_978 : f32 to vector<16xf32>
      %broadcast_in_dim3A_980 = arith.constant 0.000000e+00 : f32
      %broadcast_in_dim3A_981 = vector.broadcast %broadcast_in_dim3A_980 : f32 to vector<16xf32>
      %get3A_982 = arith.index_cast %add3A_977 : i32 to index
      %get3A_983 = arith.constant 0 : index
      %get3A_984 = tpu.vector_load %arg16[%get3A_982, %get3A_983] {strides = array<i32>} : memref<512x128xbf16, #tpu.memory_space<vmem>>, vector<32xbf16>,
      %bitcast3A_985 = vector.bitcast %get3A_984 : vector<32xbf16> to vector<16xi32>
      %shift_left3A_986 = arith.constant 16 : i32
      %shift_left3A_987 = vector.broadcast %shift_left3A_986 : i32 to vector<16xi32>
      %shift_left3A_988 = arith.shli %bitcast3A_985, %shift_left3A_987 : vector<16xi32>
      %bitcast3A_989 = vector.bitcast %shift_left3A_988 : vector<16xi32> to vector<16xf32>
      %and3A_990 = arith.andi %bitcast3A_985, %broadcast_in_dim3A_253 : vector<16xi32>
      %bitcast3A_991 = vector.bitcast %and3A_990 : vector<16xi32> to vector<16xf32>
      %mul3A_992 = arith.mulf %bitcast3A_989, %get3A_523 : vector<16xf32>
      %add3A_993 = arith.addf %broadcast_in_dim3A_979, %mul3A_992 : vector<16xf32>
      %mul3A_994 = arith.mulf %bitcast3A_991, %get3A_527 : vector<16xf32>
      %add3A_995 = arith.addf %broadcast_in_dim3A_981, %mul3A_994 : vector<16xf32>
      %get3A_996 = arith.index_cast %add3A_977 : i32 to index
      %get3A_997 = arith.constant 32 : index
      %get3A_998 = tpu.vector_load %arg16[%get3A_996, %get3A_997] {strides = array<i32>} : memref<512x128xbf16, #tpu.memory_space<vmem>>, vector<32xbf16>,
      %bitcast3A_999 = vector.bitcast %get3A_998 : vector<32xbf16> to vector<16xi32>
      %shift_left3A_1000 = arith.constant 16 : i32
      %shift_left3A_1001 = vector.broadcast %shift_left3A_1000 : i32 to vector<16xi32>
      %shift_left3A_1002 = arith.shli %bitcast3A_999, %shift_left3A_1001 : vector<16xi32>
      %bitcast3A_1003 = vector.bitcast %shift_left3A_1002 : vector<16xi32> to vector<16xf32>
      %and3A_1004 = arith.andi %bitcast3A_999, %broadcast_in_dim3A_253 : vector<16xi32>
      %bitcast3A_1005 = vector.bitcast %and3A_1004 : vector<16xi32> to vector<16xf32>
      %mul3A_1006 = arith.mulf %bitcast3A_1003, %get3A_525 : vector<16xf32>
      %add3A_1007 = arith.addf %add3A_993, %mul3A_1006 : vector<16xf32>
      %mul3A_1008 = arith.mulf %bitcast3A_1005, %get3A_529 : vector<16xf32>
      %add3A_1009 = arith.addf %add3A_995, %mul3A_1008 : vector<16xf32>
      %add3A_1010 = arith.addf %add3A_1007, %add3A_1009 : vector<16xf32>
      %reduce_sum3A_1011 = arith.constant true
      %reduce_sum3A_1012 = vector.broadcast %reduce_sum3A_1011 : i1 to vector<16xi1>
      %reduce_sum3A_1013 = tpu.scan <sum>, %add3A_1010 masked %reduce_sum3A_1012 : vector<16xf32>, vector<16xi1> -> vector<16xf32>
      %reduce_sum3A_1014 = vector.extract %reduce_sum3A_1013[15] : f32 from vector<16xf32>
      %eq3A_1015 = arith.constant 10 : i32
      %eq3A_1016 = vector.broadcast %eq3A_1015 : i32 to vector<16xi32>
      %eq3A_1017 = arith.cmpi eq, %iota3A, %eq3A_1016 : vector<16xi32>
      %broadcast_in_dim3A_1018 = vector.broadcast %reduce_sum3A_1014 : f32 to vector<16xf32>
      %select_n3A_1019 = arith.select %eq3A_1017, %broadcast_in_dim3A_1018, %select_n3A_975 : vector<16xi1>, vector<16xf32>
      %add3A_1020 = arith.constant 11 : i32
      %add3A_1021 = arith.addi %mul3A_538, %add3A_1020 : i32
      %broadcast_in_dim3A_1022 = arith.constant 0.000000e+00 : f32
      %broadcast_in_dim3A_1023 = vector.broadcast %broadcast_in_dim3A_1022 : f32 to vector<16xf32>
      %broadcast_in_dim3A_1024 = arith.constant 0.000000e+00 : f32
      %broadcast_in_dim3A_1025 = vector.broadcast %broadcast_in_dim3A_1024 : f32 to vector<16xf32>
      %get3A_1026 = arith.index_cast %add3A_1021 : i32 to index
      %get3A_1027 = arith.constant 0 : index
      %get3A_1028 = tpu.vector_load %arg16[%get3A_1026, %get3A_1027] {strides = array<i32>} : memref<512x128xbf16, #tpu.memory_space<vmem>>, vector<32xbf16>,
      %bitcast3A_1029 = vector.bitcast %get3A_1028 : vector<32xbf16> to vector<16xi32>
      %shift_left3A_1030 = arith.constant 16 : i32
      %shift_left3A_1031 = vector.broadcast %shift_left3A_1030 : i32 to vector<16xi32>
      %shift_left3A_1032 = arith.shli %bitcast3A_1029, %shift_left3A_1031 : vector<16xi32>
      %bitcast3A_1033 = vector.bitcast %shift_left3A_1032 : vector<16xi32> to vector<16xf32>
      %and3A_1034 = arith.andi %bitcast3A_1029, %broadcast_in_dim3A_253 : vector<16xi32>
      %bitcast3A_1035 = vector.bitcast %and3A_1034 : vector<16xi32> to vector<16xf32>
      %mul3A_1036 = arith.mulf %bitcast3A_1033, %get3A_523 : vector<16xf32>
      %add3A_1037 = arith.addf %broadcast_in_dim3A_1023, %mul3A_1036 : vector<16xf32>
      %mul3A_1038 = arith.mulf %bitcast3A_1035, %get3A_527 : vector<16xf32>
      %add3A_1039 = arith.addf %broadcast_in_dim3A_1025, %mul3A_1038 : vector<16xf32>
      %get3A_1040 = arith.index_cast %add3A_1021 : i32 to index
      %get3A_1041 = arith.constant 32 : index
      %get3A_1042 = tpu.vector_load %arg16[%get3A_1040, %get3A_1041] {strides = array<i32>} : memref<512x128xbf16, #tpu.memory_space<vmem>>, vector<32xbf16>,
      %bitcast3A_1043 = vector.bitcast %get3A_1042 : vector<32xbf16> to vector<16xi32>
      %shift_left3A_1044 = arith.constant 16 : i32
      %shift_left3A_1045 = vector.broadcast %shift_left3A_1044 : i32 to vector<16xi32>
      %shift_left3A_1046 = arith.shli %bitcast3A_1043, %shift_left3A_1045 : vector<16xi32>
      %bitcast3A_1047 = vector.bitcast %shift_left3A_1046 : vector<16xi32> to vector<16xf32>
      %and3A_1048 = arith.andi %bitcast3A_1043, %broadcast_in_dim3A_253 : vector<16xi32>
      %bitcast3A_1049 = vector.bitcast %and3A_1048 : vector<16xi32> to vector<16xf32>
      %mul3A_1050 = arith.mulf %bitcast3A_1047, %get3A_525 : vector<16xf32>
      %add3A_1051 = arith.addf %add3A_1037, %mul3A_1050 : vector<16xf32>
      %mul3A_1052 = arith.mulf %bitcast3A_1049, %get3A_529 : vector<16xf32>
      %add3A_1053 = arith.addf %add3A_1039, %mul3A_1052 : vector<16xf32>
      %add3A_1054 = arith.addf %add3A_1051, %add3A_1053 : vector<16xf32>
      %reduce_sum3A_1055 = arith.constant true
      %reduce_sum3A_1056 = vector.broadcast %reduce_sum3A_1055 : i1 to vector<16xi1>
      %reduce_sum3A_1057 = tpu.scan <sum>, %add3A_1054 masked %reduce_sum3A_1056 : vector<16xf32>, vector<16xi1> -> vector<16xf32>
      %reduce_sum3A_1058 = vector.extract %reduce_sum3A_1057[15] : f32 from vector<16xf32>
      %eq3A_1059 = arith.constant 11 : i32
      %eq3A_1060 = vector.broadcast %eq3A_1059 : i32 to vector<16xi32>
      %eq3A_1061 = arith.cmpi eq, %iota3A, %eq3A_1060 : vector<16xi32>
      %broadcast_in_dim3A_1062 = vector.broadcast %reduce_sum3A_1058 : f32 to vector<16xf32>
      %select_n3A_1063 = arith.select %eq3A_1061, %broadcast_in_dim3A_1062, %select_n3A_1019 : vector<16xi1>, vector<16xf32>
      %add3A_1064 = arith.constant 12 : i32
      %add3A_1065 = arith.addi %mul3A_538, %add3A_1064 : i32
      %broadcast_in_dim3A_1066 = arith.constant 0.000000e+00 : f32
      %broadcast_in_dim3A_1067 = vector.broadcast %broadcast_in_dim3A_1066 : f32 to vector<16xf32>
      %broadcast_in_dim3A_1068 = arith.constant 0.000000e+00 : f32
      %broadcast_in_dim3A_1069 = vector.broadcast %broadcast_in_dim3A_1068 : f32 to vector<16xf32>
      %get3A_1070 = arith.index_cast %add3A_1065 : i32 to index
      %get3A_1071 = arith.constant 0 : index
      %get3A_1072 = tpu.vector_load %arg16[%get3A_1070, %get3A_1071] {strides = array<i32>} : memref<512x128xbf16, #tpu.memory_space<vmem>>, vector<32xbf16>,
      %bitcast3A_1073 = vector.bitcast %get3A_1072 : vector<32xbf16> to vector<16xi32>
      %shift_left3A_1074 = arith.constant 16 : i32
      %shift_left3A_1075 = vector.broadcast %shift_left3A_1074 : i32 to vector<16xi32>
      %shift_left3A_1076 = arith.shli %bitcast3A_1073, %shift_left3A_1075 : vector<16xi32>
      %bitcast3A_1077 = vector.bitcast %shift_left3A_1076 : vector<16xi32> to vector<16xf32>
      %and3A_1078 = arith.andi %bitcast3A_1073, %broadcast_in_dim3A_253 : vector<16xi32>
      %bitcast3A_1079 = vector.bitcast %and3A_1078 : vector<16xi32> to vector<16xf32>
      %mul3A_1080 = arith.mulf %bitcast3A_1077, %get3A_523 : vector<16xf32>
      %add3A_1081 = arith.addf %broadcast_in_dim3A_1067, %mul3A_1080 : vector<16xf32>
      %mul3A_1082 = arith.mulf %bitcast3A_1079, %get3A_527 : vector<16xf32>
      %add3A_1083 = arith.addf %broadcast_in_dim3A_1069, %mul3A_1082 : vector<16xf32>
      %get3A_1084 = arith.index_cast %add3A_1065 : i32 to index
      %get3A_1085 = arith.constant 32 : index
      %get3A_1086 = tpu.vector_load %arg16[%get3A_1084, %get3A_1085] {strides = array<i32>} : memref<512x128xbf16, #tpu.memory_space<vmem>>, vector<32xbf16>,
      %bitcast3A_1087 = vector.bitcast %get3A_1086 : vector<32xbf16> to vector<16xi32>
      %shift_left3A_1088 = arith.constant 16 : i32
      %shift_left3A_1089 = vector.broadcast %shift_left3A_1088 : i32 to vector<16xi32>
      %shift_left3A_1090 = arith.shli %bitcast3A_1087, %shift_left3A_1089 : vector<16xi32>
      %bitcast3A_1091 = vector.bitcast %shift_left3A_1090 : vector<16xi32> to vector<16xf32>
      %and3A_1092 = arith.andi %bitcast3A_1087, %broadcast_in_dim3A_253 : vector<16xi32>
      %bitcast3A_1093 = vector.bitcast %and3A_1092 : vector<16xi32> to vector<16xf32>
      %mul3A_1094 = arith.mulf %bitcast3A_1091, %get3A_525 : vector<16xf32>
      %add3A_1095 = arith.addf %add3A_1081, %mul3A_1094 : vector<16xf32>
      %mul3A_1096 = arith.mulf %bitcast3A_1093, %get3A_529 : vector<16xf32>
      %add3A_1097 = arith.addf %add3A_1083, %mul3A_1096 : vector<16xf32>
      %add3A_1098 = arith.addf %add3A_1095, %add3A_1097 : vector<16xf32>
      %reduce_sum3A_1099 = arith.constant true
      %reduce_sum3A_1100 = vector.broadcast %reduce_sum3A_1099 : i1 to vector<16xi1>
      %reduce_sum3A_1101 = tpu.scan <sum>, %add3A_1098 masked %reduce_sum3A_1100 : vector<16xf32>, vector<16xi1> -> vector<16xf32>
      %reduce_sum3A_1102 = vector.extract %reduce_sum3A_1101[15] : f32 from vector<16xf32>
      %eq3A_1103 = arith.constant 12 : i32
      %eq3A_1104 = vector.broadcast %eq3A_1103 : i32 to vector<16xi32>
      %eq3A_1105 = arith.cmpi eq, %iota3A, %eq3A_1104 : vector<16xi32>
      %broadcast_in_dim3A_1106 = vector.broadcast %reduce_sum3A_1102 : f32 to vector<16xf32>
      %select_n3A_1107 = arith.select %eq3A_1105, %broadcast_in_dim3A_1106, %select_n3A_1063 : vector<16xi1>, vector<16xf32>
      %add3A_1108 = arith.constant 13 : i32
      %add3A_1109 = arith.addi %mul3A_538, %add3A_1108 : i32
      %broadcast_in_dim3A_1110 = arith.constant 0.000000e+00 : f32
      %broadcast_in_dim3A_1111 = vector.broadcast %broadcast_in_dim3A_1110 : f32 to vector<16xf32>
      %broadcast_in_dim3A_1112 = arith.constant 0.000000e+00 : f32
      %broadcast_in_dim3A_1113 = vector.broadcast %broadcast_in_dim3A_1112 : f32 to vector<16xf32>
      %get3A_1114 = arith.index_cast %add3A_1109 : i32 to index
      %get3A_1115 = arith.constant 0 : index
      %get3A_1116 = tpu.vector_load %arg16[%get3A_1114, %get3A_1115] {strides = array<i32>} : memref<512x128xbf16, #tpu.memory_space<vmem>>, vector<32xbf16>,
      %bitcast3A_1117 = vector.bitcast %get3A_1116 : vector<32xbf16> to vector<16xi32>
      %shift_left3A_1118 = arith.constant 16 : i32
      %shift_left3A_1119 = vector.broadcast %shift_left3A_1118 : i32 to vector<16xi32>
      %shift_left3A_1120 = arith.shli %bitcast3A_1117, %shift_left3A_1119 : vector<16xi32>
      %bitcast3A_1121 = vector.bitcast %shift_left3A_1120 : vector<16xi32> to vector<16xf32>
      %and3A_1122 = arith.andi %bitcast3A_1117, %broadcast_in_dim3A_253 : vector<16xi32>
      %bitcast3A_1123 = vector.bitcast %and3A_1122 : vector<16xi32> to vector<16xf32>
      %mul3A_1124 = arith.mulf %bitcast3A_1121, %get3A_523 : vector<16xf32>
      %add3A_1125 = arith.addf %broadcast_in_dim3A_1111, %mul3A_1124 : vector<16xf32>
      %mul3A_1126 = arith.mulf %bitcast3A_1123, %get3A_527 : vector<16xf32>
      %add3A_1127 = arith.addf %broadcast_in_dim3A_1113, %mul3A_1126 : vector<16xf32>
      %get3A_1128 = arith.index_cast %add3A_1109 : i32 to index
      %get3A_1129 = arith.constant 32 : index
      %get3A_1130 = tpu.vector_load %arg16[%get3A_1128, %get3A_1129] {strides = array<i32>} : memref<512x128xbf16, #tpu.memory_space<vmem>>, vector<32xbf16>,
      %bitcast3A_1131 = vector.bitcast %get3A_1130 : vector<32xbf16> to vector<16xi32>
      %shift_left3A_1132 = arith.constant 16 : i32
      %shift_left3A_1133 = vector.broadcast %shift_left3A_1132 : i32 to vector<16xi32>
      %shift_left3A_1134 = arith.shli %bitcast3A_1131, %shift_left3A_1133 : vector<16xi32>
      %bitcast3A_1135 = vector.bitcast %shift_left3A_1134 : vector<16xi32> to vector<16xf32>
      %and3A_1136 = arith.andi %bitcast3A_1131, %broadcast_in_dim3A_253 : vector<16xi32>
      %bitcast3A_1137 = vector.bitcast %and3A_1136 : vector<16xi32> to vector<16xf32>
      %mul3A_1138 = arith.mulf %bitcast3A_1135, %get3A_525 : vector<16xf32>
      %add3A_1139 = arith.addf %add3A_1125, %mul3A_1138 : vector<16xf32>
      %mul3A_1140 = arith.mulf %bitcast3A_1137, %get3A_529 : vector<16xf32>
      %add3A_1141 = arith.addf %add3A_1127, %mul3A_1140 : vector<16xf32>
      %add3A_1142 = arith.addf %add3A_1139, %add3A_1141 : vector<16xf32>
      %reduce_sum3A_1143 = arith.constant true
      %reduce_sum3A_1144 = vector.broadcast %reduce_sum3A_1143 : i1 to vector<16xi1>
      %reduce_sum3A_1145 = tpu.scan <sum>, %add3A_1142 masked %reduce_sum3A_1144 : vector<16xf32>, vector<16xi1> -> vector<16xf32>
      %reduce_sum3A_1146 = vector.extract %reduce_sum3A_1145[15] : f32 from vector<16xf32>
      %eq3A_1147 = arith.constant 13 : i32
      %eq3A_1148 = vector.broadcast %eq3A_1147 : i32 to vector<16xi32>
      %eq3A_1149 = arith.cmpi eq, %iota3A, %eq3A_1148 : vector<16xi32>
      %broadcast_in_dim3A_1150 = vector.broadcast %reduce_sum3A_1146 : f32 to vector<16xf32>
      %select_n3A_1151 = arith.select %eq3A_1149, %broadcast_in_dim3A_1150, %select_n3A_1107 : vector<16xi1>, vector<16xf32>
      %add3A_1152 = arith.constant 14 : i32
      %add3A_1153 = arith.addi %mul3A_538, %add3A_1152 : i32
      %broadcast_in_dim3A_1154 = arith.constant 0.000000e+00 : f32
      %broadcast_in_dim3A_1155 = vector.broadcast %broadcast_in_dim3A_1154 : f32 to vector<16xf32>
      %broadcast_in_dim3A_1156 = arith.constant 0.000000e+00 : f32
      %broadcast_in_dim3A_1157 = vector.broadcast %broadcast_in_dim3A_1156 : f32 to vector<16xf32>
      %get3A_1158 = arith.index_cast %add3A_1153 : i32 to index
      %get3A_1159 = arith.constant 0 : index
      %get3A_1160 = tpu.vector_load %arg16[%get3A_1158, %get3A_1159] {strides = array<i32>} : memref<512x128xbf16, #tpu.memory_space<vmem>>, vector<32xbf16>,
      %bitcast3A_1161 = vector.bitcast %get3A_1160 : vector<32xbf16> to vector<16xi32>
      %shift_left3A_1162 = arith.constant 16 : i32
      %shift_left3A_1163 = vector.broadcast %shift_left3A_1162 : i32 to vector<16xi32>
      %shift_left3A_1164 = arith.shli %bitcast3A_1161, %shift_left3A_1163 : vector<16xi32>
      %bitcast3A_1165 = vector.bitcast %shift_left3A_1164 : vector<16xi32> to vector<16xf32>
      %and3A_1166 = arith.andi %bitcast3A_1161, %broadcast_in_dim3A_253 : vector<16xi32>
      %bitcast3A_1167 = vector.bitcast %and3A_1166 : vector<16xi32> to vector<16xf32>
      %mul3A_1168 = arith.mulf %bitcast3A_1165, %get3A_523 : vector<16xf32>
      %add3A_1169 = arith.addf %broadcast_in_dim3A_1155, %mul3A_1168 : vector<16xf32>
      %mul3A_1170 = arith.mulf %bitcast3A_1167, %get3A_527 : vector<16xf32>
      %add3A_1171 = arith.addf %broadcast_in_dim3A_1157, %mul3A_1170 : vector<16xf32>
      %get3A_1172 = arith.index_cast %add3A_1153 : i32 to index
      %get3A_1173 = arith.constant 32 : index
      %get3A_1174 = tpu.vector_load %arg16[%get3A_1172, %get3A_1173] {strides = array<i32>} : memref<512x128xbf16, #tpu.memory_space<vmem>>, vector<32xbf16>,
      %bitcast3A_1175 = vector.bitcast %get3A_1174 : vector<32xbf16> to vector<16xi32>
      %shift_left3A_1176 = arith.constant 16 : i32
      %shift_left3A_1177 = vector.broadcast %shift_left3A_1176 : i32 to vector<16xi32>
      %shift_left3A_1178 = arith.shli %bitcast3A_1175, %shift_left3A_1177 : vector<16xi32>
      %bitcast3A_1179 = vector.bitcast %shift_left3A_1178 : vector<16xi32> to vector<16xf32>
      %and3A_1180 = arith.andi %bitcast3A_1175, %broadcast_in_dim3A_253 : vector<16xi32>
      %bitcast3A_1181 = vector.bitcast %and3A_1180 : vector<16xi32> to vector<16xf32>
      %mul3A_1182 = arith.mulf %bitcast3A_1179, %get3A_525 : vector<16xf32>
      %add3A_1183 = arith.addf %add3A_1169, %mul3A_1182 : vector<16xf32>
      %mul3A_1184 = arith.mulf %bitcast3A_1181, %get3A_529 : vector<16xf32>
      %add3A_1185 = arith.addf %add3A_1171, %mul3A_1184 : vector<16xf32>
      %add3A_1186 = arith.addf %add3A_1183, %add3A_1185 : vector<16xf32>
      %reduce_sum3A_1187 = arith.constant true
      %reduce_sum3A_1188 = vector.broadcast %reduce_sum3A_1187 : i1 to vector<16xi1>
      %reduce_sum3A_1189 = tpu.scan <sum>, %add3A_1186 masked %reduce_sum3A_1188 : vector<16xf32>, vector<16xi1> -> vector<16xf32>
      %reduce_sum3A_1190 = vector.extract %reduce_sum3A_1189[15] : f32 from vector<16xf32>
      %eq3A_1191 = arith.constant 14 : i32
      %eq3A_1192 = vector.broadcast %eq3A_1191 : i32 to vector<16xi32>
      %eq3A_1193 = arith.cmpi eq, %iota3A, %eq3A_1192 : vector<16xi32>
      %broadcast_in_dim3A_1194 = vector.broadcast %reduce_sum3A_1190 : f32 to vector<16xf32>
      %select_n3A_1195 = arith.select %eq3A_1193, %broadcast_in_dim3A_1194, %select_n3A_1151 : vector<16xi1>, vector<16xf32>
      %add3A_1196 = arith.constant 15 : i32
      %add3A_1197 = arith.addi %mul3A_538, %add3A_1196 : i32
      %broadcast_in_dim3A_1198 = arith.constant 0.000000e+00 : f32
      %broadcast_in_dim3A_1199 = vector.broadcast %broadcast_in_dim3A_1198 : f32 to vector<16xf32>
      %broadcast_in_dim3A_1200 = arith.constant 0.000000e+00 : f32
      %broadcast_in_dim3A_1201 = vector.broadcast %broadcast_in_dim3A_1200 : f32 to vector<16xf32>
      %get3A_1202 = arith.index_cast %add3A_1197 : i32 to index
      %get3A_1203 = arith.constant 0 : index
      %get3A_1204 = tpu.vector_load %arg16[%get3A_1202, %get3A_1203] {strides = array<i32>} : memref<512x128xbf16, #tpu.memory_space<vmem>>, vector<32xbf16>,
      %bitcast3A_1205 = vector.bitcast %get3A_1204 : vector<32xbf16> to vector<16xi32>
      %shift_left3A_1206 = arith.constant 16 : i32
      %shift_left3A_1207 = vector.broadcast %shift_left3A_1206 : i32 to vector<16xi32>
      %shift_left3A_1208 = arith.shli %bitcast3A_1205, %shift_left3A_1207 : vector<16xi32>
      %bitcast3A_1209 = vector.bitcast %shift_left3A_1208 : vector<16xi32> to vector<16xf32>
      %and3A_1210 = arith.andi %bitcast3A_1205, %broadcast_in_dim3A_253 : vector<16xi32>
      %bitcast3A_1211 = vector.bitcast %and3A_1210 : vector<16xi32> to vector<16xf32>
      %mul3A_1212 = arith.mulf %bitcast3A_1209, %get3A_523 : vector<16xf32>
      %add3A_1213 = arith.addf %broadcast_in_dim3A_1199, %mul3A_1212 : vector<16xf32>
      %mul3A_1214 = arith.mulf %bitcast3A_1211, %get3A_527 : vector<16xf32>
      %add3A_1215 = arith.addf %broadcast_in_dim3A_1201, %mul3A_1214 : vector<16xf32>
      %get3A_1216 = arith.index_cast %add3A_1197 : i32 to index
      %get3A_1217 = arith.constant 32 : index
      %get3A_1218 = tpu.vector_load %arg16[%get3A_1216, %get3A_1217] {strides = array<i32>} : memref<512x128xbf16, #tpu.memory_space<vmem>>, vector<32xbf16>,
      %bitcast3A_1219 = vector.bitcast %get3A_1218 : vector<32xbf16> to vector<16xi32>
      %shift_left3A_1220 = arith.constant 16 : i32
      %shift_left3A_1221 = vector.broadcast %shift_left3A_1220 : i32 to vector<16xi32>
      %shift_left3A_1222 = arith.shli %bitcast3A_1219, %shift_left3A_1221 : vector<16xi32>
      %bitcast3A_1223 = vector.bitcast %shift_left3A_1222 : vector<16xi32> to vector<16xf32>
      %and3A_1224 = arith.andi %bitcast3A_1219, %broadcast_in_dim3A_253 : vector<16xi32>
      %bitcast3A_1225 = vector.bitcast %and3A_1224 : vector<16xi32> to vector<16xf32>
      %mul3A_1226 = arith.mulf %bitcast3A_1223, %get3A_525 : vector<16xf32>
      %add3A_1227 = arith.addf %add3A_1213, %mul3A_1226 : vector<16xf32>
      %mul3A_1228 = arith.mulf %bitcast3A_1225, %get3A_529 : vector<16xf32>
      %add3A_1229 = arith.addf %add3A_1215, %mul3A_1228 : vector<16xf32>
      %add3A_1230 = arith.addf %add3A_1227, %add3A_1229 : vector<16xf32>
      %reduce_sum3A_1231 = arith.constant true
      %reduce_sum3A_1232 = vector.broadcast %reduce_sum3A_1231 : i1 to vector<16xi1>
      %reduce_sum3A_1233 = tpu.scan <sum>, %add3A_1230 masked %reduce_sum3A_1232 : vector<16xf32>, vector<16xi1> -> vector<16xf32>
      %reduce_sum3A_1234 = vector.extract %reduce_sum3A_1233[15] : f32 from vector<16xf32>
      %eq3A_1235 = arith.constant 15 : i32
      %eq3A_1236 = vector.broadcast %eq3A_1235 : i32 to vector<16xi32>
      %eq3A_1237 = arith.cmpi eq, %iota3A, %eq3A_1236 : vector<16xi32>
      %broadcast_in_dim3A_1238 = vector.broadcast %reduce_sum3A_1234 : f32 to vector<16xf32>
      %select_n3A_1239 = arith.select %eq3A_1237, %broadcast_in_dim3A_1238, %select_n3A_1195 : vector<16xi1>, vector<16xf32>
      %get3A_1240 = arith.index_cast %mul3A_538 : i32 to index
      %get3A_1241 = tpu.vector_load %arg17[%get3A_1240] {strides = array<i32>} : memref<512xf32, #tpu.memory_space<vmem>>, vector<16xf32>,
      %add3A_1242 = arith.addf %get3A_1241, %select_n3A_1239 : vector<16xf32>
      %swap3A = arith.index_cast %mul3A_538 : i32 to index
      %swap3A_1243 = tpu.vector_load %arg17[%swap3A] {strides = array<i32>} : memref<512xf32, #tpu.memory_space<vmem>>, vector<16xf32>,
      tpu.vector_store %arg17[%swap3A], %add3A_1242 {strides = array<i32>} : memref<512xf32, #tpu.memory_space<vmem>>, vector<16xf32>,
    }
    %scan3A_535 = arith.constant 32 : i32
    "tpu.region"() ({
      %run_scoped3A = tpu.sem_alloc : memref<!tpu.dma_semaphore, #tpu.memory_space<semaphore_mem>>
      %dma_start3A_536 = tpu.memref_slice %arg10[%mul3A_2] : memref<16384xf32, #tpu.memory_space<hbm>> -> memref<512xf32, #tpu.memory_space<hbm>>
      %dma_start3A_537 = tpu.memref_slice %arg10[%mul3A_2] : memref<16384xf32, #tpu.memory_space<hbm>> -> memref<512xf32, #tpu.memory_space<hbm>>
      tpu.enqueue_dma source(%arg17 : memref<512xf32, #tpu.memory_space<vmem>>) target(%dma_start3A_537 : memref<512xf32, #tpu.memory_space<hbm>>) target_semaphore(%run_scoped3A : memref<!tpu.dma_semaphore, #tpu.memory_space<semaphore_mem>>)
      %dma_wait3A_538 = tpu.memref_slice %arg10[%mul3A_2] : memref<16384xf32, #tpu.memory_space<hbm>> -> memref<512xf32, #tpu.memory_space<hbm>>
      %dma_wait3A_539 = tpu.memref_slice %arg10[%mul3A_2] : memref<16384xf32, #tpu.memory_space<hbm>> -> memref<512xf32, #tpu.memory_space<hbm>>
      tpu.wait_dma2 semaphore(%run_scoped3A : memref<!tpu.dma_semaphore, #tpu.memory_space<semaphore_mem>>) src(%arg17 : memref<512xf32, #tpu.memory_space<vmem>>) dst(%dma_wait3A_539 : memref<512xf32, #tpu.memory_space<hbm>>)
      tpu.yield
    }) : () -> ()
    return
  }
}

</mosaic_0001>

<sc_bundles>
// kernel: kernel.3.cloned.1.call-start
scs
__scs_entry_jumppad:
0x0: {  	(pc) =	sbr.rel $0x88, $3  }
0x1: {  	(tag) =	ssettag $0x0;
	lr =	simm.s32 $0x1  }
0x2: {  	[smem:$0x3F98] =	sst lr;
	_ =	strace $0xD0000000  }
0x3: {  	_ = 	snop  }
0x4: {  	_ = 	snop  }
0x5: {  	_ = 	snop  }
0x6: {  	_ = 	snop  }
0x7: {  	_ = 	snop  }
__scs_overlays_trampoline_lowered:
0x8: {  	[smem:$0x3FA7] =	sst s0  }
0x9: {  	[smem:$0x3FA8] =	sst s1  }
0xa: {  	[smem:$0x3FA9] =	sst s2  }
0xb: {  	[smem:$0x3FAA] =	sst s3  }
0xc: {  	[smem:$0x3FAB] =	sst s4  }
0xd: {  	[smem:$0x3FAC] =	sst s5  }
0xe: {  	[smem:$0x3FAD] =	sst s6  }
0xf: {  	[smem:$0x3FAE] =	sst s7  }
0x10: {  	[smem:$0x3FAF] =	sst s8  }
0x11: {  	[smem:$0x3FB0] =	sst s9;
	s0 =	simm.s32 @!p0 $0x0  }
0x12: {  	s1 =	sld [smem:$0x3F96];
	s0 =	simm.s32 @p0 $0x1  }
0x13: {  	[smem:$0x3FB1] =	sst s0;
	s0 =	simm.s32 @!p1 $0x0  }
0x14: {  	s2 =	sld [smem:$0x3F95];
	s0 =	simm.s32 @p1 $0x1  }
0x15: {  	[smem:$0x3FB2] =	sst s0;
	s0 =	simm.s32 @!p2 $0x0  }
0x16: {  	s3 =	sld [smem:$0x3FDB];
	s0 =	simm.s32 @p2 $0x1  }
0x17: {  	s4 =	simm.s32 $0x1BF5;
	[smem:$0x3FB4] =	sst s0  }
0x18: {  	s0 =	sld [smem:$0x3F97];
	_ =	swait.ge [sflag:s4], $0x0  }
0x19: {  	s7 =	sld [smem:$0x3F98]  }
0x1a: {  	s8 =	sadd.s32 $0xFFFFE003, lr  }
0x1b: {  	s9 =	sadd.s32 $0xFFFFFEF7, lr;
	s5 =	simm.s32 $0xFFFFFFFF;
	p2 =	slt.u32 s8, $0xFFFFF086  }
0x1c: {  	p1 =	slt.u32 s9, $0xF7A;
	s5 =	simm.s32 @!p2 $0x0  }
0x1d: {  	s5 =	simm.s32 @p1 $0x1;
	p0 =	seq.s32 s7, s2  }
0x1e: {  	s7 =	smul.u32 @!p0 $0xF7A, s2;
	p2 =	seq.s32 @!p0 s5, $0x0  }
0x1f: {  	s9 =	smul.u32 $0xF7A, s1;
	s8 =	simm.s32 @!p0 $0x1BF5;
	p2 =	por !p2, p0  }
0x20: {  	[sflag:s8] =	ssyncset.s32 @!p0 $0xFFFFF086;
	s6 =	sadd.s32 @!p0 s3, s7;
	s7 =	simm.s32 @!p0 $0x108  }
0x21: {  	s3 =	sadd.s32 s3, s9;
	s6 =	sadd.s32 @!p0 $0x88, s6;
	s7 =	simm.s32 @p2 $0x1082  }
0x22: {  	[simem:s7], [sflag:s8] =	dma.local @!p0 [hbm:s6], $0xF7A  }
0x23: {  	s9 =	sor.u32 $0xD0000000, s2;
	s6 =	simm.s32 $0x108;
	_ =	swait.ge @!p0 [sflag:s8], $0x0  }
0x24: {  	s3 =	sadd.s32 $0x88, s3;
	s6 =	simm.s32 @!p1 $0x1082;
	[sflag:s4] =	ssyncset.s32 $0xFFFFF086  }
0x25: {  	[simem:s6], [sflag:s4] =	dma.local [hbm:s3], $0xF7A  }
0x26: {  	[smem:$0x3F98] =	sst s1;
	(tag) =	ssettag s2;
	_ =	strace s9  }
0x27: {  	s1 =	sld [smem:$0x3FA8]  }
0x28: {  	s2 =	sld [smem:$0x3FA9]  }
0x29: {  	s4 =	sld [smem:$0x3FAB]  }
0x2a: {  	p0 =	seq.s32 s5, $0x0;
	s5 =	sld [smem:$0x3FAC]  }
0x2b: {  	s6 =	sld [smem:$0x3FAD]  }
0x2c: {  	s7 =	sld [smem:$0x3FAE]  }
0x2d: {  	s3 =	simm.s32 $0x108;
	s8 =	sld [smem:$0x3FAF]  }
0x2e: {  	s3 =	simm.s32 @!p0 $0x1082;
	s9 =	sld [smem:$0x3FB0]  }
0x2f: {  	lr =	sadd.s32 s0, s3;
	s0 =	sld [smem:$0x3FA7]  }
0x30: {  	s3 =	sld [smem:$0x3FAA]  }
0x31: {  	[smem:$0x3FB3] =	sst s10  }
0x32: {  	s10 =	sld [smem:$0x3FB1];
	_ =	sdelay $0x3  }
0x33: {  	p0 =	seq.s32 s10, $0x1;
	s10 =	sld [smem:$0x3FB3];
	_ =	sdelay $0x3  }
0x34: {  	[smem:$0x3FB3] =	sst s10  }
0x35: {  	s10 =	sld [smem:$0x3FB2];
	_ =	sdelay $0x3  }
0x36: {  	p1 =	seq.s32 s10, $0x1;
	s10 =	sld [smem:$0x3FB3];
	_ =	sdelay $0x3  }
0x37: {  	[smem:$0x3FB3] =	sst s10  }
0x38: {  	s10 =	sld [smem:$0x3FB4]  }
0x39: {  	_ = 	snop;
	(pc) =	sbr.ind lr, $3  }
0x3a: {  	_ = 	snop  }
0x3b: {  	_ = 	snop  }
0x3c: {  	p2 =	seq.s32 s10, $0x1;
	s10 =	sld [smem:$0x3FB3]  }
0x3d: {  	_ =	shalt  }
0x3e: {  	_ =	shalt  }
0x3f: {  	_ =	shalt  }
0x40: {  	_ =	shalt  }
0x41: {  	_ =	shalt  }
0x42: {  	_ =	shalt  }
0x43: {  	_ =	shalt  }
0x44: {  	_ =	shalt  }
0x45: {  	_ =	shalt  }
0x46: {  	_ =	shalt  }
0x47: {  	_ =	shalt  }
0x48: {  	_ =	shalt  }
0x49: {  	_ =	shalt  }
0x4a: {  	_ =	shalt  }
0x4b: {  	_ =	shalt  }
0x4c: {  	_ =	shalt  }
0x4d: {  	_ =	shalt  }
0x4e: {  	_ =	shalt  }
0x4f: {  	_ =	shalt  }
0x50: {  	_ =	shalt  }
0x51: {  	_ =	shalt  }
0x52: {  	_ =	shalt  }
0x53: {  	_ =	shalt  }
0x54: {  	_ =	shalt  }
0x55: {  	_ =	shalt  }
0x56: {  	_ =	shalt  }
0x57: {  	_ =	shalt  }
0x58: {  	_ =	shalt  }
0x59: {  	_ =	shalt  }
0x5a: {  	_ =	shalt  }
0x5b: {  	_ =	shalt  }
0x5c: {  	_ =	shalt  }
0x5d: {  	_ =	shalt  }
0x5e: {  	_ =	shalt  }
0x5f: {  	_ =	shalt  }
0x60: {  	_ =	shalt  }
0x61: {  	_ =	shalt  }
0x62: {  	_ =	shalt  }
0x63: {  	_ =	shalt  }
0x64: {  	_ =	shalt  }
0x65: {  	_ =	shalt  }
0x66: {  	_ =	shalt  }
0x67: {  	_ =	shalt  }
0x68: {  	_ =	shalt  }
0x69: {  	_ =	shalt  }
0x6a: {  	_ =	shalt  }
0x6b: {  	_ =	shalt  }
0x6c: {  	_ =	shalt  }
0x6d: {  	_ =	shalt  }
0x6e: {  	_ =	shalt  }
0x6f: {  	_ =	shalt  }
0x70: {  	_ =	shalt  }
0x71: {  	_ =	shalt  }
0x72: {  	_ =	shalt  }
0x73: {  	_ =	shalt  }
0x74: {  	_ =	shalt  }
0x75: {  	_ =	shalt  }
0x76: {  	_ =	shalt  }
0x77: {  	_ =	shalt  }
0x78: {  	_ =	shalt  }
0x79: {  	_ =	shalt  }
0x7a: {  	_ =	shalt  }
0x7b: {  	_ =	shalt  }
0x7c: {  	_ =	shalt  }
0x7d: {  	_ =	shalt  }
0x7e: {  	_ =	shalt  }
0x7f: {  	_ =	shalt  }
0x80: {  	_ =	shalt  }
0x81: {  	_ =	shalt  }
0x82: {  	_ =	shalt  }
0x83: {  	_ =	shalt  }
0x84: {  	_ =	shalt  }
0x85: {  	_ =	shalt  }
0x86: {  	_ =	shalt  }
0x87: {  	_ =	shalt  }
.Lfunc_end0:
.L_simem_size_0:
called_computation.2_lowered:
.L_overlay_start_0:
0x88: {  	s2 =	sld [smem:$0x3FD9]  }
0x89: {  	s3 =	sld [smem:$0x3FFE];
	_ =	sdelay $0x1  }
0x8a: {  	s1 =	srdreg.scid  }
0x8b: {  	s0 =	sand.u32 $0x1, s1  }
0x8c: {  	s17 =	sshll.u32 s0, $0xA;
	s2 =	sadd.s32 s3, s2  }
0x8d: {  	s2 =	sadd.s32 s2, s17  }
0x8e: {  	[smem:$0x3FBF] =	sst s2  }
0x8f: {  	_ = 	snop  }
0x90: {  	s2 =	sld [smem:$0x3FC9]  }
0x91: {  	s18 =	sld [smem:$0x3FC8]  }
0x92: {  	s4 =	sld [smem:$0x3FC7]  }
0x93: {  	s5 =	sld [smem:$0x3FC6]  }
0x94: {  	s6 =	sld [smem:$0x3FD0];
	(tm) =	ssettm $0x1  }
0x95: {  	s7 =	sld [smem:$0x3FFB];
	_ =	sdelay $0x3  }
0x96: {  	_ =	strace s7  }
0x97: {  	s7 =	sld [smem:$0x3FFC];
	_ =	sdelay $0x3  }
0x98: {  	_ =	strace s7  }
0x99: {  	s7 =	sld [smem:$0x3FFD];
	_ =	sdelay $0x3  }
0x9a: {  	_ =	strace s7  }
0x9b: {  	_ =	strace $0x8FFFFFFF  }
0x9c: {  	s19 =	sld [smem:$0x3FDB];
	_ =	sdelay $0x1  }
0x9d: {  	s8 =	simm.s32 $_scs_section_size  }
0x9e: {  	s9 =	simm.s32 $_size__tile_overlayer_lowered;
	s10 =	simm.s32 $_tile_overlayer_lowered  }
0x9f: {  	s22 =	simm.s32 $0x1BFF;
	s21 =	sshll.u32 s10, $0x1;
	s7 =	sadd.s32 s8, s19  }
0xa0: {  	s11 =	simm.s32 $0x0;
	s20 =	sshll.u32 s9, $0x1;
	s9 =	sadd.s32 s21, s7  }
0xa1: {  	[timem:s11], [sflag:s22] =	dma.local [hbm:s9], s20  }
0xa2: {  	_ =	swait.ge [sflag:s22], s20  }
0xa3: {  	s8 =	ssub.s32 $0x0, s20;
	[sflag:s22] =	ssyncset.done $0x0  }
0xa4: {  	[sflag:s22] =	ssyncadd.s32 s8;
	_ =	sdelay $0x1  }
0xa5: {  	s23 =	simm.s32 $0x1B8B  }
0xa6: {  	_ =	swait.ge [sflag:s23], $0x1  }
0xa7: {  	[sflag:s23] =	ssyncset.done $0x0  }
0xa8: {  	s25 =	simm.s32 $0x1B8E;
	s24 =	sld [smem:$0x3FFE];
	[sflag:s23] =	ssyncadd.s32 $0xFFFFFFFF  }
0xa9: {  	s26 =	simm.s32 $execute0_lowered;
	[smem:$0x3FD2] =	sst s25  }
0xaa: {  	s9 =	sshll.u32 s26, $0x1;
	_ =	strace $0x8000004C;
	[dreg:$0x1] =	wrdreg $0xFFFFFFFF  }
0xab: {  	s28 =	simm.s32 $_size_execute0_lowered;
	s7 =	sadd.s32 s7, s9;
	[dreg:$0x0] =	wrdreg $0x0  }
0xac: {  	s9 =	sshll.u32 s28, $0x1;
	[dreg:$0x2] =	wrdreg s7  }
0xad: {  	[dreg:$0x3] =	wrdreg s9  }
0xae: {  	[dreg:$0x4] =	wrdreg $0xC0  }
0xaf: {  	_ =	task [dreg:s11], $0x5FFFF  }
0xb0: {  	[dreg:$0x1] =	wrdreg $0xFFFFFFFF  }
0xb1: {  	[dreg:$0x0] =	wrdreg $0x60  }
0xb2: {  	[dreg:$0x2] =	wrdreg s2  }
0xb3: {  	[dreg:$0x3] =	wrdreg s18  }
0xb4: {  	[dreg:$0x4] =	wrdreg s4  }
0xb5: {  	[dreg:$0x5] =	wrdreg s5  }
0xb6: {  	[dreg:$0x6] =	wrdreg s24  }
0xb7: {  	[dreg:$0x7] =	wrdreg s6  }
0xb8: {  	[dreg:$0x8] =	wrdreg $0x9  }
0xb9: {  	_ =	task.clear_ibuf [dreg:s11], $0x9FFFF;
	_ =	strace $0x9000004C  }
0xba: {  	s29 =	simm.s32 $0x9;
	_ =	strace $0x8000004E  }
0xbb: {  	_ =	swait.ge [sflag:s29], $0x1  }
0xbc: {  	[sflag:s29] =	ssyncadd.s32 $0xFFFFFFFF  }
0xbd: {  	_ =	strace $0x9000004E  }
0xbe: {  	_ =	sfence  }
0xbf: {  	s30 =	sld [smem:$0x0];
	_ =	sdelay $0x2  }
0xc0: {  	s31 =	sshll.u32 s1, $0xD;
	s1 =	sshrl.u32 s1, $0x2  }
0xc1: {  	s3 =	sand.u32 $0x4000, s31;
	s1 =	sadd.s32 s1, s30  }
0xc2: {  	s0 =	sor.u32 s3, s0;
	s1 =	sshll.u32 s1, $0x11  }
0xc3: {  	s0 =	sor.u32 s1, s0  }
0xc4: {  	s0 =	sadd.s32 $0x8F2B, s0  }
0xc5: {  	[sflag:s0] =	ssyncadd.remote.s32 $0x1  }
0xc6: {  	_ =	sfence.sel $0xFFFF  }
0xc7: {  	[dreg:$0x0] =	wrdreg $0xFFFFFFFF;
	(pc) =	sbr.abs _section_cstart, $3  }
0xc8: {  	[dreg:$0x1] =	wrdreg $0xFFFFFFFF  }
0xc9: {  	_ =	task.clear_ibuf [dreg:s11], $0x2FFFF;
	_ =	strace $0x9FFFFFFF  }
0xca: {  	(tm) =	ssettm $0x7FFFFFFF  }
0xcb: {  	_ =	shalt  }
tec
execute0_lowered:
.L_overlay_start_1:
0x0: {  	(tag) =	ssettag $0x1  }
0x1: {  	s0 =	rddreg [dreg:$0x0]  }
0x2: {  	s2 =	rddreg [dreg:$0x1]  }
0x3: {  	s6 =	rddreg [dreg:$0x2]  }
0x4: {  	s19 =	rddreg [dreg:$0x3]  }
0x5: {  	s7 =	rddreg [dreg:$0x4]  }
0x6: {  	s20 =	rddreg [dreg:$0x5];
	s1 =	simm.s32 $0x0  }
0x7: {  	s5 =	srdreg.scid;
	s9 =	stileid.u32;
	s24 =	simm.s32 $0x80  }
0x8: {  	s23 =	simm.s32 $0x910;
	s25 =	simm.s32 $0x2910;
	s28 =	simm.s32 $0x6910  }
0x9: {  	s29 =	simm.s32 $0x2;
	s30 =	simm.s32 $0x3;
	s31 =	simm.s32 $0x0  }
0xa: {  	[smem:$0x7FF] =	sst s1;
	s3 =	sadd.s32 $0x7A2000, s7;
	s4 =	sadd.s32 $0x865600, s7  }
0xb: {  	s5 =	sand.u32 $0x1, s5;
	s9 =	sshll.u32 s9, $0x7;
	_ =	strace $0x8000004D  }
0xc: {  	s8 =	ssub.s32 $0x2, s5;
	s10 =	sshll.u32 s5, $0x6;
	s5 =	sadd.s32 $0xE00, s7  }
0xd: {  	s7 =	sadd.s32 $0x7A4000, s7;
	s11 =	sshrl.u32 s8, $0x1;
	s21 =	sor.u32 s10, s9  }
0xe: {  	[dreg:$0x7] =	wrdreg s7;
	s7 =	simm.s32 $0x100;
	s22 =	ssub.s32 s8, s11  }
0xf: {  	s26 =	sadd.s32 s0, s21;
	s8 =	sadd.s32 s2, s21;
	s9 =	sadd.s32 s6, s21  }
0x10: {  	s12 =	sor.u32 $0x10, s21;
	s15 =	sor.u32 $0x20, s21;
	s18 =	sor.u32 $0x30, s21  }
0x11: {  	vm0 =	vmmov $0x1;
	vm1 =	vmmov $0x3;
	vm2 =	vmmov $0x7;
	s19 =	sadd.s32 s19, s21;
	s20 =	sadd.s32 s20, s21;
	[dreg:$0x8] =	wrdreg s26  }
0x12: {  	vm3 =	vmmov $0xf;
	vm4 =	vmmov $0x1f;
	vm5 =	vmmov $0x3f;
	s10 =	sadd.s32 s0, s12;
	s11 =	sadd.s32 s2, s12;
	s12 =	sadd.s32 s6, s12  }
0x13: {  	vm6 =	vmmov $0x7f;
	vm7 =	vmmov $0xff;
	vm8 =	vmmov $0x1ff;
	s13 =	sadd.s32 s0, s15;
	s14 =	sadd.s32 s2, s15;
	s15 =	sadd.s32 s6, s15  }
0x14: {  	vm9 =	vmmov $0x3ff;
	vm10 =	vmmov $0x7ff;
	vm11 =	vmmov $0xfff;
	s16 =	sadd.s32 s0, s18;
	s17 =	sadd.s32 s2, s18;
	s18 =	sadd.s32 s6, s18  }
0x15: {  	vm12 =	vmmov $0x1fff;
	vm13 =	vmmov $0x3fff;
	vm14 =	vmmov $0x7fff;
	s21 =	smax.u32 s22, $0x1;
	s22 =	simm.s32 $0x1;
	s26 =	simm.s32 $0x4910  }
.LBB2_1:
0x16: {  	s0 =	rddreg [dreg:$0x8]  }
0x17: {  	[tilespmem:s1], [sflag:$0x1] =	stream.linear.gather [hbm4b:s0+s1], $0x80, $0x38;
	[tilespmem:$0x8B10] =	vst v63  }
0x18: {  	s6 =	simm.s32 $0x200  }
0x19: {  	[tilespmem:s6], [sflag:$0x1] =	stream.linear.gather [hbm4b:s8+s1], $0x80, $0x38;
	[tilespmem:$0x8B10] =	vst v63  }
0x1a: {  	s2 =	simm.s32 $0x400  }
0x1b: {  	[tilespmem:s2], [sflag:$0x1] =	stream.linear.gather [hbm4b:s9+s1], $0x80, $0x38;
	[tilespmem:$0x8B10] =	vst v63  }
0x1c: {  	_ = 	snop  }
0x1d: {  	[tilespmem:s24], [sflag:$0x1] =	stream.linear.gather [hbm4b:s10+s1], $0x80, $0x38;
	[tilespmem:$0x8B10] =	vst v63  }
0x1e: {  	s6 =	simm.s32 $0x280  }
0x1f: {  	[tilespmem:s6], [sflag:$0x1] =	stream.linear.gather [hbm4b:s11+s1], $0x80, $0x38;
	[tilespmem:$0x8B10] =	vst v63  }
0x20: {  	s2 =	simm.s32 $0x480  }
0x21: {  	[tilespmem:s2], [sflag:$0x1] =	stream.linear.gather [hbm4b:s12+s1], $0x80, $0x38;
	[tilespmem:$0x8B10] =	vst v63  }
0x22: {  	_ = 	snop  }
0x23: {  	[tilespmem:s7], [sflag:$0x1] =	stream.linear.gather [hbm4b:s13+s1], $0x80, $0x38;
	[tilespmem:$0x8B10] =	vst v63  }
0x24: {  	s6 =	simm.s32 $0x300  }
0x25: {  	[tilespmem:s6], [sflag:$0x1] =	stream.linear.gather [hbm4b:s14+s1], $0x80, $0x38;
	[tilespmem:$0x8B10] =	vst v63  }
0x26: {  	s2 =	simm.s32 $0x500  }
0x27: {  	[tilespmem:s2], [sflag:$0x1] =	stream.linear.gather [hbm4b:s15+s1], $0x80, $0x38;
	[tilespmem:$0x8B10] =	vst v63  }
0x28: {  	s6 =	simm.s32 $0x180  }
0x29: {  	[tilespmem:s6], [sflag:$0x1] =	stream.linear.gather [hbm4b:s16+s1], $0x80, $0x38;
	[tilespmem:$0x8B10] =	vst v63  }
0x2a: {  	s2 =	simm.s32 $0x380  }
0x2b: {  	[tilespmem:s2], [sflag:$0x1] =	stream.linear.gather [hbm4b:s17+s1], $0x80, $0x38;
	[tilespmem:$0x8B10] =	vst v63  }
0x2c: {  	s6 =	simm.s32 $0x580  }
0x2d: {  	[tilespmem:s6], [sflag:$0x1] =	stream.linear.gather [hbm4b:s18+s1], $0x80, $0x38;
	[tilespmem:$0x8B10] =	vst v63  }
0x2e: {  	s2 =	simm.s32 $0x600  }
0x2f: {  	[tilespmem:s2], [sflag:$0x1] =	stream.linear.gather [hbm4b:s19+s1], $0x200, $0x38;
	[tilespmem:$0x8B10] =	vst v63  }
0x30: {  	s6 =	rddreg [dreg:$0x7];
	s2 =	simm.s32 $0x800  }
0x31: {  	[tilespmem:s2], [sflag:$0x1] =	stream.linear.gather [hbm4b:s6+s1], $0x110, $0x38;
	[tilespmem:$0x8B10] =	vst v63  }
0x32: {  	_ =	swait.ge [sflag:s22], $0x80  }
0x33: {  	[sflag:s22] =	ssyncset.done $0x0  }
0x34: {  	[sflag:s22] =	ssyncadd.s32 $0xFFFFFF80  }
0x35: {  	_ =	swait.ge [sflag:s22], $0x80  }
0x36: {  	[sflag:s22] =	ssyncset.done $0x0  }
0x37: {  	[sflag:s22] =	ssyncadd.s32 $0xFFFFFF80  }
0x38: {  	_ =	swait.ge [sflag:s22], $0x80  }
0x39: {  	[sflag:s22] =	ssyncset.done $0x0  }
0x3a: {  	[sflag:s22] =	ssyncadd.s32 $0xFFFFFF80  }
0x3b: {  	_ =	swait.ge [sflag:s22], $0x80  }
0x3c: {  	[sflag:s22] =	ssyncset.done $0x0  }
0x3d: {  	[sflag:s22] =	ssyncadd.s32 $0xFFFFFF80  }
0x3e: {  	_ =	swait.ge [sflag:s22], $0x80  }
0x3f: {  	[sflag:s22] =	ssyncset.done $0x0  }
0x40: {  	[sflag:s22] =	ssyncadd.s32 $0xFFFFFF80  }
0x41: {  	_ =	swait.ge [sflag:s22], $0x80  }
0x42: {  	[sflag:s22] =	ssyncset.done $0x0  }
0x43: {  	[sflag:s22] =	ssyncadd.s32 $0xFFFFFF80  }
0x44: {  	_ =	swait.ge [sflag:s22], $0x80  }
0x45: {  	[sflag:s22] =	ssyncset.done $0x0  }
0x46: {  	[sflag:s22] =	ssyncadd.s32 $0xFFFFFF80  }
0x47: {  	_ =	swait.ge [sflag:s22], $0x80  }
0x48: {  	[sflag:s22] =	ssyncset.done $0x0  }
0x49: {  	[sflag:s22] =	ssyncadd.s32 $0xFFFFFF80  }
0x4a: {  	_ =	swait.ge [sflag:s22], $0x80  }
0x4b: {  	[sflag:s22] =	ssyncset.done $0x0  }
0x4c: {  	[sflag:s22] =	ssyncadd.s32 $0xFFFFFF80  }
0x4d: {  	_ =	swait.ge [sflag:s22], $0x80  }
0x4e: {  	[sflag:s22] =	ssyncset.done $0x0  }
0x4f: {  	[sflag:s22] =	ssyncadd.s32 $0xFFFFFF80  }
0x50: {  	_ =	swait.ge [sflag:s22], $0x80  }
0x51: {  	[sflag:s22] =	ssyncset.done $0x0  }
0x52: {  	[sflag:s22] =	ssyncadd.s32 $0xFFFFFF80  }
0x53: {  	_ =	swait.ge [sflag:s22], $0x80  }
0x54: {  	[sflag:s22] =	ssyncset.done $0x0  }
0x55: {  	[sflag:s22] =	ssyncadd.s32 $0xFFFFFF80  }
0x56: {  	_ =	swait.ge [sflag:s22], $0x200  }
0x57: {  	[sflag:s22] =	ssyncset.done $0x0  }
0x58: {  	[sflag:s22] =	ssyncadd.s32 $0xFFFFFE00  }
0x59: {  	_ =	swait.ge [sflag:s22], $0x110  }
0x5a: {  	[sflag:s22] =	ssyncset.done $0x0  }
0x5b: {  	[sflag:s22] =	ssyncadd.s32 $0xFFFFFEF0  }
0x5c: {  	v0 =	vld [tilespmem:$0x8C0]  }
0x5d: {  	v1 =	vld [tilespmem:$0x8D0]  }
0x5e: {  	v2 =	vld [tilespmem:$0x8E0]  }
0x5f: {  	v3 =	vld [tilespmem:$0x8F0];
	_ =	sdelay $0x4  }
0x60: {  	v0 =	vadd.f32 v1, v0;
	v1 =	vadd.f32 v3, v2;
	v2 =	vld [tilespmem:$0x900];
	_ =	sdelay $0x1  }
0x61: {  	v0 =	vadd.f32 v1, v0;
	_ =	sdelay $0x1  }
0x62: {  	(xrf2) =	vadd.scan.msk.f32 $0xffff, v0  }
0x63: {  	(xrf2) =	vadd.scan.msk.f32 $0xffff, v2;
	_ =	sdelay $0x6  }
0x64: {  	s0 =	simm.s32 $0x0  }
0x65: {  	v2 =	vld [tilespmem:s0+$0x600]  }
0x66: {  	v0, _, _ =	vpop (xrf2)  }
0x67: {  	v1, _, _ =	vpop (xrf2)  }
0x68: {  	s2 =	simm.s32 $0x40;
	v0 =	vbroadcast v0, $0xF;
	v1 =	vbroadcast v1, $0xF  }
.LBB2_2:
0x69: {  	p0 =	sne.s32 s2, $0x7C0  }
.Ltmp0:
0x6a: {  	s6 =	sshra.s32 s2, $0x2;
	s2 =	sadd.s32 $0x40, s2;
	v3 =	vmul.f32 v2, v0;
	(pc) =	sbr.rel @p0 .LBB2_2-.Ltmp0, $3  }
0x6b: {  	v2 =	vld [tilespmem:s6+$0x600]  }
0x6c: {  	v3 =	vadd.f32 v3, v1;
	_ =	sdelay $0x1  }
0x6d: {  	[tilespmem:s0+$0x8910] =	vst v3;
	s0 =	smov.u32 s6  }
0x6e: {  	_ = 	snop  }
0x6f: {  	v0 =	vmul.f32 v2, v0;
	_ =	sdelay $0x1  }
0x70: {  	v0 =	vadd.f32 v0, v1;
	_ =	sdelay $0x1  }
0x71: {  	[tilespmem:s0+$0x8910] =	vst v0;
	s0 =	simm.s32 $0x0  }
0x72: {  	[tilespmem:s23], [sflag:$0x2] =	stream.indirect.gather [hbm4b:s3+s24], $0x40, s0, s24, $0xb8;
	[tilespmem:$0x8B10] =	vst v63  }
0x73: {  	_ = 	snop  }
0x74: {  	[tilespmem:s25], [sflag:$0x2] =	stream.indirect.gather [hbm4b:s3+s24], $0x40, s24, s24, $0xb8;
	[tilespmem:$0x8B10] =	vst v63  }
0x75: {  	_ = 	snop  }
0x76: {  	[tilespmem:s26], [sflag:$0x2] =	stream.indirect.gather [hbm4b:s3+s24], $0x40, s7, s24, $0xb8;
	[tilespmem:$0x8B10] =	vst v63  }
0x77: {  	s2 =	simm.s32 $0x180  }
0x78: {  	[tilespmem:s28], [sflag:$0x2] =	stream.indirect.gather [hbm4b:s3+s24], $0x40, s2, s24, $0xb8;
	[tilespmem:$0x8B10] =	vst v63  }
0x79: {  	_ =	swait.ge [sflag:s29], $0x2000  }
0x7a: {  	[sflag:s29] =	ssyncset.done $0x0  }
0x7b: {  	[sflag:s29] =	ssyncadd.s32 $0xFFFFE000  }
0x7c: {  	_ =	swait.ge [sflag:s29], $0x2000  }
0x7d: {  	[sflag:s29] =	ssyncset.done $0x0  }
0x7e: {  	[sflag:s29] =	ssyncadd.s32 $0xFFFFE000  }
0x7f: {  	_ =	swait.ge [sflag:s29], $0x2000  }
0x80: {  	[sflag:s29] =	ssyncset.done $0x0  }
0x81: {  	[sflag:s29] =	ssyncadd.s32 $0xFFFFE000  }
0x82: {  	_ =	swait.ge [sflag:s29], $0x2000  }
0x83: {  	[sflag:s29] =	ssyncset.done $0x0  }
0x84: {  	[sflag:s29] =	ssyncadd.s32 $0xFFFFE000  }
0x85: {  	v3 =	vld [tilespmem:$0x800]  }
0x86: {  	v1 =	vld [tilespmem:$0x820]  }
0x87: {  	s2 =	simm.s32 $0xB10;
	v2 =	vld [tilespmem:$0x810]  }
0x88: {  	v6 =	vld [tilespmem:s2+$0x180]  }
0x89: {  	v7 =	vld [tilespmem:s2+$0x190]  }
0x8a: {  	v10 =	vld [tilespmem:s2+$0x110]  }
0x8b: {  	v0 =	vld [tilespmem:$0x830]  }
0x8c: {  	v12 =	vld [tilespmem:s2+$0xD0]  }
0x8d: {  	v8 =	vshll.u32 v6, $0x10;
	v6 =	vand.u32 $0xFFFF0000, v6  }
0x8e: {  	v13 =	vld [tilespmem:s2+$0x100];
	v11 =	vshll.u32 v7, $0x10;
	v7 =	vand.u32 $0xFFFF0000, v7;
	v8 =	vmul.f32 v8, v3  }
0x8f: {  	v17 =	vld [tilespmem:s2+$0xC0];
	v18 =	vshll.u32 v10, $0x10;
	v10 =	vand.u32 $0xFFFF0000, v10;
	v6 =	vmul.f32 v6, v2  }
0x90: {  	v11 =	vmul.f32 v11, v1;
	v16 =	vmul.f32 v7, v0;
	v14 =	vadd.f32 $0.0e+00, v8  }
0x91: {  	v19 =	vmul.f32 v10, v0;
	v10 =	vand.u32 $0xFFFF0000, v12;
	v15 =	vadd.f32 $0.0e+00, v6  }
0x92: {  	v20 =	vld [tilespmem:s2+$0x90];
	v21 =	vmul.f32 v10, v0;
	v11 =	vadd.f32 v11, v14  }
0x93: {  	v14 =	vadd.f32 v16, v15;
	v15 =	vmul.f32 v18, v1;
	v16 =	vld [tilespmem:s2+$0x140];
	v18 =	vshll.u32 v12, $0x10  }
0x94: {  	v10 =	vand.u32 $0xFFFF0000, v13;
	v12 =	vshll.u32 v17, $0x10;
	v18 =	vmul.f32 v18, v1  }
0x95: {  	v22 =	vld [tilespmem:s2+$0x50];
	v12 =	vmul.f32 v12, v3;
	v14 =	vadd.f32 v14, v11;
	v11 =	vshll.u32 v13, $0x10  }
0x96: {  	v13 =	vand.u32 $0xFFFF0000, v17;
	v17 =	vmul.f32 v10, v2;
	v11 =	vmul.f32 v11, v3  }
0x97: {  	v60 =	vld [tilespmem:s2+$0xFFFFFEC0];
	v23 =	vmul.f32 v13, v2;
	v13 =	vshll.u32 v20, $0x10;
	v26 =	vadd.f32 $0.0e+00, v12  }
0x98: {  	v24 =	vld [tilespmem:s2+$0x10];
	v12 =	vand.u32 $0xFFFF0000, v20;
	v17 =	vadd.f32 $0.0e+00, v17;
	v10 =	vshll.u32 v16, $0x10  }
0x99: {  	v25 =	vadd.f32 $0.0e+00, v11;
	v11 =	vand.u32 $0xFFFF0000, v16;
	v16 =	vld [tilespmem:s2+$0x40];
	v23 =	vadd.f32 $0.0e+00, v23  }
0x9a: {  	v20 =	vshll.u32 v22, $0x10;
	v18 =	vadd.f32 v18, v26;
	v17 =	vadd.f32 v19, v17  }
0x9b: {  	v22 =	vand.u32 $0xFFFF0000, v22;
	v19 =	vld [tilespmem:s2+$0x0];
	v15 =	vadd.f32 v15, v25;
	v21 =	vadd.f32 v21, v23  }
0x9c: {  	v38 =	vld [tilespmem:s2+$0xFFFFFE80];
	v62 =	vand.u32 $0xFFFF0000, v60;
	v20 =	vmul.f32 v20, v1;
	v22 =	vmul.f32 v22, v0  }
0x9d: {  	v23 =	vld [tilespmem:s2+$0x80];
	v17 =	vadd.f32 v17, v15;
	v15 =	vshll.u32 v24, $0x10;
	v25 =	vadd.f32 v21, v18  }
0x9e: {  	v21 =	vld [tilespmem:s2+$0xFFFFFFD0];
	v18 =	vand.u32 $0xFFFF0000, v24;
	v24 =	vmul.f32 v15, v1;
	v15 =	vshll.u32 v16, $0x10  }
0x9f: {  	v26 =	vmul.f32 v18, v0;
	v16 =	vand.u32 $0xFFFF0000, v16;
	v18 =	vmul.f32 v15, v3  }
0xa0: {  	v27 =	vld [tilespmem:s2+$0xFFFFFF90];
	v15 =	vshll.u32 v19, $0x10;
	v19 =	vand.u32 $0xFFFF0000, v19;
	v16 =	vmul.f32 v16, v2  }
0xa1: {  	v40 =	vand.u32 $0xFFFF0000, v38;
	v28 =	vmul.f32 v15, v3;
	v19 =	vmul.f32 v19, v2  }
0xa2: {  	v29 =	vld [tilespmem:s2+$0xFFFFFF80];
	v15 =	vshll.u32 v23, $0x10;
	v30 =	vadd.f32 $0.0e+00, v18;
	v31 =	vadd.f32 $0.0e+00, v16  }
0xa3: {  	v16 =	vand.u32 $0xFFFF0000, v23;
	v23 =	vld [tilespmem:s2+$0xFFFFFF50];
	v18 =	vshll.u32 v21, $0x10;
	v28 =	vadd.f32 $0.0e+00, v28  }
0xa4: {  	v5 =	vld [tilespmem:s2+$0x1C0];
	v32 =	vadd.f32 $0.0e+00, v19;
	v19 =	vand.u32 $0xFFFF0000, v21;
	v20 =	vadd.f32 v20, v30  }
0xa5: {  	v21 =	vadd.f32 v22, v31;
	v22 =	vshll.u32 v27, $0x10;
	v30 =	vld [tilespmem:s2+$0xFFFFFFC0];
	v27 =	vand.u32 $0xFFFF0000, v27  }
0xa6: {  	v24 =	vadd.f32 v24, v28;
	v26 =	vadd.f32 v26, v32;
	v28 =	vld [tilespmem:s2+$0xFFFFFF40];
	v31 =	vmul.f32 v22, v1  }
0xa7: {  	v27 =	vmul.f32 v27, v0;
	v20 =	vadd.f32 v21, v20;
	v21 =	vshll.u32 v29, $0x10  }
0xa8: {  	v34 =	vadd.f32 v26, v24;
	v22 =	vshll.u32 v23, $0x10;
	v26 =	vand.u32 $0xFFFF0000, v29  }
0xa9: {  	v21 =	vmul.f32 v21, v3;
	v23 =	vand.u32 $0xFFFF0000, v23;
	v29 =	vmul.f32 v22, v1  }
0xaa: {  	v7 =	vshll.u32 v5, $0x10;
	v22 =	vmul.f32 v26, v2;
	v26 =	vld [tilespmem:s2+$0xFFFFFED0];
	v59 =	vmul.f32 v23, v0  }
0xab: {  	(xrf2) =	vadd.scan.msk.f32 $0xffff, v14;
	v33 =	vadd.f32 $0.0e+00, v21;
	v21 =	vshll.u32 v30, $0x10;
	v23 =	vshll.u32 v28, $0x10  }
0xac: {  	v14 =	vld [tilespmem:s2+$0xFFFFFE90];
	v28 =	vand.u32 $0xFFFF0000, v28;
	v35 =	vadd.f32 $0.0e+00, v22;
	v36 =	vmul.f32 v23, v3  }
0xad: {  	v4 =	vld [tilespmem:s2+$0x1D0];
	v22 =	vand.u32 $0xFFFF0000, v30;
	v28 =	vmul.f32 v28, v2;
	v30 =	vadd.f32 v31, v33  }
0xae: {  	v9 =	vld [tilespmem:s2+$0x150];
	v39 =	vmul.f32 v62, v2;
	(xrf2) =	vadd.scan.msk.f32 $0xffff, v17;
	v27 =	vadd.f32 v27, v35;
	v31 =	vadd.f32 $0.0e+00, v36  }
0xaf: {  	v40 =	vmul.f32 v40, v2;
	v17 =	vld [tilespmem:s2+$0xFFFFFF00];
	(xrf2) =	vadd.scan.msk.f32 $0xffff, v25;
	v28 =	vadd.f32 $0.0e+00, v28;
	v25 =	vshll.u32 v26, $0x10  }
0xb0: {  	v61 =	vld [tilespmem:s2+$0xFFFFFE10];
	v37 =	vadd.f32 v27, v30;
	v41 =	vmul.f32 v25, v1;
	v25 =	vadd.f32 v29, v31  }
0xb1: {  	v27 =	vadd.f32 v59, v28;
	v28 =	vshll.u32 v14, $0x10;
	v14 =	vand.u32 $0xFFFF0000, v14  }
0xb2: {  	v24 =	vld [tilespmem:s2+$0xFFFFFF10];
	(xrf2) =	vadd.scan.msk.f32 $0xffff, v20;
	v30 =	vmul.f32 v28, v1;
	v28 =	vmul.f32 v14, v0;
	v14 =	vshll.u32 v60, $0x10  }
0xb3: {  	v8 =	vshll.u32 v9, $0x10;
	v6 =	vshll.u32 v4, $0x10;
	v26 =	vand.u32 $0xFFFF0000, v26  }
0xb4: {  	v33 =	vmul.f32 v26, v0;
	v26 =	vshll.u32 v17, $0x10;
	v31 =	vld [tilespmem:s2+$0xFFFFFE50];
	v25 =	vadd.f32 v27, v25  }
0xb5: {  	v35 =	vld [tilespmem:s2+$0xFFFFFE00];
	v27 =	vand.u32 $0xFFFF0000, v17;
	v17 =	vshll.u32 v61, $0x10;
	v63 =	vmul.f32 v14, v3;
	v14, _, _ =	vpop (xrf2);
	(xrf2) =	vadd.scan.msk.f32 $0xffff, v34  }
0xb6: {  	v9 =	vand.u32 $0xFFFF0000, v9;
	v39 =	vadd.f32 $0.0e+00, v39;
	v20 =	vshll.u32 v38, $0x10  }
0xb7: {  	v38 =	vmul.f32 v20, v3;
	v23 =	vshll.u32 v24, $0x10;
	v42 =	vadd.f32 $0.0e+00, v63  }
0xb8: {  	v24 =	vand.u32 $0xFFFF0000, v24;
	v36 =	vand.u32 $0xFFFF0000, v61;
	v29 =	vmul.f32 v17, v1;
	v17, _, _ =	vpop (xrf2);
	(xrf2) =	vadd.scan.msk.f32 $0xffff, v37  }
0xb9: {  	s6 =	simm.s32 $0x40;
	v32 =	vmul.f32 v36, v0;
	v36 =	vld [tilespmem:s2+$0xFFFFFE40];
	v34 =	vshll.u32 v31, $0x10;
	v37 =	vadd.f32 v41, v42;
	v20, _, _ =	vpop (xrf2)  }
.LBB2_4:
0xba: {  	p0 =	sne.s32 s6, $0x7C0;
	v41 =	vshll.u32 v35, $0x10;
	v38 =	vadd.f32 $0.0e+00, v38;
	v33 =	vadd.f32 v33, v39  }
0xbb: {  	v35 =	vand.u32 $0xFFFF0000, v35;
	v39 =	vmul.f32 v41, v3;
	v40 =	vadd.f32 $0.0e+00, v40;
	(xrf2) =	vadd.scan.msk.f32 $0xffff, v25  }
0xbc: {  	v35 =	vmul.f32 v35, v2;
	v41 =	vadd.f32 v30, v38;
	v33 =	vadd.f32 v33, v37;
	v25, _, _ =	vpop (xrf2)  }
0xbd: {  	v31 =	vand.u32 $0xFFFF0000, v31;
	v37 =	vadd.f32 $0.0e+00, v39;
	v28 =	vadd.f32 v28, v40  }
0xbe: {  	v35 =	vadd.f32 $0.0e+00, v35;
	v38 =	vshll.u32 v36, $0x10;
	v36 =	vand.u32 $0xFFFF0000, v36;
	(xrf2) =	vadd.scan.msk.f32 $0xffff, v33  }
0xbf: {  	v33 =	vmul.f32 v38, v3;
	v36 =	vmul.f32 v36, v2;
	v28 =	vadd.f32 v28, v41;
	v30, _, _ =	vpop (xrf2)  }
0xc0: {  	v34 =	vmul.f32 v34, v1;
	v37 =	vadd.f32 v29, v37;
	v32 =	vadd.f32 v32, v35  }
0xc1: {  	v31 =	vmul.f32 v31, v0;
	v33 =	vadd.f32 $0.0e+00, v33;
	v35 =	vadd.f32 $0.0e+00, v36;
	(xrf2) =	vadd.scan.msk.f32 $0xffff, v28  }
0xc2: {  	v26 =	vmul.f32 v26, v3;
	v27 =	vmul.f32 v27, v2;
	v28 =	vadd.f32 v32, v37;
	v29, _, _ =	vpop (xrf2)  }
0xc3: {  	v23 =	vmul.f32 v23, v1;
	v32 =	vadd.f32 v34, v33;
	v33 =	vadd.f32 v31, v35  }
0xc4: {  	v24 =	vmul.f32 v24, v0;
	v26 =	vadd.f32 $0.0e+00, v26;
	v27 =	vadd.f32 $0.0e+00, v27;
	(xrf2) =	vadd.scan.msk.f32 $0xffff, v28  }
0xc5: {  	v21 =	vmul.f32 v21, v3;
	v22 =	vmul.f32 v22, v2;
	v28 =	vadd.f32 v33, v32;
	v31, _, _ =	vpop (xrf2)  }
0xc6: {  	v18 =	vmul.f32 v18, v1;
	v23 =	vadd.f32 v23, v26;
	v26 =	vadd.f32 v24, v27  }
0xc7: {  	v19 =	vmul.f32 v19, v0;
	v21 =	vadd.f32 $0.0e+00, v21;
	v22 =	vadd.f32 $0.0e+00, v22;
	(xrf2) =	vadd.scan.msk.f32 $0xffff, v28  }
0xc8: {  	v15 =	vmul.f32 v15, v3;
	v16 =	vmul.f32 v16, v2;
	v23 =	vadd.f32 v26, v23;
	v24, _, _ =	vpop (xrf2)  }
0xc9: {  	v13 =	vmul.f32 v13, v1;
	v18 =	vadd.f32 v18, v21;
	v21 =	vadd.f32 v19, v22  }
0xca: {  	v12 =	vmul.f32 v12, v0;
	v15 =	vadd.f32 $0.0e+00, v15;
	v16 =	vadd.f32 $0.0e+00, v16;
	(xrf2) =	vadd.scan.msk.f32 $0xffff, v23  }
0xcb: {  	v10 =	vmul.f32 v10, v3;
	v11 =	vmul.f32 v11, v2;
	v18 =	vadd.f32 v21, v18;
	v19, _, _ =	vpop (xrf2)  }
0xcc: {  	v8 =	vmul.f32 v8, v1;
	v15 =	vadd.f32 v13, v15;
	v12 =	vadd.f32 v12, v16  }
0xcd: {  	v9 =	vmul.f32 v9, v0;
	v10 =	vadd.f32 $0.0e+00, v10;
	v11 =	vadd.f32 $0.0e+00, v11;
	(xrf2) =	vadd.scan.msk.f32 $0xffff, v18  }
0xce: {  	v5 =	vand.u32 $0xFFFF0000, v5;
	v7 =	vmul.f32 v7, v3;
	v12 =	vadd.f32 v12, v15;
	v13, _, _ =	vpop (xrf2)  }
0xcf: {  	v5 =	vmul.f32 v5, v2;
	v8 =	vadd.f32 v8, v10;
	v10 =	vadd.f32 v9, v11  }
0xd0: {  	v4 =	vand.u32 $0xFFFF0000, v4;
	v6 =	vmul.f32 v6, v1;
	v7 =	vadd.f32 $0.0e+00, v7;
	(xrf2) =	vadd.scan.msk.f32 $0xffff, v12  }
0xd1: {  	v4 =	vmul.f32 v4, v0;
	v5 =	vadd.f32 $0.0e+00, v5;
	v12 =	vadd.f32 v10, v8;
	v9, _, _ =	vpop (xrf2)  }
0xd2: {  	v10 =	vbroadcast v13, $0xF;
	v9 =	vbroadcast v9, $0xF  }
0xd3: {  	v6 =	vadd.f32 v6, v7;
	v4 =	vadd.f32 v4, v5;
	v11 =	vbroadcast v19, $0xF;
	(xrf2) =	vadd.scan.msk.f32 $0xffff, v12  }
0xd4: {  	v7 =	vbroadcast v24, $0xF;
	v5 =	vsel vm0, v10, v9;
	v8, _, _ =	vpop (xrf2)  }
0xd5: {  	v4 =	vadd.f32 v4, v6;
	v5 =	vsel vm1, v5, v11;
	v9 =	vbroadcast v8, $0xF  }
0xd6: {  	v6 =	vbroadcast v31, $0xF;
	v5 =	vsel vm2, v5, v7  }
0xd7: {  	v5 =	vsel vm3, v5, v9;
	v9 =	vbroadcast v29, $0xF;
	v8, _, _ =	vpop (xrf2);
	(xrf2) =	vadd.scan.msk.f32 $0xffff, v4  }
0xd8: {  	v4 =	vsel vm4, v5, v6;
	v5 =	vbroadcast v8, $0xF  }
0xd9: {  	v6 =	vbroadcast v30, $0xF;
	v4 =	vsel vm5, v4, v9  }
0xda: {  	v4 =	vsel vm6, v4, v5;
	v5 =	vbroadcast v25, $0xF;
	v7, _, _ =	vpop (xrf2)  }
0xdb: {  	v4 =	vsel vm7, v4, v6;
	v6 =	vbroadcast v7, $0xF  }
0xdc: {  	v4 =	vsel vm8, v4, v5;
	v5 =	vbroadcast v20, $0xF  }
0xdd: {  	s7 =	sshra.s32 s0, $0x2;
	s0 =	smov.u32 s6;
	v4 =	vsel vm9, v4, v6;
	v6 =	vbroadcast v17, $0xF;
	v7, _, _ =	vpop (xrf2)  }
0xde: {  	v4 =	vsel vm10, v4, v5;
	v8 =	vbroadcast v7, $0xF;
	v7 =	vld [tilespmem:s7+$0x8910]  }
0xdf: {  	v4 =	vsel vm11, v4, v6;
	v6 =	vbroadcast v14, $0xF  }
0xe0: {  	v4 =	vsel vm12, v4, v8  }
0xe1: {  	v4 =	vsel vm13, v4, v6;
	v5, _, _ =	vpop (xrf2)  }
0xe2: {  	v4 =	vsel vm14, v4, v5  }
0xe3: {  	v4 =	vadd.f32 v4, v7;
	_ =	sdelay $0x1  }
0xe4: {  	s2 =	sadd.s32 $0x400, s2;
	[tilespmem:s7+$0x8910] =	vst v4  }
0xe5: {  	v6 =	vld [tilespmem:s2+$0x180]  }
0xe6: {  	v7 =	vld [tilespmem:s2+$0x190]  }
0xe7: {  	v4 =	vld [tilespmem:s2+$0x1D0]  }
0xe8: {  	v5 =	vld [tilespmem:s2+$0x1C0]  }
0xe9: {  	v9 =	vld [tilespmem:s2+$0x150]  }
0xea: {  	v10 =	vld [tilespmem:s2+$0x110];
	v8 =	vshll.u32 v6, $0x10;
	v6 =	vand.u32 $0xFFFF0000, v6  }
0xeb: {  	v8 =	vmul.f32 v8, v3;
	v6 =	vmul.f32 v6, v2;
	v11 =	vshll.u32 v7, $0x10  }
0xec: {  	v7 =	vand.u32 $0xFFFF0000, v7;
	v12 =	vld [tilespmem:s2+$0xD0];
	v11 =	vmul.f32 v11, v1  }
0xed: {  	v16 =	vmul.f32 v7, v0;
	v13 =	vld [tilespmem:s2+$0x100];
	v14 =	vadd.f32 $0.0e+00, v8;
	v15 =	vadd.f32 $0.0e+00, v6  }
0xee: {  	v7 =	vshll.u32 v5, $0x10;
	v6 =	vshll.u32 v4, $0x10;
	v8 =	vshll.u32 v9, $0x10  }
0xef: {  	v17 =	vld [tilespmem:s2+$0xC0];
	v18 =	vshll.u32 v10, $0x10;
	v11 =	vadd.f32 v11, v14;
	v14 =	vadd.f32 v16, v15  }
0xf0: {  	v9 =	vand.u32 $0xFFFF0000, v9;
	v10 =	vand.u32 $0xFFFF0000, v10;
	v15 =	vmul.f32 v18, v1;
	v16 =	vld [tilespmem:s2+$0x140]  }
0xf1: {  	v19 =	vmul.f32 v10, v0;
	v18 =	vshll.u32 v12, $0x10;
	v14 =	vadd.f32 v14, v11  }
0xf2: {  	v10 =	vand.u32 $0xFFFF0000, v12;
	v20 =	vld [tilespmem:s2+$0x90];
	v18 =	vmul.f32 v18, v1;
	v11 =	vshll.u32 v13, $0x10  }
0xf3: {  	v21 =	vmul.f32 v10, v0;
	v10 =	vand.u32 $0xFFFF0000, v13;
	v11 =	vmul.f32 v11, v3  }
0xf4: {  	v22 =	vld [tilespmem:s2+$0x50];
	v12 =	vshll.u32 v17, $0x10;
	v13 =	vand.u32 $0xFFFF0000, v17;
	v17 =	vmul.f32 v10, v2  }
0xf5: {  	v12 =	vmul.f32 v12, v3;
	v23 =	vmul.f32 v13, v2;
	v10 =	vshll.u32 v16, $0x10  }
0xf6: {  	v25 =	vadd.f32 $0.0e+00, v11;
	v11 =	vand.u32 $0xFFFF0000, v16;
	v24 =	vld [tilespmem:s2+$0x10];
	v17 =	vadd.f32 $0.0e+00, v17  }
0xf7: {  	v16 =	vld [tilespmem:s2+$0x40];
	v13 =	vshll.u32 v20, $0x10;
	v26 =	vadd.f32 $0.0e+00, v12;
	v23 =	vadd.f32 $0.0e+00, v23  }
0xf8: {  	v12 =	vand.u32 $0xFFFF0000, v20;
	v15 =	vadd.f32 v15, v25;
	v17 =	vadd.f32 v19, v17  }
0xf9: {  	v19 =	vld [tilespmem:s2+$0x0];
	v20 =	vshll.u32 v22, $0x10;
	v18 =	vadd.f32 v18, v26;
	v21 =	vadd.f32 v21, v23  }
0xfa: {  	v22 =	vand.u32 $0xFFFF0000, v22;
	v20 =	vmul.f32 v20, v1;
	v23 =	vld [tilespmem:s2+$0x80];
	v17 =	vadd.f32 v17, v15  }
0xfb: {  	v22 =	vmul.f32 v22, v0;
	v15 =	vshll.u32 v24, $0x10;
	v25 =	vadd.f32 v21, v18  }
0xfc: {  	v18 =	vand.u32 $0xFFFF0000, v24;
	v21 =	vld [tilespmem:s2+$0xFFFFFFD0];
	v24 =	vmul.f32 v15, v1;
	v15 =	vshll.u32 v16, $0x10  }
0xfd: {  	v26 =	vmul.f32 v18, v0;
	v16 =	vand.u32 $0xFFFF0000, v16;
	v18 =	vmul.f32 v15, v3  }
0xfe: {  	v16 =	vmul.f32 v16, v2;
	v27 =	vld [tilespmem:s2+$0xFFFFFF90];
	v15 =	vshll.u32 v19, $0x10;
	v19 =	vand.u32 $0xFFFF0000, v19  }
0xff: {  	v28 =	vmul.f32 v15, v3;
	v19 =	vmul.f32 v19, v2;
	v15 =	vshll.u32 v23, $0x10  }
0x100: {  	v30 =	vadd.f32 $0.0e+00, v18;
	v31 =	vadd.f32 $0.0e+00, v16;
	v16 =	vand.u32 $0xFFFF0000, v23;
	v29 =	vld [tilespmem:s2+$0xFFFFFF80]  }
0x101: {  	v23 =	vld [tilespmem:s2+$0xFFFFFF50];
	v18 =	vshll.u32 v21, $0x10;
	v28 =	vadd.f32 $0.0e+00, v28;
	v32 =	vadd.f32 $0.0e+00, v19  }
0x102: {  	v19 =	vand.u32 $0xFFFF0000, v21;
	v20 =	vadd.f32 v20, v30;
	v21 =	vadd.f32 v22, v31  }
0x103: {  	v22 =	vshll.u32 v27, $0x10;
	v30 =	vld [tilespmem:s2+$0xFFFFFFC0];
	v24 =	vadd.f32 v24, v28;
	v26 =	vadd.f32 v26, v32  }
0x104: {  	v27 =	vand.u32 $0xFFFF0000, v27;
	v20 =	vadd.f32 v21, v20;
	v28 =	vld [tilespmem:s2+$0xFFFFFF40];
	v31 =	vmul.f32 v22, v1  }
0x105: {  	v27 =	vmul.f32 v27, v0;
	v21 =	vshll.u32 v29, $0x10;
	v32 =	vadd.f32 v26, v24  }
0x106: {  	v26 =	vand.u32 $0xFFFF0000, v29;
	v24 =	vld [tilespmem:s2+$0xFFFFFF10];
	v22 =	vshll.u32 v23, $0x10;
	v21 =	vmul.f32 v21, v3;
	(xrf2) =	vadd.scan.msk.f32 $0xffff, v14  }
0x107: {  	v14 =	vand.u32 $0xFFFF0000, v23;
	v29 =	vmul.f32 v22, v1;
	v22 =	vmul.f32 v26, v2  }
0x108: {  	v14 =	vmul.f32 v14, v0;
	v26 =	vld [tilespmem:s2+$0xFFFFFED0];
	v33 =	vadd.f32 $0.0e+00, v21;
	v21 =	vshll.u32 v30, $0x10  }
0x109: {  	v23 =	vshll.u32 v28, $0x10;
	v28 =	vand.u32 $0xFFFF0000, v28;
	v34 =	vadd.f32 $0.0e+00, v22;
	(xrf2) =	vadd.scan.msk.f32 $0xffff, v17  }
0x10a: {  	v22 =	vand.u32 $0xFFFF0000, v30;
	v17 =	vld [tilespmem:s2+$0xFFFFFE90];
	v35 =	vmul.f32 v23, v3;
	v28 =	vmul.f32 v28, v2  }
0x10b: {  	v30 =	vadd.f32 v31, v33;
	v36 =	vld [tilespmem:s2+$0xFFFFFF00];
	v23 =	vshll.u32 v24, $0x10;
	v27 =	vadd.f32 v27, v34  }
0x10c: {  	v24 =	vand.u32 $0xFFFF0000, v24;
	v34 =	vld [tilespmem:s2+$0xFFFFFEC0];
	v31 =	vadd.f32 $0.0e+00, v35;
	v28 =	vadd.f32 $0.0e+00, v28;
	(xrf2) =	vadd.scan.msk.f32 $0xffff, v25  }
0x10d: {  	v37 =	vld [tilespmem:s2+$0xFFFFFE10];
	v25 =	vshll.u32 v26, $0x10;
	v26 =	vand.u32 $0xFFFF0000, v26;
	v40 =	vadd.f32 v27, v30  }
0x10e: {  	v41 =	vmul.f32 v25, v1;
	v25 =	vadd.f32 v29, v31;
	v29 =	vadd.f32 v14, v28  }
0x10f: {  	v33 =	vmul.f32 v26, v0;
	v38 =	vld [tilespmem:s2+$0xFFFFFE80];
	v27 =	vshll.u32 v17, $0x10;
	v17 =	vand.u32 $0xFFFF0000, v17;
	(xrf2) =	vadd.scan.msk.f32 $0xffff, v20  }
0x110: {  	v30 =	vmul.f32 v27, v1;
	v28 =	vmul.f32 v17, v0;
	v25 =	vadd.f32 v29, v25;
	v14, _, _ =	vpop (xrf2)  }
0x111: {  	v26 =	vshll.u32 v36, $0x10;
	v27 =	vand.u32 $0xFFFF0000, v36;
	v31 =	vld [tilespmem:s2+$0xFFFFFE50];
	v39 =	vshll.u32 v34, $0x10  }
.Ltmp1:
0x112: {  	v34 =	vand.u32 $0xFFFF0000, v34;
	v35 =	vld [tilespmem:s2+$0xFFFFFE00];
	v20 =	vshll.u32 v37, $0x10;
	v36 =	vmul.f32 v39, v3;
	(xrf2) =	vadd.scan.msk.f32 $0xffff, v32;
	(pc) =	sbr.rel @p0 .LBB2_4-.Ltmp1, $4  }
0x113: {  	v32 =	vand.u32 $0xFFFF0000, v37;
	v43 =	vmul.f32 v34, v2;
	v29 =	vmul.f32 v20, v1;
	v17, _, _ =	vpop (xrf2)  }
0x114: {  	v32 =	vmul.f32 v32, v0;
	v34 =	vshll.u32 v38, $0x10;
	v37 =	vadd.f32 $0.0e+00, v36  }
0x115: {  	v42 =	vand.u32 $0xFFFF0000, v38;
	v39 =	vadd.f32 $0.0e+00, v43;
	v38 =	vmul.f32 v34, v3;
	(xrf2) =	vadd.scan.msk.f32 $0xffff, v40  }
0x116: {  	s6 =	sadd.s32 $0x40, s6;
	v40 =	vmul.f32 v42, v2;
	v36 =	vld [tilespmem:s2+$0xFFFFFE40];
	v34 =	vshll.u32 v31, $0x10;
	v37 =	vadd.f32 v41, v37;
	v20, _, _ =	vpop (xrf2)  }
0x117: {  	v41 =	vshll.u32 v35, $0x10;
	v38 =	vadd.f32 $0.0e+00, v38;
	v33 =	vadd.f32 v33, v39  }
0x118: {  	v62 =	vand.u32 $0xFFFF0000, v35;
	v63 =	vmul.f32 v41, v3;
	v40 =	vadd.f32 $0.0e+00, v40  }
0x119: {  	v31 =	vand.u32 $0xFFFF0000, v31;
	v35 =	vmul.f32 v62, v2;
	v30 =	vadd.f32 v30, v38  }
0x11a: {  	v46 =	vmul.f32 v34, v1;
	v43 =	vadd.f32 $0.0e+00, v63;
	v28 =	vadd.f32 v28, v40  }
0x11b: {  	v35 =	vadd.f32 $0.0e+00, v35;
	v44 =	vshll.u32 v36, $0x10;
	v45 =	vand.u32 $0xFFFF0000, v36  }
0x11c: {  	v38 =	vmul.f32 v44, v3;
	v36 =	vmul.f32 v45, v2;
	v28 =	vadd.f32 v28, v30  }
0x11d: {  	v26 =	vmul.f32 v26, v3;
	v29 =	vadd.f32 v29, v43;
	v30 =	vadd.f32 v32, v35  }
0x11e: {  	v31 =	vmul.f32 v31, v0;
	v47 =	vadd.f32 $0.0e+00, v38;
	v48 =	vadd.f32 $0.0e+00, v36  }
0x11f: {  	v27 =	vmul.f32 v27, v2;
	v33 =	vadd.f32 v33, v37;
	v29 =	vadd.f32 v30, v29  }
0x120: {  	(xrf2) =	vadd.scan.msk.f32 $0xffff, v25;
	v23 =	vmul.f32 v23, v1;
	v25 =	vadd.f32 v46, v47;
	v30 =	vadd.f32 v31, v48  }
0x121: {  	v21 =	vmul.f32 v21, v3;
	v22 =	vmul.f32 v22, v2;
	v26 =	vadd.f32 $0.0e+00, v26;
	(xrf2) =	vadd.scan.msk.f32 $0xffff, v33  }
0x122: {  	v24 =	vmul.f32 v24, v0;
	v27 =	vadd.f32 $0.0e+00, v27;
	(xrf2) =	vadd.scan.msk.f32 $0xffff, v28;
	v25 =	vadd.f32 v30, v25  }
0x123: {  	v19 =	vmul.f32 v19, v0;
	v21 =	vadd.f32 $0.0e+00, v21;
	v22 =	vadd.f32 $0.0e+00, v22;
	(xrf2) =	vadd.scan.msk.f32 $0xffff, v29  }
0x124: {  	v15 =	vmul.f32 v15, v3;
	v16 =	vmul.f32 v16, v2;
	v23 =	vadd.f32 v23, v26;
	(xrf2) =	vadd.scan.msk.f32 $0xffff, v25  }
0x125: {  	v18 =	vmul.f32 v18, v1;
	v24 =	vadd.f32 v24, v27;
	v19 =	vadd.f32 v19, v22  }
0x126: {  	v15 =	vadd.f32 $0.0e+00, v15;
	v16 =	vadd.f32 $0.0e+00, v16  }
0x127: {  	v18 =	vadd.f32 v18, v21;
	v23 =	vadd.f32 v24, v23;
	v21, _, _ =	vpop (xrf2)  }
0x128: {  	v13 =	vmul.f32 v13, v1;
	v22, _, _ =	vpop (xrf2)  }
0x129: {  	v12 =	vmul.f32 v12, v0;
	v18 =	vadd.f32 v19, v18;
	v19, _, _ =	vpop (xrf2);
	(xrf2) =	vadd.scan.msk.f32 $0xffff, v23  }
0x12a: {  	v10 =	vmul.f32 v10, v3;
	v5 =	vand.u32 $0xFFFF0000, v5;
	v13 =	vadd.f32 v13, v15;
	v15, _, _ =	vpop (xrf2)  }
0x12b: {  	v11 =	vmul.f32 v11, v2;
	v4 =	vand.u32 $0xFFFF0000, v4;
	v12 =	vadd.f32 v12, v16;
	v16, _, _ =	vpop (xrf2)  }
0x12c: {  	v8 =	vmul.f32 v8, v1;
	v3 =	vmul.f32 v7, v3;
	v7, _, _ =	vpop (xrf2)  }
0x12d: {  	v9 =	vmul.f32 v9, v0;
	v2 =	vmul.f32 v5, v2;
	v5, _, _ =	vpop (xrf2)  }
0x12e: {  	v0 =	vmul.f32 v4, v0;
	v10 =	vadd.f32 $0.0e+00, v10;
	v11 =	vadd.f32 $0.0e+00, v11;
	(xrf2) =	vadd.scan.msk.f32 $0xffff, v18;
	v4, _, _ =	vpop (xrf2)  }
0x12f: {  	v12 =	vadd.f32 v12, v13;
	v4 =	vbroadcast v4, $0xF  }
0x130: {  	v8 =	vadd.f32 v8, v10;
	v9 =	vadd.f32 v9, v11  }
0x131: {  	v2 =	vadd.f32 $0.0e+00, v2;
	(xrf2) =	vadd.scan.msk.f32 $0xffff, v12;
	v5 =	vbroadcast v5, $0xF  }
0x132: {  	v1 =	vmul.f32 v6, v1;
	v6 =	vadd.f32 v9, v8;
	v3 =	vadd.f32 $0.0e+00, v3  }
0x133: {  	v0 =	vadd.f32 v0, v2;
	v2 =	vsel vm0, v5, v4;
	v4, _, _ =	vpop (xrf2)  }
0x134: {  	v1 =	vadd.f32 v1, v3;
	(xrf2) =	vadd.scan.msk.f32 $0xffff, v6;
	v7 =	vbroadcast v7, $0xF;
	v4 =	vbroadcast v4, $0xF  }
0x135: {  	v3 =	vbroadcast v16, $0xF  }
0x136: {  	v0 =	vadd.f32 v0, v1;
	v2 =	vsel vm1, v2, v7  }
0x137: {  	v1 =	vsel vm2, v2, v3;
	v2 =	vbroadcast v15, $0xF;
	v3 =	vbroadcast v19, $0xF  }
0x138: {  	v1 =	vsel vm3, v1, v4;
	v4, _, _ =	vpop (xrf2)  }
0x139: {  	(xrf2) =	vadd.scan.msk.f32 $0xffff, v0;
	v0 =	vsel vm4, v1, v2;
	v1 =	vbroadcast v4, $0xF  }
0x13a: {  	v2 =	vbroadcast v22, $0xF;
	v0 =	vsel vm5, v0, v3  }
0x13b: {  	v3, _, _ =	vpop (xrf2);
	v0 =	vsel vm6, v0, v1;
	v1 =	vbroadcast v21, $0xF  }
0x13c: {  	v0 =	vsel vm7, v0, v2;
	v2 =	vbroadcast v3, $0xF  }
0x13d: {  	v0 =	vsel vm8, v0, v1;
	v1 =	vbroadcast v20, $0xF  }
0x13e: {  	v3, _, _ =	vpop (xrf2);
	v0 =	vsel vm9, v0, v2  }
0x13f: {  	s0 =	sshra.s32 s0, $0x2;
	v2 =	vbroadcast v17, $0xF;
	v0 =	vsel vm10, v0, v1;
	v1 =	vbroadcast v3, $0xF  }
0x140: {  	v3 =	vld [tilespmem:s0+$0x8910]  }
0x141: {  	v0 =	vsel vm11, v0, v2;
	v2 =	vbroadcast v14, $0xF  }
0x142: {  	v0 =	vsel vm12, v0, v1  }
0x143: {  	v0 =	vsel vm13, v0, v2;
	v1, _, _ =	vpop (xrf2)  }
0x144: {  	v0 =	vsel vm14, v0, v1  }
0x145: {  	v0 =	vadd.f32 v0, v3;
	_ =	sdelay $0x1  }
0x146: {  	s7 =	simm.s32 $0x200;
	[tilespmem:s0+$0x8910] =	vst v0  }
0x147: {  	[tilespmem:s23], [sflag:$0x2] =	stream.indirect.gather [hbm4b:s4+s24], $0x40, s7, s24, $0xb8;
	[tilespmem:$0x8B10] =	vst v63  }
0x148: {  	s2 =	simm.s32 $0x280  }
0x149: {  	[tilespmem:s25], [sflag:$0x2] =	stream.indirect.gather [hbm4b:s4+s24], $0x40, s2, s24, $0xb8;
	[tilespmem:$0x8B10] =	vst v63  }
0x14a: {  	s6 =	simm.s32 $0x300  }
0x14b: {  	[tilespmem:s26], [sflag:$0x2] =	stream.indirect.gather [hbm4b:s4+s24], $0x40, s6, s24, $0xb8;
	[tilespmem:$0x8B10] =	vst v63  }
0x14c: {  	s7 =	simm.s32 $0x380  }
0x14d: {  	[tilespmem:s28], [sflag:$0x2] =	stream.indirect.gather [hbm4b:s4+s24], $0x40, s7, s24, $0xb8;
	[tilespmem:$0x8B10] =	vst v63  }
0x14e: {  	_ =	swait.ge [sflag:s29], $0x2000  }
0x14f: {  	[sflag:s29] =	ssyncset.done $0x0  }
0x150: {  	[sflag:s29] =	ssyncadd.s32 $0xFFFFE000  }
0x151: {  	_ =	swait.ge [sflag:s29], $0x2000  }
0x152: {  	[sflag:s29] =	ssyncset.done $0x0  }
0x153: {  	[sflag:s29] =	ssyncadd.s32 $0xFFFFE000  }
0x154: {  	_ =	swait.ge [sflag:s29], $0x2000  }
0x155: {  	[sflag:s29] =	ssyncset.done $0x0  }
0x156: {  	[sflag:s29] =	ssyncadd.s32 $0xFFFFE000  }
0x157: {  	_ =	swait.ge [sflag:s29], $0x2000  }
0x158: {  	[sflag:s29] =	ssyncset.done $0x0  }
0x159: {  	[sflag:s29] =	ssyncadd.s32 $0xFFFFE000  }
0x15a: {  	v3 =	vld [tilespmem:$0x840]  }
0x15b: {  	v1 =	vld [tilespmem:$0x860]  }
0x15c: {  	s0 =	simm.s32 $0xB10;
	v2 =	vld [tilespmem:$0x850]  }
0x15d: {  	v6 =	vld [tilespmem:s0+$0x180]  }
0x15e: {  	v7 =	vld [tilespmem:s0+$0x190]  }
0x15f: {  	v10 =	vld [tilespmem:s0+$0x110]  }
0x160: {  	v0 =	vld [tilespmem:$0x870]  }
0x161: {  	v12 =	vld [tilespmem:s0+$0xD0]  }
0x162: {  	v8 =	vshll.u32 v6, $0x10;
	v6 =	vand.u32 $0xFFFF0000, v6  }
0x163: {  	v13 =	vld [tilespmem:s0+$0x100];
	v11 =	vshll.u32 v7, $0x10;
	v7 =	vand.u32 $0xFFFF0000, v7;
	v8 =	vmul.f32 v8, v3  }
0x164: {  	v17 =	vld [tilespmem:s0+$0xC0];
	v18 =	vshll.u32 v10, $0x10;
	v10 =	vand.u32 $0xFFFF0000, v10;
	v6 =	vmul.f32 v6, v2  }
0x165: {  	v11 =	vmul.f32 v11, v1;
	v16 =	vmul.f32 v7, v0;
	v14 =	vadd.f32 $0.0e+00, v8  }
0x166: {  	v19 =	vmul.f32 v10, v0;
	v10 =	vand.u32 $0xFFFF0000, v12;
	v15 =	vadd.f32 $0.0e+00, v6  }
0x167: {  	v20 =	vld [tilespmem:s0+$0x90];
	v21 =	vmul.f32 v10, v0;
	v11 =	vadd.f32 v11, v14  }
0x168: {  	v14 =	vadd.f32 v16, v15;
	v15 =	vmul.f32 v18, v1;
	v16 =	vld [tilespmem:s0+$0x140];
	v18 =	vshll.u32 v12, $0x10  }
0x169: {  	v10 =	vand.u32 $0xFFFF0000, v13;
	v12 =	vshll.u32 v17, $0x10;
	v18 =	vmul.f32 v18, v1  }
0x16a: {  	v22 =	vld [tilespmem:s0+$0x50];
	v12 =	vmul.f32 v12, v3;
	v14 =	vadd.f32 v14, v11;
	v11 =	vshll.u32 v13, $0x10  }
0x16b: {  	v13 =	vand.u32 $0xFFFF0000, v17;
	v17 =	vmul.f32 v10, v2;
	v11 =	vmul.f32 v11, v3  }
0x16c: {  	v55 =	vld [tilespmem:s0+$0xFFFFFEC0];
	v23 =	vmul.f32 v13, v2;
	v13 =	vshll.u32 v20, $0x10;
	v26 =	vadd.f32 $0.0e+00, v12  }
0x16d: {  	v24 =	vld [tilespmem:s0+$0x10];
	v12 =	vand.u32 $0xFFFF0000, v20;
	v17 =	vadd.f32 $0.0e+00, v17;
	v10 =	vshll.u32 v16, $0x10  }
0x16e: {  	v25 =	vadd.f32 $0.0e+00, v11;
	v11 =	vand.u32 $0xFFFF0000, v16;
	v16 =	vld [tilespmem:s0+$0x40];
	v23 =	vadd.f32 $0.0e+00, v23  }
0x16f: {  	v20 =	vshll.u32 v22, $0x10;
	v18 =	vadd.f32 v18, v26;
	v17 =	vadd.f32 v19, v17  }
0x170: {  	v22 =	vand.u32 $0xFFFF0000, v22;
	v19 =	vld [tilespmem:s0+$0x0];
	v15 =	vadd.f32 v15, v25;
	v21 =	vadd.f32 v21, v23  }
0x171: {  	v56 =	vld [tilespmem:s0+$0xFFFFFE10];
	v60 =	vand.u32 $0xFFFF0000, v55;
	v20 =	vmul.f32 v20, v1;
	v22 =	vmul.f32 v22, v0  }
0x172: {  	v23 =	vld [tilespmem:s0+$0x80];
	v17 =	vadd.f32 v17, v15;
	v15 =	vshll.u32 v24, $0x10;
	v25 =	vadd.f32 v21, v18  }
0x173: {  	v21 =	vld [tilespmem:s0+$0xFFFFFFD0];
	v18 =	vand.u32 $0xFFFF0000, v24;
	v24 =	vmul.f32 v15, v1;
	v15 =	vshll.u32 v16, $0x10  }
0x174: {  	v26 =	vmul.f32 v18, v0;
	v16 =	vand.u32 $0xFFFF0000, v16;
	v18 =	vmul.f32 v15, v3  }
0x175: {  	v27 =	vld [tilespmem:s0+$0xFFFFFF90];
	v15 =	vshll.u32 v19, $0x10;
	v19 =	vand.u32 $0xFFFF0000, v19;
	v16 =	vmul.f32 v16, v2  }
0x176: {  	v36 =	vand.u32 $0xFFFF0000, v56;
	v28 =	vmul.f32 v15, v3;
	v19 =	vmul.f32 v19, v2  }
0x177: {  	v29 =	vld [tilespmem:s0+$0xFFFFFF80];
	v15 =	vshll.u32 v23, $0x10;
	v30 =	vadd.f32 $0.0e+00, v18;
	v31 =	vadd.f32 $0.0e+00, v16  }
0x178: {  	v16 =	vand.u32 $0xFFFF0000, v23;
	v23 =	vld [tilespmem:s0+$0xFFFFFF50];
	v18 =	vshll.u32 v21, $0x10;
	v28 =	vadd.f32 $0.0e+00, v28  }
0x179: {  	v59 =	vld [tilespmem:s0+$0xFFFFFE80];
	v49 =	vadd.f32 $0.0e+00, v19;
	v19 =	vand.u32 $0xFFFF0000, v21;
	v20 =	vadd.f32 v20, v30  }
0x17a: {  	v21 =	vadd.f32 v22, v31;
	v22 =	vshll.u32 v27, $0x10;
	v30 =	vld [tilespmem:s0+$0xFFFFFFC0];
	v27 =	vand.u32 $0xFFFF0000, v27  }
0x17b: {  	v24 =	vadd.f32 v24, v28;
	v26 =	vadd.f32 v26, v49;
	v28 =	vld [tilespmem:s0+$0xFFFFFF40];
	v31 =	vmul.f32 v22, v1  }
0x17c: {  	v27 =	vmul.f32 v27, v0;
	v20 =	vadd.f32 v21, v20;
	v21 =	vshll.u32 v29, $0x10  }
0x17d: {  	v50 =	vadd.f32 v26, v24;
	v22 =	vshll.u32 v23, $0x10;
	v26 =	vand.u32 $0xFFFF0000, v29  }
0x17e: {  	v5 =	vld [tilespmem:s0+$0x1C0];
	v21 =	vmul.f32 v21, v3;
	v23 =	vand.u32 $0xFFFF0000, v23;
	v29 =	vmul.f32 v22, v1  }
0x17f: {  	v63 =	vand.u32 $0xFFFF0000, v59;
	v22 =	vmul.f32 v26, v2;
	v26 =	vld [tilespmem:s0+$0xFFFFFED0];
	v51 =	vmul.f32 v23, v0  }
0x180: {  	(xrf2) =	vadd.scan.msk.f32 $0xffff, v14;
	v52 =	vadd.f32 $0.0e+00, v21;
	v21 =	vshll.u32 v30, $0x10;
	v23 =	vshll.u32 v28, $0x10  }
0x181: {  	v14 =	vld [tilespmem:s0+$0xFFFFFE90];
	v28 =	vand.u32 $0xFFFF0000, v28;
	v53 =	vadd.f32 $0.0e+00, v22;
	v54 =	vmul.f32 v23, v3  }
0x182: {  	v22 =	vand.u32 $0xFFFF0000, v30;
	v28 =	vmul.f32 v28, v2;
	v30 =	vadd.f32 v31, v52  }
0x183: {  	v7 =	vshll.u32 v5, $0x10;
	(xrf2) =	vadd.scan.msk.f32 $0xffff, v17;
	v27 =	vadd.f32 v27, v53;
	v31 =	vadd.f32 $0.0e+00, v54  }
0x184: {  	v62 =	vmul.f32 v60, v2;
	v17 =	vld [tilespmem:s0+$0xFFFFFF00];
	(xrf2) =	vadd.scan.msk.f32 $0xffff, v25;
	v28 =	vadd.f32 $0.0e+00, v28;
	v25 =	vshll.u32 v26, $0x10  }
0x185: {  	v4 =	vld [tilespmem:s0+$0x1D0];
	v57 =	vadd.f32 v27, v30;
	v58 =	vmul.f32 v25, v1;
	v25 =	vadd.f32 v29, v31  }
0x186: {  	v9 =	vld [tilespmem:s0+$0x150];
	v27 =	vadd.f32 v51, v28;
	v28 =	vshll.u32 v14, $0x10;
	v14 =	vand.u32 $0xFFFF0000, v14  }
0x187: {  	(xrf2) =	vadd.scan.msk.f32 $0xffff, v20;
	v30 =	vmul.f32 v28, v1;
	v28 =	vmul.f32 v14, v0;
	v14 =	vshll.u32 v55, $0x10  }
0x188: {  	v32 =	vmul.f32 v36, v0;
	v40 =	vmul.f32 v63, v2;
	v24 =	vld [tilespmem:s0+$0xFFFFFF10];
	v26 =	vand.u32 $0xFFFF0000, v26  }
0x189: {  	v33 =	vmul.f32 v26, v0;
	v26 =	vshll.u32 v17, $0x10;
	v31 =	vld [tilespmem:s0+$0xFFFFFE50];
	v25 =	vadd.f32 v27, v25  }
0x18a: {  	v35 =	vld [tilespmem:s0+$0xFFFFFE00];
	v27 =	vand.u32 $0xFFFF0000, v17;
	v17 =	vshll.u32 v56, $0x10;
	v61 =	vmul.f32 v14, v3;
	v14, _, _ =	vpop (xrf2);
	(xrf2) =	vadd.scan.msk.f32 $0xffff, v50  }
0x18b: {  	v8 =	vshll.u32 v9, $0x10;
	v6 =	vshll.u32 v4, $0x10;
	v20 =	vshll.u32 v59, $0x10  }
0x18c: {  	v9 =	vand.u32 $0xFFFF0000, v9;
	v39 =	vadd.f32 $0.0e+00, v62;
	v42 =	vadd.f32 $0.0e+00, v61  }
0x18d: {  	v38 =	vmul.f32 v20, v3;
	v23 =	vshll.u32 v24, $0x10;
	v29 =	vmul.f32 v17, v1;
	v17, _, _ =	vpop (xrf2);
	(xrf2) =	vadd.scan.msk.f32 $0xffff, v57  }
0x18e: {  	s2 =	simm.s32 $0x0;
	s6 =	simm.s32 $0x40;
	v36 =	vld [tilespmem:s0+$0xFFFFFE40];
	v24 =	vand.u32 $0xFFFF0000, v24;
	v34 =	vshll.u32 v31, $0x10;
	v37 =	vadd.f32 v58, v42;
	v20, _, _ =	vpop (xrf2)  }
.LBB2_6:
0x18f: {  	p0 =	sne.s32 s6, $0x7C0;
	v41 =	vshll.u32 v35, $0x10;
	v38 =	vadd.f32 $0.0e+00, v38;
	v33 =	vadd.f32 v33, v39  }
0x190: {  	v35 =	vand.u32 $0xFFFF0000, v35;
	v39 =	vmul.f32 v41, v3;
	v40 =	vadd.f32 $0.0e+00, v40;
	(xrf2) =	vadd.scan.msk.f32 $0xffff, v25  }
0x191: {  	v35 =	vmul.f32 v35, v2;
	v41 =	vadd.f32 v30, v38;
	v33 =	vadd.f32 v33, v37;
	v25, _, _ =	vpop (xrf2)  }
0x192: {  	v31 =	vand.u32 $0xFFFF0000, v31;
	v37 =	vadd.f32 $0.0e+00, v39;
	v28 =	vadd.f32 v28, v40  }
0x193: {  	v35 =	vadd.f32 $0.0e+00, v35;
	v38 =	vshll.u32 v36, $0x10;
	v36 =	vand.u32 $0xFFFF0000, v36;
	(xrf2) =	vadd.scan.msk.f32 $0xffff, v33  }
0x194: {  	v33 =	vmul.f32 v38, v3;
	v36 =	vmul.f32 v36, v2;
	v28 =	vadd.f32 v28, v41;
	v30, _, _ =	vpop (xrf2)  }
0x195: {  	v34 =	vmul.f32 v34, v1;
	v37 =	vadd.f32 v29, v37;
	v32 =	vadd.f32 v32, v35  }
0x196: {  	v31 =	vmul.f32 v31, v0;
	v33 =	vadd.f32 $0.0e+00, v33;
	v35 =	vadd.f32 $0.0e+00, v36;
	(xrf2) =	vadd.scan.msk.f32 $0xffff, v28  }
0x197: {  	v26 =	vmul.f32 v26, v3;
	v27 =	vmul.f32 v27, v2;
	v28 =	vadd.f32 v32, v37;
	v29, _, _ =	vpop (xrf2)  }
0x198: {  	v23 =	vmul.f32 v23, v1;
	v32 =	vadd.f32 v34, v33;
	v33 =	vadd.f32 v31, v35  }
0x199: {  	v24 =	vmul.f32 v24, v0;
	v26 =	vadd.f32 $0.0e+00, v26;
	v27 =	vadd.f32 $0.0e+00, v27;
	(xrf2) =	vadd.scan.msk.f32 $0xffff, v28  }
0x19a: {  	v21 =	vmul.f32 v21, v3;
	v22 =	vmul.f32 v22, v2;
	v28 =	vadd.f32 v33, v32;
	v31, _, _ =	vpop (xrf2)  }
0x19b: {  	v18 =	vmul.f32 v18, v1;
	v23 =	vadd.f32 v23, v26;
	v26 =	vadd.f32 v24, v27  }
0x19c: {  	v19 =	vmul.f32 v19, v0;
	v21 =	vadd.f32 $0.0e+00, v21;
	v22 =	vadd.f32 $0.0e+00, v22;
	(xrf2) =	vadd.scan.msk.f32 $0xffff, v28  }
0x19d: {  	v15 =	vmul.f32 v15, v3;
	v16 =	vmul.f32 v16, v2;
	v23 =	vadd.f32 v26, v23;
	v24, _, _ =	vpop (xrf2)  }
0x19e: {  	v13 =	vmul.f32 v13, v1;
	v18 =	vadd.f32 v18, v21;
	v21 =	vadd.f32 v19, v22  }
0x19f: {  	v12 =	vmul.f32 v12, v0;
	v15 =	vadd.f32 $0.0e+00, v15;
	v16 =	vadd.f32 $0.0e+00, v16;
	(xrf2) =	vadd.scan.msk.f32 $0xffff, v23  }
0x1a0: {  	v10 =	vmul.f32 v10, v3;
	v11 =	vmul.f32 v11, v2;
	v18 =	vadd.f32 v21, v18;
	v19, _, _ =	vpop (xrf2)  }
0x1a1: {  	v8 =	vmul.f32 v8, v1;
	v15 =	vadd.f32 v13, v15;
	v12 =	vadd.f32 v12, v16  }
0x1a2: {  	v9 =	vmul.f32 v9, v0;
	v10 =	vadd.f32 $0.0e+00, v10;
	v11 =	vadd.f32 $0.0e+00, v11;
	(xrf2) =	vadd.scan.msk.f32 $0xffff, v18  }
0x1a3: {  	v5 =	vand.u32 $0xFFFF0000, v5;
	v7 =	vmul.f32 v7, v3;
	v12 =	vadd.f32 v12, v15;
	v13, _, _ =	vpop (xrf2)  }
0x1a4: {  	v5 =	vmul.f32 v5, v2;
	v8 =	vadd.f32 v8, v10;
	v10 =	vadd.f32 v9, v11  }
0x1a5: {  	v4 =	vand.u32 $0xFFFF0000, v4;
	v6 =	vmul.f32 v6, v1;
	v7 =	vadd.f32 $0.0e+00, v7;
	(xrf2) =	vadd.scan.msk.f32 $0xffff, v12  }
0x1a6: {  	v4 =	vmul.f32 v4, v0;
	v5 =	vadd.f32 $0.0e+00, v5;
	v12 =	vadd.f32 v10, v8;
	v9, _, _ =	vpop (xrf2)  }
0x1a7: {  	v10 =	vbroadcast v13, $0xF;
	v9 =	vbroadcast v9, $0xF  }
0x1a8: {  	v6 =	vadd.f32 v6, v7;
	v4 =	vadd.f32 v4, v5;
	v11 =	vbroadcast v19, $0xF;
	(xrf2) =	vadd.scan.msk.f32 $0xffff, v12  }
0x1a9: {  	v7 =	vbroadcast v24, $0xF;
	v5 =	vsel vm0, v10, v9;
	v8, _, _ =	vpop (xrf2)  }
0x1aa: {  	v4 =	vadd.f32 v4, v6;
	v5 =	vsel vm1, v5, v11;
	v9 =	vbroadcast v8, $0xF  }
0x1ab: {  	v6 =	vbroadcast v31, $0xF;
	v5 =	vsel vm2, v5, v7  }
0x1ac: {  	v5 =	vsel vm3, v5, v9;
	v9 =	vbroadcast v29, $0xF;
	v8, _, _ =	vpop (xrf2);
	(xrf2) =	vadd.scan.msk.f32 $0xffff, v4  }
0x1ad: {  	v4 =	vsel vm4, v5, v6;
	v5 =	vbroadcast v8, $0xF  }
0x1ae: {  	v6 =	vbroadcast v30, $0xF;
	v4 =	vsel vm5, v4, v9  }
0x1af: {  	v4 =	vsel vm6, v4, v5;
	v5 =	vbroadcast v25, $0xF;
	v7, _, _ =	vpop (xrf2)  }
0x1b0: {  	v4 =	vsel vm7, v4, v6;
	v6 =	vbroadcast v7, $0xF  }
0x1b1: {  	v4 =	vsel vm8, v4, v5;
	v5 =	vbroadcast v20, $0xF  }
0x1b2: {  	s7 =	sshra.s32 s2, $0x2;
	s2 =	smov.u32 s6;
	v4 =	vsel vm9, v4, v6;
	v6 =	vbroadcast v17, $0xF;
	v7, _, _ =	vpop (xrf2)  }
0x1b3: {  	v4 =	vsel vm10, v4, v5;
	v8 =	vbroadcast v7, $0xF;
	v7 =	vld [tilespmem:s7+$0x8910]  }
0x1b4: {  	v4 =	vsel vm11, v4, v6;
	v6 =	vbroadcast v14, $0xF  }
0x1b5: {  	v4 =	vsel vm12, v4, v8  }
0x1b6: {  	v4 =	vsel vm13, v4, v6;
	v5, _, _ =	vpop (xrf2)  }
0x1b7: {  	v4 =	vsel vm14, v4, v5  }
0x1b8: {  	v4 =	vadd.f32 v4, v7;
	_ =	sdelay $0x1  }
0x1b9: {  	s0 =	sadd.s32 $0x400, s0;
	[tilespmem:s7+$0x8910] =	vst v4  }
0x1ba: {  	v6 =	vld [tilespmem:s0+$0x180]  }
0x1bb: {  	v7 =	vld [tilespmem:s0+$0x190]  }
0x1bc: {  	v4 =	vld [tilespmem:s0+$0x1D0]  }
0x1bd: {  	v5 =	vld [tilespmem:s0+$0x1C0]  }
0x1be: {  	v9 =	vld [tilespmem:s0+$0x150]  }
0x1bf: {  	v10 =	vld [tilespmem:s0+$0x110];
	v8 =	vshll.u32 v6, $0x10;
	v6 =	vand.u32 $0xFFFF0000, v6  }
0x1c0: {  	v8 =	vmul.f32 v8, v3;
	v6 =	vmul.f32 v6, v2;
	v11 =	vshll.u32 v7, $0x10  }
0x1c1: {  	v7 =	vand.u32 $0xFFFF0000, v7;
	v12 =	vld [tilespmem:s0+$0xD0];
	v11 =	vmul.f32 v11, v1  }
0x1c2: {  	v16 =	vmul.f32 v7, v0;
	v13 =	vld [tilespmem:s0+$0x100];
	v14 =	vadd.f32 $0.0e+00, v8;
	v15 =	vadd.f32 $0.0e+00, v6  }
0x1c3: {  	v7 =	vshll.u32 v5, $0x10;
	v6 =	vshll.u32 v4, $0x10;
	v8 =	vshll.u32 v9, $0x10  }
0x1c4: {  	v17 =	vld [tilespmem:s0+$0xC0];
	v18 =	vshll.u32 v10, $0x10;
	v11 =	vadd.f32 v11, v14;
	v14 =	vadd.f32 v16, v15  }
0x1c5: {  	v9 =	vand.u32 $0xFFFF0000, v9;
	v10 =	vand.u32 $0xFFFF0000, v10;
	v15 =	vmul.f32 v18, v1;
	v16 =	vld [tilespmem:s0+$0x140]  }
0x1c6: {  	v19 =	vmul.f32 v10, v0;
	v18 =	vshll.u32 v12, $0x10;
	v14 =	vadd.f32 v14, v11  }
0x1c7: {  	v10 =	vand.u32 $0xFFFF0000, v12;
	v20 =	vld [tilespmem:s0+$0x90];
	v18 =	vmul.f32 v18, v1;
	v11 =	vshll.u32 v13, $0x10  }
0x1c8: {  	v21 =	vmul.f32 v10, v0;
	v10 =	vand.u32 $0xFFFF0000, v13;
	v11 =	vmul.f32 v11, v3  }
0x1c9: {  	v22 =	vld [tilespmem:s0+$0x50];
	v12 =	vshll.u32 v17, $0x10;
	v13 =	vand.u32 $0xFFFF0000, v17;
	v17 =	vmul.f32 v10, v2  }
0x1ca: {  	v12 =	vmul.f32 v12, v3;
	v23 =	vmul.f32 v13, v2;
	v10 =	vshll.u32 v16, $0x10  }
0x1cb: {  	v25 =	vadd.f32 $0.0e+00, v11;
	v11 =	vand.u32 $0xFFFF0000, v16;
	v24 =	vld [tilespmem:s0+$0x10];
	v17 =	vadd.f32 $0.0e+00, v17  }
0x1cc: {  	v16 =	vld [tilespmem:s0+$0x40];
	v13 =	vshll.u32 v20, $0x10;
	v26 =	vadd.f32 $0.0e+00, v12;
	v23 =	vadd.f32 $0.0e+00, v23  }
0x1cd: {  	v12 =	vand.u32 $0xFFFF0000, v20;
	v15 =	vadd.f32 v15, v25;
	v17 =	vadd.f32 v19, v17  }
0x1ce: {  	v19 =	vld [tilespmem:s0+$0x0];
	v20 =	vshll.u32 v22, $0x10;
	v18 =	vadd.f32 v18, v26;
	v21 =	vadd.f32 v21, v23  }
0x1cf: {  	v22 =	vand.u32 $0xFFFF0000, v22;
	v20 =	vmul.f32 v20, v1;
	v23 =	vld [tilespmem:s0+$0x80];
	v17 =	vadd.f32 v17, v15  }
0x1d0: {  	v22 =	vmul.f32 v22, v0;
	v15 =	vshll.u32 v24, $0x10;
	v25 =	vadd.f32 v21, v18  }
0x1d1: {  	v18 =	vand.u32 $0xFFFF0000, v24;
	v21 =	vld [tilespmem:s0+$0xFFFFFFD0];
	v24 =	vmul.f32 v15, v1;
	v15 =	vshll.u32 v16, $0x10  }
0x1d2: {  	v26 =	vmul.f32 v18, v0;
	v16 =	vand.u32 $0xFFFF0000, v16;
	v18 =	vmul.f32 v15, v3  }
0x1d3: {  	v16 =	vmul.f32 v16, v2;
	v27 =	vld [tilespmem:s0+$0xFFFFFF90];
	v15 =	vshll.u32 v19, $0x10;
	v19 =	vand.u32 $0xFFFF0000, v19  }
0x1d4: {  	v28 =	vmul.f32 v15, v3;
	v19 =	vmul.f32 v19, v2;
	v15 =	vshll.u32 v23, $0x10  }
0x1d5: {  	v30 =	vadd.f32 $0.0e+00, v18;
	v31 =	vadd.f32 $0.0e+00, v16;
	v16 =	vand.u32 $0xFFFF0000, v23;
	v29 =	vld [tilespmem:s0+$0xFFFFFF80]  }
0x1d6: {  	v23 =	vld [tilespmem:s0+$0xFFFFFF50];
	v18 =	vshll.u32 v21, $0x10;
	v28 =	vadd.f32 $0.0e+00, v28;
	v32 =	vadd.f32 $0.0e+00, v19  }
0x1d7: {  	v19 =	vand.u32 $0xFFFF0000, v21;
	v20 =	vadd.f32 v20, v30;
	v21 =	vadd.f32 v22, v31  }
0x1d8: {  	v22 =	vshll.u32 v27, $0x10;
	v30 =	vld [tilespmem:s0+$0xFFFFFFC0];
	v24 =	vadd.f32 v24, v28;
	v26 =	vadd.f32 v26, v32  }
0x1d9: {  	v27 =	vand.u32 $0xFFFF0000, v27;
	v20 =	vadd.f32 v21, v20;
	v28 =	vld [tilespmem:s0+$0xFFFFFF40];
	v31 =	vmul.f32 v22, v1  }
0x1da: {  	v27 =	vmul.f32 v27, v0;
	v21 =	vshll.u32 v29, $0x10;
	v32 =	vadd.f32 v26, v24  }
0x1db: {  	v26 =	vand.u32 $0xFFFF0000, v29;
	v24 =	vld [tilespmem:s0+$0xFFFFFF10];
	v22 =	vshll.u32 v23, $0x10;
	v21 =	vmul.f32 v21, v3;
	(xrf2) =	vadd.scan.msk.f32 $0xffff, v14  }
0x1dc: {  	v14 =	vand.u32 $0xFFFF0000, v23;
	v29 =	vmul.f32 v22, v1;
	v22 =	vmul.f32 v26, v2  }
0x1dd: {  	v14 =	vmul.f32 v14, v0;
	v26 =	vld [tilespmem:s0+$0xFFFFFED0];
	v33 =	vadd.f32 $0.0e+00, v21;
	v21 =	vshll.u32 v30, $0x10  }
0x1de: {  	v23 =	vshll.u32 v28, $0x10;
	v28 =	vand.u32 $0xFFFF0000, v28;
	v34 =	vadd.f32 $0.0e+00, v22;
	(xrf2) =	vadd.scan.msk.f32 $0xffff, v17  }
0x1df: {  	v22 =	vand.u32 $0xFFFF0000, v30;
	v17 =	vld [tilespmem:s0+$0xFFFFFE90];
	v35 =	vmul.f32 v23, v3;
	v28 =	vmul.f32 v28, v2  }
0x1e0: {  	v30 =	vadd.f32 v31, v33;
	v36 =	vld [tilespmem:s0+$0xFFFFFF00];
	v23 =	vshll.u32 v24, $0x10;
	v27 =	vadd.f32 v27, v34  }
0x1e1: {  	v24 =	vand.u32 $0xFFFF0000, v24;
	v34 =	vld [tilespmem:s0+$0xFFFFFEC0];
	v31 =	vadd.f32 $0.0e+00, v35;
	v28 =	vadd.f32 $0.0e+00, v28;
	(xrf2) =	vadd.scan.msk.f32 $0xffff, v25  }
0x1e2: {  	v37 =	vld [tilespmem:s0+$0xFFFFFE10];
	v25 =	vshll.u32 v26, $0x10;
	v26 =	vand.u32 $0xFFFF0000, v26;
	v40 =	vadd.f32 v27, v30  }
0x1e3: {  	v41 =	vmul.f32 v25, v1;
	v25 =	vadd.f32 v29, v31;
	v29 =	vadd.f32 v14, v28  }
0x1e4: {  	v33 =	vmul.f32 v26, v0;
	v38 =	vld [tilespmem:s0+$0xFFFFFE80];
	v27 =	vshll.u32 v17, $0x10;
	v17 =	vand.u32 $0xFFFF0000, v17;
	(xrf2) =	vadd.scan.msk.f32 $0xffff, v20  }
0x1e5: {  	v30 =	vmul.f32 v27, v1;
	v28 =	vmul.f32 v17, v0;
	v25 =	vadd.f32 v29, v25;
	v14, _, _ =	vpop (xrf2)  }
0x1e6: {  	v26 =	vshll.u32 v36, $0x10;
	v27 =	vand.u32 $0xFFFF0000, v36;
	v31 =	vld [tilespmem:s0+$0xFFFFFE50];
	v39 =	vshll.u32 v34, $0x10  }
.Ltmp2:
0x1e7: {  	v34 =	vand.u32 $0xFFFF0000, v34;
	v35 =	vld [tilespmem:s0+$0xFFFFFE00];
	v20 =	vshll.u32 v37, $0x10;
	v36 =	vmul.f32 v39, v3;
	(xrf2) =	vadd.scan.msk.f32 $0xffff, v32;
	(pc) =	sbr.rel @p0 .LBB2_6-.Ltmp2, $4  }
0x1e8: {  	v32 =	vand.u32 $0xFFFF0000, v37;
	v43 =	vmul.f32 v34, v2;
	v29 =	vmul.f32 v20, v1;
	v17, _, _ =	vpop (xrf2)  }
0x1e9: {  	v32 =	vmul.f32 v32, v0;
	v34 =	vshll.u32 v38, $0x10;
	v37 =	vadd.f32 $0.0e+00, v36  }
0x1ea: {  	v42 =	vand.u32 $0xFFFF0000, v38;
	v39 =	vadd.f32 $0.0e+00, v43;
	v38 =	vmul.f32 v34, v3;
	(xrf2) =	vadd.scan.msk.f32 $0xffff, v40  }
0x1eb: {  	s6 =	sadd.s32 $0x40, s6;
	v40 =	vmul.f32 v42, v2;
	v36 =	vld [tilespmem:s0+$0xFFFFFE40];
	v34 =	vshll.u32 v31, $0x10;
	v37 =	vadd.f32 v41, v37;
	v20, _, _ =	vpop (xrf2)  }
0x1ec: {  	v41 =	vshll.u32 v35, $0x10;
	v38 =	vadd.f32 $0.0e+00, v38;
	v33 =	vadd.f32 v33, v39  }
0x1ed: {  	v62 =	vand.u32 $0xFFFF0000, v35;
	v63 =	vmul.f32 v41, v3;
	v40 =	vadd.f32 $0.0e+00, v40  }
0x1ee: {  	v31 =	vand.u32 $0xFFFF0000, v31;
	v35 =	vmul.f32 v62, v2;
	v30 =	vadd.f32 v30, v38  }
0x1ef: {  	v46 =	vmul.f32 v34, v1;
	v43 =	vadd.f32 $0.0e+00, v63;
	v28 =	vadd.f32 v28, v40  }
0x1f0: {  	v35 =	vadd.f32 $0.0e+00, v35;
	v44 =	vshll.u32 v36, $0x10;
	v45 =	vand.u32 $0xFFFF0000, v36  }
0x1f1: {  	v38 =	vmul.f32 v44, v3;
	v36 =	vmul.f32 v45, v2;
	v28 =	vadd.f32 v28, v30  }
0x1f2: {  	v26 =	vmul.f32 v26, v3;
	v29 =	vadd.f32 v29, v43;
	v30 =	vadd.f32 v32, v35  }
0x1f3: {  	v31 =	vmul.f32 v31, v0;
	v47 =	vadd.f32 $0.0e+00, v38;
	v48 =	vadd.f32 $0.0e+00, v36  }
0x1f4: {  	v27 =	vmul.f32 v27, v2;
	v33 =	vadd.f32 v33, v37;
	v29 =	vadd.f32 v30, v29  }
0x1f5: {  	(xrf2) =	vadd.scan.msk.f32 $0xffff, v25;
	v23 =	vmul.f32 v23, v1;
	v25 =	vadd.f32 v46, v47;
	v30 =	vadd.f32 v31, v48  }
0x1f6: {  	v21 =	vmul.f32 v21, v3;
	v22 =	vmul.f32 v22, v2;
	v26 =	vadd.f32 $0.0e+00, v26;
	(xrf2) =	vadd.scan.msk.f32 $0xffff, v33  }
0x1f7: {  	v24 =	vmul.f32 v24, v0;
	v27 =	vadd.f32 $0.0e+00, v27;
	(xrf2) =	vadd.scan.msk.f32 $0xffff, v28;
	v25 =	vadd.f32 v30, v25  }
0x1f8: {  	v19 =	vmul.f32 v19, v0;
	v21 =	vadd.f32 $0.0e+00, v21;
	v22 =	vadd.f32 $0.0e+00, v22;
	(xrf2) =	vadd.scan.msk.f32 $0xffff, v29  }
0x1f9: {  	v15 =	vmul.f32 v15, v3;
	v16 =	vmul.f32 v16, v2;
	v23 =	vadd.f32 v23, v26;
	(xrf2) =	vadd.scan.msk.f32 $0xffff, v25  }
0x1fa: {  	v18 =	vmul.f32 v18, v1;
	v24 =	vadd.f32 v24, v27;
	v19 =	vadd.f32 v19, v22  }
0x1fb: {  	v15 =	vadd.f32 $0.0e+00, v15;
	v16 =	vadd.f32 $0.0e+00, v16  }
0x1fc: {  	v18 =	vadd.f32 v18, v21;
	v23 =	vadd.f32 v24, v23;
	v21, _, _ =	vpop (xrf2)  }
0x1fd: {  	v13 =	vmul.f32 v13, v1;
	v22, _, _ =	vpop (xrf2)  }
0x1fe: {  	v12 =	vmul.f32 v12, v0;
	v18 =	vadd.f32 v19, v18;
	v19, _, _ =	vpop (xrf2);
	(xrf2) =	vadd.scan.msk.f32 $0xffff, v23  }
0x1ff: {  	v10 =	vmul.f32 v10, v3;
	v5 =	vand.u32 $0xFFFF0000, v5;
	v13 =	vadd.f32 v13, v15;
	v15, _, _ =	vpop (xrf2)  }
0x200: {  	v11 =	vmul.f32 v11, v2;
	v4 =	vand.u32 $0xFFFF0000, v4;
	v12 =	vadd.f32 v12, v16;
	v16, _, _ =	vpop (xrf2)  }
0x201: {  	v8 =	vmul.f32 v8, v1;
	v3 =	vmul.f32 v7, v3;
	v7, _, _ =	vpop (xrf2)  }
0x202: {  	v9 =	vmul.f32 v9, v0;
	v2 =	vmul.f32 v5, v2;
	v5, _, _ =	vpop (xrf2)  }
0x203: {  	v0 =	vmul.f32 v4, v0;
	v10 =	vadd.f32 $0.0e+00, v10;
	v11 =	vadd.f32 $0.0e+00, v11;
	(xrf2) =	vadd.scan.msk.f32 $0xffff, v18;
	v4, _, _ =	vpop (xrf2)  }
0x204: {  	v12 =	vadd.f32 v12, v13;
	v4 =	vbroadcast v4, $0xF  }
0x205: {  	v8 =	vadd.f32 v8, v10;
	v9 =	vadd.f32 v9, v11  }
0x206: {  	v2 =	vadd.f32 $0.0e+00, v2;
	(xrf2) =	vadd.scan.msk.f32 $0xffff, v12;
	v5 =	vbroadcast v5, $0xF  }
0x207: {  	v1 =	vmul.f32 v6, v1;
	v6 =	vadd.f32 v9, v8;
	v3 =	vadd.f32 $0.0e+00, v3  }
0x208: {  	v0 =	vadd.f32 v0, v2;
	v2 =	vsel vm0, v5, v4;
	v4, _, _ =	vpop (xrf2)  }
0x209: {  	v1 =	vadd.f32 v1, v3;
	(xrf2) =	vadd.scan.msk.f32 $0xffff, v6;
	v7 =	vbroadcast v7, $0xF;
	v4 =	vbroadcast v4, $0xF  }
0x20a: {  	v3 =	vbroadcast v16, $0xF  }
0x20b: {  	v0 =	vadd.f32 v0, v1;
	v2 =	vsel vm1, v2, v7  }
0x20c: {  	v1 =	vsel vm2, v2, v3;
	v2 =	vbroadcast v15, $0xF;
	v3 =	vbroadcast v19, $0xF  }
0x20d: {  	v1 =	vsel vm3, v1, v4;
	v4, _, _ =	vpop (xrf2)  }
0x20e: {  	(xrf2) =	vadd.scan.msk.f32 $0xffff, v0;
	v0 =	vsel vm4, v1, v2;
	v1 =	vbroadcast v4, $0xF  }
0x20f: {  	v2 =	vbroadcast v22, $0xF;
	v0 =	vsel vm5, v0, v3  }
0x210: {  	v3, _, _ =	vpop (xrf2);
	v0 =	vsel vm6, v0, v1;
	v1 =	vbroadcast v21, $0xF  }
0x211: {  	v0 =	vsel vm7, v0, v2;
	v2 =	vbroadcast v3, $0xF  }
0x212: {  	v0 =	vsel vm8, v0, v1;
	v1 =	vbroadcast v20, $0xF  }
0x213: {  	v3, _, _ =	vpop (xrf2);
	v0 =	vsel vm9, v0, v2  }
0x214: {  	s0 =	sshra.s32 s2, $0x2;
	v2 =	vbroadcast v17, $0xF;
	v0 =	vsel vm10, v0, v1;
	v1 =	vbroadcast v3, $0xF  }
0x215: {  	v3 =	vld [tilespmem:s0+$0x8910]  }
0x216: {  	v0 =	vsel vm11, v0, v2;
	v2 =	vbroadcast v14, $0xF  }
0x217: {  	v0 =	vsel vm12, v0, v1  }
0x218: {  	v0 =	vsel vm13, v0, v2;
	v1, _, _ =	vpop (xrf2)  }
0x219: {  	v0 =	vsel vm14, v0, v1  }
0x21a: {  	v0 =	vadd.f32 v0, v3;
	_ =	sdelay $0x1  }
0x21b: {  	s7 =	simm.s32 $0x400;
	[tilespmem:s0+$0x8910] =	vst v0  }
0x21c: {  	[tilespmem:s23], [sflag:$0x2] =	stream.indirect.gather [hbm4b:s5+s24], $0x40, s7, s24, $0xb8;
	[tilespmem:$0x8B10] =	vst v63  }
0x21d: {  	s2 =	simm.s32 $0x480  }
0x21e: {  	[tilespmem:s25], [sflag:$0x2] =	stream.indirect.gather [hbm4b:s5+s24], $0x40, s2, s24, $0xb8;
	[tilespmem:$0x8B10] =	vst v63  }
0x21f: {  	s6 =	simm.s32 $0x500  }
0x220: {  	[tilespmem:s26], [sflag:$0x2] =	stream.indirect.gather [hbm4b:s5+s24], $0x40, s6, s24, $0xb8;
	[tilespmem:$0x8B10] =	vst v63  }
0x221: {  	s7 =	simm.s32 $0x580  }
0x222: {  	[tilespmem:s28], [sflag:$0x2] =	stream.indirect.gather [hbm4b:s5+s24], $0x40, s7, s24, $0xb8;
	[tilespmem:$0x8B10] =	vst v63  }
0x223: {  	_ =	swait.ge [sflag:s29], $0x2000  }
0x224: {  	[sflag:s29] =	ssyncset.done $0x0  }
0x225: {  	[sflag:s29] =	ssyncadd.s32 $0xFFFFE000  }
0x226: {  	_ =	swait.ge [sflag:s29], $0x2000  }
0x227: {  	[sflag:s29] =	ssyncset.done $0x0  }
0x228: {  	[sflag:s29] =	ssyncadd.s32 $0xFFFFE000  }
0x229: {  	_ =	swait.ge [sflag:s29], $0x2000  }
0x22a: {  	[sflag:s29] =	ssyncset.done $0x0  }
0x22b: {  	[sflag:s29] =	ssyncadd.s32 $0xFFFFE000  }
0x22c: {  	_ =	swait.ge [sflag:s29], $0x2000  }
0x22d: {  	[sflag:s29] =	ssyncset.done $0x0  }
0x22e: {  	[sflag:s29] =	ssyncadd.s32 $0xFFFFE000  }
0x22f: {  	v3 =	vld [tilespmem:$0x880]  }
0x230: {  	v1 =	vld [tilespmem:$0x8A0]  }
0x231: {  	s0 =	simm.s32 $0xB10;
	v2 =	vld [tilespmem:$0x890]  }
0x232: {  	v6 =	vld [tilespmem:s0+$0x180]  }
0x233: {  	v7 =	vld [tilespmem:s0+$0x190]  }
0x234: {  	v10 =	vld [tilespmem:s0+$0x110]  }
0x235: {  	v0 =	vld [tilespmem:$0x8B0]  }
0x236: {  	v12 =	vld [tilespmem:s0+$0xD0]  }
0x237: {  	v8 =	vshll.u32 v6, $0x10;
	v6 =	vand.u32 $0xFFFF0000, v6  }
0x238: {  	v13 =	vld [tilespmem:s0+$0x100];
	v11 =	vshll.u32 v7, $0x10;
	v7 =	vand.u32 $0xFFFF0000, v7;
	v8 =	vmul.f32 v8, v3  }
0x239: {  	v17 =	vld [tilespmem:s0+$0xC0];
	v18 =	vshll.u32 v10, $0x10;
	v10 =	vand.u32 $0xFFFF0000, v10;
	v6 =	vmul.f32 v6, v2  }
0x23a: {  	v11 =	vmul.f32 v11, v1;
	v16 =	vmul.f32 v7, v0;
	v14 =	vadd.f32 $0.0e+00, v8  }
0x23b: {  	v19 =	vmul.f32 v10, v0;
	v10 =	vand.u32 $0xFFFF0000, v12;
	v15 =	vadd.f32 $0.0e+00, v6  }
0x23c: {  	v20 =	vld [tilespmem:s0+$0x90];
	v21 =	vmul.f32 v10, v0;
	v11 =	vadd.f32 v11, v14  }
0x23d: {  	v14 =	vadd.f32 v16, v15;
	v15 =	vmul.f32 v18, v1;
	v16 =	vld [tilespmem:s0+$0x140];
	v18 =	vshll.u32 v12, $0x10  }
0x23e: {  	v10 =	vand.u32 $0xFFFF0000, v13;
	v12 =	vshll.u32 v17, $0x10;
	v18 =	vmul.f32 v18, v1  }
0x23f: {  	v22 =	vld [tilespmem:s0+$0x50];
	v12 =	vmul.f32 v12, v3;
	v14 =	vadd.f32 v14, v11;
	v11 =	vshll.u32 v13, $0x10  }
0x240: {  	v13 =	vand.u32 $0xFFFF0000, v17;
	v17 =	vmul.f32 v10, v2;
	v11 =	vmul.f32 v11, v3  }
0x241: {  	v55 =	vld [tilespmem:s0+$0xFFFFFEC0];
	v23 =	vmul.f32 v13, v2;
	v13 =	vshll.u32 v20, $0x10;
	v26 =	vadd.f32 $0.0e+00, v12  }
0x242: {  	v24 =	vld [tilespmem:s0+$0x10];
	v12 =	vand.u32 $0xFFFF0000, v20;
	v17 =	vadd.f32 $0.0e+00, v17;
	v10 =	vshll.u32 v16, $0x10  }
0x243: {  	v25 =	vadd.f32 $0.0e+00, v11;
	v11 =	vand.u32 $0xFFFF0000, v16;
	v16 =	vld [tilespmem:s0+$0x40];
	v23 =	vadd.f32 $0.0e+00, v23  }
0x244: {  	v20 =	vshll.u32 v22, $0x10;
	v18 =	vadd.f32 v18, v26;
	v17 =	vadd.f32 v19, v17  }
0x245: {  	v22 =	vand.u32 $0xFFFF0000, v22;
	v19 =	vld [tilespmem:s0+$0x0];
	v15 =	vadd.f32 v15, v25;
	v21 =	vadd.f32 v21, v23  }
0x246: {  	v56 =	vld [tilespmem:s0+$0xFFFFFE10];
	v60 =	vand.u32 $0xFFFF0000, v55;
	v20 =	vmul.f32 v20, v1;
	v22 =	vmul.f32 v22, v0  }
0x247: {  	v23 =	vld [tilespmem:s0+$0x80];
	v17 =	vadd.f32 v17, v15;
	v15 =	vshll.u32 v24, $0x10;
	v25 =	vadd.f32 v21, v18  }
0x248: {  	v21 =	vld [tilespmem:s0+$0xFFFFFFD0];
	v18 =	vand.u32 $0xFFFF0000, v24;
	v24 =	vmul.f32 v15, v1;
	v15 =	vshll.u32 v16, $0x10  }
0x249: {  	v26 =	vmul.f32 v18, v0;
	v16 =	vand.u32 $0xFFFF0000, v16;
	v18 =	vmul.f32 v15, v3  }
0x24a: {  	v27 =	vld [tilespmem:s0+$0xFFFFFF90];
	v15 =	vshll.u32 v19, $0x10;
	v19 =	vand.u32 $0xFFFF0000, v19;
	v16 =	vmul.f32 v16, v2  }
0x24b: {  	v36 =	vand.u32 $0xFFFF0000, v56;
	v28 =	vmul.f32 v15, v3;
	v19 =	vmul.f32 v19, v2  }
0x24c: {  	v29 =	vld [tilespmem:s0+$0xFFFFFF80];
	v15 =	vshll.u32 v23, $0x10;
	v30 =	vadd.f32 $0.0e+00, v18;
	v31 =	vadd.f32 $0.0e+00, v16  }
0x24d: {  	v16 =	vand.u32 $0xFFFF0000, v23;
	v23 =	vld [tilespmem:s0+$0xFFFFFF50];
	v18 =	vshll.u32 v21, $0x10;
	v28 =	vadd.f32 $0.0e+00, v28  }
0x24e: {  	v59 =	vld [tilespmem:s0+$0xFFFFFE80];
	v49 =	vadd.f32 $0.0e+00, v19;
	v19 =	vand.u32 $0xFFFF0000, v21;
	v20 =	vadd.f32 v20, v30  }
0x24f: {  	v21 =	vadd.f32 v22, v31;
	v22 =	vshll.u32 v27, $0x10;
	v30 =	vld [tilespmem:s0+$0xFFFFFFC0];
	v27 =	vand.u32 $0xFFFF0000, v27  }
0x250: {  	v24 =	vadd.f32 v24, v28;
	v26 =	vadd.f32 v26, v49;
	v28 =	vld [tilespmem:s0+$0xFFFFFF40];
	v31 =	vmul.f32 v22, v1  }
0x251: {  	v27 =	vmul.f32 v27, v0;
	v20 =	vadd.f32 v21, v20;
	v21 =	vshll.u32 v29, $0x10  }
0x252: {  	v50 =	vadd.f32 v26, v24;
	v22 =	vshll.u32 v23, $0x10;
	v26 =	vand.u32 $0xFFFF0000, v29  }
0x253: {  	v5 =	vld [tilespmem:s0+$0x1C0];
	v21 =	vmul.f32 v21, v3;
	v23 =	vand.u32 $0xFFFF0000, v23;
	v29 =	vmul.f32 v22, v1  }
0x254: {  	v63 =	vand.u32 $0xFFFF0000, v59;
	v22 =	vmul.f32 v26, v2;
	v26 =	vld [tilespmem:s0+$0xFFFFFED0];
	v51 =	vmul.f32 v23, v0  }
0x255: {  	(xrf2) =	vadd.scan.msk.f32 $0xffff, v14;
	v52 =	vadd.f32 $0.0e+00, v21;
	v21 =	vshll.u32 v30, $0x10;
	v23 =	vshll.u32 v28, $0x10  }
0x256: {  	v14 =	vld [tilespmem:s0+$0xFFFFFE90];
	v28 =	vand.u32 $0xFFFF0000, v28;
	v53 =	vadd.f32 $0.0e+00, v22;
	v54 =	vmul.f32 v23, v3  }
0x257: {  	v22 =	vand.u32 $0xFFFF0000, v30;
	v28 =	vmul.f32 v28, v2;
	v30 =	vadd.f32 v31, v52  }
0x258: {  	v7 =	vshll.u32 v5, $0x10;
	(xrf2) =	vadd.scan.msk.f32 $0xffff, v17;
	v27 =	vadd.f32 v27, v53;
	v31 =	vadd.f32 $0.0e+00, v54  }
0x259: {  	v62 =	vmul.f32 v60, v2;
	v17 =	vld [tilespmem:s0+$0xFFFFFF00];
	(xrf2) =	vadd.scan.msk.f32 $0xffff, v25;
	v28 =	vadd.f32 $0.0e+00, v28;
	v25 =	vshll.u32 v26, $0x10  }
0x25a: {  	v4 =	vld [tilespmem:s0+$0x1D0];
	v57 =	vadd.f32 v27, v30;
	v58 =	vmul.f32 v25, v1;
	v25 =	vadd.f32 v29, v31  }
0x25b: {  	v9 =	vld [tilespmem:s0+$0x150];
	v27 =	vadd.f32 v51, v28;
	v28 =	vshll.u32 v14, $0x10;
	v14 =	vand.u32 $0xFFFF0000, v14  }
0x25c: {  	(xrf2) =	vadd.scan.msk.f32 $0xffff, v20;
	v30 =	vmul.f32 v28, v1;
	v28 =	vmul.f32 v14, v0;
	v14 =	vshll.u32 v55, $0x10  }
0x25d: {  	v32 =	vmul.f32 v36, v0;
	v40 =	vmul.f32 v63, v2;
	v24 =	vld [tilespmem:s0+$0xFFFFFF10];
	v26 =	vand.u32 $0xFFFF0000, v26  }
0x25e: {  	v33 =	vmul.f32 v26, v0;
	v26 =	vshll.u32 v17, $0x10;
	v31 =	vld [tilespmem:s0+$0xFFFFFE50];
	v25 =	vadd.f32 v27, v25  }
0x25f: {  	v35 =	vld [tilespmem:s0+$0xFFFFFE00];
	v27 =	vand.u32 $0xFFFF0000, v17;
	v17 =	vshll.u32 v56, $0x10;
	v61 =	vmul.f32 v14, v3;
	v14, _, _ =	vpop (xrf2);
	(xrf2) =	vadd.scan.msk.f32 $0xffff, v50  }
0x260: {  	v8 =	vshll.u32 v9, $0x10;
	v6 =	vshll.u32 v4, $0x10;
	v20 =	vshll.u32 v59, $0x10  }
0x261: {  	v9 =	vand.u32 $0xFFFF0000, v9;
	v39 =	vadd.f32 $0.0e+00, v62;
	v42 =	vadd.f32 $0.0e+00, v61  }
0x262: {  	v38 =	vmul.f32 v20, v3;
	v23 =	vshll.u32 v24, $0x10;
	v29 =	vmul.f32 v17, v1;
	v17, _, _ =	vpop (xrf2);
	(xrf2) =	vadd.scan.msk.f32 $0xffff, v57  }
0x263: {  	s2 =	simm.s32 $0x0;
	s6 =	simm.s32 $0x40;
	v36 =	vld [tilespmem:s0+$0xFFFFFE40];
	v24 =	vand.u32 $0xFFFF0000, v24;
	v34 =	vshll.u32 v31, $0x10;
	v37 =	vadd.f32 v58, v42;
	v20, _, _ =	vpop (xrf2)  }
.LBB2_8:
0x264: {  	p0 =	sne.s32 s6, $0x7C0;
	v41 =	vshll.u32 v35, $0x10;
	v38 =	vadd.f32 $0.0e+00, v38;
	v33 =	vadd.f32 v33, v39  }
0x265: {  	v35 =	vand.u32 $0xFFFF0000, v35;
	v39 =	vmul.f32 v41, v3;
	v40 =	vadd.f32 $0.0e+00, v40;
	(xrf2) =	vadd.scan.msk.f32 $0xffff, v25  }
0x266: {  	v35 =	vmul.f32 v35, v2;
	v41 =	vadd.f32 v30, v38;
	v33 =	vadd.f32 v33, v37;
	v25, _, _ =	vpop (xrf2)  }
0x267: {  	v31 =	vand.u32 $0xFFFF0000, v31;
	v37 =	vadd.f32 $0.0e+00, v39;
	v28 =	vadd.f32 v28, v40  }
0x268: {  	v35 =	vadd.f32 $0.0e+00, v35;
	v38 =	vshll.u32 v36, $0x10;
	v36 =	vand.u32 $0xFFFF0000, v36;
	(xrf2) =	vadd.scan.msk.f32 $0xffff, v33  }
0x269: {  	v33 =	vmul.f32 v38, v3;
	v36 =	vmul.f32 v36, v2;
	v28 =	vadd.f32 v28, v41;
	v30, _, _ =	vpop (xrf2)  }
0x26a: {  	v34 =	vmul.f32 v34, v1;
	v37 =	vadd.f32 v29, v37;
	v32 =	vadd.f32 v32, v35  }
0x26b: {  	v31 =	vmul.f32 v31, v0;
	v33 =	vadd.f32 $0.0e+00, v33;
	v35 =	vadd.f32 $0.0e+00, v36;
	(xrf2) =	vadd.scan.msk.f32 $0xffff, v28  }
0x26c: {  	v26 =	vmul.f32 v26, v3;
	v27 =	vmul.f32 v27, v2;
	v28 =	vadd.f32 v32, v37;
	v29, _, _ =	vpop (xrf2)  }
0x26d: {  	v23 =	vmul.f32 v23, v1;
	v32 =	vadd.f32 v34, v33;
	v33 =	vadd.f32 v31, v35  }
0x26e: {  	v24 =	vmul.f32 v24, v0;
	v26 =	vadd.f32 $0.0e+00, v26;
	v27 =	vadd.f32 $0.0e+00, v27;
	(xrf2) =	vadd.scan.msk.f32 $0xffff, v28  }
0x26f: {  	v21 =	vmul.f32 v21, v3;
	v22 =	vmul.f32 v22, v2;
	v28 =	vadd.f32 v33, v32;
	v31, _, _ =	vpop (xrf2)  }
0x270: {  	v18 =	vmul.f32 v18, v1;
	v23 =	vadd.f32 v23, v26;
	v26 =	vadd.f32 v24, v27  }
0x271: {  	v19 =	vmul.f32 v19, v0;
	v21 =	vadd.f32 $0.0e+00, v21;
	v22 =	vadd.f32 $0.0e+00, v22;
	(xrf2) =	vadd.scan.msk.f32 $0xffff, v28  }
0x272: {  	v15 =	vmul.f32 v15, v3;
	v16 =	vmul.f32 v16, v2;
	v23 =	vadd.f32 v26, v23;
	v24, _, _ =	vpop (xrf2)  }
0x273: {  	v13 =	vmul.f32 v13, v1;
	v18 =	vadd.f32 v18, v21;
	v21 =	vadd.f32 v19, v22  }
0x274: {  	v12 =	vmul.f32 v12, v0;
	v15 =	vadd.f32 $0.0e+00, v15;
	v16 =	vadd.f32 $0.0e+00, v16;
	(xrf2) =	vadd.scan.msk.f32 $0xffff, v23  }
0x275: {  	v10 =	vmul.f32 v10, v3;
	v11 =	vmul.f32 v11, v2;
	v18 =	vadd.f32 v21, v18;
	v19, _, _ =	vpop (xrf2)  }
0x276: {  	v8 =	vmul.f32 v8, v1;
	v15 =	vadd.f32 v13, v15;
	v12 =	vadd.f32 v12, v16  }
0x277: {  	v9 =	vmul.f32 v9, v0;
	v10 =	vadd.f32 $0.0e+00, v10;
	v11 =	vadd.f32 $0.0e+00, v11;
	(xrf2) =	vadd.scan.msk.f32 $0xffff, v18  }
0x278: {  	v5 =	vand.u32 $0xFFFF0000, v5;
	v7 =	vmul.f32 v7, v3;
	v12 =	vadd.f32 v12, v15;
	v13, _, _ =	vpop (xrf2)  }
0x279: {  	v5 =	vmul.f32 v5, v2;
	v8 =	vadd.f32 v8, v10;
	v10 =	vadd.f32 v9, v11  }
0x27a: {  	v4 =	vand.u32 $0xFFFF0000, v4;
	v6 =	vmul.f32 v6, v1;
	v7 =	vadd.f32 $0.0e+00, v7;
	(xrf2) =	vadd.scan.msk.f32 $0xffff, v12  }
0x27b: {  	v4 =	vmul.f32 v4, v0;
	v5 =	vadd.f32 $0.0e+00, v5;
	v12 =	vadd.f32 v10, v8;
	v9, _, _ =	vpop (xrf2)  }
0x27c: {  	v10 =	vbroadcast v13, $0xF;
	v9 =	vbroadcast v9, $0xF  }
0x27d: {  	v6 =	vadd.f32 v6, v7;
	v4 =	vadd.f32 v4, v5;
	v11 =	vbroadcast v19, $0xF;
	(xrf2) =	vadd.scan.msk.f32 $0xffff, v12  }
0x27e: {  	v7 =	vbroadcast v24, $0xF;
	v5 =	vsel vm0, v10, v9;
	v8, _, _ =	vpop (xrf2)  }
0x27f: {  	v4 =	vadd.f32 v4, v6;
	v5 =	vsel vm1, v5, v11;
	v9 =	vbroadcast v8, $0xF  }
0x280: {  	v6 =	vbroadcast v31, $0xF;
	v5 =	vsel vm2, v5, v7  }
0x281: {  	v5 =	vsel vm3, v5, v9;
	v9 =	vbroadcast v29, $0xF;
	v8, _, _ =	vpop (xrf2);
	(xrf2) =	vadd.scan.msk.f32 $0xffff, v4  }
0x282: {  	v4 =	vsel vm4, v5, v6;
	v5 =	vbroadcast v8, $0xF  }
0x283: {  	v6 =	vbroadcast v30, $0xF;
	v4 =	vsel vm5, v4, v9  }
0x284: {  	v4 =	vsel vm6, v4, v5;
	v5 =	vbroadcast v25, $0xF;
	v7, _, _ =	vpop (xrf2)  }
0x285: {  	v4 =	vsel vm7, v4, v6;
	v6 =	vbroadcast v7, $0xF  }
0x286: {  	v4 =	vsel vm8, v4, v5;
	v5 =	vbroadcast v20, $0xF  }
0x287: {  	s7 =	sshra.s32 s2, $0x2;
	s2 =	smov.u32 s6;
	v4 =	vsel vm9, v4, v6;
	v6 =	vbroadcast v17, $0xF;
	v7, _, _ =	vpop (xrf2)  }
0x288: {  	v4 =	vsel vm10, v4, v5;
	v8 =	vbroadcast v7, $0xF;
	v7 =	vld [tilespmem:s7+$0x8910]  }
0x289: {  	v4 =	vsel vm11, v4, v6;
	v6 =	vbroadcast v14, $0xF  }
0x28a: {  	v4 =	vsel vm12, v4, v8  }
0x28b: {  	v4 =	vsel vm13, v4, v6;
	v5, _, _ =	vpop (xrf2)  }
0x28c: {  	v4 =	vsel vm14, v4, v5  }
0x28d: {  	v4 =	vadd.f32 v4, v7;
	_ =	sdelay $0x1  }
0x28e: {  	s0 =	sadd.s32 $0x400, s0;
	[tilespmem:s7+$0x8910] =	vst v4  }
0x28f: {  	v6 =	vld [tilespmem:s0+$0x180]  }
0x290: {  	v7 =	vld [tilespmem:s0+$0x190]  }
0x291: {  	v4 =	vld [tilespmem:s0+$0x1D0]  }
0x292: {  	v5 =	vld [tilespmem:s0+$0x1C0]  }
0x293: {  	v9 =	vld [tilespmem:s0+$0x150]  }
0x294: {  	v10 =	vld [tilespmem:s0+$0x110];
	v8 =	vshll.u32 v6, $0x10;
	v6 =	vand.u32 $0xFFFF0000, v6  }
0x295: {  	v8 =	vmul.f32 v8, v3;
	v6 =	vmul.f32 v6, v2;
	v11 =	vshll.u32 v7, $0x10  }
0x296: {  	v7 =	vand.u32 $0xFFFF0000, v7;
	v12 =	vld [tilespmem:s0+$0xD0];
	v11 =	vmul.f32 v11, v1  }
0x297: {  	v16 =	vmul.f32 v7, v0;
	v13 =	vld [tilespmem:s0+$0x100];
	v14 =	vadd.f32 $0.0e+00, v8;
	v15 =	vadd.f32 $0.0e+00, v6  }
0x298: {  	v7 =	vshll.u32 v5, $0x10;
	v6 =	vshll.u32 v4, $0x10;
	v8 =	vshll.u32 v9, $0x10  }
0x299: {  	v17 =	vld [tilespmem:s0+$0xC0];
	v18 =	vshll.u32 v10, $0x10;
	v11 =	vadd.f32 v11, v14;
	v14 =	vadd.f32 v16, v15  }
0x29a: {  	v9 =	vand.u32 $0xFFFF0000, v9;
	v10 =	vand.u32 $0xFFFF0000, v10;
	v15 =	vmul.f32 v18, v1;
	v16 =	vld [tilespmem:s0+$0x140]  }
0x29b: {  	v19 =	vmul.f32 v10, v0;
	v18 =	vshll.u32 v12, $0x10;
	v14 =	vadd.f32 v14, v11  }
0x29c: {  	v10 =	vand.u32 $0xFFFF0000, v12;
	v20 =	vld [tilespmem:s0+$0x90];
	v18 =	vmul.f32 v18, v1;
	v11 =	vshll.u32 v13, $0x10  }
0x29d: {  	v21 =	vmul.f32 v10, v0;
	v10 =	vand.u32 $0xFFFF0000, v13;
	v11 =	vmul.f32 v11, v3  }
0x29e: {  	v22 =	vld [tilespmem:s0+$0x50];
	v12 =	vshll.u32 v17, $0x10;
	v13 =	vand.u32 $0xFFFF0000, v17;
	v17 =	vmul.f32 v10, v2  }
0x29f: {  	v12 =	vmul.f32 v12, v3;
	v23 =	vmul.f32 v13, v2;
	v10 =	vshll.u32 v16, $0x10  }
0x2a0: {  	v25 =	vadd.f32 $0.0e+00, v11;
	v11 =	vand.u32 $0xFFFF0000, v16;
	v24 =	vld [tilespmem:s0+$0x10];
	v17 =	vadd.f32 $0.0e+00, v17  }
0x2a1: {  	v16 =	vld [tilespmem:s0+$0x40];
	v13 =	vshll.u32 v20, $0x10;
	v26 =	vadd.f32 $0.0e+00, v12;
	v23 =	vadd.f32 $0.0e+00, v23  }
0x2a2: {  	v12 =	vand.u32 $0xFFFF0000, v20;
	v15 =	vadd.f32 v15, v25;
	v17 =	vadd.f32 v19, v17  }
0x2a3: {  	v19 =	vld [tilespmem:s0+$0x0];
	v20 =	vshll.u32 v22, $0x10;
	v18 =	vadd.f32 v18, v26;
	v21 =	vadd.f32 v21, v23  }
0x2a4: {  	v22 =	vand.u32 $0xFFFF0000, v22;
	v20 =	vmul.f32 v20, v1;
	v23 =	vld [tilespmem:s0+$0x80];
	v17 =	vadd.f32 v17, v15  }
0x2a5: {  	v22 =	vmul.f32 v22, v0;
	v15 =	vshll.u32 v24, $0x10;
	v25 =	vadd.f32 v21, v18  }
0x2a6: {  	v18 =	vand.u32 $0xFFFF0000, v24;
	v21 =	vld [tilespmem:s0+$0xFFFFFFD0];
	v24 =	vmul.f32 v15, v1;
	v15 =	vshll.u32 v16, $0x10  }
0x2a7: {  	v26 =	vmul.f32 v18, v0;
	v16 =	vand.u32 $0xFFFF0000, v16;
	v18 =	vmul.f32 v15, v3  }
0x2a8: {  	v16 =	vmul.f32 v16, v2;
	v27 =	vld [tilespmem:s0+$0xFFFFFF90];
	v15 =	vshll.u32 v19, $0x10;
	v19 =	vand.u32 $0xFFFF0000, v19  }
0x2a9: {  	v28 =	vmul.f32 v15, v3;
	v19 =	vmul.f32 v19, v2;
	v15 =	vshll.u32 v23, $0x10  }
0x2aa: {  	v30 =	vadd.f32 $0.0e+00, v18;
	v31 =	vadd.f32 $0.0e+00, v16;
	v16 =	vand.u32 $0xFFFF0000, v23;
	v29 =	vld [tilespmem:s0+$0xFFFFFF80]  }
0x2ab: {  	v23 =	vld [tilespmem:s0+$0xFFFFFF50];
	v18 =	vshll.u32 v21, $0x10;
	v28 =	vadd.f32 $0.0e+00, v28;
	v32 =	vadd.f32 $0.0e+00, v19  }
0x2ac: {  	v19 =	vand.u32 $0xFFFF0000, v21;
	v20 =	vadd.f32 v20, v30;
	v21 =	vadd.f32 v22, v31  }
0x2ad: {  	v22 =	vshll.u32 v27, $0x10;
	v30 =	vld [tilespmem:s0+$0xFFFFFFC0];
	v24 =	vadd.f32 v24, v28;
	v26 =	vadd.f32 v26, v32  }
0x2ae: {  	v27 =	vand.u32 $0xFFFF0000, v27;
	v20 =	vadd.f32 v21, v20;
	v28 =	vld [tilespmem:s0+$0xFFFFFF40];
	v31 =	vmul.f32 v22, v1  }
0x2af: {  	v27 =	vmul.f32 v27, v0;
	v21 =	vshll.u32 v29, $0x10;
	v32 =	vadd.f32 v26, v24  }
0x2b0: {  	v26 =	vand.u32 $0xFFFF0000, v29;
	v24 =	vld [tilespmem:s0+$0xFFFFFF10];
	v22 =	vshll.u32 v23, $0x10;
	v21 =	vmul.f32 v21, v3;
	(xrf2) =	vadd.scan.msk.f32 $0xffff, v14  }
0x2b1: {  	v14 =	vand.u32 $0xFFFF0000, v23;
	v29 =	vmul.f32 v22, v1;
	v22 =	vmul.f32 v26, v2  }
0x2b2: {  	v14 =	vmul.f32 v14, v0;
	v26 =	vld [tilespmem:s0+$0xFFFFFED0];
	v33 =	vadd.f32 $0.0e+00, v21;
	v21 =	vshll.u32 v30, $0x10  }
0x2b3: {  	v23 =	vshll.u32 v28, $0x10;
	v28 =	vand.u32 $0xFFFF0000, v28;
	v34 =	vadd.f32 $0.0e+00, v22;
	(xrf2) =	vadd.scan.msk.f32 $0xffff, v17  }
0x2b4: {  	v22 =	vand.u32 $0xFFFF0000, v30;
	v17 =	vld [tilespmem:s0+$0xFFFFFE90];
	v35 =	vmul.f32 v23, v3;
	v28 =	vmul.f32 v28, v2  }
0x2b5: {  	v30 =	vadd.f32 v31, v33;
	v36 =	vld [tilespmem:s0+$0xFFFFFF00];
	v23 =	vshll.u32 v24, $0x10;
	v27 =	vadd.f32 v27, v34  }
0x2b6: {  	v24 =	vand.u32 $0xFFFF0000, v24;
	v34 =	vld [tilespmem:s0+$0xFFFFFEC0];
	v31 =	vadd.f32 $0.0e+00, v35;
	v28 =	vadd.f32 $0.0e+00, v28;
	(xrf2) =	vadd.scan.msk.f32 $0xffff, v25  }
0x2b7: {  	v37 =	vld [tilespmem:s0+$0xFFFFFE10];
	v25 =	vshll.u32 v26, $0x10;
	v26 =	vand.u32 $0xFFFF0000, v26;
	v40 =	vadd.f32 v27, v30  }
0x2b8: {  	v41 =	vmul.f32 v25, v1;
	v25 =	vadd.f32 v29, v31;
	v29 =	vadd.f32 v14, v28  }
0x2b9: {  	v33 =	vmul.f32 v26, v0;
	v38 =	vld [tilespmem:s0+$0xFFFFFE80];
	v27 =	vshll.u32 v17, $0x10;
	v17 =	vand.u32 $0xFFFF0000, v17;
	(xrf2) =	vadd.scan.msk.f32 $0xffff, v20  }
0x2ba: {  	v30 =	vmul.f32 v27, v1;
	v28 =	vmul.f32 v17, v0;
	v25 =	vadd.f32 v29, v25;
	v14, _, _ =	vpop (xrf2)  }
0x2bb: {  	v26 =	vshll.u32 v36, $0x10;
	v27 =	vand.u32 $0xFFFF0000, v36;
	v31 =	vld [tilespmem:s0+$0xFFFFFE50];
	v39 =	vshll.u32 v34, $0x10  }
.Ltmp3:
0x2bc: {  	v34 =	vand.u32 $0xFFFF0000, v34;
	v35 =	vld [tilespmem:s0+$0xFFFFFE00];
	v20 =	vshll.u32 v37, $0x10;
	v36 =	vmul.f32 v39, v3;
	(xrf2) =	vadd.scan.msk.f32 $0xffff, v32;
	(pc) =	sbr.rel @p0 .LBB2_8-.Ltmp3, $4  }
0x2bd: {  	v32 =	vand.u32 $0xFFFF0000, v37;
	v43 =	vmul.f32 v34, v2;
	v29 =	vmul.f32 v20, v1;
	v17, _, _ =	vpop (xrf2)  }
0x2be: {  	v32 =	vmul.f32 v32, v0;
	v34 =	vshll.u32 v38, $0x10;
	v37 =	vadd.f32 $0.0e+00, v36  }
0x2bf: {  	v42 =	vand.u32 $0xFFFF0000, v38;
	v39 =	vadd.f32 $0.0e+00, v43;
	v38 =	vmul.f32 v34, v3;
	(xrf2) =	vadd.scan.msk.f32 $0xffff, v40  }
0x2c0: {  	s6 =	sadd.s32 $0x40, s6;
	v40 =	vmul.f32 v42, v2;
	v36 =	vld [tilespmem:s0+$0xFFFFFE40];
	v34 =	vshll.u32 v31, $0x10;
	v37 =	vadd.f32 v41, v37;
	v20, _, _ =	vpop (xrf2)  }
0x2c1: {  	v41 =	vshll.u32 v35, $0x10;
	v38 =	vadd.f32 $0.0e+00, v38;
	v33 =	vadd.f32 v33, v39  }
0x2c2: {  	v53 =	vand.u32 $0xFFFF0000, v35;
	v59 =	vmul.f32 v34, v1;
	v26 =	vmul.f32 v26, v3  }
0x2c3: {  	v31 =	vand.u32 $0xFFFF0000, v31;
	v27 =	vmul.f32 v27, v2;
	v23 =	vmul.f32 v23, v1  }
0x2c4: {  	v54 =	vmul.f32 v41, v3;
	v40 =	vadd.f32 $0.0e+00, v40;
	v30 =	vadd.f32 v30, v38  }
0x2c5: {  	v35 =	vmul.f32 v53, v2;
	v33 =	vadd.f32 v33, v37;
	v26 =	vadd.f32 $0.0e+00, v26  }
0x2c6: {  	v28 =	vadd.f32 v28, v40;
	v56 =	vshll.u32 v36, $0x10;
	v57 =	vand.u32 $0xFFFF0000, v36  }
0x2c7: {  	v55 =	vadd.f32 $0.0e+00, v54;
	v38 =	vmul.f32 v56, v3;
	v36 =	vmul.f32 v57, v2  }
0x2c8: {  	v24 =	vmul.f32 v24, v0;
	v35 =	vadd.f32 $0.0e+00, v35;
	v28 =	vadd.f32 v28, v30  }
0x2c9: {  	v31 =	vmul.f32 v31, v0;
	v60 =	vadd.f32 $0.0e+00, v38;
	v61 =	vadd.f32 $0.0e+00, v36  }
0x2ca: {  	v21 =	vmul.f32 v21, v3;
	v29 =	vadd.f32 v29, v55;
	v58 =	vadd.f32 v32, v35  }
0x2cb: {  	(xrf2) =	vadd.scan.msk.f32 $0xffff, v25;
	v22 =	vmul.f32 v22, v2;
	v62 =	vadd.f32 v59, v60;
	v63 =	vadd.f32 v31, v61  }
0x2cc: {  	v18 =	vmul.f32 v18, v1;
	v27 =	vadd.f32 $0.0e+00, v27;
	(xrf2) =	vadd.scan.msk.f32 $0xffff, v33;
	v29 =	vadd.f32 v58, v29  }
0x2cd: {  	v19 =	vmul.f32 v19, v0;
	v15 =	vmul.f32 v15, v3;
	(xrf2) =	vadd.scan.msk.f32 $0xffff, v28;
	v25 =	vadd.f32 v63, v62  }
0x2ce: {  	v16 =	vmul.f32 v16, v2;
	v23 =	vadd.f32 v23, v26;
	v24 =	vadd.f32 v24, v27;
	(xrf2) =	vadd.scan.msk.f32 $0xffff, v29  }
0x2cf: {  	v13 =	vmul.f32 v13, v1;
	v21 =	vadd.f32 $0.0e+00, v21;
	v22 =	vadd.f32 $0.0e+00, v22;
	(xrf2) =	vadd.scan.msk.f32 $0xffff, v25  }
0x2d0: {  	v10 =	vmul.f32 v10, v3;
	v15 =	vadd.f32 $0.0e+00, v15;
	v23 =	vadd.f32 v24, v23  }
0x2d1: {  	v11 =	vmul.f32 v11, v2;
	v18 =	vadd.f32 v18, v21;
	v19 =	vadd.f32 v19, v22  }
0x2d2: {  	v12 =	vmul.f32 v12, v0;
	v16 =	vadd.f32 $0.0e+00, v16;
	v10 =	vadd.f32 $0.0e+00, v10;
	v31, _, _ =	vpop (xrf2);
	(xrf2) =	vadd.scan.msk.f32 $0xffff, v23  }
0x2d3: {  	v8 =	vmul.f32 v8, v1;
	v11 =	vadd.f32 $0.0e+00, v11;
	v18 =	vadd.f32 v19, v18;
	v32, _, _ =	vpop (xrf2)  }
0x2d4: {  	v9 =	vmul.f32 v9, v0;
	v13 =	vadd.f32 v13, v15;
	v12 =	vadd.f32 v12, v16;
	v33, _, _ =	vpop (xrf2)  }
0x2d5: {  	v8 =	vadd.f32 v8, v10;
	v34, _, _ =	vpop (xrf2);
	(xrf2) =	vadd.scan.msk.f32 $0xffff, v18  }
0x2d6: {  	v5 =	vand.u32 $0xFFFF0000, v5;
	v9 =	vadd.f32 v9, v11;
	v12 =	vadd.f32 v12, v13;
	v35, _, _ =	vpop (xrf2)  }
0x2d7: {  	v4 =	vand.u32 $0xFFFF0000, v4;
	v36 =	vmul.f32 v7, v3;
	v38 =	vmul.f32 v5, v2;
	v37, _, _ =	vpop (xrf2)  }
0x2d8: {  	v42 =	vmul.f32 v4, v0;
	v41 =	vadd.f32 v9, v8;
	(xrf2) =	vadd.scan.msk.f32 $0xffff, v12;
	v39, _, _ =	vpop (xrf2)  }
0x2d9: {  	v40 =	vmul.f32 v6, v1;
	v3 =	vadd.f32 $0.0e+00, v36;
	v2 =	vadd.f32 $0.0e+00, v38;
	v43, _, _ =	vpop (xrf2)  }
0x2da: {  	v5 =	vbroadcast v39, $0xF;
	v4 =	vbroadcast v43, $0xF  }
0x2db: {  	v1 =	vadd.f32 v40, v3;
	v0 =	vadd.f32 v42, v2;
	(xrf2) =	vadd.scan.msk.f32 $0xffff, v41;
	v7 =	vbroadcast v37, $0xF  }
0x2dc: {  	v45 =	vbroadcast v35, $0xF;
	v46, _, _ =	vpop (xrf2);
	v44 =	vsel vm0, v5, v4  }
0x2dd: {  	v0 =	vadd.f32 v0, v1;
	v4 =	vbroadcast v46, $0xF;
	v2 =	vsel vm1, v44, v7  }
0x2de: {  	v48 =	vbroadcast v34, $0xF;
	v47 =	vsel vm2, v2, v45  }
0x2df: {  	v49 =	vbroadcast v33, $0xF;
	(xrf2) =	vadd.scan.msk.f32 $0xffff, v0;
	v50, _, _ =	vpop (xrf2);
	v1 =	vsel vm3, v47, v4  }
0x2e0: {  	v52 =	vbroadcast v50, $0xF;
	v51 =	vsel vm4, v1, v48  }
0x2e1: {  	v53 =	vbroadcast v32, $0xF;
	v0 =	vsel vm5, v51, v49  }
0x2e2: {  	v54 =	vbroadcast v31, $0xF;
	v55, _, _ =	vpop (xrf2);
	v0 =	vsel vm6, v0, v52  }
0x2e3: {  	v56 =	vbroadcast v55, $0xF;
	v0 =	vsel vm7, v0, v53  }
0x2e4: {  	v57 =	vbroadcast v20, $0xF;
	v0 =	vsel vm8, v0, v54  }
0x2e5: {  	s0 =	sshra.s32 s2, $0x2;
	v58 =	vbroadcast v17, $0xF;
	v59, _, _ =	vpop (xrf2);
	v0 =	vsel vm9, v0, v56  }
0x2e6: {  	v61 =	vld [tilespmem:s0+$0x8910];
	v60 =	vbroadcast v59, $0xF;
	v0 =	vsel vm10, v0, v57  }
0x2e7: {  	v62 =	vbroadcast v14, $0xF;
	v0 =	vsel vm11, v0, v58  }
0x2e8: {  	v0 =	vsel vm12, v0, v60  }
0x2e9: {  	v63, _, _ =	vpop (xrf2);
	v0 =	vsel vm13, v0, v62  }
0x2ea: {  	v0 =	vsel vm14, v0, v63  }
0x2eb: {  	s31 =	sadd.s32 $0x1, s31;
	v0 =	vadd.f32 v0, v61  }
0x2ec: {  	p0 =	sne.s32 s31, s21  }
.Ltmp4:
0x2ed: {  	s7 =	simm.s32 $0x8910;
	[tilespmem:s0+$0x8910] =	vst v0;
	(pc) =	sbr.rel @p0 .LBB2_1-.Ltmp4, $4  }
0x2ee: {  	[hbm4b:s20+s1] =	stream.linear.scatter [tilespmem:s7], [sflag:$0x3], $0x200, $0x38;
	[tilespmem:$0x8B10] =	vst v63  }
0x2ef: {  	_ =	swait.ge [sflag:s30], $0x200  }
0x2f0: {  	[sflag:s30] =	ssyncset.done $0x0  }
0x2f1: {  	s7 =	simm.s32 $0x100;
	[sflag:s30] =	ssyncadd.s32 $0xFFFFFE00  }
0x2f2: {  	_ =	sfence.sel $0x180000  }
0x2f3: {  	[bflag:$0x0] =	sbarrier.arrive $0xFFFF  }
0x2f4: {  	_ =	strace $0x9000004D  }
0x2f5: {  	s0 =	stileid.u32;
	[bflag:$0x2] =	sbarrier.arrive $0xFFFF  }
0x2f6: {  	p0 =	sne.s32 s0, $0x0;
	s0 =	rddreg [dreg:$0x6]  }
0x2f7: {  	s0 =	sadd.s32 @!p0 $0x100000, s0  }
0x2f8: {  	[sflag:s0] =	ssyncadd.tile.s32 @!p0 $0x1;
	_ =	shalt  }
.Lfunc_end2:
_tile_overlayer_lowered:
.L_overlay_start_2:
0x2f9: {  	(tag) =	ssettag $0x2  }
0x2fa: {  	s0 =	rddreg [dreg:$0x0];
	s2 =	stileid.u32  }
0x2fb: {  	s1 =	rddreg [dreg:$0x1];
	p0 =	sne.s32 s2, $0x0  }
0x2fc: {  	s3 =	rddreg [dreg:$0x2];
	[bflag:$0x3] =	sbarrier.arrive $0xFFFF;
	s2 =	simm.s32 @!p0 $0x1C03  }
0x2fd: {  	[timem:s3], [sflag:s2] =	dma.local @!p0 [hbm:s0], s1  }
0x2fe: {  	s0 =	simm.s32 @!p0 $0x3  }
0x2ff: {  	_ =	swait.ge @!p0 [sflag:s0], s1  }
0x300: {  	s1 =	ssub.s32 @!p0 $0x0, s1;
	[sflag:s0] =	ssyncset.done @!p0 $0x0  }
0x301: {  	[sflag:s0] =	ssyncadd.s32 @!p0 s1  }
0x302: {  	[bflag:$0x3] =	sbarrier.arrive $0xFFFF  }
0x303: {  	_ =	shalt  }

// kernel: sparse-core-data-format-call.1.cloned.1.call-start
scs
called_computation.1_lowered:
.L_overlay_start_0:
0x0: {  	s1 =	sld [smem:$0x3FD9]  }
0x1: {  	s2 =	sld [smem:$0x3FFE];
	_ =	sdelay $0x1  }
0x2: {  	s3 =	srdreg.scid  }
0x3: {  	s0 =	sand.u32 $0x1, s3  }
0x4: {  	s17 =	sshll.u32 s0, $0xA;
	s1 =	sadd.s32 s2, s1  }
0x5: {  	s1 =	sadd.s32 s1, s17  }
0x6: {  	[smem:$0x3FBF] =	sst s1  }
0x7: {  	_ = 	snop  }
0x8: {  	(tm) =	ssettm $0x1  }
0x9: {  	s18 =	sld [smem:$0x3FFB];
	_ =	sdelay $0x3  }
0xa: {  	_ =	strace s18  }
0xb: {  	s1 =	sld [smem:$0x3FFC];
	_ =	sdelay $0x3  }
0xc: {  	_ =	strace s1  }
0xd: {  	s1 =	sld [smem:$0x3FFD];
	_ =	sdelay $0x3  }
0xe: {  	_ =	strace s1  }
0xf: {  	_ =	strace $0x8FFFFFFF  }
0x10: {  	s19 =	sld [smem:$0x3FDB];
	_ =	sdelay $0x1  }
0x11: {  	s20 =	simm.s32 $_scs_section_size  }
0x12: {  	s4 =	simm.s32 $_size__tile_overlayer_lowered;
	s5 =	simm.s32 $_tile_overlayer_lowered  }
0x13: {  	s23 =	simm.s32 $0x1BFF;
	s22 =	sshll.u32 s5, $0x1;
	s1 =	sadd.s32 s20, s19  }
0x14: {  	s6 =	simm.s32 $0x0;
	s21 =	sshll.u32 s4, $0x1;
	s4 =	sadd.s32 s22, s1  }
0x15: {  	[timem:s6], [sflag:s23] =	dma.local [hbm:s4], s21  }
0x16: {  	_ =	swait.ge [sflag:s23], s21  }
0x17: {  	s2 =	ssub.s32 $0x0, s21;
	[sflag:s23] =	ssyncset.done $0x0  }
0x18: {  	[sflag:s23] =	ssyncadd.s32 s2;
	_ =	sdelay $0x1  }
0x19: {  	s24 =	simm.s32 $0x1B8B  }
0x1a: {  	_ =	swait.ge [sflag:s24], $0x1  }
0x1b: {  	[sflag:s24] =	ssyncset.done $0x0  }
0x1c: {  	s26 =	simm.s32 $0x1B8E;
	s25 =	sld [smem:$0x3FFE];
	[sflag:s24] =	ssyncadd.s32 $0xFFFFFFFF  }
0x1d: {  	s27 =	simm.s32 $execute0_lowered;
	[smem:$0x3FD2] =	sst s26  }
0x1e: {  	s4 =	sshll.u32 s27, $0x1;
	_ =	strace $0x80000046;
	[dreg:$0x1] =	wrdreg $0xFFFFFFFF  }
0x1f: {  	s28 =	simm.s32 $_size_execute0_lowered;
	s1 =	sadd.s32 s1, s4;
	[dreg:$0x0] =	wrdreg $0x0  }
0x20: {  	s4 =	sshll.u32 s28, $0x1;
	[dreg:$0x2] =	wrdreg s1  }
0x21: {  	[dreg:$0x3] =	wrdreg s4  }
0x22: {  	[dreg:$0x4] =	wrdreg $0xC0  }
0x23: {  	_ =	task [dreg:s6], $0x5FFFF  }
0x24: {  	[dreg:$0x1] =	wrdreg $0xFFFFFFFF  }
0x25: {  	[dreg:$0x0] =	wrdreg $0x60  }
0x26: {  	[dreg:$0x2] =	wrdreg s25  }
0x27: {  	[dreg:$0x3] =	wrdreg $0x9  }
0x28: {  	_ =	task.clear_ibuf [dreg:s6], $0x4FFFF;
	_ =	strace $0x90000046  }
0x29: {  	s29 =	simm.s32 $0x9;
	_ =	strace $0x80000048  }
0x2a: {  	_ =	swait.ge [sflag:s29], $0x1  }
0x2b: {  	[sflag:s29] =	ssyncadd.s32 $0xFFFFFFFF  }
0x2c: {  	_ =	strace $0x90000048  }
0x2d: {  	_ =	sfence  }
0x2e: {  	s30 =	sld [smem:$0x0];
	_ =	sdelay $0x2  }
0x2f: {  	s31 =	sshll.u32 s3, $0xD;
	s3 =	sshrl.u32 s3, $0x2  }
0x30: {  	s2 =	sand.u32 $0x4000, s31;
	s1 =	sadd.s32 s3, s30  }
0x31: {  	s0 =	sor.u32 s2, s0;
	s1 =	sshll.u32 s1, $0x11  }
0x32: {  	s0 =	sor.u32 s1, s0  }
0x33: {  	s0 =	sadd.s32 $0x8F2B, s0  }
0x34: {  	[sflag:s0] =	ssyncadd.remote.s32 $0x1  }
0x35: {  	_ =	sfence.sel $0xFFFF  }
0x36: {  	[dreg:$0x0] =	wrdreg $0xFFFFFFFF;
	(pc) =	sbr.abs _section_cstart, $3  }
0x37: {  	[dreg:$0x1] =	wrdreg $0xFFFFFFFF  }
0x38: {  	_ =	task.clear_ibuf [dreg:s6], $0x2FFFF;
	_ =	strace $0x9FFFFFFF  }
0x39: {  	(tm) =	ssettm $0x7FFFFFFF  }
tec
execute0_lowered:
.L_overlay_start_1:
0x0: {  	(tag) =	ssettag $0x1  }
0x1: {  	s0 =	srdreg.scid  }
0x2: {  	s5 =	rddreg [dreg:$0x0];
	s1 =	stileid.u32;
	s4 =	simm.s32 $0x1  }
0x3: {  	s6 =	simm.s32 $0x2;
	s15 =	simm.s32 $0x0;
	p0 =	por $0x0, $0x0  }
0x4: {  	s8 =	simm.s32 $0x80;
	s14 =	simm.s32 $0x0;
	s2 =	sshll.u32 s0, $0x4  }
0x5: {  	s9 =	simm.s32 $0x0;
	s10 =	simm.s32 $0x0;
	s2 =	sand.u32 $0x10, s2  }
.Ltmp0:
0x6: {  	s12 =	simm.s32 $0x0;
	s3 =	sor.u32 s1, s2;
	(pc) =	sbr.rel .LBB1_1-.Ltmp0, $4  }
0x7: {  	s0 =	rddreg [dreg:$0x1];
	_ =	strace $0x80000047;
	s3 =	sshll.u32 s3, $0x7  }
0x8: {  	s13 =	simm.s32 $0x0;
	[sflag:s4] =	ssyncpa.u1 $0x0;
	s7 =	ssub.s32 $0xF4200, s3  }
0x9: {  	s2 =	sadd.s32 $0xE00, s5;
	[sflag:s6] =	ssyncpa.u1 $0x0;
	s6 =	sshrl.u32 s7, $0xC  }
0xa: {  	s5 =	sadd.s32 $0x3D1800, s5;
	s11 =	smov.u32 s3;
	s7 =	sadd.s32 $0x2, s6  }
.LBB1_5:
0xb: {  	p1 =	slt.u32 s13, $0x2  }
0xc: {  	s17 =	smov.u32 s15;
	p2 =	sgt.s32 @!p1 s15, $0xF41C0;
	s16 =	sshra.s32 @!p1 s15, $0x1F  }
0xd: {  	p3 =	sgt.s32 @!p1 s14, $0x40;
	s18 =	sshra.s32 @!p1 s14, $0x1F;
	p2 =	por !p2, p1  }
0xe: {  	s15 =	sand.u32 @!p1 s16, s15;
	p3 =	por !p3, p1;
	s16 =	smov.u32 s14  }
0xf: {  	s14 =	sand.u32 @!p1 s18, s14;
	s17 =	simm.s32 @p2 $0xF41C0;
	s16 =	simm.s32 @p3 $0x40  }
0x10: {  	s15 =	ssub.s32 @!p1 s17, s15;
	s14 =	ssub.s32 @!p1 s16, s14  }
0x11: {  	s18 =	smov.u32 s12;
	s16 =	sadd.s32 @!p1 $0xFFF0BE40, s15;
	s17 =	sadd.s32 @!p1 $0xFFFFFFC0, s14  }
0x12: {  	s15 =	ssub.s32 @!p1 $0xF4240, s15;
	p2 =	sgt.s32 @!p1 s16, $0x7F;
	p3 =	sgt.s32 @!p1 s17, $0x3F  }
0x13: {  	s14 =	ssub.s32 @!p1 $0x80, s14;
	p2 =	por !p2, p1;
	p3 =	por !p3, p1  }
0x14: {  	s16 =	sadd.s32 $0x1000, s11;
	s15 =	simm.s32 @!p2 $0x0;
	s14 =	simm.s32 @!p3 $0x0  }
0x15: {  	p2 =	sgt.s32 s16, $0xF423F;
	s14 =	smul.u32 @!p1 s14, s15;
	s15 =	sadd.s32 $0x40, s12  }
0x16: {  	s18 =	smov.u32 @p2 s15  }
0x17: {  	s16 =	smov.u32 @p2 s3;
	p2 =	sgt.s32 s18, $0x3F  }
0x18: {  	p0 =	por !p0, !p0;
	s18 =	simm.s32 @p2 $0x0;
	p2 =	sne.s32 s13, s7  }
.Ltmp1:
0x19: {  	s17 =	simm.s32 @!p1 $0x2;
	s14 =	sshrl.u32 @!p1 s14, $0x1;
	(pc) =	sbr.rel @!p2 .LBB1_6-.Ltmp1, $4  }
0x1a: {  	s15 =	smov.u32 s9;
	s9 =	smov.u32 s11;
	s14 =	sand.u32 @!p1 $0x3FFFFFFF, s14  }
0x1b: {  	s11 =	smov.u32 s16;
	s13 =	sadd.s32 $0x1, s13;
	_ =	swait.ge @!p1 [sflag:s17], s14  }
0x1c: {  	s19 =	ssub.s32 @!p1 $0x0, s14;
	s14 =	smov.u32 s10;
	[sflag:s17] =	ssyncset.done @!p1 $0x0  }
0x1d: {  	s10 =	smov.u32 s12;
	s12 =	smov.u32 s18;
	[sflag:s17] =	ssyncadd.s32 @!p1 s19  }
.LBB1_1:
0x1e: {  	p1 =	sgt.u32 s13, s6  }
0x1f: {  	s16 =	sshrl.u32 @!p1 s12, $0x3  }
0x20: {  	s17 =	sshll.u32 @!p1 s11, $0x3;
	s16 =	smul.u32 @!p1 $0x7A1400, s16  }
0x21: {  	s18 =	sshll.u32 @!p1 s12, $0x7;
	s17 =	sand.u32 @!p1 $0xFFFFFC00, s17  }
0x22: {  	s16 =	sadd.s32 @!p1 s16, s17;
	s17 =	sand.u32 @!p1 $0x300, s18;
	s18 =	sshll.u32 @!p1 s11, $0x1  }
0x23: {  	s16 =	sor.u32 @!p1 s17, s16;
	s17 =	sand.u32 @!p1 $0xFE, s18  }
0x24: {  	s18 =	sand.u32 @!p1 $0x1, s12;
	s16 =	sor.u32 @!p1 s17, s16  }
0x25: {  	s17 =	sor.u32 @!p1 s18, s16  }
0x26: {  	s18 =	smulhi.u32 @!p1 $0x218D6287, s17;
	_ =	sdelay $0x1  }
0x27: {  	s16 =	smulhi.u32 @!p1 $0x218D6287, s16;
	s18 =	sshrl.u32 @!p1 s18, $0x11  }
0x28: {  	s18 =	smul.u32 @!p1 $0xF4280, s18  }
0x29: {  	s16 =	sshrl.u32 @!p1 s16, $0x11  }
0x2a: {  	s16 =	sand.u32 @!p1 $0x3F, s16;
	s17 =	ssub.s32 @!p1 s17, s18  }
0x2b: {  	s16 =	smul.u32 @!p1 $0xF428, s16;
	s18 =	sshrl.u32 @!p1 s17, $0x4  }
0x2c: {  	s19 =	sxor.u32 @!p1 $0xFFFFFFFF, s13;
	s17 =	sshll.u32 @!p1 s17, $0x11;
	s18 =	sadd.s32 @!p1 s2, s18  }
0x2d: {  	s17 =	sand.u32 @!p1 $0x1C0000, s17;
	s16 =	sadd.s32 @!p1 s16, s18;
	s18 =	sshll.u32 @!p1 s19, $0xC  }
0x2e: {  	s17 =	sor.u32 @!p1 $0x200, s17;
	s19 =	simm.s32 @!p1 $0x3D0A00;
	s18 =	sand.u32 @!p1 $0x1000, s18  }
0x2f: {  	[tilespmem:s18], [sflag:$0x1] =	stream.strided.gather @!p1 [hbm4b:s16+s17], $0x1000, s19, s17, $0x38;
	[tilespmem:$0x4080] =	vst v63  }
0x30: {  	p1 =	seq.s32 s13, $0x0  }
0x31: {  	p2 =	sge.u32 @!p1 s13, s7  }
0x32: {  	p1 =	por p1, p2  }
.Ltmp2:
0x33: {  	_ = 	snop;
	(pc) =	sbr.rel @p1 .LBB1_5-.Ltmp2, $1  }
0x34: {  	_ =	sdelay $0x3  }
0x35: {  	s16 =	simm.s32 $0x1  }
0x36: {  	_ =	swait.ge [sflag:s4], $0x1000;
	s16 =	simm.s32 @!p0 $0x0  }
0x37: {  	[sflag:s4] =	ssyncset.done $0x0;
	s16 =	sshll.u32 s16, $0xC  }
0x38: {  	[sflag:s4] =	ssyncadd.s32 $0xFFFFF000;
	s16 =	sor.u32 $0x40, s16  }
0x39: {  	v0 =	vld [tilespmem:s16+$0x20]  }
0x3a: {  	v1 =	vld [tilespmem:s16+$0x30]  }
0x3b: {  	v2 =	vld [tilespmem:s16+$0xFFFFFFD0]  }
0x3c: {  	v5 =	vld [tilespmem:s16+$0x0]  }
0x3d: {  	v6 =	vld [tilespmem:s16+$0x10]  }
0x3e: {  	s17 =	sand.u32 $0x1, s13;
	v3 =	vld [tilespmem:s16+$0xFFFFFFE0]  }
0x3f: {  	s17 =	smul.u32 $0x4100, s17;
	v4 =	vld [tilespmem:s16+$0xFFFFFFF0]  }
0x40: {  	s18 =	simm.s32 $0x0;
	v1 =	vperm.xlane.i2c.b16 v1  }
0x41: {  	s19 =	sand.u32 $0x3C, s18;
	s17 =	sshrl.u32 s17, $0x2;
	v8 =	vld [tilespmem:s16+$0xFFFFFFC0];
	s20 =	sadd.s32 $0x80, s16;
	v7 =	vperm.xlane.i2c.b16 v0;
	v0 =	vperm.xlane.i2c.b16 v2  }
0x42: {  	s30 =	sand.u32 $0x40, s18;
	s31 =	sshrl.u32 s19, $0x1;
	s16 =	sor.u32 $0x2000, s17;
	v11 =	vld [tilespmem:s20+$0x30];
	v10 =	vperm.xlane.i2c.b16 v5;
	v13 =	vperm.xlane.i2c.b16 v6  }
0x43: {  	s17 =	sshrl.u32 s30, $0x1;
	s18 =	sadd.s32 s31, s16;
	v2 =	vld [tilespmem:s20+$0x20];
	v3 =	vperm.xlane.i2c.b16 v3;
	v9 =	vcombine.low v7, v1  }
0x44: {  	v12 =	vld [tilespmem:s20+$0xFFFFFFD0];
	s17 =	sadd.s32 s17, s18;
	v4 =	vperm.xlane.i2c.b16 v4;
	v14 =	vcombine.low v10, v13  }
0x45: {  	v1 =	vcombine.high v7, v1;
	v7 =	vld [tilespmem:s20+$0xFFFFFFE0];
	[tilespmem:s17+$0xC30 ss:$0x41] =	vst.msk $0xffff, v9  }
0x46: {  	v6 =	vld [tilespmem:s20+$0xFFFFFFF0];
	v5 =	vperm.xlane.i2c.b16 v8;
	v9 =	vcombine.low v3, v4;
	[tilespmem:s17+$0x820 ss:$0x41] =	vst.msk $0xffff, v14  }
0x47: {  	s18 =	simm.s32 $0x4;
	v8 =	vperm.xlane.i2c.b16 v11;
	[tilespmem:s17+$0xC31 ss:$0x41] =	vst.msk $0xffff, v1;
	v1 =	vcombine.high v3, v4;
	v4 =	vld [tilespmem:s20+$0x0]  }
0x48: {  	s19 =	simm.s32 $0x2;
	s22 =	sand.u32 $0x3C, s18;
	v10 =	vcombine.high v10, v13;
	v3 =	vld [tilespmem:s20+$0x10];
	[tilespmem:s17+$0x410 ss:$0x41] =	vst.msk $0xffff, v9;
	v9 =	vperm.xlane.i2c.b16 v2  }
0x49: {  	s21 =	sand.u32 $0x40, s18;
	s22 =	sshrl.u32 s22, $0x1;
	v11 =	vcombine.low v5, v0;
	v2 =	vld [tilespmem:s20+$0xFFFFFFC0];
	s20 =	sadd.s32 $0x80, s20;
	[tilespmem:s17+$0x411 ss:$0x41] =	vst.msk $0xffff, v1;
	v1 =	vperm.xlane.i2c.b16 v12  }
.LBB1_3:
0x4a: {  	v12 =	vld [tilespmem:s20+$0x20];
	s22 =	sadd.s32 s22, s16;
	s21 =	sshrl.u32 s21, $0x1;
	v13 =	vperm.xlane.i2c.b16 v7;
	v7 =	vcombine.low v9, v8;
	[tilespmem:s17+$0x821 ss:$0x41] =	vst.msk $0xffff, v10  }
0x4b: {  	s19 =	sadd.s32 $0x2, s19;
	v14 =	vld [tilespmem:s20+$0x30];
	s21 =	sadd.s32 s21, s22;
	v10 =	vperm.xlane.i2c.b16 v6;
	v6 =	vcombine.high v9, v8;
	[tilespmem:s17+$0x0 ss:$0x41] =	vst.msk $0xffff, v11  }
0x4c: {  	p1 =	slt.u32 s19, $0x3E;
	v11 =	vld [tilespmem:s20+$0xFFFFFFD0];
	v8 =	vperm.xlane.i2c.b16 v4;
	[tilespmem:s21+$0xC30 ss:$0x41] =	vst.msk $0xffff, v7;
	v4 =	vcombine.high v5, v0;
	v0 =	vmov v1  }
.Ltmp3:
0x4d: {  	v7 =	vld [tilespmem:s20+$0xFFFFFFE0];
	v1 =	vcombine.low v13, v10;
	v3 =	vperm.xlane.i2c.b16 v3;
	[tilespmem:s21+$0xC31 ss:$0x41] =	vst.msk $0xffff, v6;
	(pc) =	sbr.rel @p1 .LBB1_3-.Ltmp3, $4  }
0x4e: {  	v6 =	vld [tilespmem:s20+$0xFFFFFFF0];
	v5 =	vperm.xlane.i2c.b16 v2;
	v2 =	vcombine.high v13, v10;
	[tilespmem:s17+$0x1 ss:$0x41] =	vst.msk $0xffff, v4;
	s17 =	smov.u32 s21  }
0x4f: {  	s18 =	sadd.s32 $0x4, s18;
	v4 =	vld [tilespmem:s20+$0x0];
	[tilespmem:s17+$0x410 ss:$0x41] =	vst.msk $0xffff, v1;
	v13 =	vcombine.low v8, v3;
	v10 =	vcombine.high v8, v3  }
0x50: {  	s22 =	sand.u32 $0x3C, s18;
	v9 =	vperm.xlane.i2c.b16 v12;
	v3 =	vld [tilespmem:s20+$0x10];
	v8 =	vperm.xlane.i2c.b16 v14;
	[tilespmem:s17+$0x411 ss:$0x41] =	vst.msk $0xffff, v2  }
0x51: {  	s22 =	sshrl.u32 s22, $0x1;
	s21 =	sand.u32 $0x40, s18;
	v2 =	vld [tilespmem:s20+$0xFFFFFFC0];
	v1 =	vperm.xlane.i2c.b16 v11;
	s20 =	sadd.s32 $0x80, s20;
	v11 =	vcombine.low v5, v0;
	[tilespmem:s17+$0x820 ss:$0x41] =	vst.msk $0xffff, v13  }
0x52: {  	s18 =	sadd.s32 s22, s16;
	s19 =	sshll.u32 s9, $0x7;
	s20 =	sshll.u32 s10, $0x3  }
0x53: {  	s21 =	sshrl.u32 s21, $0x1;
	s24 =	sshll.u32 s10, $0x1;
	p1 =	sgt.s32 s9, $0xF41C0  }
0x54: {  	s22 =	smov.u32 s9;
	s26 =	sshra.s32 s9, $0x1F;
	s23 =	sand.u32 $0xFFFFFC00, s19  }
0x55: {  	s20 =	sand.u32 $0xFFFFFC00, s20;
	s19 =	sand.u32 $0x300, s19;
	s25 =	sand.u32 $0x80, s24  }
0x56: {  	s18 =	sadd.s32 s21, s18;
	s22 =	simm.s32 @!p1 $0xF41C0;
	p1 =	sgt.s32 s10, $0x40  }
0x57: {  	s21 =	smov.u32 s10;
	s20 =	sadd.s32 s20, s23;
	s23 =	sshra.s32 s10, $0x1F  }
0x58: {  	s21 =	simm.s32 @!p1 $0x40;
	s19 =	sor.u32 s19, s20;
	s20 =	sand.u32 s26, s9  }
0x59: {  	v7 =	vperm.xlane.i2c.b16 v7;
	[tilespmem:s17+$0x821 ss:$0x41] =	vst.msk $0xffff, v10;
	v0 =	vcombine.high v5, v0;
	s23 =	sand.u32 s23, s10;
	s19 =	sor.u32 s25, s19;
	s20 =	ssub.s32 s22, s20  }
0x5a: {  	v57 =	vcombine.low v9, v8;
	v6 =	vperm.xlane.i2c.b16 v6;
	[tilespmem:s17+$0x0 ss:$0x41] =	vst.msk $0xffff, v11;
	s21 =	ssub.s32 s21, s23;
	s19 =	sshrl.u32 s19, $0x7;
	s22 =	sadd.s32 $0xFFF0BE40, s20  }
0x5b: {  	v58 =	vcombine.high v9, v8;
	v4 =	vperm.xlane.i2c.b16 v4;
	[tilespmem:s17+$0x1 ss:$0x41] =	vst.msk $0xffff, v0;
	s23 =	sadd.s32 $0xFFFFFFC0, s21;
	s20 =	ssub.s32 $0xF4240, s20;
	s21 =	ssub.s32 $0x80, s21  }
0x5c: {  	[tilespmem:s18+$0xC30 ss:$0x41] =	vst.msk $0xffff, v57;
	v59 =	vcombine.low v7, v6;
	v3 =	vperm.xlane.i2c.b16 v3;
	s27 =	smulhi.u32 $0x218DEF5, s19;
	p1 =	sgt.s32 s22, $0x7F;
	p2 =	sgt.s32 s23, $0x3F  }
0x5d: {  	[tilespmem:s18+$0xC31 ss:$0x41] =	vst.msk $0xffff, v58;
	v60 =	vcombine.high v7, v6;
	s20 =	simm.s32 @p1 $0x0;
	s21 =	simm.s32 @p2 $0x0  }
0x5e: {  	v2 =	vperm.xlane.i2c.b16 v2;
	[tilespmem:s18+$0x410 ss:$0x41] =	vst.msk $0xffff, v59;
	v61 =	vcombine.low v4, v3;
	s17 =	sshrl.u32 s27, $0xD;
	s20 =	smul.u32 s21, s20  }
0x5f: {  	v3 =	vcombine.high v4, v3;
	[tilespmem:s18+$0x411 ss:$0x41] =	vst.msk $0xffff, v60;
	s17 =	smul.u32 $0xF4240, s17  }
.Ltmp4:
0x60: {  	s28 =	sshrl.u32 s10, $0x3;
	s29 =	sand.u32 $0x7, s10;
	v62 =	vcombine.low v2, v1;
	[tilespmem:s18+$0x820 ss:$0x41] =	vst.msk $0xffff, v61;
	(pc) =	sbr.rel .LBB1_5-.Ltmp4, $4  }
0x61: {  	v63 =	vcombine.high v2, v1;
	[tilespmem:s18+$0x821 ss:$0x41] =	vst.msk $0xffff, v3;
	s21 =	sshll.u32 s29, $0x12;
	s17 =	ssub.s32 s19, s17;
	s19 =	sand.u32 $0x7, s28  }
0x62: {  	[tilespmem:s18+$0x0 ss:$0x41] =	vst.msk $0xffff, v62;
	s20 =	sshrl.u32 s20, $0x1;
	s17 =	sshll.u32 s17, $0x3;
	s19 =	sadd.s32 s5, s19  }
0x63: {  	[tilespmem:s18+$0x1 ss:$0x41] =	vst.msk $0xffff, v63;
	s31 =	sor.u32 $0x40, s21;
	s30 =	sand.u32 $0x3FFFFFFF, s20;
	s17 =	sadd.s32 s17, s19  }
0x64: {  	[hbm4b:s17+s31] =	stream.strided.scatter [tilespmem:s16], [sflag:$0x2], s30, s8, s31, $0x18;
	[tilespmem:$0x4080] =	vst v63  }
.LBB1_6:
0x65: {  	_ =	sfence.sel $0x180000  }
0x66: {  	s2 =	simm.s32 $0x1;
	[bflag:$0x0] =	sbarrier.arrive $0xFFFF  }
0x67: {  	s31 =	simm.s32 $0x2;
	[sflag:s2] =	ssyncpa.u1 $0x1  }
0x68: {  	[sflag:s31] =	ssyncpa.u1 $0x1  }
0x69: {  	p0 =	sne.s32 s1, $0x0;
	_ =	strace $0x90000047  }
0x6a: {  	s0 =	sadd.s32 @!p0 $0x100000, s0;
	[bflag:$0x2] =	sbarrier.arrive $0xFFFF  }
0x6b: {  	[sflag:s0] =	ssyncadd.tile.s32 @!p0 $0x1;
	_ =	shalt  }
.Lfunc_end1:
_tile_overlayer_lowered:
.L_overlay_start_2:
0x6c: {  	(tag) =	ssettag $0x2  }
0x6d: {  	s0 =	rddreg [dreg:$0x0];
	s2 =	stileid.u32  }
0x6e: {  	s1 =	rddreg [dreg:$0x1];
	p0 =	sne.s32 s2, $0x0  }
0x6f: {  	s3 =	rddreg [dreg:$0x2];
	[bflag:$0x3] =	sbarrier.arrive $0xFFFF;
	s2 =	simm.s32 @!p0 $0x1C01  }
0x70: {  	[timem:s3], [sflag:s2] =	dma.local @!p0 [hbm:s0], s1  }
0x71: {  	s0 =	simm.s32 @!p0 $0x1  }
0x72: {  	_ =	swait.ge @!p0 [sflag:s0], s1  }
0x73: {  	s1 =	ssub.s32 @!p0 $0x0, s1;
	[sflag:s0] =	ssyncset.done @!p0 $0x0  }
0x74: {  	[sflag:s0] =	ssyncadd.s32 @!p0 s1  }
0x75: {  	[bflag:$0x3] =	sbarrier.arrive $0xFFFF  }
0x76: {  	_ =	shalt  }

// kernel: sparse-core-data-format-call.cloned.1.call-start
scs
called_computation_lowered:
.L_overlay_start_0:
0x0: {  	s1 =	sld [smem:$0x3FD9]  }
0x1: {  	s2 =	sld [smem:$0x3FFE];
	_ =	sdelay $0x1  }
0x2: {  	s3 =	srdreg.scid  }
0x3: {  	s0 =	sand.u32 $0x1, s3  }
0x4: {  	s17 =	sshll.u32 s0, $0xA;
	s1 =	sadd.s32 s2, s1  }
0x5: {  	s1 =	sadd.s32 s1, s17  }
0x6: {  	[smem:$0x3FBF] =	sst s1  }
0x7: {  	_ = 	snop  }
0x8: {  	(tm) =	ssettm $0x1  }
0x9: {  	s18 =	sld [smem:$0x3FFB];
	_ =	sdelay $0x3  }
0xa: {  	_ =	strace s18  }
0xb: {  	s1 =	sld [smem:$0x3FFC];
	_ =	sdelay $0x3  }
0xc: {  	_ =	strace s1  }
0xd: {  	s1 =	sld [smem:$0x3FFD];
	_ =	sdelay $0x3  }
0xe: {  	_ =	strace s1  }
0xf: {  	_ =	strace $0x8FFFFFFF  }
0x10: {  	s19 =	sld [smem:$0x3FDB];
	_ =	sdelay $0x1  }
0x11: {  	s20 =	simm.s32 $_scs_section_size  }
0x12: {  	s4 =	simm.s32 $_size__tile_overlayer_lowered;
	s5 =	simm.s32 $_tile_overlayer_lowered  }
0x13: {  	s23 =	simm.s32 $0x1BFF;
	s22 =	sshll.u32 s5, $0x1;
	s1 =	sadd.s32 s20, s19  }
0x14: {  	s6 =	simm.s32 $0x0;
	s21 =	sshll.u32 s4, $0x1;
	s4 =	sadd.s32 s22, s1  }
0x15: {  	[timem:s6], [sflag:s23] =	dma.local [hbm:s4], s21  }
0x16: {  	_ =	swait.ge [sflag:s23], s21  }
0x17: {  	s2 =	ssub.s32 $0x0, s21;
	[sflag:s23] =	ssyncset.done $0x0  }
0x18: {  	[sflag:s23] =	ssyncadd.s32 s2;
	_ =	sdelay $0x1  }
0x19: {  	s24 =	simm.s32 $0x1B8B  }
0x1a: {  	_ =	swait.ge [sflag:s24], $0x1  }
0x1b: {  	[sflag:s24] =	ssyncset.done $0x0  }
0x1c: {  	s26 =	simm.s32 $0x1B8E;
	s25 =	sld [smem:$0x3FFE];
	[sflag:s24] =	ssyncadd.s32 $0xFFFFFFFF  }
0x1d: {  	s27 =	simm.s32 $execute0_lowered;
	[smem:$0x3FD2] =	sst s26  }
0x1e: {  	s4 =	sshll.u32 s27, $0x1;
	_ =	strace $0x80000049;
	[dreg:$0x1] =	wrdreg $0xFFFFFFFF  }
0x1f: {  	s28 =	simm.s32 $_size_execute0_lowered;
	s1 =	sadd.s32 s1, s4;
	[dreg:$0x0] =	wrdreg $0x0  }
0x20: {  	s4 =	sshll.u32 s28, $0x1;
	[dreg:$0x2] =	wrdreg s1  }
0x21: {  	[dreg:$0x3] =	wrdreg s4  }
0x22: {  	[dreg:$0x4] =	wrdreg $0xC0  }
0x23: {  	_ =	task [dreg:s6], $0x5FFFF  }
0x24: {  	[dreg:$0x1] =	wrdreg $0xFFFFFFFF  }
0x25: {  	[dreg:$0x0] =	wrdreg $0x60  }
0x26: {  	[dreg:$0x2] =	wrdreg s25  }
0x27: {  	[dreg:$0x3] =	wrdreg $0x9  }
0x28: {  	_ =	task.clear_ibuf [dreg:s6], $0x4FFFF;
	_ =	strace $0x90000049  }
0x29: {  	s29 =	simm.s32 $0x9;
	_ =	strace $0x8000004B  }
0x2a: {  	_ =	swait.ge [sflag:s29], $0x1  }
0x2b: {  	[sflag:s29] =	ssyncadd.s32 $0xFFFFFFFF  }
0x2c: {  	_ =	strace $0x9000004B  }
0x2d: {  	_ =	sfence  }
0x2e: {  	s30 =	sld [smem:$0x0];
	_ =	sdelay $0x2  }
0x2f: {  	s31 =	sshll.u32 s3, $0xD;
	s3 =	sshrl.u32 s3, $0x2  }
0x30: {  	s2 =	sand.u32 $0x4000, s31;
	s1 =	sadd.s32 s3, s30  }
0x31: {  	s0 =	sor.u32 s2, s0;
	s1 =	sshll.u32 s1, $0x11  }
0x32: {  	s0 =	sor.u32 s1, s0  }
0x33: {  	s0 =	sadd.s32 $0x8F2B, s0  }
0x34: {  	[sflag:s0] =	ssyncadd.remote.s32 $0x1  }
0x35: {  	_ =	sfence.sel $0xFFFF  }
0x36: {  	[dreg:$0x0] =	wrdreg $0xFFFFFFFF;
	(pc) =	sbr.abs _section_cstart, $3  }
0x37: {  	[dreg:$0x1] =	wrdreg $0xFFFFFFFF  }
0x38: {  	_ =	task.clear_ibuf [dreg:s6], $0x2FFFF;
	_ =	strace $0x9FFFFFFF  }
0x39: {  	(tm) =	ssettm $0x7FFFFFFF  }
tec
execute0_lowered:
.L_overlay_start_1:
0x0: {  	(tag) =	ssettag $0x1  }
0x1: {  	s0 =	srdreg.scid  }
0x2: {  	s5 =	rddreg [dreg:$0x0];
	s1 =	stileid.u32;
	s4 =	simm.s32 $0x1  }
0x3: {  	s6 =	simm.s32 $0x2;
	s8 =	simm.s32 $0x0;
	s2 =	sshll.u32 s0, $0x4  }
0x4: {  	s9 =	simm.s32 $0x0;
	s13 =	simm.s32 $0x0;
	s2 =	sand.u32 $0x10, s2  }
.Ltmp0:
0x5: {  	s10 =	simm.s32 $0x0;
	s3 =	sor.u32 s1, s2;
	(pc) =	sbr.rel .LBB1_1-.Ltmp0, $4  }
0x6: {  	s0 =	rddreg [dreg:$0x1];
	_ =	strace $0x8000004A;
	s3 =	sshll.u32 s3, $0x4  }
0x7: {  	s12 =	simm.s32 $0x0;
	[sflag:s4] =	ssyncpa.u1 $0x0;
	s7 =	ssub.s32 $0xF420, s3  }
0x8: {  	s2 =	sadd.s32 $0xC36000, s5;
	[sflag:s6] =	ssyncpa.u1 $0x0;
	s6 =	sshrl.u32 s7, $0x9  }
0x9: {  	s5 =	sadd.s32 $0xE00, s5;
	s11 =	smov.u32 s3;
	s7 =	sadd.s32 $0x2, s6  }
.LBB1_7:
0xa: {  	s15 =	sshll.u32 s12, $0xF  }
0xb: {  	s15 =	sand.u32 $0x8000, s15  }
0xc: {  	s16 =	sshll.u32 s10, $0x7;
	s15 =	sshrl.u32 s15, $0x1  }
0xd: {  	s16 =	sadd.s32 s5, s16;
	s15 =	sor.u32 $0x8000, s15  }
0xe: {  	[hbm4b:s16+s8] =	stream.linear.scatter [tilespmem:s15], [sflag:$0x2], s14, $0x38;
	[tilespmem:$0x10000] =	vst v63  }
.LBB1_8:
0xf: {  	p0 =	slt.u32 s12, $0x2  }
0x10: {  	p1 =	sgt.s32 @!p0 s13, $0xF414  }
0x11: {  	s14 =	smov.u32 s13;
	s15 =	sshra.s32 @!p0 s13, $0x1F;
	p1 =	por !p1, p0  }
0x12: {  	s13 =	sand.u32 @!p0 s15, s13;
	s14 =	simm.s32 @p1 $0xF414  }
0x13: {  	s13 =	ssub.s32 @!p0 s14, s13  }
0x14: {  	s13 =	sadd.s32 @!p0 $0xFFFF0BEC, s13  }
0x15: {  	s14 =	sshll.u32 @!p0 s13, $0xC  }
0x16: {  	p1 =	sgt.s32 @!p0 s13, $0xF;
	s13 =	ssub.s32 @!p0 $0x10000, s14  }
0x17: {  	s15 =	sadd.s32 $0x200, s11;
	p1 =	por !p1, p0;
	s13 =	sshrl.u32 @!p0 s13, $0x2  }
0x18: {  	s13 =	simm.s32 @!p1 $0x0;
	p1 =	sgt.s32 s15, $0xF423  }
0x19: {  	s15 =	smov.u32 @p1 s3;
	p1 =	sne.s32 s12, s7  }
.Ltmp1:
0x1a: {  	_ = 	snop;
	(pc) =	sbr.rel @!p1 .LBB1_9-.Ltmp1, $4  }
0x1b: {  	s14 =	simm.s32 @!p0 $0x2  }
0x1c: {  	s9 =	sadd.s32 $0x8000, s9;
	_ =	swait.ge @!p0 [sflag:s14], s13;
	s16 =	ssub.s32 @!p0 $0x0, s13  }
0x1d: {  	s13 =	smov.u32 s10;
	s12 =	sadd.s32 $0x1, s12;
	[sflag:s14] =	ssyncset.done @!p0 $0x0  }
0x1e: {  	s10 =	smov.u32 s11;
	s11 =	smov.u32 s15;
	[sflag:s14] =	ssyncadd.s32 @!p0 s16  }
.LBB1_1:
0x1f: {  	p0 =	sgt.u32 s12, s6  }
0x20: {  	p1 =	sgt.s32 @!p0 s11, $0xF414  }
0x21: {  	s14 =	smov.u32 s11;
	s15 =	sshra.s32 @!p0 s11, $0x1F;
	p1 =	por !p1, p0  }
0x22: {  	s15 =	sand.u32 @!p0 s15, s11;
	s14 =	simm.s32 @p1 $0xF414  }
0x23: {  	s14 =	ssub.s32 @!p0 s14, s15  }
0x24: {  	s14 =	sadd.s32 @!p0 $0xFFFF0BEC, s14  }
0x25: {  	s16 =	sshll.u32 @!p0 s11, $0x7;
	s17 =	simm.s32 @!p0 $0x0;
	s15 =	sshll.u32 @!p0 s14, $0xC  }
0x26: {  	p1 =	sgt.s32 @!p0 s14, $0xF;
	s14 =	ssub.s32 @!p0 $0x10000, s15;
	s15 =	sxor.u32 @!p0 $0xFFFFFFFF, s12  }
0x27: {  	p1 =	por !p1, p0;
	s14 =	sshrl.u32 @!p0 s14, $0x2;
	s15 =	sshll.u32 @!p0 s15, $0xE  }
0x28: {  	s16 =	sadd.s32 @!p0 s2, s16;
	s14 =	simm.s32 @!p1 $0x0;
	s15 =	sand.u32 @!p0 $0x4000, s15  }
0x29: {  	[tilespmem:s15], [sflag:$0x1] =	stream.linear.gather @!p0 [hbm4b:s16+s17], s14, $0x38;
	[tilespmem:$0x10000] =	vst v63  }
0x2a: {  	p0 =	seq.s32 s12, $0x0  }
0x2b: {  	p1 =	sge.u32 @!p0 s12, s7  }
0x2c: {  	p0 =	por p0, p1  }
.Ltmp2:
0x2d: {  	_ = 	snop;
	(pc) =	sbr.rel @p0 .LBB1_8-.Ltmp2, $1  }
0x2e: {  	_ =	sdelay $0x3  }
0x2f: {  	p0 =	sgt.s32 s10, $0xF414;
	s14 =	smov.u32 s10;
	s15 =	sshra.s32 s10, $0x1F  }
0x30: {  	s14 =	simm.s32 @!p0 $0xF414;
	s15 =	sand.u32 s15, s10  }
0x31: {  	s14 =	ssub.s32 s14, s15  }
0x32: {  	s16 =	sadd.s32 $0x10, s10;
	s14 =	sadd.s32 $0xFFFF0BEC, s14  }
0x33: {  	p1 =	slt.s32 s16, $0xF424;
	s30 =	sshll.u32 s14, $0xC  }
0x34: {  	s16 =	simm.s32 @!p1 $0xF424;
	s15 =	ssub.s32 $0x10000, s30  }
0x35: {  	p0 =	sgt.s32 s14, $0xF;
	s14 =	sshrl.u32 s15, $0x2;
	s15 =	ssub.s32 s16, s10  }
0x36: {  	s14 =	simm.s32 @p0 $0x0;
	p0 =	slt.s32 s15, $0x1  }
.Ltmp3:
0x37: {  	_ = 	snop;
	(pc) =	sbr.rel @p0 .LBB1_7-.Ltmp3, $4  }
0x38: {  	_ = 	snop  }
0x39: {  	_ =	swait.ge [sflag:s4], s14  }
0x3a: {  	s31 =	ssub.s32 $0x0, s14;
	[sflag:s4] =	ssyncset.done $0x0  }
0x3b: {  	[sflag:s4] =	ssyncadd.s32 s31  }
0x3c: {  	s16 =	sshrl.u32 s9, $0x1  }
0x3d: {  	s17 =	sand.u32 $0x4000, s16  }
0x3e: {  	s18 =	simm.s32 $0x0;
	s16 =	sor.u32 $0x200, s17;
	s17 =	sor.u32 $0x8080, s17  }
.LBB1_4:
0x3f: {  	v0 =	vld [tilespmem:s16+$0xFFFFFE70]  }
0x40: {  	v1 =	vld [tilespmem:s16+$0x70]  }
0x41: {  	v2 =	vld [tilespmem:s16+$0x0]  }
0x42: {  	v3 =	vld [tilespmem:s16+$0xFFFFFE10]  }
0x43: {  	v4 =	vld [tilespmem:s16+$0x10]  }
0x44: {  	v5 =	vld [tilespmem:s16+$0xFFFFFE20]  }
0x45: {  	v7 =	vld [tilespmem:s16+$0x20]  }
0x46: {  	v11 =	vld [tilespmem:s16+$0x30];
	v6 =	vunpack.i.l.s16.s32 v0;
	v8 =	vunpack.i.u.s16.s32 v0;
	v9 =	vunpack.i.u.s16.s32 v1  }
0x47: {  	v10 =	vunpack.i.l.s16.s32 v1;
	v0 =	vunpack.i.u.s16.s32 v2;
	v1 =	vunpack.i.l.s16.s32 v2;
	v2 =	vld [tilespmem:s16+$0xFFFFFE30]  }
0x48: {  	v8 =	vpack.i.b32.b16 v9, v8;
	v9 =	vunpack.i.u.s16.s32 v3;
	v3 =	vunpack.i.l.s16.s32 v3  }
0x49: {  	v12 =	vld [tilespmem:s16+$0xFFFFFE40];
	v6 =	vpack.i.b32.b16 v10, v6;
	[tilespmem:s17+$0x70] =	vst v8;
	v8 =	vunpack.i.u.s16.s32 v4;
	v4 =	vunpack.i.l.s16.s32 v4  }
0x4a: {  	v13 =	vld [tilespmem:s16+$0x40];
	v10 =	vunpack.i.u.s16.s32 v5;
	v5 =	vunpack.i.l.s16.s32 v5;
	[tilespmem:s17+$0xFFFFFFF0] =	vst v6;
	v3 =	vpack.i.b32.b16 v4, v3  }
0x4b: {  	v6 =	vunpack.i.l.s16.s32 v7;
	v4 =	vld [tilespmem:s16+$0xFFFFFE50];
	[tilespmem:s17+$0xFFFFFF90] =	vst v3;
	v3 =	vpack.i.b32.b16 v8, v9;
	v8 =	vunpack.i.u.s16.s32 v7  }
0x4c: {  	v7 =	vunpack.i.l.s16.s32 v11;
	[tilespmem:s17+$0x10] =	vst v3;
	v3 =	vpack.i.b32.b16 v6, v5;
	v9 =	vunpack.i.u.s16.s32 v2;
	v6 =	vld [tilespmem:s16+$0x50]  }
0x4d: {  	v5 =	vunpack.i.l.s16.s32 v2;
	v2 =	vld [tilespmem:s16+$0xFFFFFE60];
	[tilespmem:s17+$0xFFFFFFA0] =	vst v3;
	v3 =	vpack.i.b32.b16 v8, v10;
	v10 =	vunpack.i.u.s16.s32 v11  }
0x4e: {  	s21 =	simm.s32 $0x0;
	v11 =	vpack.i.b32.b16 v7, v5;
	v7 =	vunpack.i.u.s16.s32 v12;
	v8 =	vunpack.i.l.s16.s32 v12;
	[tilespmem:s17+$0x20] =	vst v3;
	v3 =	vld [tilespmem:s16+$0x60]  }
0x4f: {  	s22 =	sadd.s32 $0x80, s16;
	s20 =	smov.u32 s17;
	s19 =	smov.u32 s17;
	v5 =	vld [tilespmem:s16+$0xFFFFFE00];
	[tilespmem:s17+$0xFFFFFFB0] =	vst v11;
	v10 =	vpack.i.b32.b16 v10, v9;
	v9 =	vunpack.i.u.s16.s32 v13;
	v11 =	vunpack.i.l.s16.s32 v13  }
.LBB1_5:
0x50: {  	v12 =	vld [tilespmem:s22+$0xFFFFFE70];
	[tilespmem:s20+$0x30] =	vst v10;
	v8 =	vpack.i.b32.b16 v11, v8;
	v10 =	vunpack.i.u.s16.s32 v4;
	v4 =	vunpack.i.l.s16.s32 v4  }
0x51: {  	s21 =	sadd.s32 $0x2, s21;
	v7 =	vpack.i.b32.b16 v9, v7;
	v11 =	vld [tilespmem:s22+$0x70];
	[tilespmem:s20+$0xFFFFFFC0] =	vst v8;
	v8 =	vunpack.i.u.s16.s32 v6;
	v6 =	vunpack.i.l.s16.s32 v6  }
0x52: {  	p0 =	slt.u32 s21, $0x6;
	v9 =	vld [tilespmem:s22+$0x0];
	[tilespmem:s20+$0x40] =	vst v7;
	v4 =	vpack.i.b32.b16 v6, v4;
	v6 =	vunpack.i.u.s16.s32 v2;
	v2 =	vunpack.i.l.s16.s32 v2  }
0x53: {  	v7 =	vld [tilespmem:s22+$0xFFFFFE10];
	[tilespmem:s20+$0xFFFFFFD0] =	vst v4;
	v4 =	vpack.i.b32.b16 v8, v10;
	v8 =	vunpack.i.u.s16.s32 v3;
	v3 =	vunpack.i.l.s16.s32 v3  }
0x54: {  	v10 =	vld [tilespmem:s22+$0x10];
	v13 =	vunpack.i.u.s16.s32 v5;
	v5 =	vunpack.i.l.s16.s32 v5;
	[tilespmem:s20+$0x50] =	vst v4;
	v2 =	vpack.i.b32.b16 v3, v2  }
0x55: {  	v3 =	vld [tilespmem:s22+$0xFFFFFE20];
	v4 =	vunpack.i.l.s16.s32 v12;
	v1 =	vpack.i.b32.b16 v1, v5;
	v5 =	vpack.i.b32.b16 v0, v13;
	[tilespmem:s20+$0xFFFFFFE0] =	vst v2  }
0x56: {  	v12 =	vunpack.i.u.s16.s32 v12;
	v2 =	vld [tilespmem:s22+$0x20];
	v13 =	vunpack.i.u.s16.s32 v11;
	v11 =	vunpack.i.l.s16.s32 v11;
	[tilespmem:s20+$0xFFFFFF80] =	vst v1  }
0x57: {  	s20 =	sadd.s32 $0x100, s20;
	v0 =	vunpack.i.u.s16.s32 v9;
	v1 =	vunpack.i.l.s16.s32 v9;
	v9 =	vld [tilespmem:s22+$0xFFFFFE30];
	v12 =	vpack.i.b32.b16 v13, v12;
	[tilespmem:s19+$0x0] =	vst v5  }
0x58: {  	v6 =	vpack.i.b32.b16 v8, v6;
	v5 =	vunpack.i.u.s16.s32 v7;
	v7 =	vunpack.i.l.s16.s32 v7;
	v13 =	vld [tilespmem:s22+$0x30];
	[tilespmem:s20+$0x70] =	vst v12  }
0x59: {  	v4 =	vpack.i.b32.b16 v11, v4;
	v8 =	vunpack.i.u.s16.s32 v10;
	v10 =	vunpack.i.l.s16.s32 v10;
	v12 =	vld [tilespmem:s22+$0xFFFFFE40];
	[tilespmem:s19+$0x60] =	vst v6;
	s19 =	smov.u32 s20  }
0x5a: {  	v6 =	vpack.i.b32.b16 v10, v7;
	v7 =	vunpack.i.u.s16.s32 v3;
	v3 =	vunpack.i.l.s16.s32 v3;
	v11 =	vld [tilespmem:s22+$0x40];
	[tilespmem:s20+$0xFFFFFFF0] =	vst v4  }
.Ltmp4:
0x5b: {  	v5 =	vpack.i.b32.b16 v8, v5;
	[tilespmem:s20+$0xFFFFFF90] =	vst v6;
	v8 =	vunpack.i.u.s16.s32 v2;
	v2 =	vunpack.i.l.s16.s32 v2;
	v4 =	vld [tilespmem:s22+$0xFFFFFE50];
	(pc) =	sbr.rel @p0 .LBB1_5-.Ltmp4, $4  }
0x5c: {  	[tilespmem:s20+$0x10] =	vst v5;
	v2 =	vpack.i.b32.b16 v2, v3;
	v10 =	vunpack.i.u.s16.s32 v9;
	v3 =	vunpack.i.l.s16.s32 v9;
	v6 =	vld [tilespmem:s22+$0x50]  }
0x5d: {  	v5 =	vpack.i.b32.b16 v8, v7;
	[tilespmem:s20+$0xFFFFFFA0] =	vst v2;
	v9 =	vunpack.i.u.s16.s32 v13;
	v7 =	vunpack.i.l.s16.s32 v13;
	v2 =	vld [tilespmem:s22+$0xFFFFFE60]  }
0x5e: {  	[tilespmem:s20+$0x20] =	vst v5;
	v13 =	vpack.i.b32.b16 v7, v3;
	v7 =	vunpack.i.u.s16.s32 v12;
	v8 =	vunpack.i.l.s16.s32 v12;
	v3 =	vld [tilespmem:s22+$0x60]  }
0x5f: {  	v10 =	vpack.i.b32.b16 v9, v10;
	v5 =	vld [tilespmem:s22+$0xFFFFFE00];
	[tilespmem:s20+$0xFFFFFFB0] =	vst v13;
	v9 =	vunpack.i.u.s16.s32 v11;
	v11 =	vunpack.i.l.s16.s32 v11;
	s22 =	sadd.s32 $0x80, s22  }
0x60: {  	[tilespmem:s20+$0x30] =	vst v10;
	v8 =	vpack.i.b32.b16 v11, v8  }
0x61: {  	v51 =	vunpack.i.l.s16.s32 v4;
	v7 =	vpack.i.b32.b16 v9, v7;
	[tilespmem:s20+$0xFFFFFFC0] =	vst v8;
	v52 =	vunpack.i.l.s16.s32 v6  }
0x62: {  	v53 =	vunpack.i.u.s16.s32 v4;
	s18 =	sadd.s32 $0x1, s18;
	v54 =	vunpack.i.u.s16.s32 v6;
	[tilespmem:s20+$0x40] =	vst v7;
	v55 =	vpack.i.b32.b16 v52, v51  }
0x63: {  	p0 =	sne.s32 s18, s15;
	v56 =	vunpack.i.l.s16.s32 v2;
	v4 =	vpack.i.b32.b16 v54, v53;
	[tilespmem:s20+$0xFFFFFFD0] =	vst v55;
	v57 =	vunpack.i.l.s16.s32 v3  }
.Ltmp5:
0x64: {  	[tilespmem:s20+$0x50] =	vst v4;
	v58 =	vunpack.i.l.s16.s32 v5;
	v59 =	vpack.i.b32.b16 v57, v56;
	(pc) =	sbr.rel @p0 .LBB1_4-.Ltmp5, $4  }
.Ltmp6:
0x65: {  	v61 =	vunpack.i.u.s16.s32 v2;
	v62 =	vunpack.i.u.s16.s32 v3;
	v1 =	vpack.i.b32.b16 v1, v58;
	[tilespmem:s20+$0xFFFFFFE0] =	vst v59;
	(pc) =	sbr.rel @!p0 .LBB1_7-.Ltmp6, $4  }
0x66: {  	v60 =	vunpack.i.u.s16.s32 v5;
	v63 =	vpack.i.b32.b16 v62, v61;
	[tilespmem:s20+$0xFFFFFF80] =	vst v1  }
0x67: {  	v0 =	vpack.i.b32.b16 v0, v60;
	[tilespmem:s19+$0x60] =	vst v63  }
0x68: {  	s16 =	sadd.s32 $0x400, s16;
	s17 =	sadd.s32 $0x400, s17;
	[tilespmem:s19+$0x0] =	vst v0  }
0x69: {  	_ = 	snop  }
.LBB1_9:
0x6a: {  	_ =	sfence.sel $0x180000  }
0x6b: {  	s2 =	simm.s32 $0x1;
	[bflag:$0x0] =	sbarrier.arrive $0xFFFF  }
0x6c: {  	s31 =	simm.s32 $0x2;
	[sflag:s2] =	ssyncpa.u1 $0x1  }
0x6d: {  	[sflag:s31] =	ssyncpa.u1 $0x1  }
0x6e: {  	p0 =	sne.s32 s1, $0x0;
	_ =	strace $0x9000004A  }
0x6f: {  	s0 =	sadd.s32 @!p0 $0x100000, s0;
	[bflag:$0x2] =	sbarrier.arrive $0xFFFF  }
0x70: {  	[sflag:s0] =	ssyncadd.tile.s32 @!p0 $0x1;
	_ =	shalt  }
.Lfunc_end1:
_tile_overlayer_lowered:
.L_overlay_start_2:
0x71: {  	(tag) =	ssettag $0x2  }
0x72: {  	s0 =	rddreg [dreg:$0x0];
	s2 =	stileid.u32  }
0x73: {  	s1 =	rddreg [dreg:$0x1];
	p0 =	sne.s32 s2, $0x0  }
0x74: {  	s3 =	rddreg [dreg:$0x2];
	[bflag:$0x3] =	sbarrier.arrive $0xFFFF;
	s2 =	simm.s32 @!p0 $0x1C01  }
0x75: {  	[timem:s3], [sflag:s2] =	dma.local @!p0 [hbm:s0], s1  }
0x76: {  	s0 =	simm.s32 @!p0 $0x1  }
0x77: {  	_ =	swait.ge @!p0 [sflag:s0], s1  }
0x78: {  	s1 =	ssub.s32 @!p0 $0x0, s1;
	[sflag:s0] =	ssyncset.done @!p0 $0x0  }
0x79: {  	[sflag:s0] =	ssyncadd.s32 @!p0 s1  }
0x7a: {  	[bflag:$0x3] =	sbarrier.arrive $0xFFFF  }
0x7b: {  	_ =	shalt  }

</sc_bundles>
